<compile_context>
chip_gen: v7x
topology: tpu7x:2x2x1
jax: 0.10.2.dev20260603
libtpu: 0.0.44.dev20260713+nightly
codegen_flags: <defaults>
</compile_context>

<pallas_src>
import jax
import jax.numpy as jnp
from jax import lax
from jax.experimental import pallas as pl
from jax.experimental.pallas import tpu as pltpu
from jax.experimental.pallas import tpu_sc as plsc

N = 10000
E = 320000
IN_FEATS = 128
HIDDEN = 256
OUT_MID = 128
ALPHA = 0.1
K = 10

NC = 2
NS = 16
L = 16

NPAD = 10240
SLICE = NPAD // NS
LAST = N - (NS - 1) * SLICE
EPT = E // NS
CHUNK = 128
NCH = (EPT + CHUNK - 1) // CHUNK
EPAD = NCH * CHUNK
REM = EPT - (NCH - 1) * CHUNK
ALOAD = (NCH + 1) * CHUNK
PAD_NODE = NPAD - 1



def _mlp_body(x_ref, w0_ref, b0_ref, w1_ref, b1_ref, w2t_ref, out_ref):
    h = jnp.dot(x_ref[...], w0_ref[...], preferred_element_type=jnp.float32)
    h = jnp.maximum(h + b0_ref[...], 0.0)
    h = jnp.dot(h, w1_ref[...], preferred_element_type=jnp.float32) + b1_ref[...]
    out_ref[...] = jnp.sum(h * w2t_ref[...], axis=1, keepdims=True)


def _mlp_project(features, W0, b0, W1, b1, W2):
    blk = 1000
    return pl.pallas_call(
        _mlp_body,
        grid=(N // blk,),
        in_specs=[
            pl.BlockSpec((blk, IN_FEATS), lambda i: (i, 0)),
            pl.BlockSpec((IN_FEATS, HIDDEN), lambda i: (0, 0)),
            pl.BlockSpec((1, HIDDEN), lambda i: (0, 0)),
            pl.BlockSpec((HIDDEN, OUT_MID), lambda i: (0, 0)),
            pl.BlockSpec((1, OUT_MID), lambda i: (0, 0)),
            pl.BlockSpec((1, OUT_MID), lambda i: (0, 0)),
        ],
        out_specs=pl.BlockSpec((blk, 1), lambda i: (i, 0)),
        out_shape=jax.ShapeDtypeStruct((N, 1), jnp.float32),
    )(features, W0, b0.reshape(1, HIDDEN), W1, b1.reshape(1, OUT_MID),
      W2.reshape(1, OUT_MID))



def _rsqrt16(x):
    y = jnp.ones((L,), jnp.float32)
    for _ in range(10):
        y = jnp.where(x * y * y > 1.2, 0.5 * y, y)
    for _ in range(7):
        y = y * (1.5 - 0.5 * x * y * y)
    return y


def _sc_body(s0_hbm, edge_hbm, b2_hbm, out_hbm,
             t_sh, agg_sh, ev_v, src_v, dst_v, msgs_v,
             ones_v, zero_v, s0_v, norm_v, s_v, a_v, b2_v, t_loc, t2_v,
             sem_g, sem_s):
    cid = lax.axis_index("c")
    sid = lax.axis_index("s")
    base = sid * SLICE
    nsl = pl.ds(base, SLICE)
    ebase = sid * EPT
    abase = jnp.minimum((ebase // CHUNK) * CHUNK, E - ALOAD)
    off = ebase - abase

    @pl.when(sid < NS - 1)
    def _():
        pltpu.async_copy(s0_hbm.at[nsl], s0_v, sem_g)

    @pl.when(sid == NS - 1)
    def _():
        pltpu.async_copy(s0_hbm.at[pl.ds(base, LAST)],
                         s0_v.at[pl.ds(0, LAST)], sem_g)

    pltpu.async_copy(edge_hbm.at[:, pl.ds(abase, ALOAD)], ev_v, sem_s)
    pltpu.sync_copy(b2_hbm, b2_v)

    ones = jnp.ones((L,), jnp.float32)
    zeros = jnp.zeros((L,), jnp.float32)
    padv = jnp.full((L,), PAD_NODE, jnp.int32)
    for g in range(CHUNK // L):
        ones_v[pl.ds(g * L, L)] = ones
    for g in range(SLICE // L):
        zero_v[pl.ds(g * L, L)] = zeros
    for g in range(REM // L, CHUNK // L):
        msgs_v[NCH - 1, pl.ds(g * L, L)] = zeros

    pltpu.make_async_copy(edge_hbm.at[:, pl.ds(0, ALOAD)], ev_v, sem_s).wait()

    def _dst_pack(j, carry):
        for g in range(CHUNK // L):
            sl = pl.ds(off + j * CHUNK + g * L, L)
            dst_v[j, pl.ds(g * L, L)] = ev_v[1, sl]
            src_v[pl.ds(j * CHUNK + g * L, L)] = ev_v[0, sl]
        return carry

    lax.fori_loop(0, NCH - 1, _dst_pack, 0)
    for g in range(REM // L):
        sl = pl.ds(off + (NCH - 1) * CHUNK + g * L, L)
        dst_v[NCH - 1, pl.ds(g * L, L)] = ev_v[1, sl]
        src_v[pl.ds((NCH - 1) * CHUNK + g * L, L)] = ev_v[0, sl]
    for g in range(REM // L, CHUNK // L):
        dst_v[NCH - 1, pl.ds(g * L, L)] = padv
        src_v[pl.ds((NCH - 1) * CHUNK + g * L, L)] = padv

    @pl.when(sid < NS - 1)
    def _():
        pltpu.make_async_copy(s0_hbm.at[nsl], s0_v, sem_g).wait()

    @pl.when(sid == NS - 1)
    def _():
        pltpu.make_async_copy(s0_hbm.at[pl.ds(0, LAST)],
                              s0_v.at[pl.ds(0, LAST)], sem_g).wait()
        for g in range(LAST // L, SLICE // L):
            s0_v[pl.ds(g * L, L)] = zeros

    pltpu.sync_copy(zero_v, agg_sh.at[nsl])
    plsc.subcore_barrier()

    def _deg_job(j, carry):
        pltpu.async_copy(ones_v, agg_sh.at[dst_v.at[j]], sem_s, add=True)
        return carry

    lax.fori_loop(0, NCH, _deg_job, 0)

    def _deg_drain(j, carry):
        pltpu.make_async_copy(ones_v, agg_sh.at[dst_v.at[0]], sem_s).wait()
        return carry

    lax.fori_loop(0, NCH, _deg_drain, 0)
    plsc.subcore_barrier()

    pltpu.sync_copy(agg_sh.at[nsl], a_v)

    def _norm_job(r, carry):
        for g in range(CHUNK // L):
            sl = pl.ds(r * CHUNK + g * L, L)
            d = jnp.maximum(a_v[sl], 1.0)
            y = _rsqrt16(d)
            norm_v[sl] = y
            s0v = s0_v[sl]
            s_v[sl] = s0v
            t2_v[r, pl.ds(g * L, L)] = y * s0v
        return carry

    lax.fori_loop(0, SLICE // CHUNK, _norm_job, 0)
    pltpu.sync_copy(t2_v, t_sh.at[pl.ds(sid * (SLICE // CHUNK), SLICE // CHUNK)])
    plsc.subcore_barrier()

    def _step(k, carry):
        pltpu.async_copy(t_sh, t_loc, sem_g)
        pltpu.sync_copy(zero_v, agg_sh.at[nsl])
        pltpu.make_async_copy(t_sh, t_loc, sem_g).wait()
        plsc.subcore_barrier()

        def _gs_job(j, c):
            for g in range(CHUNK // L):
                idx = src_v[pl.ds(j * CHUNK + g * L, L)]
                hi = lax.shift_right_logical(idx, 7)
                lo = jnp.bitwise_and(idx, 127)
                msgs_v[j, pl.ds(g * L, L)] = plsc.load_gather(t_loc, [hi, lo])
            pltpu.async_copy(msgs_v.at[j], agg_sh.at[dst_v.at[j]], sem_s,
                             add=True)
            return c

        def _scatter_drain(j, c):
            pltpu.make_async_copy(msgs_v.at[0], agg_sh.at[dst_v.at[0]],
                                  sem_s).wait()
            return c

        lax.fori_loop(0, NCH, _gs_job, 0)
        lax.fori_loop(0, NCH, _scatter_drain, 0)
        plsc.subcore_barrier()

        pltpu.sync_copy(agg_sh.at[nsl], a_v)

        def _update_job(r, c):
            for g in range(CHUNK // L):
                sl = pl.ds(r * CHUNK + g * L, L)
                nrm = norm_v[sl]
                s_new = (1.0 - ALPHA) * (nrm * a_v[sl]) + ALPHA * s0_v[sl]
                s_v[sl] = s_new
                t2_v[r, pl.ds(g * L, L)] = nrm * s_new
            return c

        lax.fori_loop(0, SLICE // CHUNK, _update_job, 0)
        pltpu.sync_copy(t2_v, t_sh.at[pl.ds(sid * (SLICE // CHUNK), SLICE // CHUNK)])
        plsc.subcore_barrier()
        return carry

    lax.fori_loop(0, K, _step, 0)

    @pl.when(cid == 0)
    def _():
        def _out_job(g, c):
            sl = pl.ds(g * L, L)
            x = s_v[sl] + b2_v[...]
            a_v[sl] = 1.0 / (1.0 + jnp.exp(-x))
            return c

        lax.fori_loop(0, SLICE // L, _out_job, 0)

        @pl.when(sid < NS - 1)
        def _():
            pltpu.sync_copy(a_v, out_hbm.at[nsl])

        @pl.when(sid == NS - 1)
        def _():
            pltpu.sync_copy(a_v.at[pl.ds(0, LAST)],
                            out_hbm.at[pl.ds(base, LAST)])


def _diffuse(s0, edge, b2_16):
    mesh = plsc.VectorSubcoreMesh(
        core_axis_name="c", subcore_axis_name="s",
        num_cores=NC, num_subcores=NS)
    run = pl.kernel(
        _sc_body,
        out_type=jax.ShapeDtypeStruct((N,), jnp.float32),
        mesh=mesh,
        compiler_params=pltpu.CompilerParams(needs_layout_passes=False),
        scratch_types=[
            pltpu.VMEM_SHARED((NPAD // CHUNK, CHUNK), jnp.float32),
            pltpu.VMEM_SHARED((NPAD,), jnp.float32),
            pltpu.VMEM((2, ALOAD), jnp.int32),
            pltpu.VMEM((EPAD,), jnp.int32),
            pltpu.VMEM((NCH, CHUNK), jnp.int32),
            pltpu.VMEM((NCH, CHUNK), jnp.float32),
            pltpu.VMEM((CHUNK,), jnp.float32),
            pltpu.VMEM((SLICE,), jnp.float32),
            pltpu.VMEM((SLICE,), jnp.float32),
            pltpu.VMEM((SLICE,), jnp.float32),
            pltpu.VMEM((SLICE,), jnp.float32),
            pltpu.VMEM((SLICE,), jnp.float32),
            pltpu.VMEM((L,), jnp.float32),
            pltpu.VMEM((NPAD // CHUNK, CHUNK), jnp.float32),
            pltpu.VMEM((SLICE // CHUNK, CHUNK), jnp.float32),
            pltpu.SemaphoreType.DMA,
            pltpu.SemaphoreType.DMA,
        ],
    )
    return run(s0, edge, b2_16)


def kernel(features, edge_index, W0, b0, W1, b1, W2, b2):
    s0 = _mlp_project(features, W0, b0, W1, b1, W2)
    edge = edge_index.astype(jnp.int32)
    b2_16 = jnp.broadcast_to(b2.astype(jnp.float32), (L,))
    out = _diffuse(s0.reshape(N), edge, b2_16)
    return out.reshape(N, 1)

# --- scband reference (transcript-rebuilt; emitter-appended) ---
"""Pipeline reference for scband-appnp-27642409517687 (READ-ONLY COPY).

The authoritative reference and input builder live on the scoring server;
editing this copy changes nothing except your own understanding.
"""

import jax, jax.numpy as jnp
import numpy as np

N = 10000
E = 320000
IN_FEATS = 128
HIDDEN = 256
OUT_MID = 128
ALPHA = 0.1
K = 10


def setup_inputs(seed: int = 0) -> dict:
    key = jax.random.key(seed)
    k1, k2, k3, k4, k5, k6 = jax.random.split(key, 6)
    features = jax.random.normal(k1, (N, IN_FEATS), dtype=jnp.float32)
    edge_index = jax.random.randint(k2, (2, E), 0, N, dtype=jnp.int64)
    # Linear layers: layers[0]: in_feats->hidden_feats[0]; layers[-1]: hidden->128; lastlayer: 128->1
    W0 = jax.random.normal(k3, (IN_FEATS, HIDDEN), dtype=jnp.float32) * (1.0 / np.sqrt(IN_FEATS))
    b0 = jnp.zeros((HIDDEN,), dtype=jnp.float32)
    W1 = jax.random.normal(k4, (HIDDEN, OUT_MID), dtype=jnp.float32) * (1.0 / np.sqrt(HIDDEN))
    b1 = jnp.zeros((OUT_MID,), dtype=jnp.float32)
    W2 = jax.random.normal(k5, (OUT_MID, 1), dtype=jnp.float32) * (1.0 / np.sqrt(OUT_MID))
    b2 = jnp.zeros((1,), dtype=jnp.float32)
    return {"features": features, "edge_index": edge_index,
            "W0": W0, "b0": b0, "W1": W1, "b1": b1, "W2": W2, "b2": b2}


def reference(features, edge_index, W0, b0, W1, b1, W2, b2):
    # MLP part (dropout rate 0.0 -> identity)
    h = jax.nn.relu(features @ W0 + b0)
    h = h @ W1 + b1
    # APPNP propagation: symmetric normalization D^{-1/2} A D^{-1/2}
    src = edge_index[0]
    dst = edge_index[1]
    deg = jax.ops.segment_sum(jnp.ones((E,), dtype=jnp.float32), dst, num_segments=N)
    norm = jnp.power(jnp.clip(deg, 1.0, None), -0.5)
    h0 = h
    for _ in range(K):
        h = h * norm[:, None]
        msgs = jnp.take(h, src, axis=0)
        agg = jax.ops.segment_sum(msgs, dst, num_segments=N)
        h = agg * norm[:, None]
        h = (1.0 - ALPHA) * h + ALPHA * h0
    out = jax.nn.sigmoid(h @ W2 + b2)
    return out

if __name__ == "__main__":
    import jax
    _d = setup_inputs()
    print(jax.jit(kernel)(*tuple(_d.values())))

</pallas_src>

<mosaic_0001>
#map = affine_map<(d0, d1) -> (0)>
#map1 = affine_map<(d0, d1) -> (0, 0)>
module attributes {stable_mosaic.version = 14 : i64} {
  func.func @_sc_body(%arg0: i32, %arg1: i32, %arg2: memref<10000xf32, #tpu.memory_space<hbm>>, %arg3: memref<2x320000xi32, #tpu.memory_space<hbm>>, %arg4: memref<16xf32, #tpu.memory_space<hbm>>, %arg5: memref<10000xf32, #tpu.memory_space<hbm>>, %arg6: memref<80x128xf32, #tpu.memory_space<vmem_shared>>, %arg7: memref<10240xf32, #tpu.memory_space<vmem_shared>>, %arg8: memref<2x20224xi32, #tpu.memory_space<vmem>>, %arg9: memref<20096xi32, #tpu.memory_space<vmem>>, %arg10: memref<157x128xi32, #tpu.memory_space<vmem>>, %arg11: memref<157x128xf32, #tpu.memory_space<vmem>>, %arg12: memref<128xf32, #tpu.memory_space<vmem>>, %arg13: memref<640xf32, #tpu.memory_space<vmem>>, %arg14: memref<640xf32, #tpu.memory_space<vmem>>, %arg15: memref<640xf32, #tpu.memory_space<vmem>>, %arg16: memref<640xf32, #tpu.memory_space<vmem>>, %arg17: memref<640xf32, #tpu.memory_space<vmem>>, %arg18: memref<16xf32, #tpu.memory_space<vmem>>, %arg19: memref<80x128xf32, #tpu.memory_space<vmem>>, %arg20: memref<5x128xf32, #tpu.memory_space<vmem>>, %arg21: memref<!tpu.dma_semaphore, #tpu.memory_space<semaphore_mem>>, %arg22: memref<!tpu.dma_semaphore, #tpu.memory_space<semaphore_mem>>) attributes {dimension_semantics = [#tpu.dimension_semantics<core_parallel>, #tpu.dimension_semantics<subcore_parallel>], iteration_bounds = array<i64: 2, 16>, scalar_prefetch = 0 : i64, scratch_operands = 17 : i64, tpu.core_type = #tpu.core_type<sc_vector_subcore>, window_params = [{transform_indices = #map}, {transform_indices = #map1}, {transform_indices = #map}, {transform_indices = #map}]} {
    %mul3A = arith.constant 640 : i32
    %mul3A_0 = arith.muli %arg1, %mul3A : i32
    %mul3A_1 = arith.constant 20000 : i32
    %mul3A_2 = arith.muli %arg1, %mul3A_1 : i32
    %jit3A = arith.constant 128 : i32
    %div3A = arith.divsi %mul3A_2, %jit3A : i32
    %sign3A = arith.constant 0 : i32
    %sign3A_3 = arith.cmpi sgt, %mul3A_2, %sign3A : i32
    %sign3A_4 = arith.extui %sign3A_3 : i1 to i32
    %sign3A_5 = arith.constant 0 : i32
    %sign3A_6 = arith.cmpi slt, %mul3A_2, %sign3A_5 : i32
    %sign3A_7 = arith.extui %sign3A_6 : i1 to i32
    %sign3A_8 = arith.subi %sign3A_4, %sign3A_7 : i32
    %sign3A_9 = arith.constant 0 : i32
    %sign3A_10 = arith.cmpi sgt, %jit3A, %sign3A_9 : i32
    %sign3A_11 = arith.extui %sign3A_10 : i1 to i32
    %sign3A_12 = arith.constant 0 : i32
    %sign3A_13 = arith.cmpi slt, %jit3A, %sign3A_12 : i32
    %sign3A_14 = arith.extui %sign3A_13 : i1 to i32
    %sign3A_15 = arith.subi %sign3A_11, %sign3A_14 : i32
    %ne3A = arith.cmpi ne, %sign3A_8, %sign3A_15 : i32
    %rem3A = arith.remsi %mul3A_2, %jit3A : i32
    %ne3A_16 = arith.constant 0 : i32
    %ne3A_17 = arith.cmpi ne, %rem3A, %ne3A_16 : i32
    %and3A = arith.andi %ne3A, %ne3A_17 : i1
    %sub3A = arith.constant 1 : i32
    %sub3A_18 = arith.subi %div3A, %sub3A : i32
    %select_n3A = arith.select %and3A, %sub3A_18, %div3A : i32
    %mul3A_19 = arith.constant 128 : i32
    %mul3A_20 = arith.muli %select_n3A, %mul3A_19 : i32
    %min3A = arith.constant 299776 : i32
    %min3A_21 = arith.minsi %mul3A_20, %min3A : i32
    %sub3A_22 = arith.subi %mul3A_2, %min3A_21 : i32
    %lt3A = arith.constant 15 : i32
    %lt3A_23 = arith.cmpi slt, %arg1, %lt3A : i32
    %convert_element_type3A = arith.extui %lt3A_23 : i1 to i32
    %cond3A = arith.constant 0 : i32
    %cond3A_24 = arith.cmpi ne, %convert_element_type3A, %cond3A : i32
    scf.if %cond3A_24 {
      %dma_start3A_279 = tpu.memref_slice %arg2[%mul3A_0] : memref<10000xf32, #tpu.memory_space<hbm>> -> memref<640xf32, #tpu.memory_space<hbm>>
      %dma_start3A_280 = tpu.memref_slice %arg2[%mul3A_0] : memref<10000xf32, #tpu.memory_space<hbm>> -> memref<640xf32, #tpu.memory_space<hbm>>
      tpu.enqueue_dma source(%dma_start3A_280 : memref<640xf32, #tpu.memory_space<hbm>>) target(%arg14 : memref<640xf32, #tpu.memory_space<vmem>>) target_semaphore(%arg21 : memref<!tpu.dma_semaphore, #tpu.memory_space<semaphore_mem>>)
    } else {
    }
    %eq3A = arith.constant 15 : i32
    %eq3A_25 = arith.cmpi eq, %arg1, %eq3A : i32
    %convert_element_type3A_26 = arith.extui %eq3A_25 : i1 to i32
    %cond3A_27 = arith.constant 0 : i32
    %cond3A_28 = arith.cmpi ne, %convert_element_type3A_26, %cond3A_27 : i32
    scf.if %cond3A_28 {
      %dma_start3A_279 = arith.constant 0 : i32
      %dma_start3A_280 = tpu.memref_slice %arg14[%dma_start3A_279] : memref<640xf32, #tpu.memory_space<vmem>> -> memref<400xf32, #tpu.memory_space<vmem>>
      %dma_start3A_281 = tpu.memref_slice %arg2[%mul3A_0] : memref<10000xf32, #tpu.memory_space<hbm>> -> memref<400xf32, #tpu.memory_space<hbm>>
      %dma_start3A_282 = arith.constant 0 : i32
      %dma_start3A_283 = tpu.memref_slice %arg14[%dma_start3A_282] : memref<640xf32, #tpu.memory_space<vmem>> -> memref<400xf32, #tpu.memory_space<vmem>>
      %dma_start3A_284 = tpu.memref_slice %arg2[%mul3A_0] : memref<10000xf32, #tpu.memory_space<hbm>> -> memref<400xf32, #tpu.memory_space<hbm>>
      tpu.enqueue_dma source(%dma_start3A_284 : memref<400xf32, #tpu.memory_space<hbm>>) target(%dma_start3A_283 : memref<400xf32, #tpu.memory_space<vmem>>) target_semaphore(%arg21 : memref<!tpu.dma_semaphore, #tpu.memory_space<semaphore_mem>>)
    } else {
    }
    %dma_start3A = arith.constant 0 : i32
    %dma_start3A_29 = tpu.memref_slice %arg3[%dma_start3A, %min3A_21] : memref<2x320000xi32, #tpu.memory_space<hbm>> -> memref<2x20224xi32, #tpu.memory_space<hbm>>
    %dma_start3A_30 = arith.constant 0 : i32
    %dma_start3A_31 = tpu.memref_slice %arg3[%dma_start3A_30, %min3A_21] : memref<2x320000xi32, #tpu.memory_space<hbm>> -> memref<2x20224xi32, #tpu.memory_space<hbm>>
    tpu.enqueue_dma source(%dma_start3A_31 : memref<2x20224xi32, #tpu.memory_space<hbm>>) target(%arg8 : memref<2x20224xi32, #tpu.memory_space<vmem>>) target_semaphore(%arg22 : memref<!tpu.dma_semaphore, #tpu.memory_space<semaphore_mem>>)
    "tpu.region"() ({
      %run_scoped3A = tpu.sem_alloc : memref<!tpu.dma_semaphore, #tpu.memory_space<semaphore_mem>>
      tpu.enqueue_dma source(%arg4 : memref<16xf32, #tpu.memory_space<hbm>>) target(%arg18 : memref<16xf32, #tpu.memory_space<vmem>>) target_semaphore(%run_scoped3A : memref<!tpu.dma_semaphore, #tpu.memory_space<semaphore_mem>>)
      tpu.wait_dma2 semaphore(%run_scoped3A : memref<!tpu.dma_semaphore, #tpu.memory_space<semaphore_mem>>) src(%arg4 : memref<16xf32, #tpu.memory_space<hbm>>) dst(%arg18 : memref<16xf32, #tpu.memory_space<vmem>>)
      tpu.yield
    }) : () -> ()
    %broadcast_in_dim3A = arith.constant 1.000000e+00 : f32
    %broadcast_in_dim3A_32 = vector.broadcast %broadcast_in_dim3A : f32 to vector<16xf32>
    %broadcast_in_dim3A_33 = arith.constant 0.000000e+00 : f32
    %broadcast_in_dim3A_34 = vector.broadcast %broadcast_in_dim3A_33 : f32 to vector<16xf32>
    %broadcast_in_dim3A_35 = arith.constant 10239 : i32
    %broadcast_in_dim3A_36 = vector.broadcast %broadcast_in_dim3A_35 : i32 to vector<16xi32>
    %swap3A = arith.constant 0 : index
    %swap3A_37 = tpu.vector_load %arg12[%swap3A] {strides = array<i32>} : memref<128xf32, #tpu.memory_space<vmem>>, vector<16xf32>,
    tpu.vector_store %arg12[%swap3A], %broadcast_in_dim3A_32 {strides = array<i32>} : memref<128xf32, #tpu.memory_space<vmem>>, vector<16xf32>,
    %swap3A_38 = arith.constant 16 : index
    %swap3A_39 = tpu.vector_load %arg12[%swap3A_38] {strides = array<i32>} : memref<128xf32, #tpu.memory_space<vmem>>, vector<16xf32>,
    tpu.vector_store %arg12[%swap3A_38], %broadcast_in_dim3A_32 {strides = array<i32>} : memref<128xf32, #tpu.memory_space<vmem>>, vector<16xf32>,
    %swap3A_40 = arith.constant 32 : index
    %swap3A_41 = tpu.vector_load %arg12[%swap3A_40] {strides = array<i32>} : memref<128xf32, #tpu.memory_space<vmem>>, vector<16xf32>,
    tpu.vector_store %arg12[%swap3A_40], %broadcast_in_dim3A_32 {strides = array<i32>} : memref<128xf32, #tpu.memory_space<vmem>>, vector<16xf32>,
    %swap3A_42 = arith.constant 48 : index
    %swap3A_43 = tpu.vector_load %arg12[%swap3A_42] {strides = array<i32>} : memref<128xf32, #tpu.memory_space<vmem>>, vector<16xf32>,
    tpu.vector_store %arg12[%swap3A_42], %broadcast_in_dim3A_32 {strides = array<i32>} : memref<128xf32, #tpu.memory_space<vmem>>, vector<16xf32>,
    %swap3A_44 = arith.constant 64 : index
    %swap3A_45 = tpu.vector_load %arg12[%swap3A_44] {strides = array<i32>} : memref<128xf32, #tpu.memory_space<vmem>>, vector<16xf32>,
    tpu.vector_store %arg12[%swap3A_44], %broadcast_in_dim3A_32 {strides = array<i32>} : memref<128xf32, #tpu.memory_space<vmem>>, vector<16xf32>,
    %swap3A_46 = arith.constant 80 : index
    %swap3A_47 = tpu.vector_load %arg12[%swap3A_46] {strides = array<i32>} : memref<128xf32, #tpu.memory_space<vmem>>, vector<16xf32>,
    tpu.vector_store %arg12[%swap3A_46], %broadcast_in_dim3A_32 {strides = array<i32>} : memref<128xf32, #tpu.memory_space<vmem>>, vector<16xf32>,
    %swap3A_48 = arith.constant 96 : index
    %swap3A_49 = tpu.vector_load %arg12[%swap3A_48] {strides = array<i32>} : memref<128xf32, #tpu.memory_space<vmem>>, vector<16xf32>,
    tpu.vector_store %arg12[%swap3A_48], %broadcast_in_dim3A_32 {strides = array<i32>} : memref<128xf32, #tpu.memory_space<vmem>>, vector<16xf32>,
    %swap3A_50 = arith.constant 112 : index
    %swap3A_51 = tpu.vector_load %arg12[%swap3A_50] {strides = array<i32>} : memref<128xf32, #tpu.memory_space<vmem>>, vector<16xf32>,
    tpu.vector_store %arg12[%swap3A_50], %broadcast_in_dim3A_32 {strides = array<i32>} : memref<128xf32, #tpu.memory_space<vmem>>, vector<16xf32>,
    %swap3A_52 = arith.constant 0 : index
    %swap3A_53 = tpu.vector_load %arg13[%swap3A_52] {strides = array<i32>} : memref<640xf32, #tpu.memory_space<vmem>>, vector<16xf32>,
    tpu.vector_store %arg13[%swap3A_52], %broadcast_in_dim3A_34 {strides = array<i32>} : memref<640xf32, #tpu.memory_space<vmem>>, vector<16xf32>,
    %swap3A_54 = arith.constant 16 : index
    %swap3A_55 = tpu.vector_load %arg13[%swap3A_54] {strides = array<i32>} : memref<640xf32, #tpu.memory_space<vmem>>, vector<16xf32>,
    tpu.vector_store %arg13[%swap3A_54], %broadcast_in_dim3A_34 {strides = array<i32>} : memref<640xf32, #tpu.memory_space<vmem>>, vector<16xf32>,
    %swap3A_56 = arith.constant 32 : index
    %swap3A_57 = tpu.vector_load %arg13[%swap3A_56] {strides = array<i32>} : memref<640xf32, #tpu.memory_space<vmem>>, vector<16xf32>,
    tpu.vector_store %arg13[%swap3A_56], %broadcast_in_dim3A_34 {strides = array<i32>} : memref<640xf32, #tpu.memory_space<vmem>>, vector<16xf32>,
    %swap3A_58 = arith.constant 48 : index
    %swap3A_59 = tpu.vector_load %arg13[%swap3A_58] {strides = array<i32>} : memref<640xf32, #tpu.memory_space<vmem>>, vector<16xf32>,
    tpu.vector_store %arg13[%swap3A_58], %broadcast_in_dim3A_34 {strides = array<i32>} : memref<640xf32, #tpu.memory_space<vmem>>, vector<16xf32>,
    %swap3A_60 = arith.constant 64 : index
    %swap3A_61 = tpu.vector_load %arg13[%swap3A_60] {strides = array<i32>} : memref<640xf32, #tpu.memory_space<vmem>>, vector<16xf32>,
    tpu.vector_store %arg13[%swap3A_60], %broadcast_in_dim3A_34 {strides = array<i32>} : memref<640xf32, #tpu.memory_space<vmem>>, vector<16xf32>,
    %swap3A_62 = arith.constant 80 : index
    %swap3A_63 = tpu.vector_load %arg13[%swap3A_62] {strides = array<i32>} : memref<640xf32, #tpu.memory_space<vmem>>, vector<16xf32>,
    tpu.vector_store %arg13[%swap3A_62], %broadcast_in_dim3A_34 {strides = array<i32>} : memref<640xf32, #tpu.memory_space<vmem>>, vector<16xf32>,
    %swap3A_64 = arith.constant 96 : index
    %swap3A_65 = tpu.vector_load %arg13[%swap3A_64] {strides = array<i32>} : memref<640xf32, #tpu.memory_space<vmem>>, vector<16xf32>,
    tpu.vector_store %arg13[%swap3A_64], %broadcast_in_dim3A_34 {strides = array<i32>} : memref<640xf32, #tpu.memory_space<vmem>>, vector<16xf32>,
    %swap3A_66 = arith.constant 112 : index
    %swap3A_67 = tpu.vector_load %arg13[%swap3A_66] {strides = array<i32>} : memref<640xf32, #tpu.memory_space<vmem>>, vector<16xf32>,
    tpu.vector_store %arg13[%swap3A_66], %broadcast_in_dim3A_34 {strides = array<i32>} : memref<640xf32, #tpu.memory_space<vmem>>, vector<16xf32>,
    %swap3A_68 = arith.constant 128 : index
    %swap3A_69 = tpu.vector_load %arg13[%swap3A_68] {strides = array<i32>} : memref<640xf32, #tpu.memory_space<vmem>>, vector<16xf32>,
    tpu.vector_store %arg13[%swap3A_68], %broadcast_in_dim3A_34 {strides = array<i32>} : memref<640xf32, #tpu.memory_space<vmem>>, vector<16xf32>,
    %swap3A_70 = arith.constant 144 : index
    %swap3A_71 = tpu.vector_load %arg13[%swap3A_70] {strides = array<i32>} : memref<640xf32, #tpu.memory_space<vmem>>, vector<16xf32>,
    tpu.vector_store %arg13[%swap3A_70], %broadcast_in_dim3A_34 {strides = array<i32>} : memref<640xf32, #tpu.memory_space<vmem>>, vector<16xf32>,
    %swap3A_72 = arith.constant 160 : index
    %swap3A_73 = tpu.vector_load %arg13[%swap3A_72] {strides = array<i32>} : memref<640xf32, #tpu.memory_space<vmem>>, vector<16xf32>,
    tpu.vector_store %arg13[%swap3A_72], %broadcast_in_dim3A_34 {strides = array<i32>} : memref<640xf32, #tpu.memory_space<vmem>>, vector<16xf32>,
    %swap3A_74 = arith.constant 176 : index
    %swap3A_75 = tpu.vector_load %arg13[%swap3A_74] {strides = array<i32>} : memref<640xf32, #tpu.memory_space<vmem>>, vector<16xf32>,
    tpu.vector_store %arg13[%swap3A_74], %broadcast_in_dim3A_34 {strides = array<i32>} : memref<640xf32, #tpu.memory_space<vmem>>, vector<16xf32>,
    %swap3A_76 = arith.constant 192 : index
    %swap3A_77 = tpu.vector_load %arg13[%swap3A_76] {strides = array<i32>} : memref<640xf32, #tpu.memory_space<vmem>>, vector<16xf32>,
    tpu.vector_store %arg13[%swap3A_76], %broadcast_in_dim3A_34 {strides = array<i32>} : memref<640xf32, #tpu.memory_space<vmem>>, vector<16xf32>,
    %swap3A_78 = arith.constant 208 : index
    %swap3A_79 = tpu.vector_load %arg13[%swap3A_78] {strides = array<i32>} : memref<640xf32, #tpu.memory_space<vmem>>, vector<16xf32>,
    tpu.vector_store %arg13[%swap3A_78], %broadcast_in_dim3A_34 {strides = array<i32>} : memref<640xf32, #tpu.memory_space<vmem>>, vector<16xf32>,
    %swap3A_80 = arith.constant 224 : index
    %swap3A_81 = tpu.vector_load %arg13[%swap3A_80] {strides = array<i32>} : memref<640xf32, #tpu.memory_space<vmem>>, vector<16xf32>,
    tpu.vector_store %arg13[%swap3A_80], %broadcast_in_dim3A_34 {strides = array<i32>} : memref<640xf32, #tpu.memory_space<vmem>>, vector<16xf32>,
    %swap3A_82 = arith.constant 240 : index
    %swap3A_83 = tpu.vector_load %arg13[%swap3A_82] {strides = array<i32>} : memref<640xf32, #tpu.memory_space<vmem>>, vector<16xf32>,
    tpu.vector_store %arg13[%swap3A_82], %broadcast_in_dim3A_34 {strides = array<i32>} : memref<640xf32, #tpu.memory_space<vmem>>, vector<16xf32>,
    %swap3A_84 = arith.constant 256 : index
    %swap3A_85 = tpu.vector_load %arg13[%swap3A_84] {strides = array<i32>} : memref<640xf32, #tpu.memory_space<vmem>>, vector<16xf32>,
    tpu.vector_store %arg13[%swap3A_84], %broadcast_in_dim3A_34 {strides = array<i32>} : memref<640xf32, #tpu.memory_space<vmem>>, vector<16xf32>,
    %swap3A_86 = arith.constant 272 : index
    %swap3A_87 = tpu.vector_load %arg13[%swap3A_86] {strides = array<i32>} : memref<640xf32, #tpu.memory_space<vmem>>, vector<16xf32>,
    tpu.vector_store %arg13[%swap3A_86], %broadcast_in_dim3A_34 {strides = array<i32>} : memref<640xf32, #tpu.memory_space<vmem>>, vector<16xf32>,
    %swap3A_88 = arith.constant 288 : index
    %swap3A_89 = tpu.vector_load %arg13[%swap3A_88] {strides = array<i32>} : memref<640xf32, #tpu.memory_space<vmem>>, vector<16xf32>,
    tpu.vector_store %arg13[%swap3A_88], %broadcast_in_dim3A_34 {strides = array<i32>} : memref<640xf32, #tpu.memory_space<vmem>>, vector<16xf32>,
    %swap3A_90 = arith.constant 304 : index
    %swap3A_91 = tpu.vector_load %arg13[%swap3A_90] {strides = array<i32>} : memref<640xf32, #tpu.memory_space<vmem>>, vector<16xf32>,
    tpu.vector_store %arg13[%swap3A_90], %broadcast_in_dim3A_34 {strides = array<i32>} : memref<640xf32, #tpu.memory_space<vmem>>, vector<16xf32>,
    %swap3A_92 = arith.constant 320 : index
    %swap3A_93 = tpu.vector_load %arg13[%swap3A_92] {strides = array<i32>} : memref<640xf32, #tpu.memory_space<vmem>>, vector<16xf32>,
    tpu.vector_store %arg13[%swap3A_92], %broadcast_in_dim3A_34 {strides = array<i32>} : memref<640xf32, #tpu.memory_space<vmem>>, vector<16xf32>,
    %swap3A_94 = arith.constant 336 : index
    %swap3A_95 = tpu.vector_load %arg13[%swap3A_94] {strides = array<i32>} : memref<640xf32, #tpu.memory_space<vmem>>, vector<16xf32>,
    tpu.vector_store %arg13[%swap3A_94], %broadcast_in_dim3A_34 {strides = array<i32>} : memref<640xf32, #tpu.memory_space<vmem>>, vector<16xf32>,
    %swap3A_96 = arith.constant 352 : index
    %swap3A_97 = tpu.vector_load %arg13[%swap3A_96] {strides = array<i32>} : memref<640xf32, #tpu.memory_space<vmem>>, vector<16xf32>,
    tpu.vector_store %arg13[%swap3A_96], %broadcast_in_dim3A_34 {strides = array<i32>} : memref<640xf32, #tpu.memory_space<vmem>>, vector<16xf32>,
    %swap3A_98 = arith.constant 368 : index
    %swap3A_99 = tpu.vector_load %arg13[%swap3A_98] {strides = array<i32>} : memref<640xf32, #tpu.memory_space<vmem>>, vector<16xf32>,
    tpu.vector_store %arg13[%swap3A_98], %broadcast_in_dim3A_34 {strides = array<i32>} : memref<640xf32, #tpu.memory_space<vmem>>, vector<16xf32>,
    %swap3A_100 = arith.constant 384 : index
    %swap3A_101 = tpu.vector_load %arg13[%swap3A_100] {strides = array<i32>} : memref<640xf32, #tpu.memory_space<vmem>>, vector<16xf32>,
    tpu.vector_store %arg13[%swap3A_100], %broadcast_in_dim3A_34 {strides = array<i32>} : memref<640xf32, #tpu.memory_space<vmem>>, vector<16xf32>,
    %swap3A_102 = arith.constant 400 : index
    %swap3A_103 = tpu.vector_load %arg13[%swap3A_102] {strides = array<i32>} : memref<640xf32, #tpu.memory_space<vmem>>, vector<16xf32>,
    tpu.vector_store %arg13[%swap3A_102], %broadcast_in_dim3A_34 {strides = array<i32>} : memref<640xf32, #tpu.memory_space<vmem>>, vector<16xf32>,
    %swap3A_104 = arith.constant 416 : index
    %swap3A_105 = tpu.vector_load %arg13[%swap3A_104] {strides = array<i32>} : memref<640xf32, #tpu.memory_space<vmem>>, vector<16xf32>,
    tpu.vector_store %arg13[%swap3A_104], %broadcast_in_dim3A_34 {strides = array<i32>} : memref<640xf32, #tpu.memory_space<vmem>>, vector<16xf32>,
    %swap3A_106 = arith.constant 432 : index
    %swap3A_107 = tpu.vector_load %arg13[%swap3A_106] {strides = array<i32>} : memref<640xf32, #tpu.memory_space<vmem>>, vector<16xf32>,
    tpu.vector_store %arg13[%swap3A_106], %broadcast_in_dim3A_34 {strides = array<i32>} : memref<640xf32, #tpu.memory_space<vmem>>, vector<16xf32>,
    %swap3A_108 = arith.constant 448 : index
    %swap3A_109 = tpu.vector_load %arg13[%swap3A_108] {strides = array<i32>} : memref<640xf32, #tpu.memory_space<vmem>>, vector<16xf32>,
    tpu.vector_store %arg13[%swap3A_108], %broadcast_in_dim3A_34 {strides = array<i32>} : memref<640xf32, #tpu.memory_space<vmem>>, vector<16xf32>,
    %swap3A_110 = arith.constant 464 : index
    %swap3A_111 = tpu.vector_load %arg13[%swap3A_110] {strides = array<i32>} : memref<640xf32, #tpu.memory_space<vmem>>, vector<16xf32>,
    tpu.vector_store %arg13[%swap3A_110], %broadcast_in_dim3A_34 {strides = array<i32>} : memref<640xf32, #tpu.memory_space<vmem>>, vector<16xf32>,
    %swap3A_112 = arith.constant 480 : index
    %swap3A_113 = tpu.vector_load %arg13[%swap3A_112] {strides = array<i32>} : memref<640xf32, #tpu.memory_space<vmem>>, vector<16xf32>,
    tpu.vector_store %arg13[%swap3A_112], %broadcast_in_dim3A_34 {strides = array<i32>} : memref<640xf32, #tpu.memory_space<vmem>>, vector<16xf32>,
    %swap3A_114 = arith.constant 496 : index
    %swap3A_115 = tpu.vector_load %arg13[%swap3A_114] {strides = array<i32>} : memref<640xf32, #tpu.memory_space<vmem>>, vector<16xf32>,
    tpu.vector_store %arg13[%swap3A_114], %broadcast_in_dim3A_34 {strides = array<i32>} : memref<640xf32, #tpu.memory_space<vmem>>, vector<16xf32>,
    %swap3A_116 = arith.constant 512 : index
    %swap3A_117 = tpu.vector_load %arg13[%swap3A_116] {strides = array<i32>} : memref<640xf32, #tpu.memory_space<vmem>>, vector<16xf32>,
    tpu.vector_store %arg13[%swap3A_116], %broadcast_in_dim3A_34 {strides = array<i32>} : memref<640xf32, #tpu.memory_space<vmem>>, vector<16xf32>,
    %swap3A_118 = arith.constant 528 : index
    %swap3A_119 = tpu.vector_load %arg13[%swap3A_118] {strides = array<i32>} : memref<640xf32, #tpu.memory_space<vmem>>, vector<16xf32>,
    tpu.vector_store %arg13[%swap3A_118], %broadcast_in_dim3A_34 {strides = array<i32>} : memref<640xf32, #tpu.memory_space<vmem>>, vector<16xf32>,
    %swap3A_120 = arith.constant 544 : index
    %swap3A_121 = tpu.vector_load %arg13[%swap3A_120] {strides = array<i32>} : memref<640xf32, #tpu.memory_space<vmem>>, vector<16xf32>,
    tpu.vector_store %arg13[%swap3A_120], %broadcast_in_dim3A_34 {strides = array<i32>} : memref<640xf32, #tpu.memory_space<vmem>>, vector<16xf32>,
    %swap3A_122 = arith.constant 560 : index
    %swap3A_123 = tpu.vector_load %arg13[%swap3A_122] {strides = array<i32>} : memref<640xf32, #tpu.memory_space<vmem>>, vector<16xf32>,
    tpu.vector_store %arg13[%swap3A_122], %broadcast_in_dim3A_34 {strides = array<i32>} : memref<640xf32, #tpu.memory_space<vmem>>, vector<16xf32>,
    %swap3A_124 = arith.constant 576 : index
    %swap3A_125 = tpu.vector_load %arg13[%swap3A_124] {strides = array<i32>} : memref<640xf32, #tpu.memory_space<vmem>>, vector<16xf32>,
    tpu.vector_store %arg13[%swap3A_124], %broadcast_in_dim3A_34 {strides = array<i32>} : memref<640xf32, #tpu.memory_space<vmem>>, vector<16xf32>,
    %swap3A_126 = arith.constant 592 : index
    %swap3A_127 = tpu.vector_load %arg13[%swap3A_126] {strides = array<i32>} : memref<640xf32, #tpu.memory_space<vmem>>, vector<16xf32>,
    tpu.vector_store %arg13[%swap3A_126], %broadcast_in_dim3A_34 {strides = array<i32>} : memref<640xf32, #tpu.memory_space<vmem>>, vector<16xf32>,
    %swap3A_128 = arith.constant 608 : index
    %swap3A_129 = tpu.vector_load %arg13[%swap3A_128] {strides = array<i32>} : memref<640xf32, #tpu.memory_space<vmem>>, vector<16xf32>,
    tpu.vector_store %arg13[%swap3A_128], %broadcast_in_dim3A_34 {strides = array<i32>} : memref<640xf32, #tpu.memory_space<vmem>>, vector<16xf32>,
    %swap3A_130 = arith.constant 624 : index
    %swap3A_131 = tpu.vector_load %arg13[%swap3A_130] {strides = array<i32>} : memref<640xf32, #tpu.memory_space<vmem>>, vector<16xf32>,
    tpu.vector_store %arg13[%swap3A_130], %broadcast_in_dim3A_34 {strides = array<i32>} : memref<640xf32, #tpu.memory_space<vmem>>, vector<16xf32>,
    %swap3A_132 = arith.constant 156 : i32
    %swap3A_133 = arith.index_cast %swap3A_132 : i32 to index
    %swap3A_134 = arith.constant 32 : index
    %swap3A_135 = tpu.vector_load %arg11[%swap3A_133, %swap3A_134] {strides = array<i32>} : memref<157x128xf32, #tpu.memory_space<vmem>>, vector<16xf32>,
    tpu.vector_store %arg11[%swap3A_133, %swap3A_134], %broadcast_in_dim3A_34 {strides = array<i32>} : memref<157x128xf32, #tpu.memory_space<vmem>>, vector<16xf32>,
    %swap3A_136 = arith.constant 156 : i32
    %swap3A_137 = arith.index_cast %swap3A_136 : i32 to index
    %swap3A_138 = arith.constant 48 : index
    %swap3A_139 = tpu.vector_load %arg11[%swap3A_137, %swap3A_138] {strides = array<i32>} : memref<157x128xf32, #tpu.memory_space<vmem>>, vector<16xf32>,
    tpu.vector_store %arg11[%swap3A_137, %swap3A_138], %broadcast_in_dim3A_34 {strides = array<i32>} : memref<157x128xf32, #tpu.memory_space<vmem>>, vector<16xf32>,
    %swap3A_140 = arith.constant 156 : i32
    %swap3A_141 = arith.index_cast %swap3A_140 : i32 to index
    %swap3A_142 = arith.constant 64 : index
    %swap3A_143 = tpu.vector_load %arg11[%swap3A_141, %swap3A_142] {strides = array<i32>} : memref<157x128xf32, #tpu.memory_space<vmem>>, vector<16xf32>,
    tpu.vector_store %arg11[%swap3A_141, %swap3A_142], %broadcast_in_dim3A_34 {strides = array<i32>} : memref<157x128xf32, #tpu.memory_space<vmem>>, vector<16xf32>,
    %swap3A_144 = arith.constant 156 : i32
    %swap3A_145 = arith.index_cast %swap3A_144 : i32 to index
    %swap3A_146 = arith.constant 80 : index
    %swap3A_147 = tpu.vector_load %arg11[%swap3A_145, %swap3A_146] {strides = array<i32>} : memref<157x128xf32, #tpu.memory_space<vmem>>, vector<16xf32>,
    tpu.vector_store %arg11[%swap3A_145, %swap3A_146], %broadcast_in_dim3A_34 {strides = array<i32>} : memref<157x128xf32, #tpu.memory_space<vmem>>, vector<16xf32>,
    %swap3A_148 = arith.constant 156 : i32
    %swap3A_149 = arith.index_cast %swap3A_148 : i32 to index
    %swap3A_150 = arith.constant 96 : index
    %swap3A_151 = tpu.vector_load %arg11[%swap3A_149, %swap3A_150] {strides = array<i32>} : memref<157x128xf32, #tpu.memory_space<vmem>>, vector<16xf32>,
    tpu.vector_store %arg11[%swap3A_149, %swap3A_150], %broadcast_in_dim3A_34 {strides = array<i32>} : memref<157x128xf32, #tpu.memory_space<vmem>>, vector<16xf32>,
    %swap3A_152 = arith.constant 156 : i32
    %swap3A_153 = arith.index_cast %swap3A_152 : i32 to index
    %swap3A_154 = arith.constant 112 : index
    %swap3A_155 = tpu.vector_load %arg11[%swap3A_153, %swap3A_154] {strides = array<i32>} : memref<157x128xf32, #tpu.memory_space<vmem>>, vector<16xf32>,
    tpu.vector_store %arg11[%swap3A_153, %swap3A_154], %broadcast_in_dim3A_34 {strides = array<i32>} : memref<157x128xf32, #tpu.memory_space<vmem>>, vector<16xf32>,
    %dma_wait3A = arith.constant 0 : i32
    %dma_wait3A_156 = arith.constant 0 : i32
    %dma_wait3A_157 = tpu.memref_slice %arg3[%dma_wait3A, %dma_wait3A_156] : memref<2x320000xi32, #tpu.memory_space<hbm>> -> memref<2x20224xi32, #tpu.memory_space<hbm>>
    %dma_wait3A_158 = arith.constant 0 : i32
    %dma_wait3A_159 = arith.constant 0 : i32
    %dma_wait3A_160 = tpu.memref_slice %arg3[%dma_wait3A_158, %dma_wait3A_159] : memref<2x320000xi32, #tpu.memory_space<hbm>> -> memref<2x20224xi32, #tpu.memory_space<hbm>>
    tpu.wait_dma2 semaphore(%arg22 : memref<!tpu.dma_semaphore, #tpu.memory_space<semaphore_mem>>) src(%dma_wait3A_160 : memref<2x20224xi32, #tpu.memory_space<hbm>>) dst(%arg8 : memref<2x20224xi32, #tpu.memory_space<vmem>>)
    %scan3A = arith.constant 0 : i32
    %scan3A_161 = arith.constant 0 : i32
    %scan3A_162 = arith.constant 156 : i32
    %scan3A_163 = arith.addi %scan3A_161, %scan3A_162 : i32
    %scan3A_164 = arith.constant 1 : i32
    scf.for %scan3A_279 = %scan3A_161 to %scan3A_163 step %scan3A_164  : i32 {
      %mul3A_280 = arith.constant 128 : i32
      %mul3A_281 = arith.muli %scan3A_279, %mul3A_280 : i32
      %add3A_282 = arith.addi %sub3A_22, %mul3A_281 : i32
      %add3A_283 = arith.constant 0 : i32
      %add3A_284 = arith.addi %add3A_282, %add3A_283 : i32
      %get3A_285 = arith.constant 1 : i32
      %get3A_286 = arith.index_cast %get3A_285 : i32 to index
      %get3A_287 = arith.index_cast %add3A_284 : i32 to index
      %get3A_288 = tpu.vector_load %arg8[%get3A_286, %get3A_287] {strides = array<i32>} : memref<2x20224xi32, #tpu.memory_space<vmem>>, vector<16xi32>,
      %swap3A_289 = arith.index_cast %scan3A_279 : i32 to index
      %swap3A_290 = arith.constant 0 : index
      %swap3A_291 = tpu.vector_load %arg10[%swap3A_289, %swap3A_290] {strides = array<i32>} : memref<157x128xi32, #tpu.memory_space<vmem>>, vector<16xi32>,
      tpu.vector_store %arg10[%swap3A_289, %swap3A_290], %get3A_288 {strides = array<i32>} : memref<157x128xi32, #tpu.memory_space<vmem>>, vector<16xi32>,
      %get3A_292 = arith.constant 0 : i32
      %get3A_293 = arith.index_cast %get3A_292 : i32 to index
      %get3A_294 = arith.index_cast %add3A_284 : i32 to index
      %get3A_295 = tpu.vector_load %arg8[%get3A_293, %get3A_294] {strides = array<i32>} : memref<2x20224xi32, #tpu.memory_space<vmem>>, vector<16xi32>,
      %mul3A_296 = arith.constant 128 : i32
      %mul3A_297 = arith.muli %scan3A_279, %mul3A_296 : i32
      %add3A_298 = arith.constant 0 : i32
      %add3A_299 = arith.addi %mul3A_297, %add3A_298 : i32
      %swap3A_300 = arith.index_cast %add3A_299 : i32 to index
      %swap3A_301 = tpu.vector_load %arg9[%swap3A_300] {strides = array<i32>} : memref<20096xi32, #tpu.memory_space<vmem>>, vector<16xi32>,
      tpu.vector_store %arg9[%swap3A_300], %get3A_295 {strides = array<i32>} : memref<20096xi32, #tpu.memory_space<vmem>>, vector<16xi32>,
      %mul3A_302 = arith.constant 128 : i32
      %mul3A_303 = arith.muli %scan3A_279, %mul3A_302 : i32
      %add3A_304 = arith.addi %sub3A_22, %mul3A_303 : i32
      %add3A_305 = arith.constant 16 : i32
      %add3A_306 = arith.addi %add3A_304, %add3A_305 : i32
      %get3A_307 = arith.constant 1 : i32
      %get3A_308 = arith.index_cast %get3A_307 : i32 to index
      %get3A_309 = arith.index_cast %add3A_306 : i32 to index
      %get3A_310 = tpu.vector_load %arg8[%get3A_308, %get3A_309] {strides = array<i32>} : memref<2x20224xi32, #tpu.memory_space<vmem>>, vector<16xi32>,
      %swap3A_311 = arith.index_cast %scan3A_279 : i32 to index
      %swap3A_312 = arith.constant 16 : index
      %swap3A_313 = tpu.vector_load %arg10[%swap3A_311, %swap3A_312] {strides = array<i32>} : memref<157x128xi32, #tpu.memory_space<vmem>>, vector<16xi32>,
      tpu.vector_store %arg10[%swap3A_311, %swap3A_312], %get3A_310 {strides = array<i32>} : memref<157x128xi32, #tpu.memory_space<vmem>>, vector<16xi32>,
      %get3A_314 = arith.constant 0 : i32
      %get3A_315 = arith.index_cast %get3A_314 : i32 to index
      %get3A_316 = arith.index_cast %add3A_306 : i32 to index
      %get3A_317 = tpu.vector_load %arg8[%get3A_315, %get3A_316] {strides = array<i32>} : memref<2x20224xi32, #tpu.memory_space<vmem>>, vector<16xi32>,
      %mul3A_318 = arith.constant 128 : i32
      %mul3A_319 = arith.muli %scan3A_279, %mul3A_318 : i32
      %add3A_320 = arith.constant 16 : i32
      %add3A_321 = arith.addi %mul3A_319, %add3A_320 : i32
      %swap3A_322 = arith.index_cast %add3A_321 : i32 to index
      %swap3A_323 = tpu.vector_load %arg9[%swap3A_322] {strides = array<i32>} : memref<20096xi32, #tpu.memory_space<vmem>>, vector<16xi32>,
      tpu.vector_store %arg9[%swap3A_322], %get3A_317 {strides = array<i32>} : memref<20096xi32, #tpu.memory_space<vmem>>, vector<16xi32>,
      %mul3A_324 = arith.constant 128 : i32
      %mul3A_325 = arith.muli %scan3A_279, %mul3A_324 : i32
      %add3A_326 = arith.addi %sub3A_22, %mul3A_325 : i32
      %add3A_327 = arith.constant 32 : i32
      %add3A_328 = arith.addi %add3A_326, %add3A_327 : i32
      %get3A_329 = arith.constant 1 : i32
      %get3A_330 = arith.index_cast %get3A_329 : i32 to index
      %get3A_331 = arith.index_cast %add3A_328 : i32 to index
      %get3A_332 = tpu.vector_load %arg8[%get3A_330, %get3A_331] {strides = array<i32>} : memref<2x20224xi32, #tpu.memory_space<vmem>>, vector<16xi32>,
      %swap3A_333 = arith.index_cast %scan3A_279 : i32 to index
      %swap3A_334 = arith.constant 32 : index
      %swap3A_335 = tpu.vector_load %arg10[%swap3A_333, %swap3A_334] {strides = array<i32>} : memref<157x128xi32, #tpu.memory_space<vmem>>, vector<16xi32>,
      tpu.vector_store %arg10[%swap3A_333, %swap3A_334], %get3A_332 {strides = array<i32>} : memref<157x128xi32, #tpu.memory_space<vmem>>, vector<16xi32>,
      %get3A_336 = arith.constant 0 : i32
      %get3A_337 = arith.index_cast %get3A_336 : i32 to index
      %get3A_338 = arith.index_cast %add3A_328 : i32 to index
      %get3A_339 = tpu.vector_load %arg8[%get3A_337, %get3A_338] {strides = array<i32>} : memref<2x20224xi32, #tpu.memory_space<vmem>>, vector<16xi32>,
      %mul3A_340 = arith.constant 128 : i32
      %mul3A_341 = arith.muli %scan3A_279, %mul3A_340 : i32
      %add3A_342 = arith.constant 32 : i32
      %add3A_343 = arith.addi %mul3A_341, %add3A_342 : i32
      %swap3A_344 = arith.index_cast %add3A_343 : i32 to index
      %swap3A_345 = tpu.vector_load %arg9[%swap3A_344] {strides = array<i32>} : memref<20096xi32, #tpu.memory_space<vmem>>, vector<16xi32>,
      tpu.vector_store %arg9[%swap3A_344], %get3A_339 {strides = array<i32>} : memref<20096xi32, #tpu.memory_space<vmem>>, vector<16xi32>,
      %mul3A_346 = arith.constant 128 : i32
      %mul3A_347 = arith.muli %scan3A_279, %mul3A_346 : i32
      %add3A_348 = arith.addi %sub3A_22, %mul3A_347 : i32
      %add3A_349 = arith.constant 48 : i32
      %add3A_350 = arith.addi %add3A_348, %add3A_349 : i32
      %get3A_351 = arith.constant 1 : i32
      %get3A_352 = arith.index_cast %get3A_351 : i32 to index
      %get3A_353 = arith.index_cast %add3A_350 : i32 to index
      %get3A_354 = tpu.vector_load %arg8[%get3A_352, %get3A_353] {strides = array<i32>} : memref<2x20224xi32, #tpu.memory_space<vmem>>, vector<16xi32>,
      %swap3A_355 = arith.index_cast %scan3A_279 : i32 to index
      %swap3A_356 = arith.constant 48 : index
      %swap3A_357 = tpu.vector_load %arg10[%swap3A_355, %swap3A_356] {strides = array<i32>} : memref<157x128xi32, #tpu.memory_space<vmem>>, vector<16xi32>,
      tpu.vector_store %arg10[%swap3A_355, %swap3A_356], %get3A_354 {strides = array<i32>} : memref<157x128xi32, #tpu.memory_space<vmem>>, vector<16xi32>,
      %get3A_358 = arith.constant 0 : i32
      %get3A_359 = arith.index_cast %get3A_358 : i32 to index
      %get3A_360 = arith.index_cast %add3A_350 : i32 to index
      %get3A_361 = tpu.vector_load %arg8[%get3A_359, %get3A_360] {strides = array<i32>} : memref<2x20224xi32, #tpu.memory_space<vmem>>, vector<16xi32>,
      %mul3A_362 = arith.constant 128 : i32
      %mul3A_363 = arith.muli %scan3A_279, %mul3A_362 : i32
      %add3A_364 = arith.constant 48 : i32
      %add3A_365 = arith.addi %mul3A_363, %add3A_364 : i32
      %swap3A_366 = arith.index_cast %add3A_365 : i32 to index
      %swap3A_367 = tpu.vector_load %arg9[%swap3A_366] {strides = array<i32>} : memref<20096xi32, #tpu.memory_space<vmem>>, vector<16xi32>,
      tpu.vector_store %arg9[%swap3A_366], %get3A_361 {strides = array<i32>} : memref<20096xi32, #tpu.memory_space<vmem>>, vector<16xi32>,
      %mul3A_368 = arith.constant 128 : i32
      %mul3A_369 = arith.muli %scan3A_279, %mul3A_368 : i32
      %add3A_370 = arith.addi %sub3A_22, %mul3A_369 : i32
      %add3A_371 = arith.constant 64 : i32
      %add3A_372 = arith.addi %add3A_370, %add3A_371 : i32
      %get3A_373 = arith.constant 1 : i32
      %get3A_374 = arith.index_cast %get3A_373 : i32 to index
      %get3A_375 = arith.index_cast %add3A_372 : i32 to index
      %get3A_376 = tpu.vector_load %arg8[%get3A_374, %get3A_375] {strides = array<i32>} : memref<2x20224xi32, #tpu.memory_space<vmem>>, vector<16xi32>,
      %swap3A_377 = arith.index_cast %scan3A_279 : i32 to index
      %swap3A_378 = arith.constant 64 : index
      %swap3A_379 = tpu.vector_load %arg10[%swap3A_377, %swap3A_378] {strides = array<i32>} : memref<157x128xi32, #tpu.memory_space<vmem>>, vector<16xi32>,
      tpu.vector_store %arg10[%swap3A_377, %swap3A_378], %get3A_376 {strides = array<i32>} : memref<157x128xi32, #tpu.memory_space<vmem>>, vector<16xi32>,
      %get3A_380 = arith.constant 0 : i32
      %get3A_381 = arith.index_cast %get3A_380 : i32 to index
      %get3A_382 = arith.index_cast %add3A_372 : i32 to index
      %get3A_383 = tpu.vector_load %arg8[%get3A_381, %get3A_382] {strides = array<i32>} : memref<2x20224xi32, #tpu.memory_space<vmem>>, vector<16xi32>,
      %mul3A_384 = arith.constant 128 : i32
      %mul3A_385 = arith.muli %scan3A_279, %mul3A_384 : i32
      %add3A_386 = arith.constant 64 : i32
      %add3A_387 = arith.addi %mul3A_385, %add3A_386 : i32
      %swap3A_388 = arith.index_cast %add3A_387 : i32 to index
      %swap3A_389 = tpu.vector_load %arg9[%swap3A_388] {strides = array<i32>} : memref<20096xi32, #tpu.memory_space<vmem>>, vector<16xi32>,
      tpu.vector_store %arg9[%swap3A_388], %get3A_383 {strides = array<i32>} : memref<20096xi32, #tpu.memory_space<vmem>>, vector<16xi32>,
      %mul3A_390 = arith.constant 128 : i32
      %mul3A_391 = arith.muli %scan3A_279, %mul3A_390 : i32
      %add3A_392 = arith.addi %sub3A_22, %mul3A_391 : i32
      %add3A_393 = arith.constant 80 : i32
      %add3A_394 = arith.addi %add3A_392, %add3A_393 : i32
      %get3A_395 = arith.constant 1 : i32
      %get3A_396 = arith.index_cast %get3A_395 : i32 to index
      %get3A_397 = arith.index_cast %add3A_394 : i32 to index
      %get3A_398 = tpu.vector_load %arg8[%get3A_396, %get3A_397] {strides = array<i32>} : memref<2x20224xi32, #tpu.memory_space<vmem>>, vector<16xi32>,
      %swap3A_399 = arith.index_cast %scan3A_279 : i32 to index
      %swap3A_400 = arith.constant 80 : index
      %swap3A_401 = tpu.vector_load %arg10[%swap3A_399, %swap3A_400] {strides = array<i32>} : memref<157x128xi32, #tpu.memory_space<vmem>>, vector<16xi32>,
      tpu.vector_store %arg10[%swap3A_399, %swap3A_400], %get3A_398 {strides = array<i32>} : memref<157x128xi32, #tpu.memory_space<vmem>>, vector<16xi32>,
      %get3A_402 = arith.constant 0 : i32
      %get3A_403 = arith.index_cast %get3A_402 : i32 to index
      %get3A_404 = arith.index_cast %add3A_394 : i32 to index
      %get3A_405 = tpu.vector_load %arg8[%get3A_403, %get3A_404] {strides = array<i32>} : memref<2x20224xi32, #tpu.memory_space<vmem>>, vector<16xi32>,
      %mul3A_406 = arith.constant 128 : i32
      %mul3A_407 = arith.muli %scan3A_279, %mul3A_406 : i32
      %add3A_408 = arith.constant 80 : i32
      %add3A_409 = arith.addi %mul3A_407, %add3A_408 : i32
      %swap3A_410 = arith.index_cast %add3A_409 : i32 to index
      %swap3A_411 = tpu.vector_load %arg9[%swap3A_410] {strides = array<i32>} : memref<20096xi32, #tpu.memory_space<vmem>>, vector<16xi32>,
      tpu.vector_store %arg9[%swap3A_410], %get3A_405 {strides = array<i32>} : memref<20096xi32, #tpu.memory_space<vmem>>, vector<16xi32>,
      %mul3A_412 = arith.constant 128 : i32
      %mul3A_413 = arith.muli %scan3A_279, %mul3A_412 : i32
      %add3A_414 = arith.addi %sub3A_22, %mul3A_413 : i32
      %add3A_415 = arith.constant 96 : i32
      %add3A_416 = arith.addi %add3A_414, %add3A_415 : i32
      %get3A_417 = arith.constant 1 : i32
      %get3A_418 = arith.index_cast %get3A_417 : i32 to index
      %get3A_419 = arith.index_cast %add3A_416 : i32 to index
      %get3A_420 = tpu.vector_load %arg8[%get3A_418, %get3A_419] {strides = array<i32>} : memref<2x20224xi32, #tpu.memory_space<vmem>>, vector<16xi32>,
      %swap3A_421 = arith.index_cast %scan3A_279 : i32 to index
      %swap3A_422 = arith.constant 96 : index
      %swap3A_423 = tpu.vector_load %arg10[%swap3A_421, %swap3A_422] {strides = array<i32>} : memref<157x128xi32, #tpu.memory_space<vmem>>, vector<16xi32>,
      tpu.vector_store %arg10[%swap3A_421, %swap3A_422], %get3A_420 {strides = array<i32>} : memref<157x128xi32, #tpu.memory_space<vmem>>, vector<16xi32>,
      %get3A_424 = arith.constant 0 : i32
      %get3A_425 = arith.index_cast %get3A_424 : i32 to index
      %get3A_426 = arith.index_cast %add3A_416 : i32 to index
      %get3A_427 = tpu.vector_load %arg8[%get3A_425, %get3A_426] {strides = array<i32>} : memref<2x20224xi32, #tpu.memory_space<vmem>>, vector<16xi32>,
      %mul3A_428 = arith.constant 128 : i32
      %mul3A_429 = arith.muli %scan3A_279, %mul3A_428 : i32
      %add3A_430 = arith.constant 96 : i32
      %add3A_431 = arith.addi %mul3A_429, %add3A_430 : i32
      %swap3A_432 = arith.index_cast %add3A_431 : i32 to index
      %swap3A_433 = tpu.vector_load %arg9[%swap3A_432] {strides = array<i32>} : memref<20096xi32, #tpu.memory_space<vmem>>, vector<16xi32>,
      tpu.vector_store %arg9[%swap3A_432], %get3A_427 {strides = array<i32>} : memref<20096xi32, #tpu.memory_space<vmem>>, vector<16xi32>,
      %mul3A_434 = arith.constant 128 : i32
      %mul3A_435 = arith.muli %scan3A_279, %mul3A_434 : i32
      %add3A_436 = arith.addi %sub3A_22, %mul3A_435 : i32
      %add3A_437 = arith.constant 112 : i32
      %add3A_438 = arith.addi %add3A_436, %add3A_437 : i32
      %get3A_439 = arith.constant 1 : i32
      %get3A_440 = arith.index_cast %get3A_439 : i32 to index
      %get3A_441 = arith.index_cast %add3A_438 : i32 to index
      %get3A_442 = tpu.vector_load %arg8[%get3A_440, %get3A_441] {strides = array<i32>} : memref<2x20224xi32, #tpu.memory_space<vmem>>, vector<16xi32>,
      %swap3A_443 = arith.index_cast %scan3A_279 : i32 to index
      %swap3A_444 = arith.constant 112 : index
      %swap3A_445 = tpu.vector_load %arg10[%swap3A_443, %swap3A_444] {strides = array<i32>} : memref<157x128xi32, #tpu.memory_space<vmem>>, vector<16xi32>,
      tpu.vector_store %arg10[%swap3A_443, %swap3A_444], %get3A_442 {strides = array<i32>} : memref<157x128xi32, #tpu.memory_space<vmem>>, vector<16xi32>,
      %get3A_446 = arith.constant 0 : i32
      %get3A_447 = arith.index_cast %get3A_446 : i32 to index
      %get3A_448 = arith.index_cast %add3A_438 : i32 to index
      %get3A_449 = tpu.vector_load %arg8[%get3A_447, %get3A_448] {strides = array<i32>} : memref<2x20224xi32, #tpu.memory_space<vmem>>, vector<16xi32>,
      %mul3A_450 = arith.constant 128 : i32
      %mul3A_451 = arith.muli %scan3A_279, %mul3A_450 : i32
      %add3A_452 = arith.constant 112 : i32
      %add3A_453 = arith.addi %mul3A_451, %add3A_452 : i32
      %swap3A_454 = arith.index_cast %add3A_453 : i32 to index
      %swap3A_455 = tpu.vector_load %arg9[%swap3A_454] {strides = array<i32>} : memref<20096xi32, #tpu.memory_space<vmem>>, vector<16xi32>,
      tpu.vector_store %arg9[%swap3A_454], %get3A_449 {strides = array<i32>} : memref<20096xi32, #tpu.memory_space<vmem>>, vector<16xi32>,
    }
    %scan3A_165 = arith.constant 156 : i32
    %add3A = arith.constant 19968 : i32
    %add3A_166 = arith.addi %sub3A_22, %add3A : i32
    %add3A_167 = arith.constant 0 : i32
    %add3A_168 = arith.addi %add3A_166, %add3A_167 : i32
    %get3A = arith.constant 1 : i32
    %get3A_169 = arith.index_cast %get3A : i32 to index
    %get3A_170 = arith.index_cast %add3A_168 : i32 to index
    %get3A_171 = tpu.vector_load %arg8[%get3A_169, %get3A_170] {strides = array<i32>} : memref<2x20224xi32, #tpu.memory_space<vmem>>, vector<16xi32>,
    %swap3A_172 = arith.constant 156 : i32
    %swap3A_173 = arith.index_cast %swap3A_172 : i32 to index
    %swap3A_174 = arith.constant 0 : index
    %swap3A_175 = tpu.vector_load %arg10[%swap3A_173, %swap3A_174] {strides = array<i32>} : memref<157x128xi32, #tpu.memory_space<vmem>>, vector<16xi32>,
    tpu.vector_store %arg10[%swap3A_173, %swap3A_174], %get3A_171 {strides = array<i32>} : memref<157x128xi32, #tpu.memory_space<vmem>>, vector<16xi32>,
    %get3A_176 = arith.constant 0 : i32
    %get3A_177 = arith.index_cast %get3A_176 : i32 to index
    %get3A_178 = arith.index_cast %add3A_168 : i32 to index
    %get3A_179 = tpu.vector_load %arg8[%get3A_177, %get3A_178] {strides = array<i32>} : memref<2x20224xi32, #tpu.memory_space<vmem>>, vector<16xi32>,
    %swap3A_180 = arith.constant 19968 : index
    %swap3A_181 = tpu.vector_load %arg9[%swap3A_180] {strides = array<i32>} : memref<20096xi32, #tpu.memory_space<vmem>>, vector<16xi32>,
    tpu.vector_store %arg9[%swap3A_180], %get3A_179 {strides = array<i32>} : memref<20096xi32, #tpu.memory_space<vmem>>, vector<16xi32>,
    %add3A_182 = arith.constant 19968 : i32
    %add3A_183 = arith.addi %sub3A_22, %add3A_182 : i32
    %add3A_184 = arith.constant 16 : i32
    %add3A_185 = arith.addi %add3A_183, %add3A_184 : i32
    %get3A_186 = arith.constant 1 : i32
    %get3A_187 = arith.index_cast %get3A_186 : i32 to index
    %get3A_188 = arith.index_cast %add3A_185 : i32 to index
    %get3A_189 = tpu.vector_load %arg8[%get3A_187, %get3A_188] {strides = array<i32>} : memref<2x20224xi32, #tpu.memory_space<vmem>>, vector<16xi32>,
    %swap3A_190 = arith.constant 156 : i32
    %swap3A_191 = arith.index_cast %swap3A_190 : i32 to index
    %swap3A_192 = arith.constant 16 : index
    %swap3A_193 = tpu.vector_load %arg10[%swap3A_191, %swap3A_192] {strides = array<i32>} : memref<157x128xi32, #tpu.memory_space<vmem>>, vector<16xi32>,
    tpu.vector_store %arg10[%swap3A_191, %swap3A_192], %get3A_189 {strides = array<i32>} : memref<157x128xi32, #tpu.memory_space<vmem>>, vector<16xi32>,
    %get3A_194 = arith.constant 0 : i32
    %get3A_195 = arith.index_cast %get3A_194 : i32 to index
    %get3A_196 = arith.index_cast %add3A_185 : i32 to index
    %get3A_197 = tpu.vector_load %arg8[%get3A_195, %get3A_196] {strides = array<i32>} : memref<2x20224xi32, #tpu.memory_space<vmem>>, vector<16xi32>,
    %swap3A_198 = arith.constant 19984 : index
    %swap3A_199 = tpu.vector_load %arg9[%swap3A_198] {strides = array<i32>} : memref<20096xi32, #tpu.memory_space<vmem>>, vector<16xi32>,
    tpu.vector_store %arg9[%swap3A_198], %get3A_197 {strides = array<i32>} : memref<20096xi32, #tpu.memory_space<vmem>>, vector<16xi32>,
    %swap3A_200 = arith.constant 156 : i32
    %swap3A_201 = arith.index_cast %swap3A_200 : i32 to index
    %swap3A_202 = arith.constant 32 : index
    %swap3A_203 = tpu.vector_load %arg10[%swap3A_201, %swap3A_202] {strides = array<i32>} : memref<157x128xi32, #tpu.memory_space<vmem>>, vector<16xi32>,
    tpu.vector_store %arg10[%swap3A_201, %swap3A_202], %broadcast_in_dim3A_36 {strides = array<i32>} : memref<157x128xi32, #tpu.memory_space<vmem>>, vector<16xi32>,
    %swap3A_204 = arith.constant 20000 : index
    %swap3A_205 = tpu.vector_load %arg9[%swap3A_204] {strides = array<i32>} : memref<20096xi32, #tpu.memory_space<vmem>>, vector<16xi32>,
    tpu.vector_store %arg9[%swap3A_204], %broadcast_in_dim3A_36 {strides = array<i32>} : memref<20096xi32, #tpu.memory_space<vmem>>, vector<16xi32>,
    %swap3A_206 = arith.constant 156 : i32
    %swap3A_207 = arith.index_cast %swap3A_206 : i32 to index
    %swap3A_208 = arith.constant 48 : index
    %swap3A_209 = tpu.vector_load %arg10[%swap3A_207, %swap3A_208] {strides = array<i32>} : memref<157x128xi32, #tpu.memory_space<vmem>>, vector<16xi32>,
    tpu.vector_store %arg10[%swap3A_207, %swap3A_208], %broadcast_in_dim3A_36 {strides = array<i32>} : memref<157x128xi32, #tpu.memory_space<vmem>>, vector<16xi32>,
    %swap3A_210 = arith.constant 20016 : index
    %swap3A_211 = tpu.vector_load %arg9[%swap3A_210] {strides = array<i32>} : memref<20096xi32, #tpu.memory_space<vmem>>, vector<16xi32>,
    tpu.vector_store %arg9[%swap3A_210], %broadcast_in_dim3A_36 {strides = array<i32>} : memref<20096xi32, #tpu.memory_space<vmem>>, vector<16xi32>,
    %swap3A_212 = arith.constant 156 : i32
    %swap3A_213 = arith.index_cast %swap3A_212 : i32 to index
    %swap3A_214 = arith.constant 64 : index
    %swap3A_215 = tpu.vector_load %arg10[%swap3A_213, %swap3A_214] {strides = array<i32>} : memref<157x128xi32, #tpu.memory_space<vmem>>, vector<16xi32>,
    tpu.vector_store %arg10[%swap3A_213, %swap3A_214], %broadcast_in_dim3A_36 {strides = array<i32>} : memref<157x128xi32, #tpu.memory_space<vmem>>, vector<16xi32>,
    %swap3A_216 = arith.constant 20032 : index
    %swap3A_217 = tpu.vector_load %arg9[%swap3A_216] {strides = array<i32>} : memref<20096xi32, #tpu.memory_space<vmem>>, vector<16xi32>,
    tpu.vector_store %arg9[%swap3A_216], %broadcast_in_dim3A_36 {strides = array<i32>} : memref<20096xi32, #tpu.memory_space<vmem>>, vector<16xi32>,
    %swap3A_218 = arith.constant 156 : i32
    %swap3A_219 = arith.index_cast %swap3A_218 : i32 to index
    %swap3A_220 = arith.constant 80 : index
    %swap3A_221 = tpu.vector_load %arg10[%swap3A_219, %swap3A_220] {strides = array<i32>} : memref<157x128xi32, #tpu.memory_space<vmem>>, vector<16xi32>,
    tpu.vector_store %arg10[%swap3A_219, %swap3A_220], %broadcast_in_dim3A_36 {strides = array<i32>} : memref<157x128xi32, #tpu.memory_space<vmem>>, vector<16xi32>,
    %swap3A_222 = arith.constant 20048 : index
    %swap3A_223 = tpu.vector_load %arg9[%swap3A_222] {strides = array<i32>} : memref<20096xi32, #tpu.memory_space<vmem>>, vector<16xi32>,
    tpu.vector_store %arg9[%swap3A_222], %broadcast_in_dim3A_36 {strides = array<i32>} : memref<20096xi32, #tpu.memory_space<vmem>>, vector<16xi32>,
    %swap3A_224 = arith.constant 156 : i32
    %swap3A_225 = arith.index_cast %swap3A_224 : i32 to index
    %swap3A_226 = arith.constant 96 : index
    %swap3A_227 = tpu.vector_load %arg10[%swap3A_225, %swap3A_226] {strides = array<i32>} : memref<157x128xi32, #tpu.memory_space<vmem>>, vector<16xi32>,
    tpu.vector_store %arg10[%swap3A_225, %swap3A_226], %broadcast_in_dim3A_36 {strides = array<i32>} : memref<157x128xi32, #tpu.memory_space<vmem>>, vector<16xi32>,
    %swap3A_228 = arith.constant 20064 : index
    %swap3A_229 = tpu.vector_load %arg9[%swap3A_228] {strides = array<i32>} : memref<20096xi32, #tpu.memory_space<vmem>>, vector<16xi32>,
    tpu.vector_store %arg9[%swap3A_228], %broadcast_in_dim3A_36 {strides = array<i32>} : memref<20096xi32, #tpu.memory_space<vmem>>, vector<16xi32>,
    %swap3A_230 = arith.constant 156 : i32
    %swap3A_231 = arith.index_cast %swap3A_230 : i32 to index
    %swap3A_232 = arith.constant 112 : index
    %swap3A_233 = tpu.vector_load %arg10[%swap3A_231, %swap3A_232] {strides = array<i32>} : memref<157x128xi32, #tpu.memory_space<vmem>>, vector<16xi32>,
    tpu.vector_store %arg10[%swap3A_231, %swap3A_232], %broadcast_in_dim3A_36 {strides = array<i32>} : memref<157x128xi32, #tpu.memory_space<vmem>>, vector<16xi32>,
    %swap3A_234 = arith.constant 20080 : index
    %swap3A_235 = tpu.vector_load %arg9[%swap3A_234] {strides = array<i32>} : memref<20096xi32, #tpu.memory_space<vmem>>, vector<16xi32>,
    tpu.vector_store %arg9[%swap3A_234], %broadcast_in_dim3A_36 {strides = array<i32>} : memref<20096xi32, #tpu.memory_space<vmem>>, vector<16xi32>,
    %lt3A_236 = arith.constant 15 : i32
    %lt3A_237 = arith.cmpi slt, %arg1, %lt3A_236 : i32
    %convert_element_type3A_238 = arith.extui %lt3A_237 : i1 to i32
    %cond3A_239 = arith.constant 0 : i32
    %cond3A_240 = arith.cmpi ne, %convert_element_type3A_238, %cond3A_239 : i32
    scf.if %cond3A_240 {
      %dma_wait3A_279 = tpu.memref_slice %arg2[%mul3A_0] : memref<10000xf32, #tpu.memory_space<hbm>> -> memref<640xf32, #tpu.memory_space<hbm>>
      %dma_wait3A_280 = tpu.memref_slice %arg2[%mul3A_0] : memref<10000xf32, #tpu.memory_space<hbm>> -> memref<640xf32, #tpu.memory_space<hbm>>
      tpu.wait_dma2 semaphore(%arg21 : memref<!tpu.dma_semaphore, #tpu.memory_space<semaphore_mem>>) src(%dma_wait3A_280 : memref<640xf32, #tpu.memory_space<hbm>>) dst(%arg14 : memref<640xf32, #tpu.memory_space<vmem>>)
    } else {
    }
    %eq3A_241 = arith.constant 15 : i32
    %eq3A_242 = arith.cmpi eq, %arg1, %eq3A_241 : i32
    %convert_element_type3A_243 = arith.extui %eq3A_242 : i1 to i32
    %cond3A_244 = arith.constant 0 : i32
    %cond3A_245 = arith.cmpi ne, %convert_element_type3A_243, %cond3A_244 : i32
    scf.if %cond3A_245 {
      %dma_wait3A_279 = arith.constant 0 : i32
      %dma_wait3A_280 = tpu.memref_slice %arg14[%dma_wait3A_279] : memref<640xf32, #tpu.memory_space<vmem>> -> memref<400xf32, #tpu.memory_space<vmem>>
      %dma_wait3A_281 = arith.constant 0 : i32
      %dma_wait3A_282 = tpu.memref_slice %arg2[%dma_wait3A_281] : memref<10000xf32, #tpu.memory_space<hbm>> -> memref<400xf32, #tpu.memory_space<hbm>>
      %dma_wait3A_283 = arith.constant 0 : i32
      %dma_wait3A_284 = tpu.memref_slice %arg14[%dma_wait3A_283] : memref<640xf32, #tpu.memory_space<vmem>> -> memref<400xf32, #tpu.memory_space<vmem>>
      %dma_wait3A_285 = arith.constant 0 : i32
      %dma_wait3A_286 = tpu.memref_slice %arg2[%dma_wait3A_285] : memref<10000xf32, #tpu.memory_space<hbm>> -> memref<400xf32, #tpu.memory_space<hbm>>
      tpu.wait_dma2 semaphore(%arg21 : memref<!tpu.dma_semaphore, #tpu.memory_space<semaphore_mem>>) src(%dma_wait3A_286 : memref<400xf32, #tpu.memory_space<hbm>>) dst(%dma_wait3A_284 : memref<400xf32, #tpu.memory_space<vmem>>)
      %swap3A_287 = arith.constant 400 : index
      %swap3A_288 = tpu.vector_load %arg14[%swap3A_287] {strides = array<i32>} : memref<640xf32, #tpu.memory_space<vmem>>, vector<16xf32>,
      tpu.vector_store %arg14[%swap3A_287], %broadcast_in_dim3A_34 {strides = array<i32>} : memref<640xf32, #tpu.memory_space<vmem>>, vector<16xf32>,
      %swap3A_289 = arith.constant 416 : index
      %swap3A_290 = tpu.vector_load %arg14[%swap3A_289] {strides = array<i32>} : memref<640xf32, #tpu.memory_space<vmem>>, vector<16xf32>,
      tpu.vector_store %arg14[%swap3A_289], %broadcast_in_dim3A_34 {strides = array<i32>} : memref<640xf32, #tpu.memory_space<vmem>>, vector<16xf32>,
      %swap3A_291 = arith.constant 432 : index
      %swap3A_292 = tpu.vector_load %arg14[%swap3A_291] {strides = array<i32>} : memref<640xf32, #tpu.memory_space<vmem>>, vector<16xf32>,
      tpu.vector_store %arg14[%swap3A_291], %broadcast_in_dim3A_34 {strides = array<i32>} : memref<640xf32, #tpu.memory_space<vmem>>, vector<16xf32>,
      %swap3A_293 = arith.constant 448 : index
      %swap3A_294 = tpu.vector_load %arg14[%swap3A_293] {strides = array<i32>} : memref<640xf32, #tpu.memory_space<vmem>>, vector<16xf32>,
      tpu.vector_store %arg14[%swap3A_293], %broadcast_in_dim3A_34 {strides = array<i32>} : memref<640xf32, #tpu.memory_space<vmem>>, vector<16xf32>,
      %swap3A_295 = arith.constant 464 : index
      %swap3A_296 = tpu.vector_load %arg14[%swap3A_295] {strides = array<i32>} : memref<640xf32, #tpu.memory_space<vmem>>, vector<16xf32>,
      tpu.vector_store %arg14[%swap3A_295], %broadcast_in_dim3A_34 {strides = array<i32>} : memref<640xf32, #tpu.memory_space<vmem>>, vector<16xf32>,
      %swap3A_297 = arith.constant 480 : index
      %swap3A_298 = tpu.vector_load %arg14[%swap3A_297] {strides = array<i32>} : memref<640xf32, #tpu.memory_space<vmem>>, vector<16xf32>,
      tpu.vector_store %arg14[%swap3A_297], %broadcast_in_dim3A_34 {strides = array<i32>} : memref<640xf32, #tpu.memory_space<vmem>>, vector<16xf32>,
      %swap3A_299 = arith.constant 496 : index
      %swap3A_300 = tpu.vector_load %arg14[%swap3A_299] {strides = array<i32>} : memref<640xf32, #tpu.memory_space<vmem>>, vector<16xf32>,
      tpu.vector_store %arg14[%swap3A_299], %broadcast_in_dim3A_34 {strides = array<i32>} : memref<640xf32, #tpu.memory_space<vmem>>, vector<16xf32>,
      %swap3A_301 = arith.constant 512 : index
      %swap3A_302 = tpu.vector_load %arg14[%swap3A_301] {strides = array<i32>} : memref<640xf32, #tpu.memory_space<vmem>>, vector<16xf32>,
      tpu.vector_store %arg14[%swap3A_301], %broadcast_in_dim3A_34 {strides = array<i32>} : memref<640xf32, #tpu.memory_space<vmem>>, vector<16xf32>,
      %swap3A_303 = arith.constant 528 : index
      %swap3A_304 = tpu.vector_load %arg14[%swap3A_303] {strides = array<i32>} : memref<640xf32, #tpu.memory_space<vmem>>, vector<16xf32>,
      tpu.vector_store %arg14[%swap3A_303], %broadcast_in_dim3A_34 {strides = array<i32>} : memref<640xf32, #tpu.memory_space<vmem>>, vector<16xf32>,
      %swap3A_305 = arith.constant 544 : index
      %swap3A_306 = tpu.vector_load %arg14[%swap3A_305] {strides = array<i32>} : memref<640xf32, #tpu.memory_space<vmem>>, vector<16xf32>,
      tpu.vector_store %arg14[%swap3A_305], %broadcast_in_dim3A_34 {strides = array<i32>} : memref<640xf32, #tpu.memory_space<vmem>>, vector<16xf32>,
      %swap3A_307 = arith.constant 560 : index
      %swap3A_308 = tpu.vector_load %arg14[%swap3A_307] {strides = array<i32>} : memref<640xf32, #tpu.memory_space<vmem>>, vector<16xf32>,
      tpu.vector_store %arg14[%swap3A_307], %broadcast_in_dim3A_34 {strides = array<i32>} : memref<640xf32, #tpu.memory_space<vmem>>, vector<16xf32>,
      %swap3A_309 = arith.constant 576 : index
      %swap3A_310 = tpu.vector_load %arg14[%swap3A_309] {strides = array<i32>} : memref<640xf32, #tpu.memory_space<vmem>>, vector<16xf32>,
      tpu.vector_store %arg14[%swap3A_309], %broadcast_in_dim3A_34 {strides = array<i32>} : memref<640xf32, #tpu.memory_space<vmem>>, vector<16xf32>,
      %swap3A_311 = arith.constant 592 : index
      %swap3A_312 = tpu.vector_load %arg14[%swap3A_311] {strides = array<i32>} : memref<640xf32, #tpu.memory_space<vmem>>, vector<16xf32>,
      tpu.vector_store %arg14[%swap3A_311], %broadcast_in_dim3A_34 {strides = array<i32>} : memref<640xf32, #tpu.memory_space<vmem>>, vector<16xf32>,
      %swap3A_313 = arith.constant 608 : index
      %swap3A_314 = tpu.vector_load %arg14[%swap3A_313] {strides = array<i32>} : memref<640xf32, #tpu.memory_space<vmem>>, vector<16xf32>,
      tpu.vector_store %arg14[%swap3A_313], %broadcast_in_dim3A_34 {strides = array<i32>} : memref<640xf32, #tpu.memory_space<vmem>>, vector<16xf32>,
      %swap3A_315 = arith.constant 624 : index
      %swap3A_316 = tpu.vector_load %arg14[%swap3A_315] {strides = array<i32>} : memref<640xf32, #tpu.memory_space<vmem>>, vector<16xf32>,
      tpu.vector_store %arg14[%swap3A_315], %broadcast_in_dim3A_34 {strides = array<i32>} : memref<640xf32, #tpu.memory_space<vmem>>, vector<16xf32>,
    } else {
    }
    "tpu.region"() ({
      %run_scoped3A = tpu.sem_alloc : memref<!tpu.dma_semaphore, #tpu.memory_space<semaphore_mem>>
      %dma_start3A_279 = tpu.memref_slice %arg7[%mul3A_0] : memref<10240xf32, #tpu.memory_space<vmem_shared>> -> memref<640xf32, #tpu.memory_space<vmem_shared>>
      %dma_start3A_280 = tpu.memref_slice %arg7[%mul3A_0] : memref<10240xf32, #tpu.memory_space<vmem_shared>> -> memref<640xf32, #tpu.memory_space<vmem_shared>>
      tpu.enqueue_dma source(%arg13 : memref<640xf32, #tpu.memory_space<vmem>>) target(%dma_start3A_280 : memref<640xf32, #tpu.memory_space<vmem_shared>>) target_semaphore(%run_scoped3A : memref<!tpu.dma_semaphore, #tpu.memory_space<semaphore_mem>>)
      %dma_wait3A_281 = tpu.memref_slice %arg7[%mul3A_0] : memref<10240xf32, #tpu.memory_space<vmem_shared>> -> memref<640xf32, #tpu.memory_space<vmem_shared>>
      %dma_wait3A_282 = tpu.memref_slice %arg7[%mul3A_0] : memref<10240xf32, #tpu.memory_space<vmem_shared>> -> memref<640xf32, #tpu.memory_space<vmem_shared>>
      tpu.wait_dma2 semaphore(%run_scoped3A : memref<!tpu.dma_semaphore, #tpu.memory_space<semaphore_mem>>) src(%arg13 : memref<640xf32, #tpu.memory_space<vmem>>) dst(%dma_wait3A_282 : memref<640xf32, #tpu.memory_space<vmem_shared>>)
      tpu.yield
    }) : () -> ()
    %barrier3A = arith.constant 0 : index
    tpu.barrier barrier_id(%barrier3A)
    %scan3A_246 = arith.constant 0 : i32
    %scan3A_247 = arith.constant 0 : i32
    %scan3A_248 = arith.constant 157 : i32
    %scan3A_249 = arith.addi %scan3A_247, %scan3A_248 : i32
    %scan3A_250 = arith.constant 1 : i32
    scf.for %scan3A_279 = %scan3A_247 to %scan3A_249 step %scan3A_250  : i32 {
      %dma_start3A_280 = arith.constant 0 : i32
      %dma_start3A_281 = tpu.memref_slice %arg10[%scan3A_279, %dma_start3A_280] : memref<157x128xi32, #tpu.memory_space<vmem>> -> memref<1x128xi32, #tpu.memory_space<vmem>>
      %dma_start3A_282 = tpu.memref_squeeze %dma_start3A_281 : memref<1x128xi32, #tpu.memory_space<vmem>> -> memref<128xi32, #tpu.memory_space<vmem>>
      %dma_start3A_283 = arith.constant 0 : i32
      %dma_start3A_284 = tpu.memref_slice %arg7[%dma_start3A_283] : memref<10240xf32, #tpu.memory_space<vmem_shared>> -> memref<10240xf32, #tpu.memory_space<vmem_shared>>
      tpu.enqueue_indirect_dma source(%arg12 : memref<128xf32, #tpu.memory_space<vmem>>) target(%dma_start3A_284 : memref<10240xf32, #tpu.memory_space<vmem_shared>>) offsets(%dma_start3A_282 : memref<128xi32, #tpu.memory_space<vmem>>) semaphore(%arg22 : memref<!tpu.dma_semaphore, #tpu.memory_space<semaphore_mem>>) {add = true}
    }
    %scan3A_251 = arith.constant 157 : i32
    %scan3A_252 = arith.constant 0 : i32
    %scan3A_253 = arith.constant 0 : i32
    %scan3A_254 = arith.constant 157 : i32
    %scan3A_255 = arith.addi %scan3A_253, %scan3A_254 : i32
    %scan3A_256 = arith.constant 1 : i32
    scf.for %scan3A_279 = %scan3A_253 to %scan3A_255 step %scan3A_256  : i32 {
      %dma_wait3A_280 = arith.constant 0 : i32
      %dma_wait3A_281 = arith.constant 0 : i32
      %dma_wait3A_282 = tpu.memref_slice %arg10[%dma_wait3A_280, %dma_wait3A_281] : memref<157x128xi32, #tpu.memory_space<vmem>> -> memref<1x128xi32, #tpu.memory_space<vmem>>
      %dma_wait3A_283 = tpu.memref_squeeze %dma_wait3A_282 : memref<1x128xi32, #tpu.memory_space<vmem>> -> memref<128xi32, #tpu.memory_space<vmem>>
      %dma_wait3A_284 = arith.constant 0 : i32
      %dma_wait3A_285 = tpu.memref_slice %arg7[%dma_wait3A_284] : memref<10240xf32, #tpu.memory_space<vmem_shared>> -> memref<10240xf32, #tpu.memory_space<vmem_shared>>
      tpu.wait_indirect_dma semaphore(%arg22 : memref<!tpu.dma_semaphore, #tpu.memory_space<semaphore_mem>>) src(%arg12 : memref<128xf32, #tpu.memory_space<vmem>>) dst(%dma_wait3A_285 : memref<10240xf32, #tpu.memory_space<vmem_shared>>)
    }
    %scan3A_257 = arith.constant 157 : i32
    %barrier3A_258 = arith.constant 0 : index
    tpu.barrier barrier_id(%barrier3A_258)
    "tpu.region"() ({
      %run_scoped3A = tpu.sem_alloc : memref<!tpu.dma_semaphore, #tpu.memory_space<semaphore_mem>>
      %dma_start3A_279 = tpu.memref_slice %arg7[%mul3A_0] : memref<10240xf32, #tpu.memory_space<vmem_shared>> -> memref<640xf32, #tpu.memory_space<vmem_shared>>
      %dma_start3A_280 = tpu.memref_slice %arg7[%mul3A_0] : memref<10240xf32, #tpu.memory_space<vmem_shared>> -> memref<640xf32, #tpu.memory_space<vmem_shared>>
      tpu.enqueue_dma source(%dma_start3A_280 : memref<640xf32, #tpu.memory_space<vmem_shared>>) target(%arg17 : memref<640xf32, #tpu.memory_space<vmem>>) target_semaphore(%run_scoped3A : memref<!tpu.dma_semaphore, #tpu.memory_space<semaphore_mem>>)
      %dma_wait3A_281 = tpu.memref_slice %arg7[%mul3A_0] : memref<10240xf32, #tpu.memory_space<vmem_shared>> -> memref<640xf32, #tpu.memory_space<vmem_shared>>
      %dma_wait3A_282 = tpu.memref_slice %arg7[%mul3A_0] : memref<10240xf32, #tpu.memory_space<vmem_shared>> -> memref<640xf32, #tpu.memory_space<vmem_shared>>
      tpu.wait_dma2 semaphore(%run_scoped3A : memref<!tpu.dma_semaphore, #tpu.memory_space<semaphore_mem>>) src(%dma_wait3A_282 : memref<640xf32, #tpu.memory_space<vmem_shared>>) dst(%arg17 : memref<640xf32, #tpu.memory_space<vmem>>)
      tpu.yield
    }) : () -> ()
    %scan3A_259 = arith.constant 0 : i32
    %scan3A_260 = arith.constant 0 : i32
    %scan3A_261 = arith.constant 5 : i32
    %scan3A_262 = arith.addi %scan3A_260, %scan3A_261 : i32
    %scan3A_263 = arith.constant 1 : i32
    scf.for %scan3A_279 = %scan3A_260 to %scan3A_262 step %scan3A_263  : i32 {
      %mul3A_280 = arith.constant 128 : i32
      %mul3A_281 = arith.muli %scan3A_279, %mul3A_280 : i32
      %add3A_282 = arith.constant 0 : i32
      %add3A_283 = arith.addi %mul3A_281, %add3A_282 : i32
      %get3A_284 = arith.index_cast %add3A_283 : i32 to index
      %get3A_285 = tpu.vector_load %arg17[%get3A_284] {strides = array<i32>} : memref<640xf32, #tpu.memory_space<vmem>>, vector<16xf32>,
      %max3A = arith.constant 1.000000e+00 : f32
      %max3A_286 = vector.broadcast %max3A : f32 to vector<16xf32>
      %max3A_287 = arith.maximumf %get3A_285, %max3A_286 : vector<16xf32>
      %broadcast_in_dim3A_288 = arith.constant 1.000000e+00 : f32
      %broadcast_in_dim3A_289 = vector.broadcast %broadcast_in_dim3A_288 : f32 to vector<16xf32>
      %mul3A_290 = arith.mulf %max3A_287, %broadcast_in_dim3A_289 : vector<16xf32>
      %mul3A_291 = arith.mulf %mul3A_290, %broadcast_in_dim3A_289 : vector<16xf32>
      %gt3A = arith.constant 1.200000e+00 : f32
      %gt3A_292 = vector.broadcast %gt3A : f32 to vector<16xf32>
      %gt3A_293 = arith.cmpf ogt, %mul3A_291, %gt3A_292 : vector<16xf32>
      %mul3A_294 = arith.constant 5.000000e-01 : f32
      %mul3A_295 = vector.broadcast %mul3A_294 : f32 to vector<16xf32>
      %mul3A_296 = arith.mulf %mul3A_295, %broadcast_in_dim3A_289 : vector<16xf32>
      %select_n3A_297 = arith.select %gt3A_293, %mul3A_296, %broadcast_in_dim3A_289 : vector<16xi1>, vector<16xf32>
      %mul3A_298 = arith.mulf %max3A_287, %select_n3A_297 : vector<16xf32>
      %mul3A_299 = arith.mulf %mul3A_298, %select_n3A_297 : vector<16xf32>
      %gt3A_300 = arith.constant 1.200000e+00 : f32
      %gt3A_301 = vector.broadcast %gt3A_300 : f32 to vector<16xf32>
      %gt3A_302 = arith.cmpf ogt, %mul3A_299, %gt3A_301 : vector<16xf32>
      %mul3A_303 = arith.constant 5.000000e-01 : f32
      %mul3A_304 = vector.broadcast %mul3A_303 : f32 to vector<16xf32>
      %mul3A_305 = arith.mulf %mul3A_304, %select_n3A_297 : vector<16xf32>
      %select_n3A_306 = arith.select %gt3A_302, %mul3A_305, %select_n3A_297 : vector<16xi1>, vector<16xf32>
      %mul3A_307 = arith.mulf %max3A_287, %select_n3A_306 : vector<16xf32>
      %mul3A_308 = arith.mulf %mul3A_307, %select_n3A_306 : vector<16xf32>
      %gt3A_309 = arith.constant 1.200000e+00 : f32
      %gt3A_310 = vector.broadcast %gt3A_309 : f32 to vector<16xf32>
      %gt3A_311 = arith.cmpf ogt, %mul3A_308, %gt3A_310 : vector<16xf32>
      %mul3A_312 = arith.constant 5.000000e-01 : f32
      %mul3A_313 = vector.broadcast %mul3A_312 : f32 to vector<16xf32>
      %mul3A_314 = arith.mulf %mul3A_313, %select_n3A_306 : vector<16xf32>
      %select_n3A_315 = arith.select %gt3A_311, %mul3A_314, %select_n3A_306 : vector<16xi1>, vector<16xf32>
      %mul3A_316 = arith.mulf %max3A_287, %select_n3A_315 : vector<16xf32>
      %mul3A_317 = arith.mulf %mul3A_316, %select_n3A_315 : vector<16xf32>
      %gt3A_318 = arith.constant 1.200000e+00 : f32
      %gt3A_319 = vector.broadcast %gt3A_318 : f32 to vector<16xf32>
      %gt3A_320 = arith.cmpf ogt, %mul3A_317, %gt3A_319 : vector<16xf32>
      %mul3A_321 = arith.constant 5.000000e-01 : f32
      %mul3A_322 = vector.broadcast %mul3A_321 : f32 to vector<16xf32>
      %mul3A_323 = arith.mulf %mul3A_322, %select_n3A_315 : vector<16xf32>
      %select_n3A_324 = arith.select %gt3A_320, %mul3A_323, %select_n3A_315 : vector<16xi1>, vector<16xf32>
      %mul3A_325 = arith.mulf %max3A_287, %select_n3A_324 : vector<16xf32>
      %mul3A_326 = arith.mulf %mul3A_325, %select_n3A_324 : vector<16xf32>
      %gt3A_327 = arith.constant 1.200000e+00 : f32
      %gt3A_328 = vector.broadcast %gt3A_327 : f32 to vector<16xf32>
      %gt3A_329 = arith.cmpf ogt, %mul3A_326, %gt3A_328 : vector<16xf32>
      %mul3A_330 = arith.constant 5.000000e-01 : f32
      %mul3A_331 = vector.broadcast %mul3A_330 : f32 to vector<16xf32>
      %mul3A_332 = arith.mulf %mul3A_331, %select_n3A_324 : vector<16xf32>
      %select_n3A_333 = arith.select %gt3A_329, %mul3A_332, %select_n3A_324 : vector<16xi1>, vector<16xf32>
      %mul3A_334 = arith.mulf %max3A_287, %select_n3A_333 : vector<16xf32>
      %mul3A_335 = arith.mulf %mul3A_334, %select_n3A_333 : vector<16xf32>
      %gt3A_336 = arith.constant 1.200000e+00 : f32
      %gt3A_337 = vector.broadcast %gt3A_336 : f32 to vector<16xf32>
      %gt3A_338 = arith.cmpf ogt, %mul3A_335, %gt3A_337 : vector<16xf32>
      %mul3A_339 = arith.constant 5.000000e-01 : f32
      %mul3A_340 = vector.broadcast %mul3A_339 : f32 to vector<16xf32>
      %mul3A_341 = arith.mulf %mul3A_340, %select_n3A_333 : vector<16xf32>
      %select_n3A_342 = arith.select %gt3A_338, %mul3A_341, %select_n3A_333 : vector<16xi1>, vector<16xf32>
      %mul3A_343 = arith.mulf %max3A_287, %select_n3A_342 : vector<16xf32>
      %mul3A_344 = arith.mulf %mul3A_343, %select_n3A_342 : vector<16xf32>
      %gt3A_345 = arith.constant 1.200000e+00 : f32
      %gt3A_346 = vector.broadcast %gt3A_345 : f32 to vector<16xf32>
      %gt3A_347 = arith.cmpf ogt, %mul3A_344, %gt3A_346 : vector<16xf32>
      %mul3A_348 = arith.constant 5.000000e-01 : f32
      %mul3A_349 = vector.broadcast %mul3A_348 : f32 to vector<16xf32>
      %mul3A_350 = arith.mulf %mul3A_349, %select_n3A_342 : vector<16xf32>
      %select_n3A_351 = arith.select %gt3A_347, %mul3A_350, %select_n3A_342 : vector<16xi1>, vector<16xf32>
      %mul3A_352 = arith.mulf %max3A_287, %select_n3A_351 : vector<16xf32>
      %mul3A_353 = arith.mulf %mul3A_352, %select_n3A_351 : vector<16xf32>
      %gt3A_354 = arith.constant 1.200000e+00 : f32
      %gt3A_355 = vector.broadcast %gt3A_354 : f32 to vector<16xf32>
      %gt3A_356 = arith.cmpf ogt, %mul3A_353, %gt3A_355 : vector<16xf32>
      %mul3A_357 = arith.constant 5.000000e-01 : f32
      %mul3A_358 = vector.broadcast %mul3A_357 : f32 to vector<16xf32>
      %mul3A_359 = arith.mulf %mul3A_358, %select_n3A_351 : vector<16xf32>
      %select_n3A_360 = arith.select %gt3A_356, %mul3A_359, %select_n3A_351 : vector<16xi1>, vector<16xf32>
      %mul3A_361 = arith.mulf %max3A_287, %select_n3A_360 : vector<16xf32>
      %mul3A_362 = arith.mulf %mul3A_361, %select_n3A_360 : vector<16xf32>
      %gt3A_363 = arith.constant 1.200000e+00 : f32
      %gt3A_364 = vector.broadcast %gt3A_363 : f32 to vector<16xf32>
      %gt3A_365 = arith.cmpf ogt, %mul3A_362, %gt3A_364 : vector<16xf32>
      %mul3A_366 = arith.constant 5.000000e-01 : f32
      %mul3A_367 = vector.broadcast %mul3A_366 : f32 to vector<16xf32>
      %mul3A_368 = arith.mulf %mul3A_367, %select_n3A_360 : vector<16xf32>
      %select_n3A_369 = arith.select %gt3A_365, %mul3A_368, %select_n3A_360 : vector<16xi1>, vector<16xf32>
      %mul3A_370 = arith.mulf %max3A_287, %select_n3A_369 : vector<16xf32>
      %mul3A_371 = arith.mulf %mul3A_370, %select_n3A_369 : vector<16xf32>
      %gt3A_372 = arith.constant 1.200000e+00 : f32
      %gt3A_373 = vector.broadcast %gt3A_372 : f32 to vector<16xf32>
      %gt3A_374 = arith.cmpf ogt, %mul3A_371, %gt3A_373 : vector<16xf32>
      %mul3A_375 = arith.constant 5.000000e-01 : f32
      %mul3A_376 = vector.broadcast %mul3A_375 : f32 to vector<16xf32>
      %mul3A_377 = arith.mulf %mul3A_376, %select_n3A_369 : vector<16xf32>
      %select_n3A_378 = arith.select %gt3A_374, %mul3A_377, %select_n3A_369 : vector<16xi1>, vector<16xf32>
      %mul3A_379 = arith.constant 5.000000e-01 : f32
      %mul3A_380 = vector.broadcast %mul3A_379 : f32 to vector<16xf32>
      %mul3A_381 = arith.mulf %mul3A_380, %max3A_287 : vector<16xf32>
      %mul3A_382 = arith.mulf %mul3A_381, %select_n3A_378 : vector<16xf32>
      %mul3A_383 = arith.mulf %mul3A_382, %select_n3A_378 : vector<16xf32>
      %sub3A_384 = arith.constant 1.500000e+00 : f32
      %sub3A_385 = vector.broadcast %sub3A_384 : f32 to vector<16xf32>
      %sub3A_386 = arith.subf %sub3A_385, %mul3A_383 : vector<16xf32>
      %mul3A_387 = arith.mulf %select_n3A_378, %sub3A_386 : vector<16xf32>
      %mul3A_388 = arith.constant 5.000000e-01 : f32
      %mul3A_389 = vector.broadcast %mul3A_388 : f32 to vector<16xf32>
      %mul3A_390 = arith.mulf %mul3A_389, %max3A_287 : vector<16xf32>
      %mul3A_391 = arith.mulf %mul3A_390, %mul3A_387 : vector<16xf32>
      %mul3A_392 = arith.mulf %mul3A_391, %mul3A_387 : vector<16xf32>
      %sub3A_393 = arith.constant 1.500000e+00 : f32
      %sub3A_394 = vector.broadcast %sub3A_393 : f32 to vector<16xf32>
      %sub3A_395 = arith.subf %sub3A_394, %mul3A_392 : vector<16xf32>
      %mul3A_396 = arith.mulf %mul3A_387, %sub3A_395 : vector<16xf32>
      %mul3A_397 = arith.constant 5.000000e-01 : f32
      %mul3A_398 = vector.broadcast %mul3A_397 : f32 to vector<16xf32>
      %mul3A_399 = arith.mulf %mul3A_398, %max3A_287 : vector<16xf32>
      %mul3A_400 = arith.mulf %mul3A_399, %mul3A_396 : vector<16xf32>
      %mul3A_401 = arith.mulf %mul3A_400, %mul3A_396 : vector<16xf32>
      %sub3A_402 = arith.constant 1.500000e+00 : f32
      %sub3A_403 = vector.broadcast %sub3A_402 : f32 to vector<16xf32>
      %sub3A_404 = arith.subf %sub3A_403, %mul3A_401 : vector<16xf32>
      %mul3A_405 = arith.mulf %mul3A_396, %sub3A_404 : vector<16xf32>
      %mul3A_406 = arith.constant 5.000000e-01 : f32
      %mul3A_407 = vector.broadcast %mul3A_406 : f32 to vector<16xf32>
      %mul3A_408 = arith.mulf %mul3A_407, %max3A_287 : vector<16xf32>
      %mul3A_409 = arith.mulf %mul3A_408, %mul3A_405 : vector<16xf32>
      %mul3A_410 = arith.mulf %mul3A_409, %mul3A_405 : vector<16xf32>
      %sub3A_411 = arith.constant 1.500000e+00 : f32
      %sub3A_412 = vector.broadcast %sub3A_411 : f32 to vector<16xf32>
      %sub3A_413 = arith.subf %sub3A_412, %mul3A_410 : vector<16xf32>
      %mul3A_414 = arith.mulf %mul3A_405, %sub3A_413 : vector<16xf32>
      %mul3A_415 = arith.constant 5.000000e-01 : f32
      %mul3A_416 = vector.broadcast %mul3A_415 : f32 to vector<16xf32>
      %mul3A_417 = arith.mulf %mul3A_416, %max3A_287 : vector<16xf32>
      %mul3A_418 = arith.mulf %mul3A_417, %mul3A_414 : vector<16xf32>
      %mul3A_419 = arith.mulf %mul3A_418, %mul3A_414 : vector<16xf32>
      %sub3A_420 = arith.constant 1.500000e+00 : f32
      %sub3A_421 = vector.broadcast %sub3A_420 : f32 to vector<16xf32>
      %sub3A_422 = arith.subf %sub3A_421, %mul3A_419 : vector<16xf32>
      %mul3A_423 = arith.mulf %mul3A_414, %sub3A_422 : vector<16xf32>
      %mul3A_424 = arith.constant 5.000000e-01 : f32
      %mul3A_425 = vector.broadcast %mul3A_424 : f32 to vector<16xf32>
      %mul3A_426 = arith.mulf %mul3A_425, %max3A_287 : vector<16xf32>
      %mul3A_427 = arith.mulf %mul3A_426, %mul3A_423 : vector<16xf32>
      %mul3A_428 = arith.mulf %mul3A_427, %mul3A_423 : vector<16xf32>
      %sub3A_429 = arith.constant 1.500000e+00 : f32
      %sub3A_430 = vector.broadcast %sub3A_429 : f32 to vector<16xf32>
      %sub3A_431 = arith.subf %sub3A_430, %mul3A_428 : vector<16xf32>
      %mul3A_432 = arith.mulf %mul3A_423, %sub3A_431 : vector<16xf32>
      %mul3A_433 = arith.constant 5.000000e-01 : f32
      %mul3A_434 = vector.broadcast %mul3A_433 : f32 to vector<16xf32>
      %mul3A_435 = arith.mulf %mul3A_434, %max3A_287 : vector<16xf32>
      %mul3A_436 = arith.mulf %mul3A_435, %mul3A_432 : vector<16xf32>
      %mul3A_437 = arith.mulf %mul3A_436, %mul3A_432 : vector<16xf32>
      %sub3A_438 = arith.constant 1.500000e+00 : f32
      %sub3A_439 = vector.broadcast %sub3A_438 : f32 to vector<16xf32>
      %sub3A_440 = arith.subf %sub3A_439, %mul3A_437 : vector<16xf32>
      %mul3A_441 = arith.mulf %mul3A_432, %sub3A_440 : vector<16xf32>
      %swap3A_442 = arith.index_cast %add3A_283 : i32 to index
      %swap3A_443 = tpu.vector_load %arg15[%swap3A_442] {strides = array<i32>} : memref<640xf32, #tpu.memory_space<vmem>>, vector<16xf32>,
      tpu.vector_store %arg15[%swap3A_442], %mul3A_441 {strides = array<i32>} : memref<640xf32, #tpu.memory_space<vmem>>, vector<16xf32>,
      %get3A_444 = arith.index_cast %add3A_283 : i32 to index
      %get3A_445 = tpu.vector_load %arg14[%get3A_444] {strides = array<i32>} : memref<640xf32, #tpu.memory_space<vmem>>, vector<16xf32>,
      %swap3A_446 = arith.index_cast %add3A_283 : i32 to index
      %swap3A_447 = tpu.vector_load %arg16[%swap3A_446] {strides = array<i32>} : memref<640xf32, #tpu.memory_space<vmem>>, vector<16xf32>,
      tpu.vector_store %arg16[%swap3A_446], %get3A_445 {strides = array<i32>} : memref<640xf32, #tpu.memory_space<vmem>>, vector<16xf32>,
      %mul3A_448 = arith.mulf %mul3A_441, %get3A_445 : vector<16xf32>
      %swap3A_449 = arith.index_cast %scan3A_279 : i32 to index
      %swap3A_450 = arith.constant 0 : index
      %swap3A_451 = tpu.vector_load %arg20[%swap3A_449, %swap3A_450] {strides = array<i32>} : memref<5x128xf32, #tpu.memory_space<vmem>>, vector<16xf32>,
      tpu.vector_store %arg20[%swap3A_449, %swap3A_450], %mul3A_448 {strides = array<i32>} : memref<5x128xf32, #tpu.memory_space<vmem>>, vector<16xf32>,
      %mul3A_452 = arith.constant 128 : i32
      %mul3A_453 = arith.muli %scan3A_279, %mul3A_452 : i32
      %add3A_454 = arith.constant 16 : i32
      %add3A_455 = arith.addi %mul3A_453, %add3A_454 : i32
      %get3A_456 = arith.index_cast %add3A_455 : i32 to index
      %get3A_457 = tpu.vector_load %arg17[%get3A_456] {strides = array<i32>} : memref<640xf32, #tpu.memory_space<vmem>>, vector<16xf32>,
      %max3A_458 = arith.constant 1.000000e+00 : f32
      %max3A_459 = vector.broadcast %max3A_458 : f32 to vector<16xf32>
      %max3A_460 = arith.maximumf %get3A_457, %max3A_459 : vector<16xf32>
      %broadcast_in_dim3A_461 = arith.constant 1.000000e+00 : f32
      %broadcast_in_dim3A_462 = vector.broadcast %broadcast_in_dim3A_461 : f32 to vector<16xf32>
      %mul3A_463 = arith.mulf %max3A_460, %broadcast_in_dim3A_462 : vector<16xf32>
      %mul3A_464 = arith.mulf %mul3A_463, %broadcast_in_dim3A_462 : vector<16xf32>
      %gt3A_465 = arith.constant 1.200000e+00 : f32
      %gt3A_466 = vector.broadcast %gt3A_465 : f32 to vector<16xf32>
      %gt3A_467 = arith.cmpf ogt, %mul3A_464, %gt3A_466 : vector<16xf32>
      %mul3A_468 = arith.constant 5.000000e-01 : f32
      %mul3A_469 = vector.broadcast %mul3A_468 : f32 to vector<16xf32>
      %mul3A_470 = arith.mulf %mul3A_469, %broadcast_in_dim3A_462 : vector<16xf32>
      %select_n3A_471 = arith.select %gt3A_467, %mul3A_470, %broadcast_in_dim3A_462 : vector<16xi1>, vector<16xf32>
      %mul3A_472 = arith.mulf %max3A_460, %select_n3A_471 : vector<16xf32>
      %mul3A_473 = arith.mulf %mul3A_472, %select_n3A_471 : vector<16xf32>
      %gt3A_474 = arith.constant 1.200000e+00 : f32
      %gt3A_475 = vector.broadcast %gt3A_474 : f32 to vector<16xf32>
      %gt3A_476 = arith.cmpf ogt, %mul3A_473, %gt3A_475 : vector<16xf32>
      %mul3A_477 = arith.constant 5.000000e-01 : f32
      %mul3A_478 = vector.broadcast %mul3A_477 : f32 to vector<16xf32>
      %mul3A_479 = arith.mulf %mul3A_478, %select_n3A_471 : vector<16xf32>
      %select_n3A_480 = arith.select %gt3A_476, %mul3A_479, %select_n3A_471 : vector<16xi1>, vector<16xf32>
      %mul3A_481 = arith.mulf %max3A_460, %select_n3A_480 : vector<16xf32>
      %mul3A_482 = arith.mulf %mul3A_481, %select_n3A_480 : vector<16xf32>
      %gt3A_483 = arith.constant 1.200000e+00 : f32
      %gt3A_484 = vector.broadcast %gt3A_483 : f32 to vector<16xf32>
      %gt3A_485 = arith.cmpf ogt, %mul3A_482, %gt3A_484 : vector<16xf32>
      %mul3A_486 = arith.constant 5.000000e-01 : f32
      %mul3A_487 = vector.broadcast %mul3A_486 : f32 to vector<16xf32>
      %mul3A_488 = arith.mulf %mul3A_487, %select_n3A_480 : vector<16xf32>
      %select_n3A_489 = arith.select %gt3A_485, %mul3A_488, %select_n3A_480 : vector<16xi1>, vector<16xf32>
      %mul3A_490 = arith.mulf %max3A_460, %select_n3A_489 : vector<16xf32>
      %mul3A_491 = arith.mulf %mul3A_490, %select_n3A_489 : vector<16xf32>
      %gt3A_492 = arith.constant 1.200000e+00 : f32
      %gt3A_493 = vector.broadcast %gt3A_492 : f32 to vector<16xf32>
      %gt3A_494 = arith.cmpf ogt, %mul3A_491, %gt3A_493 : vector<16xf32>
      %mul3A_495 = arith.constant 5.000000e-01 : f32
      %mul3A_496 = vector.broadcast %mul3A_495 : f32 to vector<16xf32>
      %mul3A_497 = arith.mulf %mul3A_496, %select_n3A_489 : vector<16xf32>
      %select_n3A_498 = arith.select %gt3A_494, %mul3A_497, %select_n3A_489 : vector<16xi1>, vector<16xf32>
      %mul3A_499 = arith.mulf %max3A_460, %select_n3A_498 : vector<16xf32>
      %mul3A_500 = arith.mulf %mul3A_499, %select_n3A_498 : vector<16xf32>
      %gt3A_501 = arith.constant 1.200000e+00 : f32
      %gt3A_502 = vector.broadcast %gt3A_501 : f32 to vector<16xf32>
      %gt3A_503 = arith.cmpf ogt, %mul3A_500, %gt3A_502 : vector<16xf32>
      %mul3A_504 = arith.constant 5.000000e-01 : f32
      %mul3A_505 = vector.broadcast %mul3A_504 : f32 to vector<16xf32>
      %mul3A_506 = arith.mulf %mul3A_505, %select_n3A_498 : vector<16xf32>
      %select_n3A_507 = arith.select %gt3A_503, %mul3A_506, %select_n3A_498 : vector<16xi1>, vector<16xf32>
      %mul3A_508 = arith.mulf %max3A_460, %select_n3A_507 : vector<16xf32>
      %mul3A_509 = arith.mulf %mul3A_508, %select_n3A_507 : vector<16xf32>
      %gt3A_510 = arith.constant 1.200000e+00 : f32
      %gt3A_511 = vector.broadcast %gt3A_510 : f32 to vector<16xf32>
      %gt3A_512 = arith.cmpf ogt, %mul3A_509, %gt3A_511 : vector<16xf32>
      %mul3A_513 = arith.constant 5.000000e-01 : f32
      %mul3A_514 = vector.broadcast %mul3A_513 : f32 to vector<16xf32>
      %mul3A_515 = arith.mulf %mul3A_514, %select_n3A_507 : vector<16xf32>
      %select_n3A_516 = arith.select %gt3A_512, %mul3A_515, %select_n3A_507 : vector<16xi1>, vector<16xf32>
      %mul3A_517 = arith.mulf %max3A_460, %select_n3A_516 : vector<16xf32>
      %mul3A_518 = arith.mulf %mul3A_517, %select_n3A_516 : vector<16xf32>
      %gt3A_519 = arith.constant 1.200000e+00 : f32
      %gt3A_520 = vector.broadcast %gt3A_519 : f32 to vector<16xf32>
      %gt3A_521 = arith.cmpf ogt, %mul3A_518, %gt3A_520 : vector<16xf32>
      %mul3A_522 = arith.constant 5.000000e-01 : f32
      %mul3A_523 = vector.broadcast %mul3A_522 : f32 to vector<16xf32>
      %mul3A_524 = arith.mulf %mul3A_523, %select_n3A_516 : vector<16xf32>
      %select_n3A_525 = arith.select %gt3A_521, %mul3A_524, %select_n3A_516 : vector<16xi1>, vector<16xf32>
      %mul3A_526 = arith.mulf %max3A_460, %select_n3A_525 : vector<16xf32>
      %mul3A_527 = arith.mulf %mul3A_526, %select_n3A_525 : vector<16xf32>
      %gt3A_528 = arith.constant 1.200000e+00 : f32
      %gt3A_529 = vector.broadcast %gt3A_528 : f32 to vector<16xf32>
      %gt3A_530 = arith.cmpf ogt, %mul3A_527, %gt3A_529 : vector<16xf32>
      %mul3A_531 = arith.constant 5.000000e-01 : f32
      %mul3A_532 = vector.broadcast %mul3A_531 : f32 to vector<16xf32>
      %mul3A_533 = arith.mulf %mul3A_532, %select_n3A_525 : vector<16xf32>
      %select_n3A_534 = arith.select %gt3A_530, %mul3A_533, %select_n3A_525 : vector<16xi1>, vector<16xf32>
      %mul3A_535 = arith.mulf %max3A_460, %select_n3A_534 : vector<16xf32>
      %mul3A_536 = arith.mulf %mul3A_535, %select_n3A_534 : vector<16xf32>
      %gt3A_537 = arith.constant 1.200000e+00 : f32
      %gt3A_538 = vector.broadcast %gt3A_537 : f32 to vector<16xf32>
      %gt3A_539 = arith.cmpf ogt, %mul3A_536, %gt3A_538 : vector<16xf32>
      %mul3A_540 = arith.constant 5.000000e-01 : f32
      %mul3A_541 = vector.broadcast %mul3A_540 : f32 to vector<16xf32>
      %mul3A_542 = arith.mulf %mul3A_541, %select_n3A_534 : vector<16xf32>
      %select_n3A_543 = arith.select %gt3A_539, %mul3A_542, %select_n3A_534 : vector<16xi1>, vector<16xf32>
      %mul3A_544 = arith.mulf %max3A_460, %select_n3A_543 : vector<16xf32>
      %mul3A_545 = arith.mulf %mul3A_544, %select_n3A_543 : vector<16xf32>
      %gt3A_546 = arith.constant 1.200000e+00 : f32
      %gt3A_547 = vector.broadcast %gt3A_546 : f32 to vector<16xf32>
      %gt3A_548 = arith.cmpf ogt, %mul3A_545, %gt3A_547 : vector<16xf32>
      %mul3A_549 = arith.constant 5.000000e-01 : f32
      %mul3A_550 = vector.broadcast %mul3A_549 : f32 to vector<16xf32>
      %mul3A_551 = arith.mulf %mul3A_550, %select_n3A_543 : vector<16xf32>
      %select_n3A_552 = arith.select %gt3A_548, %mul3A_551, %select_n3A_543 : vector<16xi1>, vector<16xf32>
      %mul3A_553 = arith.constant 5.000000e-01 : f32
      %mul3A_554 = vector.broadcast %mul3A_553 : f32 to vector<16xf32>
      %mul3A_555 = arith.mulf %mul3A_554, %max3A_460 : vector<16xf32>
      %mul3A_556 = arith.mulf %mul3A_555, %select_n3A_552 : vector<16xf32>
      %mul3A_557 = arith.mulf %mul3A_556, %select_n3A_552 : vector<16xf32>
      %sub3A_558 = arith.constant 1.500000e+00 : f32
      %sub3A_559 = vector.broadcast %sub3A_558 : f32 to vector<16xf32>
      %sub3A_560 = arith.subf %sub3A_559, %mul3A_557 : vector<16xf32>
      %mul3A_561 = arith.mulf %select_n3A_552, %sub3A_560 : vector<16xf32>
      %mul3A_562 = arith.constant 5.000000e-01 : f32
      %mul3A_563 = vector.broadcast %mul3A_562 : f32 to vector<16xf32>
      %mul3A_564 = arith.mulf %mul3A_563, %max3A_460 : vector<16xf32>
      %mul3A_565 = arith.mulf %mul3A_564, %mul3A_561 : vector<16xf32>
      %mul3A_566 = arith.mulf %mul3A_565, %mul3A_561 : vector<16xf32>
      %sub3A_567 = arith.constant 1.500000e+00 : f32
      %sub3A_568 = vector.broadcast %sub3A_567 : f32 to vector<16xf32>
      %sub3A_569 = arith.subf %sub3A_568, %mul3A_566 : vector<16xf32>
      %mul3A_570 = arith.mulf %mul3A_561, %sub3A_569 : vector<16xf32>
      %mul3A_571 = arith.constant 5.000000e-01 : f32
      %mul3A_572 = vector.broadcast %mul3A_571 : f32 to vector<16xf32>
      %mul3A_573 = arith.mulf %mul3A_572, %max3A_460 : vector<16xf32>
      %mul3A_574 = arith.mulf %mul3A_573, %mul3A_570 : vector<16xf32>
      %mul3A_575 = arith.mulf %mul3A_574, %mul3A_570 : vector<16xf32>
      %sub3A_576 = arith.constant 1.500000e+00 : f32
      %sub3A_577 = vector.broadcast %sub3A_576 : f32 to vector<16xf32>
      %sub3A_578 = arith.subf %sub3A_577, %mul3A_575 : vector<16xf32>
      %mul3A_579 = arith.mulf %mul3A_570, %sub3A_578 : vector<16xf32>
      %mul3A_580 = arith.constant 5.000000e-01 : f32
      %mul3A_581 = vector.broadcast %mul3A_580 : f32 to vector<16xf32>
      %mul3A_582 = arith.mulf %mul3A_581, %max3A_460 : vector<16xf32>
      %mul3A_583 = arith.mulf %mul3A_582, %mul3A_579 : vector<16xf32>
      %mul3A_584 = arith.mulf %mul3A_583, %mul3A_579 : vector<16xf32>
      %sub3A_585 = arith.constant 1.500000e+00 : f32
      %sub3A_586 = vector.broadcast %sub3A_585 : f32 to vector<16xf32>
      %sub3A_587 = arith.subf %sub3A_586, %mul3A_584 : vector<16xf32>
      %mul3A_588 = arith.mulf %mul3A_579, %sub3A_587 : vector<16xf32>
      %mul3A_589 = arith.constant 5.000000e-01 : f32
      %mul3A_590 = vector.broadcast %mul3A_589 : f32 to vector<16xf32>
      %mul3A_591 = arith.mulf %mul3A_590, %max3A_460 : vector<16xf32>
      %mul3A_592 = arith.mulf %mul3A_591, %mul3A_588 : vector<16xf32>
      %mul3A_593 = arith.mulf %mul3A_592, %mul3A_588 : vector<16xf32>
      %sub3A_594 = arith.constant 1.500000e+00 : f32
      %sub3A_595 = vector.broadcast %sub3A_594 : f32 to vector<16xf32>
      %sub3A_596 = arith.subf %sub3A_595, %mul3A_593 : vector<16xf32>
      %mul3A_597 = arith.mulf %mul3A_588, %sub3A_596 : vector<16xf32>
      %mul3A_598 = arith.constant 5.000000e-01 : f32
      %mul3A_599 = vector.broadcast %mul3A_598 : f32 to vector<16xf32>
      %mul3A_600 = arith.mulf %mul3A_599, %max3A_460 : vector<16xf32>
      %mul3A_601 = arith.mulf %mul3A_600, %mul3A_597 : vector<16xf32>
      %mul3A_602 = arith.mulf %mul3A_601, %mul3A_597 : vector<16xf32>
      %sub3A_603 = arith.constant 1.500000e+00 : f32
      %sub3A_604 = vector.broadcast %sub3A_603 : f32 to vector<16xf32>
      %sub3A_605 = arith.subf %sub3A_604, %mul3A_602 : vector<16xf32>
      %mul3A_606 = arith.mulf %mul3A_597, %sub3A_605 : vector<16xf32>
      %mul3A_607 = arith.constant 5.000000e-01 : f32
      %mul3A_608 = vector.broadcast %mul3A_607 : f32 to vector<16xf32>
      %mul3A_609 = arith.mulf %mul3A_608, %max3A_460 : vector<16xf32>
      %mul3A_610 = arith.mulf %mul3A_609, %mul3A_606 : vector<16xf32>
      %mul3A_611 = arith.mulf %mul3A_610, %mul3A_606 : vector<16xf32>
      %sub3A_612 = arith.constant 1.500000e+00 : f32
      %sub3A_613 = vector.broadcast %sub3A_612 : f32 to vector<16xf32>
      %sub3A_614 = arith.subf %sub3A_613, %mul3A_611 : vector<16xf32>
      %mul3A_615 = arith.mulf %mul3A_606, %sub3A_614 : vector<16xf32>
      %swap3A_616 = arith.index_cast %add3A_455 : i32 to index
      %swap3A_617 = tpu.vector_load %arg15[%swap3A_616] {strides = array<i32>} : memref<640xf32, #tpu.memory_space<vmem>>, vector<16xf32>,
      tpu.vector_store %arg15[%swap3A_616], %mul3A_615 {strides = array<i32>} : memref<640xf32, #tpu.memory_space<vmem>>, vector<16xf32>,
      %get3A_618 = arith.index_cast %add3A_455 : i32 to index
      %get3A_619 = tpu.vector_load %arg14[%get3A_618] {strides = array<i32>} : memref<640xf32, #tpu.memory_space<vmem>>, vector<16xf32>,
      %swap3A_620 = arith.index_cast %add3A_455 : i32 to index
      %swap3A_621 = tpu.vector_load %arg16[%swap3A_620] {strides = array<i32>} : memref<640xf32, #tpu.memory_space<vmem>>, vector<16xf32>,
      tpu.vector_store %arg16[%swap3A_620], %get3A_619 {strides = array<i32>} : memref<640xf32, #tpu.memory_space<vmem>>, vector<16xf32>,
      %mul3A_622 = arith.mulf %mul3A_615, %get3A_619 : vector<16xf32>
      %swap3A_623 = arith.index_cast %scan3A_279 : i32 to index
      %swap3A_624 = arith.constant 16 : index
      %swap3A_625 = tpu.vector_load %arg20[%swap3A_623, %swap3A_624] {strides = array<i32>} : memref<5x128xf32, #tpu.memory_space<vmem>>, vector<16xf32>,
      tpu.vector_store %arg20[%swap3A_623, %swap3A_624], %mul3A_622 {strides = array<i32>} : memref<5x128xf32, #tpu.memory_space<vmem>>, vector<16xf32>,
      %mul3A_626 = arith.constant 128 : i32
      %mul3A_627 = arith.muli %scan3A_279, %mul3A_626 : i32
      %add3A_628 = arith.constant 32 : i32
      %add3A_629 = arith.addi %mul3A_627, %add3A_628 : i32
      %get3A_630 = arith.index_cast %add3A_629 : i32 to index
      %get3A_631 = tpu.vector_load %arg17[%get3A_630] {strides = array<i32>} : memref<640xf32, #tpu.memory_space<vmem>>, vector<16xf32>,
      %max3A_632 = arith.constant 1.000000e+00 : f32
      %max3A_633 = vector.broadcast %max3A_632 : f32 to vector<16xf32>
      %max3A_634 = arith.maximumf %get3A_631, %max3A_633 : vector<16xf32>
      %broadcast_in_dim3A_635 = arith.constant 1.000000e+00 : f32
      %broadcast_in_dim3A_636 = vector.broadcast %broadcast_in_dim3A_635 : f32 to vector<16xf32>
      %mul3A_637 = arith.mulf %max3A_634, %broadcast_in_dim3A_636 : vector<16xf32>
      %mul3A_638 = arith.mulf %mul3A_637, %broadcast_in_dim3A_636 : vector<16xf32>
      %gt3A_639 = arith.constant 1.200000e+00 : f32
      %gt3A_640 = vector.broadcast %gt3A_639 : f32 to vector<16xf32>
      %gt3A_641 = arith.cmpf ogt, %mul3A_638, %gt3A_640 : vector<16xf32>
      %mul3A_642 = arith.constant 5.000000e-01 : f32
      %mul3A_643 = vector.broadcast %mul3A_642 : f32 to vector<16xf32>
      %mul3A_644 = arith.mulf %mul3A_643, %broadcast_in_dim3A_636 : vector<16xf32>
      %select_n3A_645 = arith.select %gt3A_641, %mul3A_644, %broadcast_in_dim3A_636 : vector<16xi1>, vector<16xf32>
      %mul3A_646 = arith.mulf %max3A_634, %select_n3A_645 : vector<16xf32>
      %mul3A_647 = arith.mulf %mul3A_646, %select_n3A_645 : vector<16xf32>
      %gt3A_648 = arith.constant 1.200000e+00 : f32
      %gt3A_649 = vector.broadcast %gt3A_648 : f32 to vector<16xf32>
      %gt3A_650 = arith.cmpf ogt, %mul3A_647, %gt3A_649 : vector<16xf32>
      %mul3A_651 = arith.constant 5.000000e-01 : f32
      %mul3A_652 = vector.broadcast %mul3A_651 : f32 to vector<16xf32>
      %mul3A_653 = arith.mulf %mul3A_652, %select_n3A_645 : vector<16xf32>
      %select_n3A_654 = arith.select %gt3A_650, %mul3A_653, %select_n3A_645 : vector<16xi1>, vector<16xf32>
      %mul3A_655 = arith.mulf %max3A_634, %select_n3A_654 : vector<16xf32>
      %mul3A_656 = arith.mulf %mul3A_655, %select_n3A_654 : vector<16xf32>
      %gt3A_657 = arith.constant 1.200000e+00 : f32
      %gt3A_658 = vector.broadcast %gt3A_657 : f32 to vector<16xf32>
      %gt3A_659 = arith.cmpf ogt, %mul3A_656, %gt3A_658 : vector<16xf32>
      %mul3A_660 = arith.constant 5.000000e-01 : f32
      %mul3A_661 = vector.broadcast %mul3A_660 : f32 to vector<16xf32>
      %mul3A_662 = arith.mulf %mul3A_661, %select_n3A_654 : vector<16xf32>
      %select_n3A_663 = arith.select %gt3A_659, %mul3A_662, %select_n3A_654 : vector<16xi1>, vector<16xf32>
      %mul3A_664 = arith.mulf %max3A_634, %select_n3A_663 : vector<16xf32>
      %mul3A_665 = arith.mulf %mul3A_664, %select_n3A_663 : vector<16xf32>
      %gt3A_666 = arith.constant 1.200000e+00 : f32
      %gt3A_667 = vector.broadcast %gt3A_666 : f32 to vector<16xf32>
      %gt3A_668 = arith.cmpf ogt, %mul3A_665, %gt3A_667 : vector<16xf32>
      %mul3A_669 = arith.constant 5.000000e-01 : f32
      %mul3A_670 = vector.broadcast %mul3A_669 : f32 to vector<16xf32>
      %mul3A_671 = arith.mulf %mul3A_670, %select_n3A_663 : vector<16xf32>
      %select_n3A_672 = arith.select %gt3A_668, %mul3A_671, %select_n3A_663 : vector<16xi1>, vector<16xf32>
      %mul3A_673 = arith.mulf %max3A_634, %select_n3A_672 : vector<16xf32>
      %mul3A_674 = arith.mulf %mul3A_673, %select_n3A_672 : vector<16xf32>
      %gt3A_675 = arith.constant 1.200000e+00 : f32
      %gt3A_676 = vector.broadcast %gt3A_675 : f32 to vector<16xf32>
      %gt3A_677 = arith.cmpf ogt, %mul3A_674, %gt3A_676 : vector<16xf32>
      %mul3A_678 = arith.constant 5.000000e-01 : f32
      %mul3A_679 = vector.broadcast %mul3A_678 : f32 to vector<16xf32>
      %mul3A_680 = arith.mulf %mul3A_679, %select_n3A_672 : vector<16xf32>
      %select_n3A_681 = arith.select %gt3A_677, %mul3A_680, %select_n3A_672 : vector<16xi1>, vector<16xf32>
      %mul3A_682 = arith.mulf %max3A_634, %select_n3A_681 : vector<16xf32>
      %mul3A_683 = arith.mulf %mul3A_682, %select_n3A_681 : vector<16xf32>
      %gt3A_684 = arith.constant 1.200000e+00 : f32
      %gt3A_685 = vector.broadcast %gt3A_684 : f32 to vector<16xf32>
      %gt3A_686 = arith.cmpf ogt, %mul3A_683, %gt3A_685 : vector<16xf32>
      %mul3A_687 = arith.constant 5.000000e-01 : f32
      %mul3A_688 = vector.broadcast %mul3A_687 : f32 to vector<16xf32>
      %mul3A_689 = arith.mulf %mul3A_688, %select_n3A_681 : vector<16xf32>
      %select_n3A_690 = arith.select %gt3A_686, %mul3A_689, %select_n3A_681 : vector<16xi1>, vector<16xf32>
      %mul3A_691 = arith.mulf %max3A_634, %select_n3A_690 : vector<16xf32>
      %mul3A_692 = arith.mulf %mul3A_691, %select_n3A_690 : vector<16xf32>
      %gt3A_693 = arith.constant 1.200000e+00 : f32
      %gt3A_694 = vector.broadcast %gt3A_693 : f32 to vector<16xf32>
      %gt3A_695 = arith.cmpf ogt, %mul3A_692, %gt3A_694 : vector<16xf32>
      %mul3A_696 = arith.constant 5.000000e-01 : f32
      %mul3A_697 = vector.broadcast %mul3A_696 : f32 to vector<16xf32>
      %mul3A_698 = arith.mulf %mul3A_697, %select_n3A_690 : vector<16xf32>
      %select_n3A_699 = arith.select %gt3A_695, %mul3A_698, %select_n3A_690 : vector<16xi1>, vector<16xf32>
      %mul3A_700 = arith.mulf %max3A_634, %select_n3A_699 : vector<16xf32>
      %mul3A_701 = arith.mulf %mul3A_700, %select_n3A_699 : vector<16xf32>
      %gt3A_702 = arith.constant 1.200000e+00 : f32
      %gt3A_703 = vector.broadcast %gt3A_702 : f32 to vector<16xf32>
      %gt3A_704 = arith.cmpf ogt, %mul3A_701, %gt3A_703 : vector<16xf32>
      %mul3A_705 = arith.constant 5.000000e-01 : f32
      %mul3A_706 = vector.broadcast %mul3A_705 : f32 to vector<16xf32>
      %mul3A_707 = arith.mulf %mul3A_706, %select_n3A_699 : vector<16xf32>
      %select_n3A_708 = arith.select %gt3A_704, %mul3A_707, %select_n3A_699 : vector<16xi1>, vector<16xf32>
      %mul3A_709 = arith.mulf %max3A_634, %select_n3A_708 : vector<16xf32>
      %mul3A_710 = arith.mulf %mul3A_709, %select_n3A_708 : vector<16xf32>
      %gt3A_711 = arith.constant 1.200000e+00 : f32
      %gt3A_712 = vector.broadcast %gt3A_711 : f32 to vector<16xf32>
      %gt3A_713 = arith.cmpf ogt, %mul3A_710, %gt3A_712 : vector<16xf32>
      %mul3A_714 = arith.constant 5.000000e-01 : f32
      %mul3A_715 = vector.broadcast %mul3A_714 : f32 to vector<16xf32>
      %mul3A_716 = arith.mulf %mul3A_715, %select_n3A_708 : vector<16xf32>
      %select_n3A_717 = arith.select %gt3A_713, %mul3A_716, %select_n3A_708 : vector<16xi1>, vector<16xf32>
      %mul3A_718 = arith.mulf %max3A_634, %select_n3A_717 : vector<16xf32>
      %mul3A_719 = arith.mulf %mul3A_718, %select_n3A_717 : vector<16xf32>
      %gt3A_720 = arith.constant 1.200000e+00 : f32
      %gt3A_721 = vector.broadcast %gt3A_720 : f32 to vector<16xf32>
      %gt3A_722 = arith.cmpf ogt, %mul3A_719, %gt3A_721 : vector<16xf32>
      %mul3A_723 = arith.constant 5.000000e-01 : f32
      %mul3A_724 = vector.broadcast %mul3A_723 : f32 to vector<16xf32>
      %mul3A_725 = arith.mulf %mul3A_724, %select_n3A_717 : vector<16xf32>
      %select_n3A_726 = arith.select %gt3A_722, %mul3A_725, %select_n3A_717 : vector<16xi1>, vector<16xf32>
      %mul3A_727 = arith.constant 5.000000e-01 : f32
      %mul3A_728 = vector.broadcast %mul3A_727 : f32 to vector<16xf32>
      %mul3A_729 = arith.mulf %mul3A_728, %max3A_634 : vector<16xf32>
      %mul3A_730 = arith.mulf %mul3A_729, %select_n3A_726 : vector<16xf32>
      %mul3A_731 = arith.mulf %mul3A_730, %select_n3A_726 : vector<16xf32>
      %sub3A_732 = arith.constant 1.500000e+00 : f32
      %sub3A_733 = vector.broadcast %sub3A_732 : f32 to vector<16xf32>
      %sub3A_734 = arith.subf %sub3A_733, %mul3A_731 : vector<16xf32>
      %mul3A_735 = arith.mulf %select_n3A_726, %sub3A_734 : vector<16xf32>
      %mul3A_736 = arith.constant 5.000000e-01 : f32
      %mul3A_737 = vector.broadcast %mul3A_736 : f32 to vector<16xf32>
      %mul3A_738 = arith.mulf %mul3A_737, %max3A_634 : vector<16xf32>
      %mul3A_739 = arith.mulf %mul3A_738, %mul3A_735 : vector<16xf32>
      %mul3A_740 = arith.mulf %mul3A_739, %mul3A_735 : vector<16xf32>
      %sub3A_741 = arith.constant 1.500000e+00 : f32
      %sub3A_742 = vector.broadcast %sub3A_741 : f32 to vector<16xf32>
      %sub3A_743 = arith.subf %sub3A_742, %mul3A_740 : vector<16xf32>
      %mul3A_744 = arith.mulf %mul3A_735, %sub3A_743 : vector<16xf32>
      %mul3A_745 = arith.constant 5.000000e-01 : f32
      %mul3A_746 = vector.broadcast %mul3A_745 : f32 to vector<16xf32>
      %mul3A_747 = arith.mulf %mul3A_746, %max3A_634 : vector<16xf32>
      %mul3A_748 = arith.mulf %mul3A_747, %mul3A_744 : vector<16xf32>
      %mul3A_749 = arith.mulf %mul3A_748, %mul3A_744 : vector<16xf32>
      %sub3A_750 = arith.constant 1.500000e+00 : f32
      %sub3A_751 = vector.broadcast %sub3A_750 : f32 to vector<16xf32>
      %sub3A_752 = arith.subf %sub3A_751, %mul3A_749 : vector<16xf32>
      %mul3A_753 = arith.mulf %mul3A_744, %sub3A_752 : vector<16xf32>
      %mul3A_754 = arith.constant 5.000000e-01 : f32
      %mul3A_755 = vector.broadcast %mul3A_754 : f32 to vector<16xf32>
      %mul3A_756 = arith.mulf %mul3A_755, %max3A_634 : vector<16xf32>
      %mul3A_757 = arith.mulf %mul3A_756, %mul3A_753 : vector<16xf32>
      %mul3A_758 = arith.mulf %mul3A_757, %mul3A_753 : vector<16xf32>
      %sub3A_759 = arith.constant 1.500000e+00 : f32
      %sub3A_760 = vector.broadcast %sub3A_759 : f32 to vector<16xf32>
      %sub3A_761 = arith.subf %sub3A_760, %mul3A_758 : vector<16xf32>
      %mul3A_762 = arith.mulf %mul3A_753, %sub3A_761 : vector<16xf32>
      %mul3A_763 = arith.constant 5.000000e-01 : f32
      %mul3A_764 = vector.broadcast %mul3A_763 : f32 to vector<16xf32>
      %mul3A_765 = arith.mulf %mul3A_764, %max3A_634 : vector<16xf32>
      %mul3A_766 = arith.mulf %mul3A_765, %mul3A_762 : vector<16xf32>
      %mul3A_767 = arith.mulf %mul3A_766, %mul3A_762 : vector<16xf32>
      %sub3A_768 = arith.constant 1.500000e+00 : f32
      %sub3A_769 = vector.broadcast %sub3A_768 : f32 to vector<16xf32>
      %sub3A_770 = arith.subf %sub3A_769, %mul3A_767 : vector<16xf32>
      %mul3A_771 = arith.mulf %mul3A_762, %sub3A_770 : vector<16xf32>
      %mul3A_772 = arith.constant 5.000000e-01 : f32
      %mul3A_773 = vector.broadcast %mul3A_772 : f32 to vector<16xf32>
      %mul3A_774 = arith.mulf %mul3A_773, %max3A_634 : vector<16xf32>
      %mul3A_775 = arith.mulf %mul3A_774, %mul3A_771 : vector<16xf32>
      %mul3A_776 = arith.mulf %mul3A_775, %mul3A_771 : vector<16xf32>
      %sub3A_777 = arith.constant 1.500000e+00 : f32
      %sub3A_778 = vector.broadcast %sub3A_777 : f32 to vector<16xf32>
      %sub3A_779 = arith.subf %sub3A_778, %mul3A_776 : vector<16xf32>
      %mul3A_780 = arith.mulf %mul3A_771, %sub3A_779 : vector<16xf32>
      %mul3A_781 = arith.constant 5.000000e-01 : f32
      %mul3A_782 = vector.broadcast %mul3A_781 : f32 to vector<16xf32>
      %mul3A_783 = arith.mulf %mul3A_782, %max3A_634 : vector<16xf32>
      %mul3A_784 = arith.mulf %mul3A_783, %mul3A_780 : vector<16xf32>
      %mul3A_785 = arith.mulf %mul3A_784, %mul3A_780 : vector<16xf32>
      %sub3A_786 = arith.constant 1.500000e+00 : f32
      %sub3A_787 = vector.broadcast %sub3A_786 : f32 to vector<16xf32>
      %sub3A_788 = arith.subf %sub3A_787, %mul3A_785 : vector<16xf32>
      %mul3A_789 = arith.mulf %mul3A_780, %sub3A_788 : vector<16xf32>
      %swap3A_790 = arith.index_cast %add3A_629 : i32 to index
      %swap3A_791 = tpu.vector_load %arg15[%swap3A_790] {strides = array<i32>} : memref<640xf32, #tpu.memory_space<vmem>>, vector<16xf32>,
      tpu.vector_store %arg15[%swap3A_790], %mul3A_789 {strides = array<i32>} : memref<640xf32, #tpu.memory_space<vmem>>, vector<16xf32>,
      %get3A_792 = arith.index_cast %add3A_629 : i32 to index
      %get3A_793 = tpu.vector_load %arg14[%get3A_792] {strides = array<i32>} : memref<640xf32, #tpu.memory_space<vmem>>, vector<16xf32>,
      %swap3A_794 = arith.index_cast %add3A_629 : i32 to index
      %swap3A_795 = tpu.vector_load %arg16[%swap3A_794] {strides = array<i32>} : memref<640xf32, #tpu.memory_space<vmem>>, vector<16xf32>,
      tpu.vector_store %arg16[%swap3A_794], %get3A_793 {strides = array<i32>} : memref<640xf32, #tpu.memory_space<vmem>>, vector<16xf32>,
      %mul3A_796 = arith.mulf %mul3A_789, %get3A_793 : vector<16xf32>
      %swap3A_797 = arith.index_cast %scan3A_279 : i32 to index
      %swap3A_798 = arith.constant 32 : index
      %swap3A_799 = tpu.vector_load %arg20[%swap3A_797, %swap3A_798] {strides = array<i32>} : memref<5x128xf32, #tpu.memory_space<vmem>>, vector<16xf32>,
      tpu.vector_store %arg20[%swap3A_797, %swap3A_798], %mul3A_796 {strides = array<i32>} : memref<5x128xf32, #tpu.memory_space<vmem>>, vector<16xf32>,
      %mul3A_800 = arith.constant 128 : i32
      %mul3A_801 = arith.muli %scan3A_279, %mul3A_800 : i32
      %add3A_802 = arith.constant 48 : i32
      %add3A_803 = arith.addi %mul3A_801, %add3A_802 : i32
      %get3A_804 = arith.index_cast %add3A_803 : i32 to index
      %get3A_805 = tpu.vector_load %arg17[%get3A_804] {strides = array<i32>} : memref<640xf32, #tpu.memory_space<vmem>>, vector<16xf32>,
      %max3A_806 = arith.constant 1.000000e+00 : f32
      %max3A_807 = vector.broadcast %max3A_806 : f32 to vector<16xf32>
      %max3A_808 = arith.maximumf %get3A_805, %max3A_807 : vector<16xf32>
      %broadcast_in_dim3A_809 = arith.constant 1.000000e+00 : f32
      %broadcast_in_dim3A_810 = vector.broadcast %broadcast_in_dim3A_809 : f32 to vector<16xf32>
      %mul3A_811 = arith.mulf %max3A_808, %broadcast_in_dim3A_810 : vector<16xf32>
      %mul3A_812 = arith.mulf %mul3A_811, %broadcast_in_dim3A_810 : vector<16xf32>
      %gt3A_813 = arith.constant 1.200000e+00 : f32
      %gt3A_814 = vector.broadcast %gt3A_813 : f32 to vector<16xf32>
      %gt3A_815 = arith.cmpf ogt, %mul3A_812, %gt3A_814 : vector<16xf32>
      %mul3A_816 = arith.constant 5.000000e-01 : f32
      %mul3A_817 = vector.broadcast %mul3A_816 : f32 to vector<16xf32>
      %mul3A_818 = arith.mulf %mul3A_817, %broadcast_in_dim3A_810 : vector<16xf32>
      %select_n3A_819 = arith.select %gt3A_815, %mul3A_818, %broadcast_in_dim3A_810 : vector<16xi1>, vector<16xf32>
      %mul3A_820 = arith.mulf %max3A_808, %select_n3A_819 : vector<16xf32>
      %mul3A_821 = arith.mulf %mul3A_820, %select_n3A_819 : vector<16xf32>
      %gt3A_822 = arith.constant 1.200000e+00 : f32
      %gt3A_823 = vector.broadcast %gt3A_822 : f32 to vector<16xf32>
      %gt3A_824 = arith.cmpf ogt, %mul3A_821, %gt3A_823 : vector<16xf32>
      %mul3A_825 = arith.constant 5.000000e-01 : f32
      %mul3A_826 = vector.broadcast %mul3A_825 : f32 to vector<16xf32>
      %mul3A_827 = arith.mulf %mul3A_826, %select_n3A_819 : vector<16xf32>
      %select_n3A_828 = arith.select %gt3A_824, %mul3A_827, %select_n3A_819 : vector<16xi1>, vector<16xf32>
      %mul3A_829 = arith.mulf %max3A_808, %select_n3A_828 : vector<16xf32>
      %mul3A_830 = arith.mulf %mul3A_829, %select_n3A_828 : vector<16xf32>
      %gt3A_831 = arith.constant 1.200000e+00 : f32
      %gt3A_832 = vector.broadcast %gt3A_831 : f32 to vector<16xf32>
      %gt3A_833 = arith.cmpf ogt, %mul3A_830, %gt3A_832 : vector<16xf32>
      %mul3A_834 = arith.constant 5.000000e-01 : f32
      %mul3A_835 = vector.broadcast %mul3A_834 : f32 to vector<16xf32>
      %mul3A_836 = arith.mulf %mul3A_835, %select_n3A_828 : vector<16xf32>
      %select_n3A_837 = arith.select %gt3A_833, %mul3A_836, %select_n3A_828 : vector<16xi1>, vector<16xf32>
      %mul3A_838 = arith.mulf %max3A_808, %select_n3A_837 : vector<16xf32>
      %mul3A_839 = arith.mulf %mul3A_838, %select_n3A_837 : vector<16xf32>
      %gt3A_840 = arith.constant 1.200000e+00 : f32
      %gt3A_841 = vector.broadcast %gt3A_840 : f32 to vector<16xf32>
      %gt3A_842 = arith.cmpf ogt, %mul3A_839, %gt3A_841 : vector<16xf32>
      %mul3A_843 = arith.constant 5.000000e-01 : f32
      %mul3A_844 = vector.broadcast %mul3A_843 : f32 to vector<16xf32>
      %mul3A_845 = arith.mulf %mul3A_844, %select_n3A_837 : vector<16xf32>
      %select_n3A_846 = arith.select %gt3A_842, %mul3A_845, %select_n3A_837 : vector<16xi1>, vector<16xf32>
      %mul3A_847 = arith.mulf %max3A_808, %select_n3A_846 : vector<16xf32>
      %mul3A_848 = arith.mulf %mul3A_847, %select_n3A_846 : vector<16xf32>
      %gt3A_849 = arith.constant 1.200000e+00 : f32
      %gt3A_850 = vector.broadcast %gt3A_849 : f32 to vector<16xf32>
      %gt3A_851 = arith.cmpf ogt, %mul3A_848, %gt3A_850 : vector<16xf32>
      %mul3A_852 = arith.constant 5.000000e-01 : f32
      %mul3A_853 = vector.broadcast %mul3A_852 : f32 to vector<16xf32>
      %mul3A_854 = arith.mulf %mul3A_853, %select_n3A_846 : vector<16xf32>
      %select_n3A_855 = arith.select %gt3A_851, %mul3A_854, %select_n3A_846 : vector<16xi1>, vector<16xf32>
      %mul3A_856 = arith.mulf %max3A_808, %select_n3A_855 : vector<16xf32>
      %mul3A_857 = arith.mulf %mul3A_856, %select_n3A_855 : vector<16xf32>
      %gt3A_858 = arith.constant 1.200000e+00 : f32
      %gt3A_859 = vector.broadcast %gt3A_858 : f32 to vector<16xf32>
      %gt3A_860 = arith.cmpf ogt, %mul3A_857, %gt3A_859 : vector<16xf32>
      %mul3A_861 = arith.constant 5.000000e-01 : f32
      %mul3A_862 = vector.broadcast %mul3A_861 : f32 to vector<16xf32>
      %mul3A_863 = arith.mulf %mul3A_862, %select_n3A_855 : vector<16xf32>
      %select_n3A_864 = arith.select %gt3A_860, %mul3A_863, %select_n3A_855 : vector<16xi1>, vector<16xf32>
      %mul3A_865 = arith.mulf %max3A_808, %select_n3A_864 : vector<16xf32>
      %mul3A_866 = arith.mulf %mul3A_865, %select_n3A_864 : vector<16xf32>
      %gt3A_867 = arith.constant 1.200000e+00 : f32
      %gt3A_868 = vector.broadcast %gt3A_867 : f32 to vector<16xf32>
      %gt3A_869 = arith.cmpf ogt, %mul3A_866, %gt3A_868 : vector<16xf32>
      %mul3A_870 = arith.constant 5.000000e-01 : f32
      %mul3A_871 = vector.broadcast %mul3A_870 : f32 to vector<16xf32>
      %mul3A_872 = arith.mulf %mul3A_871, %select_n3A_864 : vector<16xf32>
      %select_n3A_873 = arith.select %gt3A_869, %mul3A_872, %select_n3A_864 : vector<16xi1>, vector<16xf32>
      %mul3A_874 = arith.mulf %max3A_808, %select_n3A_873 : vector<16xf32>
      %mul3A_875 = arith.mulf %mul3A_874, %select_n3A_873 : vector<16xf32>
      %gt3A_876 = arith.constant 1.200000e+00 : f32
      %gt3A_877 = vector.broadcast %gt3A_876 : f32 to vector<16xf32>
      %gt3A_878 = arith.cmpf ogt, %mul3A_875, %gt3A_877 : vector<16xf32>
      %mul3A_879 = arith.constant 5.000000e-01 : f32
      %mul3A_880 = vector.broadcast %mul3A_879 : f32 to vector<16xf32>
      %mul3A_881 = arith.mulf %mul3A_880, %select_n3A_873 : vector<16xf32>
      %select_n3A_882 = arith.select %gt3A_878, %mul3A_881, %select_n3A_873 : vector<16xi1>, vector<16xf32>
      %mul3A_883 = arith.mulf %max3A_808, %select_n3A_882 : vector<16xf32>
      %mul3A_884 = arith.mulf %mul3A_883, %select_n3A_882 : vector<16xf32>
      %gt3A_885 = arith.constant 1.200000e+00 : f32
      %gt3A_886 = vector.broadcast %gt3A_885 : f32 to vector<16xf32>
      %gt3A_887 = arith.cmpf ogt, %mul3A_884, %gt3A_886 : vector<16xf32>
      %mul3A_888 = arith.constant 5.000000e-01 : f32
      %mul3A_889 = vector.broadcast %mul3A_888 : f32 to vector<16xf32>
      %mul3A_890 = arith.mulf %mul3A_889, %select_n3A_882 : vector<16xf32>
      %select_n3A_891 = arith.select %gt3A_887, %mul3A_890, %select_n3A_882 : vector<16xi1>, vector<16xf32>
      %mul3A_892 = arith.mulf %max3A_808, %select_n3A_891 : vector<16xf32>
      %mul3A_893 = arith.mulf %mul3A_892, %select_n3A_891 : vector<16xf32>
      %gt3A_894 = arith.constant 1.200000e+00 : f32
      %gt3A_895 = vector.broadcast %gt3A_894 : f32 to vector<16xf32>
      %gt3A_896 = arith.cmpf ogt, %mul3A_893, %gt3A_895 : vector<16xf32>
      %mul3A_897 = arith.constant 5.000000e-01 : f32
      %mul3A_898 = vector.broadcast %mul3A_897 : f32 to vector<16xf32>
      %mul3A_899 = arith.mulf %mul3A_898, %select_n3A_891 : vector<16xf32>
      %select_n3A_900 = arith.select %gt3A_896, %mul3A_899, %select_n3A_891 : vector<16xi1>, vector<16xf32>
      %mul3A_901 = arith.constant 5.000000e-01 : f32
      %mul3A_902 = vector.broadcast %mul3A_901 : f32 to vector<16xf32>
      %mul3A_903 = arith.mulf %mul3A_902, %max3A_808 : vector<16xf32>
      %mul3A_904 = arith.mulf %mul3A_903, %select_n3A_900 : vector<16xf32>
      %mul3A_905 = arith.mulf %mul3A_904, %select_n3A_900 : vector<16xf32>
      %sub3A_906 = arith.constant 1.500000e+00 : f32
      %sub3A_907 = vector.broadcast %sub3A_906 : f32 to vector<16xf32>
      %sub3A_908 = arith.subf %sub3A_907, %mul3A_905 : vector<16xf32>
      %mul3A_909 = arith.mulf %select_n3A_900, %sub3A_908 : vector<16xf32>
      %mul3A_910 = arith.constant 5.000000e-01 : f32
      %mul3A_911 = vector.broadcast %mul3A_910 : f32 to vector<16xf32>
      %mul3A_912 = arith.mulf %mul3A_911, %max3A_808 : vector<16xf32>
      %mul3A_913 = arith.mulf %mul3A_912, %mul3A_909 : vector<16xf32>
      %mul3A_914 = arith.mulf %mul3A_913, %mul3A_909 : vector<16xf32>
      %sub3A_915 = arith.constant 1.500000e+00 : f32
      %sub3A_916 = vector.broadcast %sub3A_915 : f32 to vector<16xf32>
      %sub3A_917 = arith.subf %sub3A_916, %mul3A_914 : vector<16xf32>
      %mul3A_918 = arith.mulf %mul3A_909, %sub3A_917 : vector<16xf32>
      %mul3A_919 = arith.constant 5.000000e-01 : f32
      %mul3A_920 = vector.broadcast %mul3A_919 : f32 to vector<16xf32>
      %mul3A_921 = arith.mulf %mul3A_920, %max3A_808 : vector<16xf32>
      %mul3A_922 = arith.mulf %mul3A_921, %mul3A_918 : vector<16xf32>
      %mul3A_923 = arith.mulf %mul3A_922, %mul3A_918 : vector<16xf32>
      %sub3A_924 = arith.constant 1.500000e+00 : f32
      %sub3A_925 = vector.broadcast %sub3A_924 : f32 to vector<16xf32>
      %sub3A_926 = arith.subf %sub3A_925, %mul3A_923 : vector<16xf32>
      %mul3A_927 = arith.mulf %mul3A_918, %sub3A_926 : vector<16xf32>
      %mul3A_928 = arith.constant 5.000000e-01 : f32
      %mul3A_929 = vector.broadcast %mul3A_928 : f32 to vector<16xf32>
      %mul3A_930 = arith.mulf %mul3A_929, %max3A_808 : vector<16xf32>
      %mul3A_931 = arith.mulf %mul3A_930, %mul3A_927 : vector<16xf32>
      %mul3A_932 = arith.mulf %mul3A_931, %mul3A_927 : vector<16xf32>
      %sub3A_933 = arith.constant 1.500000e+00 : f32
      %sub3A_934 = vector.broadcast %sub3A_933 : f32 to vector<16xf32>
      %sub3A_935 = arith.subf %sub3A_934, %mul3A_932 : vector<16xf32>
      %mul3A_936 = arith.mulf %mul3A_927, %sub3A_935 : vector<16xf32>
      %mul3A_937 = arith.constant 5.000000e-01 : f32
      %mul3A_938 = vector.broadcast %mul3A_937 : f32 to vector<16xf32>
      %mul3A_939 = arith.mulf %mul3A_938, %max3A_808 : vector<16xf32>
      %mul3A_940 = arith.mulf %mul3A_939, %mul3A_936 : vector<16xf32>
      %mul3A_941 = arith.mulf %mul3A_940, %mul3A_936 : vector<16xf32>
      %sub3A_942 = arith.constant 1.500000e+00 : f32
      %sub3A_943 = vector.broadcast %sub3A_942 : f32 to vector<16xf32>
      %sub3A_944 = arith.subf %sub3A_943, %mul3A_941 : vector<16xf32>
      %mul3A_945 = arith.mulf %mul3A_936, %sub3A_944 : vector<16xf32>
      %mul3A_946 = arith.constant 5.000000e-01 : f32
      %mul3A_947 = vector.broadcast %mul3A_946 : f32 to vector<16xf32>
      %mul3A_948 = arith.mulf %mul3A_947, %max3A_808 : vector<16xf32>
      %mul3A_949 = arith.mulf %mul3A_948, %mul3A_945 : vector<16xf32>
      %mul3A_950 = arith.mulf %mul3A_949, %mul3A_945 : vector<16xf32>
      %sub3A_951 = arith.constant 1.500000e+00 : f32
      %sub3A_952 = vector.broadcast %sub3A_951 : f32 to vector<16xf32>
      %sub3A_953 = arith.subf %sub3A_952, %mul3A_950 : vector<16xf32>
      %mul3A_954 = arith.mulf %mul3A_945, %sub3A_953 : vector<16xf32>
      %mul3A_955 = arith.constant 5.000000e-01 : f32
      %mul3A_956 = vector.broadcast %mul3A_955 : f32 to vector<16xf32>
      %mul3A_957 = arith.mulf %mul3A_956, %max3A_808 : vector<16xf32>
      %mul3A_958 = arith.mulf %mul3A_957, %mul3A_954 : vector<16xf32>
      %mul3A_959 = arith.mulf %mul3A_958, %mul3A_954 : vector<16xf32>
      %sub3A_960 = arith.constant 1.500000e+00 : f32
      %sub3A_961 = vector.broadcast %sub3A_960 : f32 to vector<16xf32>
      %sub3A_962 = arith.subf %sub3A_961, %mul3A_959 : vector<16xf32>
      %mul3A_963 = arith.mulf %mul3A_954, %sub3A_962 : vector<16xf32>
      %swap3A_964 = arith.index_cast %add3A_803 : i32 to index
      %swap3A_965 = tpu.vector_load %arg15[%swap3A_964] {strides = array<i32>} : memref<640xf32, #tpu.memory_space<vmem>>, vector<16xf32>,
      tpu.vector_store %arg15[%swap3A_964], %mul3A_963 {strides = array<i32>} : memref<640xf32, #tpu.memory_space<vmem>>, vector<16xf32>,
      %get3A_966 = arith.index_cast %add3A_803 : i32 to index
      %get3A_967 = tpu.vector_load %arg14[%get3A_966] {strides = array<i32>} : memref<640xf32, #tpu.memory_space<vmem>>, vector<16xf32>,
      %swap3A_968 = arith.index_cast %add3A_803 : i32 to index
      %swap3A_969 = tpu.vector_load %arg16[%swap3A_968] {strides = array<i32>} : memref<640xf32, #tpu.memory_space<vmem>>, vector<16xf32>,
      tpu.vector_store %arg16[%swap3A_968], %get3A_967 {strides = array<i32>} : memref<640xf32, #tpu.memory_space<vmem>>, vector<16xf32>,
      %mul3A_970 = arith.mulf %mul3A_963, %get3A_967 : vector<16xf32>
      %swap3A_971 = arith.index_cast %scan3A_279 : i32 to index
      %swap3A_972 = arith.constant 48 : index
      %swap3A_973 = tpu.vector_load %arg20[%swap3A_971, %swap3A_972] {strides = array<i32>} : memref<5x128xf32, #tpu.memory_space<vmem>>, vector<16xf32>,
      tpu.vector_store %arg20[%swap3A_971, %swap3A_972], %mul3A_970 {strides = array<i32>} : memref<5x128xf32, #tpu.memory_space<vmem>>, vector<16xf32>,
      %mul3A_974 = arith.constant 128 : i32
      %mul3A_975 = arith.muli %scan3A_279, %mul3A_974 : i32
      %add3A_976 = arith.constant 64 : i32
      %add3A_977 = arith.addi %mul3A_975, %add3A_976 : i32
      %get3A_978 = arith.index_cast %add3A_977 : i32 to index
      %get3A_979 = tpu.vector_load %arg17[%get3A_978] {strides = array<i32>} : memref<640xf32, #tpu.memory_space<vmem>>, vector<16xf32>,
      %max3A_980 = arith.constant 1.000000e+00 : f32
      %max3A_981 = vector.broadcast %max3A_980 : f32 to vector<16xf32>
      %max3A_982 = arith.maximumf %get3A_979, %max3A_981 : vector<16xf32>
      %broadcast_in_dim3A_983 = arith.constant 1.000000e+00 : f32
      %broadcast_in_dim3A_984 = vector.broadcast %broadcast_in_dim3A_983 : f32 to vector<16xf32>
      %mul3A_985 = arith.mulf %max3A_982, %broadcast_in_dim3A_984 : vector<16xf32>
      %mul3A_986 = arith.mulf %mul3A_985, %broadcast_in_dim3A_984 : vector<16xf32>
      %gt3A_987 = arith.constant 1.200000e+00 : f32
      %gt3A_988 = vector.broadcast %gt3A_987 : f32 to vector<16xf32>
      %gt3A_989 = arith.cmpf ogt, %mul3A_986, %gt3A_988 : vector<16xf32>
      %mul3A_990 = arith.constant 5.000000e-01 : f32
      %mul3A_991 = vector.broadcast %mul3A_990 : f32 to vector<16xf32>
      %mul3A_992 = arith.mulf %mul3A_991, %broadcast_in_dim3A_984 : vector<16xf32>
      %select_n3A_993 = arith.select %gt3A_989, %mul3A_992, %broadcast_in_dim3A_984 : vector<16xi1>, vector<16xf32>
      %mul3A_994 = arith.mulf %max3A_982, %select_n3A_993 : vector<16xf32>
      %mul3A_995 = arith.mulf %mul3A_994, %select_n3A_993 : vector<16xf32>
      %gt3A_996 = arith.constant 1.200000e+00 : f32
      %gt3A_997 = vector.broadcast %gt3A_996 : f32 to vector<16xf32>
      %gt3A_998 = arith.cmpf ogt, %mul3A_995, %gt3A_997 : vector<16xf32>
      %mul3A_999 = arith.constant 5.000000e-01 : f32
      %mul3A_1000 = vector.broadcast %mul3A_999 : f32 to vector<16xf32>
      %mul3A_1001 = arith.mulf %mul3A_1000, %select_n3A_993 : vector<16xf32>
      %select_n3A_1002 = arith.select %gt3A_998, %mul3A_1001, %select_n3A_993 : vector<16xi1>, vector<16xf32>
      %mul3A_1003 = arith.mulf %max3A_982, %select_n3A_1002 : vector<16xf32>
      %mul3A_1004 = arith.mulf %mul3A_1003, %select_n3A_1002 : vector<16xf32>
      %gt3A_1005 = arith.constant 1.200000e+00 : f32
      %gt3A_1006 = vector.broadcast %gt3A_1005 : f32 to vector<16xf32>
      %gt3A_1007 = arith.cmpf ogt, %mul3A_1004, %gt3A_1006 : vector<16xf32>
      %mul3A_1008 = arith.constant 5.000000e-01 : f32
      %mul3A_1009 = vector.broadcast %mul3A_1008 : f32 to vector<16xf32>
      %mul3A_1010 = arith.mulf %mul3A_1009, %select_n3A_1002 : vector<16xf32>
      %select_n3A_1011 = arith.select %gt3A_1007, %mul3A_1010, %select_n3A_1002 : vector<16xi1>, vector<16xf32>
      %mul3A_1012 = arith.mulf %max3A_982, %select_n3A_1011 : vector<16xf32>
      %mul3A_1013 = arith.mulf %mul3A_1012, %select_n3A_1011 : vector<16xf32>
      %gt3A_1014 = arith.constant 1.200000e+00 : f32
      %gt3A_1015 = vector.broadcast %gt3A_1014 : f32 to vector<16xf32>
      %gt3A_1016 = arith.cmpf ogt, %mul3A_1013, %gt3A_1015 : vector<16xf32>
      %mul3A_1017 = arith.constant 5.000000e-01 : f32
      %mul3A_1018 = vector.broadcast %mul3A_1017 : f32 to vector<16xf32>
      %mul3A_1019 = arith.mulf %mul3A_1018, %select_n3A_1011 : vector<16xf32>
      %select_n3A_1020 = arith.select %gt3A_1016, %mul3A_1019, %select_n3A_1011 : vector<16xi1>, vector<16xf32>
      %mul3A_1021 = arith.mulf %max3A_982, %select_n3A_1020 : vector<16xf32>
      %mul3A_1022 = arith.mulf %mul3A_1021, %select_n3A_1020 : vector<16xf32>
      %gt3A_1023 = arith.constant 1.200000e+00 : f32
      %gt3A_1024 = vector.broadcast %gt3A_1023 : f32 to vector<16xf32>
      %gt3A_1025 = arith.cmpf ogt, %mul3A_1022, %gt3A_1024 : vector<16xf32>
      %mul3A_1026 = arith.constant 5.000000e-01 : f32
      %mul3A_1027 = vector.broadcast %mul3A_1026 : f32 to vector<16xf32>
      %mul3A_1028 = arith.mulf %mul3A_1027, %select_n3A_1020 : vector<16xf32>
      %select_n3A_1029 = arith.select %gt3A_1025, %mul3A_1028, %select_n3A_1020 : vector<16xi1>, vector<16xf32>
      %mul3A_1030 = arith.mulf %max3A_982, %select_n3A_1029 : vector<16xf32>
      %mul3A_1031 = arith.mulf %mul3A_1030, %select_n3A_1029 : vector<16xf32>
      %gt3A_1032 = arith.constant 1.200000e+00 : f32
      %gt3A_1033 = vector.broadcast %gt3A_1032 : f32 to vector<16xf32>
      %gt3A_1034 = arith.cmpf ogt, %mul3A_1031, %gt3A_1033 : vector<16xf32>
      %mul3A_1035 = arith.constant 5.000000e-01 : f32
      %mul3A_1036 = vector.broadcast %mul3A_1035 : f32 to vector<16xf32>
      %mul3A_1037 = arith.mulf %mul3A_1036, %select_n3A_1029 : vector<16xf32>
      %select_n3A_1038 = arith.select %gt3A_1034, %mul3A_1037, %select_n3A_1029 : vector<16xi1>, vector<16xf32>
      %mul3A_1039 = arith.mulf %max3A_982, %select_n3A_1038 : vector<16xf32>
      %mul3A_1040 = arith.mulf %mul3A_1039, %select_n3A_1038 : vector<16xf32>
      %gt3A_1041 = arith.constant 1.200000e+00 : f32
      %gt3A_1042 = vector.broadcast %gt3A_1041 : f32 to vector<16xf32>
      %gt3A_1043 = arith.cmpf ogt, %mul3A_1040, %gt3A_1042 : vector<16xf32>
      %mul3A_1044 = arith.constant 5.000000e-01 : f32
      %mul3A_1045 = vector.broadcast %mul3A_1044 : f32 to vector<16xf32>
      %mul3A_1046 = arith.mulf %mul3A_1045, %select_n3A_1038 : vector<16xf32>
      %select_n3A_1047 = arith.select %gt3A_1043, %mul3A_1046, %select_n3A_1038 : vector<16xi1>, vector<16xf32>
      %mul3A_1048 = arith.mulf %max3A_982, %select_n3A_1047 : vector<16xf32>
      %mul3A_1049 = arith.mulf %mul3A_1048, %select_n3A_1047 : vector<16xf32>
      %gt3A_1050 = arith.constant 1.200000e+00 : f32
      %gt3A_1051 = vector.broadcast %gt3A_1050 : f32 to vector<16xf32>
      %gt3A_1052 = arith.cmpf ogt, %mul3A_1049, %gt3A_1051 : vector<16xf32>
      %mul3A_1053 = arith.constant 5.000000e-01 : f32
      %mul3A_1054 = vector.broadcast %mul3A_1053 : f32 to vector<16xf32>
      %mul3A_1055 = arith.mulf %mul3A_1054, %select_n3A_1047 : vector<16xf32>
      %select_n3A_1056 = arith.select %gt3A_1052, %mul3A_1055, %select_n3A_1047 : vector<16xi1>, vector<16xf32>
      %mul3A_1057 = arith.mulf %max3A_982, %select_n3A_1056 : vector<16xf32>
      %mul3A_1058 = arith.mulf %mul3A_1057, %select_n3A_1056 : vector<16xf32>
      %gt3A_1059 = arith.constant 1.200000e+00 : f32
      %gt3A_1060 = vector.broadcast %gt3A_1059 : f32 to vector<16xf32>
      %gt3A_1061 = arith.cmpf ogt, %mul3A_1058, %gt3A_1060 : vector<16xf32>
      %mul3A_1062 = arith.constant 5.000000e-01 : f32
      %mul3A_1063 = vector.broadcast %mul3A_1062 : f32 to vector<16xf32>
      %mul3A_1064 = arith.mulf %mul3A_1063, %select_n3A_1056 : vector<16xf32>
      %select_n3A_1065 = arith.select %gt3A_1061, %mul3A_1064, %select_n3A_1056 : vector<16xi1>, vector<16xf32>
      %mul3A_1066 = arith.mulf %max3A_982, %select_n3A_1065 : vector<16xf32>
      %mul3A_1067 = arith.mulf %mul3A_1066, %select_n3A_1065 : vector<16xf32>
      %gt3A_1068 = arith.constant 1.200000e+00 : f32
      %gt3A_1069 = vector.broadcast %gt3A_1068 : f32 to vector<16xf32>
      %gt3A_1070 = arith.cmpf ogt, %mul3A_1067, %gt3A_1069 : vector<16xf32>
      %mul3A_1071 = arith.constant 5.000000e-01 : f32
      %mul3A_1072 = vector.broadcast %mul3A_1071 : f32 to vector<16xf32>
      %mul3A_1073 = arith.mulf %mul3A_1072, %select_n3A_1065 : vector<16xf32>
      %select_n3A_1074 = arith.select %gt3A_1070, %mul3A_1073, %select_n3A_1065 : vector<16xi1>, vector<16xf32>
      %mul3A_1075 = arith.constant 5.000000e-01 : f32
      %mul3A_1076 = vector.broadcast %mul3A_1075 : f32 to vector<16xf32>
      %mul3A_1077 = arith.mulf %mul3A_1076, %max3A_982 : vector<16xf32>
      %mul3A_1078 = arith.mulf %mul3A_1077, %select_n3A_1074 : vector<16xf32>
      %mul3A_1079 = arith.mulf %mul3A_1078, %select_n3A_1074 : vector<16xf32>
      %sub3A_1080 = arith.constant 1.500000e+00 : f32
      %sub3A_1081 = vector.broadcast %sub3A_1080 : f32 to vector<16xf32>
      %sub3A_1082 = arith.subf %sub3A_1081, %mul3A_1079 : vector<16xf32>
      %mul3A_1083 = arith.mulf %select_n3A_1074, %sub3A_1082 : vector<16xf32>
      %mul3A_1084 = arith.constant 5.000000e-01 : f32
      %mul3A_1085 = vector.broadcast %mul3A_1084 : f32 to vector<16xf32>
      %mul3A_1086 = arith.mulf %mul3A_1085, %max3A_982 : vector<16xf32>
      %mul3A_1087 = arith.mulf %mul3A_1086, %mul3A_1083 : vector<16xf32>
      %mul3A_1088 = arith.mulf %mul3A_1087, %mul3A_1083 : vector<16xf32>
      %sub3A_1089 = arith.constant 1.500000e+00 : f32
      %sub3A_1090 = vector.broadcast %sub3A_1089 : f32 to vector<16xf32>
      %sub3A_1091 = arith.subf %sub3A_1090, %mul3A_1088 : vector<16xf32>
      %mul3A_1092 = arith.mulf %mul3A_1083, %sub3A_1091 : vector<16xf32>
      %mul3A_1093 = arith.constant 5.000000e-01 : f32
      %mul3A_1094 = vector.broadcast %mul3A_1093 : f32 to vector<16xf32>
      %mul3A_1095 = arith.mulf %mul3A_1094, %max3A_982 : vector<16xf32>
      %mul3A_1096 = arith.mulf %mul3A_1095, %mul3A_1092 : vector<16xf32>
      %mul3A_1097 = arith.mulf %mul3A_1096, %mul3A_1092 : vector<16xf32>
      %sub3A_1098 = arith.constant 1.500000e+00 : f32
      %sub3A_1099 = vector.broadcast %sub3A_1098 : f32 to vector<16xf32>
      %sub3A_1100 = arith.subf %sub3A_1099, %mul3A_1097 : vector<16xf32>
      %mul3A_1101 = arith.mulf %mul3A_1092, %sub3A_1100 : vector<16xf32>
      %mul3A_1102 = arith.constant 5.000000e-01 : f32
      %mul3A_1103 = vector.broadcast %mul3A_1102 : f32 to vector<16xf32>
      %mul3A_1104 = arith.mulf %mul3A_1103, %max3A_982 : vector<16xf32>
      %mul3A_1105 = arith.mulf %mul3A_1104, %mul3A_1101 : vector<16xf32>
      %mul3A_1106 = arith.mulf %mul3A_1105, %mul3A_1101 : vector<16xf32>
      %sub3A_1107 = arith.constant 1.500000e+00 : f32
      %sub3A_1108 = vector.broadcast %sub3A_1107 : f32 to vector<16xf32>
      %sub3A_1109 = arith.subf %sub3A_1108, %mul3A_1106 : vector<16xf32>
      %mul3A_1110 = arith.mulf %mul3A_1101, %sub3A_1109 : vector<16xf32>
      %mul3A_1111 = arith.constant 5.000000e-01 : f32
      %mul3A_1112 = vector.broadcast %mul3A_1111 : f32 to vector<16xf32>
      %mul3A_1113 = arith.mulf %mul3A_1112, %max3A_982 : vector<16xf32>
      %mul3A_1114 = arith.mulf %mul3A_1113, %mul3A_1110 : vector<16xf32>
      %mul3A_1115 = arith.mulf %mul3A_1114, %mul3A_1110 : vector<16xf32>
      %sub3A_1116 = arith.constant 1.500000e+00 : f32
      %sub3A_1117 = vector.broadcast %sub3A_1116 : f32 to vector<16xf32>
      %sub3A_1118 = arith.subf %sub3A_1117, %mul3A_1115 : vector<16xf32>
      %mul3A_1119 = arith.mulf %mul3A_1110, %sub3A_1118 : vector<16xf32>
      %mul3A_1120 = arith.constant 5.000000e-01 : f32
      %mul3A_1121 = vector.broadcast %mul3A_1120 : f32 to vector<16xf32>
      %mul3A_1122 = arith.mulf %mul3A_1121, %max3A_982 : vector<16xf32>
      %mul3A_1123 = arith.mulf %mul3A_1122, %mul3A_1119 : vector<16xf32>
      %mul3A_1124 = arith.mulf %mul3A_1123, %mul3A_1119 : vector<16xf32>
      %sub3A_1125 = arith.constant 1.500000e+00 : f32
      %sub3A_1126 = vector.broadcast %sub3A_1125 : f32 to vector<16xf32>
      %sub3A_1127 = arith.subf %sub3A_1126, %mul3A_1124 : vector<16xf32>
      %mul3A_1128 = arith.mulf %mul3A_1119, %sub3A_1127 : vector<16xf32>
      %mul3A_1129 = arith.constant 5.000000e-01 : f32
      %mul3A_1130 = vector.broadcast %mul3A_1129 : f32 to vector<16xf32>
      %mul3A_1131 = arith.mulf %mul3A_1130, %max3A_982 : vector<16xf32>
      %mul3A_1132 = arith.mulf %mul3A_1131, %mul3A_1128 : vector<16xf32>
      %mul3A_1133 = arith.mulf %mul3A_1132, %mul3A_1128 : vector<16xf32>
      %sub3A_1134 = arith.constant 1.500000e+00 : f32
      %sub3A_1135 = vector.broadcast %sub3A_1134 : f32 to vector<16xf32>
      %sub3A_1136 = arith.subf %sub3A_1135, %mul3A_1133 : vector<16xf32>
      %mul3A_1137 = arith.mulf %mul3A_1128, %sub3A_1136 : vector<16xf32>
      %swap3A_1138 = arith.index_cast %add3A_977 : i32 to index
      %swap3A_1139 = tpu.vector_load %arg15[%swap3A_1138] {strides = array<i32>} : memref<640xf32, #tpu.memory_space<vmem>>, vector<16xf32>,
      tpu.vector_store %arg15[%swap3A_1138], %mul3A_1137 {strides = array<i32>} : memref<640xf32, #tpu.memory_space<vmem>>, vector<16xf32>,
      %get3A_1140 = arith.index_cast %add3A_977 : i32 to index
      %get3A_1141 = tpu.vector_load %arg14[%get3A_1140] {strides = array<i32>} : memref<640xf32, #tpu.memory_space<vmem>>, vector<16xf32>,
      %swap3A_1142 = arith.index_cast %add3A_977 : i32 to index
      %swap3A_1143 = tpu.vector_load %arg16[%swap3A_1142] {strides = array<i32>} : memref<640xf32, #tpu.memory_space<vmem>>, vector<16xf32>,
      tpu.vector_store %arg16[%swap3A_1142], %get3A_1141 {strides = array<i32>} : memref<640xf32, #tpu.memory_space<vmem>>, vector<16xf32>,
      %mul3A_1144 = arith.mulf %mul3A_1137, %get3A_1141 : vector<16xf32>
      %swap3A_1145 = arith.index_cast %scan3A_279 : i32 to index
      %swap3A_1146 = arith.constant 64 : index
      %swap3A_1147 = tpu.vector_load %arg20[%swap3A_1145, %swap3A_1146] {strides = array<i32>} : memref<5x128xf32, #tpu.memory_space<vmem>>, vector<16xf32>,
      tpu.vector_store %arg20[%swap3A_1145, %swap3A_1146], %mul3A_1144 {strides = array<i32>} : memref<5x128xf32, #tpu.memory_space<vmem>>, vector<16xf32>,
      %mul3A_1148 = arith.constant 128 : i32
      %mul3A_1149 = arith.muli %scan3A_279, %mul3A_1148 : i32
      %add3A_1150 = arith.constant 80 : i32
      %add3A_1151 = arith.addi %mul3A_1149, %add3A_1150 : i32
      %get3A_1152 = arith.index_cast %add3A_1151 : i32 to index
      %get3A_1153 = tpu.vector_load %arg17[%get3A_1152] {strides = array<i32>} : memref<640xf32, #tpu.memory_space<vmem>>, vector<16xf32>,
      %max3A_1154 = arith.constant 1.000000e+00 : f32
      %max3A_1155 = vector.broadcast %max3A_1154 : f32 to vector<16xf32>
      %max3A_1156 = arith.maximumf %get3A_1153, %max3A_1155 : vector<16xf32>
      %broadcast_in_dim3A_1157 = arith.constant 1.000000e+00 : f32
      %broadcast_in_dim3A_1158 = vector.broadcast %broadcast_in_dim3A_1157 : f32 to vector<16xf32>
      %mul3A_1159 = arith.mulf %max3A_1156, %broadcast_in_dim3A_1158 : vector<16xf32>
      %mul3A_1160 = arith.mulf %mul3A_1159, %broadcast_in_dim3A_1158 : vector<16xf32>
      %gt3A_1161 = arith.constant 1.200000e+00 : f32
      %gt3A_1162 = vector.broadcast %gt3A_1161 : f32 to vector<16xf32>
      %gt3A_1163 = arith.cmpf ogt, %mul3A_1160, %gt3A_1162 : vector<16xf32>
      %mul3A_1164 = arith.constant 5.000000e-01 : f32
      %mul3A_1165 = vector.broadcast %mul3A_1164 : f32 to vector<16xf32>
      %mul3A_1166 = arith.mulf %mul3A_1165, %broadcast_in_dim3A_1158 : vector<16xf32>
      %select_n3A_1167 = arith.select %gt3A_1163, %mul3A_1166, %broadcast_in_dim3A_1158 : vector<16xi1>, vector<16xf32>
      %mul3A_1168 = arith.mulf %max3A_1156, %select_n3A_1167 : vector<16xf32>
      %mul3A_1169 = arith.mulf %mul3A_1168, %select_n3A_1167 : vector<16xf32>
      %gt3A_1170 = arith.constant 1.200000e+00 : f32
      %gt3A_1171 = vector.broadcast %gt3A_1170 : f32 to vector<16xf32>
      %gt3A_1172 = arith.cmpf ogt, %mul3A_1169, %gt3A_1171 : vector<16xf32>
      %mul3A_1173 = arith.constant 5.000000e-01 : f32
      %mul3A_1174 = vector.broadcast %mul3A_1173 : f32 to vector<16xf32>
      %mul3A_1175 = arith.mulf %mul3A_1174, %select_n3A_1167 : vector<16xf32>
      %select_n3A_1176 = arith.select %gt3A_1172, %mul3A_1175, %select_n3A_1167 : vector<16xi1>, vector<16xf32>
      %mul3A_1177 = arith.mulf %max3A_1156, %select_n3A_1176 : vector<16xf32>
      %mul3A_1178 = arith.mulf %mul3A_1177, %select_n3A_1176 : vector<16xf32>
      %gt3A_1179 = arith.constant 1.200000e+00 : f32
      %gt3A_1180 = vector.broadcast %gt3A_1179 : f32 to vector<16xf32>
      %gt3A_1181 = arith.cmpf ogt, %mul3A_1178, %gt3A_1180 : vector<16xf32>
      %mul3A_1182 = arith.constant 5.000000e-01 : f32
      %mul3A_1183 = vector.broadcast %mul3A_1182 : f32 to vector<16xf32>
      %mul3A_1184 = arith.mulf %mul3A_1183, %select_n3A_1176 : vector<16xf32>
      %select_n3A_1185 = arith.select %gt3A_1181, %mul3A_1184, %select_n3A_1176 : vector<16xi1>, vector<16xf32>
      %mul3A_1186 = arith.mulf %max3A_1156, %select_n3A_1185 : vector<16xf32>
      %mul3A_1187 = arith.mulf %mul3A_1186, %select_n3A_1185 : vector<16xf32>
      %gt3A_1188 = arith.constant 1.200000e+00 : f32
      %gt3A_1189 = vector.broadcast %gt3A_1188 : f32 to vector<16xf32>
      %gt3A_1190 = arith.cmpf ogt, %mul3A_1187, %gt3A_1189 : vector<16xf32>
      %mul3A_1191 = arith.constant 5.000000e-01 : f32
      %mul3A_1192 = vector.broadcast %mul3A_1191 : f32 to vector<16xf32>
      %mul3A_1193 = arith.mulf %mul3A_1192, %select_n3A_1185 : vector<16xf32>
      %select_n3A_1194 = arith.select %gt3A_1190, %mul3A_1193, %select_n3A_1185 : vector<16xi1>, vector<16xf32>
      %mul3A_1195 = arith.mulf %max3A_1156, %select_n3A_1194 : vector<16xf32>
      %mul3A_1196 = arith.mulf %mul3A_1195, %select_n3A_1194 : vector<16xf32>
      %gt3A_1197 = arith.constant 1.200000e+00 : f32
      %gt3A_1198 = vector.broadcast %gt3A_1197 : f32 to vector<16xf32>
      %gt3A_1199 = arith.cmpf ogt, %mul3A_1196, %gt3A_1198 : vector<16xf32>
      %mul3A_1200 = arith.constant 5.000000e-01 : f32
      %mul3A_1201 = vector.broadcast %mul3A_1200 : f32 to vector<16xf32>
      %mul3A_1202 = arith.mulf %mul3A_1201, %select_n3A_1194 : vector<16xf32>
      %select_n3A_1203 = arith.select %gt3A_1199, %mul3A_1202, %select_n3A_1194 : vector<16xi1>, vector<16xf32>
      %mul3A_1204 = arith.mulf %max3A_1156, %select_n3A_1203 : vector<16xf32>
      %mul3A_1205 = arith.mulf %mul3A_1204, %select_n3A_1203 : vector<16xf32>
      %gt3A_1206 = arith.constant 1.200000e+00 : f32
      %gt3A_1207 = vector.broadcast %gt3A_1206 : f32 to vector<16xf32>
      %gt3A_1208 = arith.cmpf ogt, %mul3A_1205, %gt3A_1207 : vector<16xf32>
      %mul3A_1209 = arith.constant 5.000000e-01 : f32
      %mul3A_1210 = vector.broadcast %mul3A_1209 : f32 to vector<16xf32>
      %mul3A_1211 = arith.mulf %mul3A_1210, %select_n3A_1203 : vector<16xf32>
      %select_n3A_1212 = arith.select %gt3A_1208, %mul3A_1211, %select_n3A_1203 : vector<16xi1>, vector<16xf32>
      %mul3A_1213 = arith.mulf %max3A_1156, %select_n3A_1212 : vector<16xf32>
      %mul3A_1214 = arith.mulf %mul3A_1213, %select_n3A_1212 : vector<16xf32>
      %gt3A_1215 = arith.constant 1.200000e+00 : f32
      %gt3A_1216 = vector.broadcast %gt3A_1215 : f32 to vector<16xf32>
      %gt3A_1217 = arith.cmpf ogt, %mul3A_1214, %gt3A_1216 : vector<16xf32>
      %mul3A_1218 = arith.constant 5.000000e-01 : f32
      %mul3A_1219 = vector.broadcast %mul3A_1218 : f32 to vector<16xf32>
      %mul3A_1220 = arith.mulf %mul3A_1219, %select_n3A_1212 : vector<16xf32>
      %select_n3A_1221 = arith.select %gt3A_1217, %mul3A_1220, %select_n3A_1212 : vector<16xi1>, vector<16xf32>
      %mul3A_1222 = arith.mulf %max3A_1156, %select_n3A_1221 : vector<16xf32>
      %mul3A_1223 = arith.mulf %mul3A_1222, %select_n3A_1221 : vector<16xf32>
      %gt3A_1224 = arith.constant 1.200000e+00 : f32
      %gt3A_1225 = vector.broadcast %gt3A_1224 : f32 to vector<16xf32>
      %gt3A_1226 = arith.cmpf ogt, %mul3A_1223, %gt3A_1225 : vector<16xf32>
      %mul3A_1227 = arith.constant 5.000000e-01 : f32
      %mul3A_1228 = vector.broadcast %mul3A_1227 : f32 to vector<16xf32>
      %mul3A_1229 = arith.mulf %mul3A_1228, %select_n3A_1221 : vector<16xf32>
      %select_n3A_1230 = arith.select %gt3A_1226, %mul3A_1229, %select_n3A_1221 : vector<16xi1>, vector<16xf32>
      %mul3A_1231 = arith.mulf %max3A_1156, %select_n3A_1230 : vector<16xf32>
      %mul3A_1232 = arith.mulf %mul3A_1231, %select_n3A_1230 : vector<16xf32>
      %gt3A_1233 = arith.constant 1.200000e+00 : f32
      %gt3A_1234 = vector.broadcast %gt3A_1233 : f32 to vector<16xf32>
      %gt3A_1235 = arith.cmpf ogt, %mul3A_1232, %gt3A_1234 : vector<16xf32>
      %mul3A_1236 = arith.constant 5.000000e-01 : f32
      %mul3A_1237 = vector.broadcast %mul3A_1236 : f32 to vector<16xf32>
      %mul3A_1238 = arith.mulf %mul3A_1237, %select_n3A_1230 : vector<16xf32>
      %select_n3A_1239 = arith.select %gt3A_1235, %mul3A_1238, %select_n3A_1230 : vector<16xi1>, vector<16xf32>
      %mul3A_1240 = arith.mulf %max3A_1156, %select_n3A_1239 : vector<16xf32>
      %mul3A_1241 = arith.mulf %mul3A_1240, %select_n3A_1239 : vector<16xf32>
      %gt3A_1242 = arith.constant 1.200000e+00 : f32
      %gt3A_1243 = vector.broadcast %gt3A_1242 : f32 to vector<16xf32>
      %gt3A_1244 = arith.cmpf ogt, %mul3A_1241, %gt3A_1243 : vector<16xf32>
      %mul3A_1245 = arith.constant 5.000000e-01 : f32
      %mul3A_1246 = vector.broadcast %mul3A_1245 : f32 to vector<16xf32>
      %mul3A_1247 = arith.mulf %mul3A_1246, %select_n3A_1239 : vector<16xf32>
      %select_n3A_1248 = arith.select %gt3A_1244, %mul3A_1247, %select_n3A_1239 : vector<16xi1>, vector<16xf32>
      %mul3A_1249 = arith.constant 5.000000e-01 : f32
      %mul3A_1250 = vector.broadcast %mul3A_1249 : f32 to vector<16xf32>
      %mul3A_1251 = arith.mulf %mul3A_1250, %max3A_1156 : vector<16xf32>
      %mul3A_1252 = arith.mulf %mul3A_1251, %select_n3A_1248 : vector<16xf32>
      %mul3A_1253 = arith.mulf %mul3A_1252, %select_n3A_1248 : vector<16xf32>
      %sub3A_1254 = arith.constant 1.500000e+00 : f32
      %sub3A_1255 = vector.broadcast %sub3A_1254 : f32 to vector<16xf32>
      %sub3A_1256 = arith.subf %sub3A_1255, %mul3A_1253 : vector<16xf32>
      %mul3A_1257 = arith.mulf %select_n3A_1248, %sub3A_1256 : vector<16xf32>
      %mul3A_1258 = arith.constant 5.000000e-01 : f32
      %mul3A_1259 = vector.broadcast %mul3A_1258 : f32 to vector<16xf32>
      %mul3A_1260 = arith.mulf %mul3A_1259, %max3A_1156 : vector<16xf32>
      %mul3A_1261 = arith.mulf %mul3A_1260, %mul3A_1257 : vector<16xf32>
      %mul3A_1262 = arith.mulf %mul3A_1261, %mul3A_1257 : vector<16xf32>
      %sub3A_1263 = arith.constant 1.500000e+00 : f32
      %sub3A_1264 = vector.broadcast %sub3A_1263 : f32 to vector<16xf32>
      %sub3A_1265 = arith.subf %sub3A_1264, %mul3A_1262 : vector<16xf32>
      %mul3A_1266 = arith.mulf %mul3A_1257, %sub3A_1265 : vector<16xf32>
      %mul3A_1267 = arith.constant 5.000000e-01 : f32
      %mul3A_1268 = vector.broadcast %mul3A_1267 : f32 to vector<16xf32>
      %mul3A_1269 = arith.mulf %mul3A_1268, %max3A_1156 : vector<16xf32>
      %mul3A_1270 = arith.mulf %mul3A_1269, %mul3A_1266 : vector<16xf32>
      %mul3A_1271 = arith.mulf %mul3A_1270, %mul3A_1266 : vector<16xf32>
      %sub3A_1272 = arith.constant 1.500000e+00 : f32
      %sub3A_1273 = vector.broadcast %sub3A_1272 : f32 to vector<16xf32>
      %sub3A_1274 = arith.subf %sub3A_1273, %mul3A_1271 : vector<16xf32>
      %mul3A_1275 = arith.mulf %mul3A_1266, %sub3A_1274 : vector<16xf32>
      %mul3A_1276 = arith.constant 5.000000e-01 : f32
      %mul3A_1277 = vector.broadcast %mul3A_1276 : f32 to vector<16xf32>
      %mul3A_1278 = arith.mulf %mul3A_1277, %max3A_1156 : vector<16xf32>
      %mul3A_1279 = arith.mulf %mul3A_1278, %mul3A_1275 : vector<16xf32>
      %mul3A_1280 = arith.mulf %mul3A_1279, %mul3A_1275 : vector<16xf32>
      %sub3A_1281 = arith.constant 1.500000e+00 : f32
      %sub3A_1282 = vector.broadcast %sub3A_1281 : f32 to vector<16xf32>
      %sub3A_1283 = arith.subf %sub3A_1282, %mul3A_1280 : vector<16xf32>
      %mul3A_1284 = arith.mulf %mul3A_1275, %sub3A_1283 : vector<16xf32>
      %mul3A_1285 = arith.constant 5.000000e-01 : f32
      %mul3A_1286 = vector.broadcast %mul3A_1285 : f32 to vector<16xf32>
      %mul3A_1287 = arith.mulf %mul3A_1286, %max3A_1156 : vector<16xf32>
      %mul3A_1288 = arith.mulf %mul3A_1287, %mul3A_1284 : vector<16xf32>
      %mul3A_1289 = arith.mulf %mul3A_1288, %mul3A_1284 : vector<16xf32>
      %sub3A_1290 = arith.constant 1.500000e+00 : f32
      %sub3A_1291 = vector.broadcast %sub3A_1290 : f32 to vector<16xf32>
      %sub3A_1292 = arith.subf %sub3A_1291, %mul3A_1289 : vector<16xf32>
      %mul3A_1293 = arith.mulf %mul3A_1284, %sub3A_1292 : vector<16xf32>
      %mul3A_1294 = arith.constant 5.000000e-01 : f32
      %mul3A_1295 = vector.broadcast %mul3A_1294 : f32 to vector<16xf32>
      %mul3A_1296 = arith.mulf %mul3A_1295, %max3A_1156 : vector<16xf32>
      %mul3A_1297 = arith.mulf %mul3A_1296, %mul3A_1293 : vector<16xf32>
      %mul3A_1298 = arith.mulf %mul3A_1297, %mul3A_1293 : vector<16xf32>
      %sub3A_1299 = arith.constant 1.500000e+00 : f32
      %sub3A_1300 = vector.broadcast %sub3A_1299 : f32 to vector<16xf32>
      %sub3A_1301 = arith.subf %sub3A_1300, %mul3A_1298 : vector<16xf32>
      %mul3A_1302 = arith.mulf %mul3A_1293, %sub3A_1301 : vector<16xf32>
      %mul3A_1303 = arith.constant 5.000000e-01 : f32
      %mul3A_1304 = vector.broadcast %mul3A_1303 : f32 to vector<16xf32>
      %mul3A_1305 = arith.mulf %mul3A_1304, %max3A_1156 : vector<16xf32>
      %mul3A_1306 = arith.mulf %mul3A_1305, %mul3A_1302 : vector<16xf32>
      %mul3A_1307 = arith.mulf %mul3A_1306, %mul3A_1302 : vector<16xf32>
      %sub3A_1308 = arith.constant 1.500000e+00 : f32
      %sub3A_1309 = vector.broadcast %sub3A_1308 : f32 to vector<16xf32>
      %sub3A_1310 = arith.subf %sub3A_1309, %mul3A_1307 : vector<16xf32>
      %mul3A_1311 = arith.mulf %mul3A_1302, %sub3A_1310 : vector<16xf32>
      %swap3A_1312 = arith.index_cast %add3A_1151 : i32 to index
      %swap3A_1313 = tpu.vector_load %arg15[%swap3A_1312] {strides = array<i32>} : memref<640xf32, #tpu.memory_space<vmem>>, vector<16xf32>,
      tpu.vector_store %arg15[%swap3A_1312], %mul3A_1311 {strides = array<i32>} : memref<640xf32, #tpu.memory_space<vmem>>, vector<16xf32>,
      %get3A_1314 = arith.index_cast %add3A_1151 : i32 to index
      %get3A_1315 = tpu.vector_load %arg14[%get3A_1314] {strides = array<i32>} : memref<640xf32, #tpu.memory_space<vmem>>, vector<16xf32>,
      %swap3A_1316 = arith.index_cast %add3A_1151 : i32 to index
      %swap3A_1317 = tpu.vector_load %arg16[%swap3A_1316] {strides = array<i32>} : memref<640xf32, #tpu.memory_space<vmem>>, vector<16xf32>,
      tpu.vector_store %arg16[%swap3A_1316], %get3A_1315 {strides = array<i32>} : memref<640xf32, #tpu.memory_space<vmem>>, vector<16xf32>,
      %mul3A_1318 = arith.mulf %mul3A_1311, %get3A_1315 : vector<16xf32>
      %swap3A_1319 = arith.index_cast %scan3A_279 : i32 to index
      %swap3A_1320 = arith.constant 80 : index
      %swap3A_1321 = tpu.vector_load %arg20[%swap3A_1319, %swap3A_1320] {strides = array<i32>} : memref<5x128xf32, #tpu.memory_space<vmem>>, vector<16xf32>,
      tpu.vector_store %arg20[%swap3A_1319, %swap3A_1320], %mul3A_1318 {strides = array<i32>} : memref<5x128xf32, #tpu.memory_space<vmem>>, vector<16xf32>,
      %mul3A_1322 = arith.constant 128 : i32
      %mul3A_1323 = arith.muli %scan3A_279, %mul3A_1322 : i32
      %add3A_1324 = arith.constant 96 : i32
      %add3A_1325 = arith.addi %mul3A_1323, %add3A_1324 : i32
      %get3A_1326 = arith.index_cast %add3A_1325 : i32 to index
      %get3A_1327 = tpu.vector_load %arg17[%get3A_1326] {strides = array<i32>} : memref<640xf32, #tpu.memory_space<vmem>>, vector<16xf32>,
      %max3A_1328 = arith.constant 1.000000e+00 : f32
      %max3A_1329 = vector.broadcast %max3A_1328 : f32 to vector<16xf32>
      %max3A_1330 = arith.maximumf %get3A_1327, %max3A_1329 : vector<16xf32>
      %broadcast_in_dim3A_1331 = arith.constant 1.000000e+00 : f32
      %broadcast_in_dim3A_1332 = vector.broadcast %broadcast_in_dim3A_1331 : f32 to vector<16xf32>
      %mul3A_1333 = arith.mulf %max3A_1330, %broadcast_in_dim3A_1332 : vector<16xf32>
      %mul3A_1334 = arith.mulf %mul3A_1333, %broadcast_in_dim3A_1332 : vector<16xf32>
      %gt3A_1335 = arith.constant 1.200000e+00 : f32
      %gt3A_1336 = vector.broadcast %gt3A_1335 : f32 to vector<16xf32>
      %gt3A_1337 = arith.cmpf ogt, %mul3A_1334, %gt3A_1336 : vector<16xf32>
      %mul3A_1338 = arith.constant 5.000000e-01 : f32
      %mul3A_1339 = vector.broadcast %mul3A_1338 : f32 to vector<16xf32>
      %mul3A_1340 = arith.mulf %mul3A_1339, %broadcast_in_dim3A_1332 : vector<16xf32>
      %select_n3A_1341 = arith.select %gt3A_1337, %mul3A_1340, %broadcast_in_dim3A_1332 : vector<16xi1>, vector<16xf32>
      %mul3A_1342 = arith.mulf %max3A_1330, %select_n3A_1341 : vector<16xf32>
      %mul3A_1343 = arith.mulf %mul3A_1342, %select_n3A_1341 : vector<16xf32>
      %gt3A_1344 = arith.constant 1.200000e+00 : f32
      %gt3A_1345 = vector.broadcast %gt3A_1344 : f32 to vector<16xf32>
      %gt3A_1346 = arith.cmpf ogt, %mul3A_1343, %gt3A_1345 : vector<16xf32>
      %mul3A_1347 = arith.constant 5.000000e-01 : f32
      %mul3A_1348 = vector.broadcast %mul3A_1347 : f32 to vector<16xf32>
      %mul3A_1349 = arith.mulf %mul3A_1348, %select_n3A_1341 : vector<16xf32>
      %select_n3A_1350 = arith.select %gt3A_1346, %mul3A_1349, %select_n3A_1341 : vector<16xi1>, vector<16xf32>
      %mul3A_1351 = arith.mulf %max3A_1330, %select_n3A_1350 : vector<16xf32>
      %mul3A_1352 = arith.mulf %mul3A_1351, %select_n3A_1350 : vector<16xf32>
      %gt3A_1353 = arith.constant 1.200000e+00 : f32
      %gt3A_1354 = vector.broadcast %gt3A_1353 : f32 to vector<16xf32>
      %gt3A_1355 = arith.cmpf ogt, %mul3A_1352, %gt3A_1354 : vector<16xf32>
      %mul3A_1356 = arith.constant 5.000000e-01 : f32
      %mul3A_1357 = vector.broadcast %mul3A_1356 : f32 to vector<16xf32>
      %mul3A_1358 = arith.mulf %mul3A_1357, %select_n3A_1350 : vector<16xf32>
      %select_n3A_1359 = arith.select %gt3A_1355, %mul3A_1358, %select_n3A_1350 : vector<16xi1>, vector<16xf32>
      %mul3A_1360 = arith.mulf %max3A_1330, %select_n3A_1359 : vector<16xf32>
      %mul3A_1361 = arith.mulf %mul3A_1360, %select_n3A_1359 : vector<16xf32>
      %gt3A_1362 = arith.constant 1.200000e+00 : f32
      %gt3A_1363 = vector.broadcast %gt3A_1362 : f32 to vector<16xf32>
      %gt3A_1364 = arith.cmpf ogt, %mul3A_1361, %gt3A_1363 : vector<16xf32>
      %mul3A_1365 = arith.constant 5.000000e-01 : f32
      %mul3A_1366 = vector.broadcast %mul3A_1365 : f32 to vector<16xf32>
      %mul3A_1367 = arith.mulf %mul3A_1366, %select_n3A_1359 : vector<16xf32>
      %select_n3A_1368 = arith.select %gt3A_1364, %mul3A_1367, %select_n3A_1359 : vector<16xi1>, vector<16xf32>
      %mul3A_1369 = arith.mulf %max3A_1330, %select_n3A_1368 : vector<16xf32>
      %mul3A_1370 = arith.mulf %mul3A_1369, %select_n3A_1368 : vector<16xf32>
      %gt3A_1371 = arith.constant 1.200000e+00 : f32
      %gt3A_1372 = vector.broadcast %gt3A_1371 : f32 to vector<16xf32>
      %gt3A_1373 = arith.cmpf ogt, %mul3A_1370, %gt3A_1372 : vector<16xf32>
      %mul3A_1374 = arith.constant 5.000000e-01 : f32
      %mul3A_1375 = vector.broadcast %mul3A_1374 : f32 to vector<16xf32>
      %mul3A_1376 = arith.mulf %mul3A_1375, %select_n3A_1368 : vector<16xf32>
      %select_n3A_1377 = arith.select %gt3A_1373, %mul3A_1376, %select_n3A_1368 : vector<16xi1>, vector<16xf32>
      %mul3A_1378 = arith.mulf %max3A_1330, %select_n3A_1377 : vector<16xf32>
      %mul3A_1379 = arith.mulf %mul3A_1378, %select_n3A_1377 : vector<16xf32>
      %gt3A_1380 = arith.constant 1.200000e+00 : f32
      %gt3A_1381 = vector.broadcast %gt3A_1380 : f32 to vector<16xf32>
      %gt3A_1382 = arith.cmpf ogt, %mul3A_1379, %gt3A_1381 : vector<16xf32>
      %mul3A_1383 = arith.constant 5.000000e-01 : f32
      %mul3A_1384 = vector.broadcast %mul3A_1383 : f32 to vector<16xf32>
      %mul3A_1385 = arith.mulf %mul3A_1384, %select_n3A_1377 : vector<16xf32>
      %select_n3A_1386 = arith.select %gt3A_1382, %mul3A_1385, %select_n3A_1377 : vector<16xi1>, vector<16xf32>
      %mul3A_1387 = arith.mulf %max3A_1330, %select_n3A_1386 : vector<16xf32>
      %mul3A_1388 = arith.mulf %mul3A_1387, %select_n3A_1386 : vector<16xf32>
      %gt3A_1389 = arith.constant 1.200000e+00 : f32
      %gt3A_1390 = vector.broadcast %gt3A_1389 : f32 to vector<16xf32>
      %gt3A_1391 = arith.cmpf ogt, %mul3A_1388, %gt3A_1390 : vector<16xf32>
      %mul3A_1392 = arith.constant 5.000000e-01 : f32
      %mul3A_1393 = vector.broadcast %mul3A_1392 : f32 to vector<16xf32>
      %mul3A_1394 = arith.mulf %mul3A_1393, %select_n3A_1386 : vector<16xf32>
      %select_n3A_1395 = arith.select %gt3A_1391, %mul3A_1394, %select_n3A_1386 : vector<16xi1>, vector<16xf32>
      %mul3A_1396 = arith.mulf %max3A_1330, %select_n3A_1395 : vector<16xf32>
      %mul3A_1397 = arith.mulf %mul3A_1396, %select_n3A_1395 : vector<16xf32>
      %gt3A_1398 = arith.constant 1.200000e+00 : f32
      %gt3A_1399 = vector.broadcast %gt3A_1398 : f32 to vector<16xf32>
      %gt3A_1400 = arith.cmpf ogt, %mul3A_1397, %gt3A_1399 : vector<16xf32>
      %mul3A_1401 = arith.constant 5.000000e-01 : f32
      %mul3A_1402 = vector.broadcast %mul3A_1401 : f32 to vector<16xf32>
      %mul3A_1403 = arith.mulf %mul3A_1402, %select_n3A_1395 : vector<16xf32>
      %select_n3A_1404 = arith.select %gt3A_1400, %mul3A_1403, %select_n3A_1395 : vector<16xi1>, vector<16xf32>
      %mul3A_1405 = arith.mulf %max3A_1330, %select_n3A_1404 : vector<16xf32>
      %mul3A_1406 = arith.mulf %mul3A_1405, %select_n3A_1404 : vector<16xf32>
      %gt3A_1407 = arith.constant 1.200000e+00 : f32
      %gt3A_1408 = vector.broadcast %gt3A_1407 : f32 to vector<16xf32>
      %gt3A_1409 = arith.cmpf ogt, %mul3A_1406, %gt3A_1408 : vector<16xf32>
      %mul3A_1410 = arith.constant 5.000000e-01 : f32
      %mul3A_1411 = vector.broadcast %mul3A_1410 : f32 to vector<16xf32>
      %mul3A_1412 = arith.mulf %mul3A_1411, %select_n3A_1404 : vector<16xf32>
      %select_n3A_1413 = arith.select %gt3A_1409, %mul3A_1412, %select_n3A_1404 : vector<16xi1>, vector<16xf32>
      %mul3A_1414 = arith.mulf %max3A_1330, %select_n3A_1413 : vector<16xf32>
      %mul3A_1415 = arith.mulf %mul3A_1414, %select_n3A_1413 : vector<16xf32>
      %gt3A_1416 = arith.constant 1.200000e+00 : f32
      %gt3A_1417 = vector.broadcast %gt3A_1416 : f32 to vector<16xf32>
      %gt3A_1418 = arith.cmpf ogt, %mul3A_1415, %gt3A_1417 : vector<16xf32>
      %mul3A_1419 = arith.constant 5.000000e-01 : f32
      %mul3A_1420 = vector.broadcast %mul3A_1419 : f32 to vector<16xf32>
      %mul3A_1421 = arith.mulf %mul3A_1420, %select_n3A_1413 : vector<16xf32>
      %select_n3A_1422 = arith.select %gt3A_1418, %mul3A_1421, %select_n3A_1413 : vector<16xi1>, vector<16xf32>
      %mul3A_1423 = arith.constant 5.000000e-01 : f32
      %mul3A_1424 = vector.broadcast %mul3A_1423 : f32 to vector<16xf32>
      %mul3A_1425 = arith.mulf %mul3A_1424, %max3A_1330 : vector<16xf32>
      %mul3A_1426 = arith.mulf %mul3A_1425, %select_n3A_1422 : vector<16xf32>
      %mul3A_1427 = arith.mulf %mul3A_1426, %select_n3A_1422 : vector<16xf32>
      %sub3A_1428 = arith.constant 1.500000e+00 : f32
      %sub3A_1429 = vector.broadcast %sub3A_1428 : f32 to vector<16xf32>
      %sub3A_1430 = arith.subf %sub3A_1429, %mul3A_1427 : vector<16xf32>
      %mul3A_1431 = arith.mulf %select_n3A_1422, %sub3A_1430 : vector<16xf32>
      %mul3A_1432 = arith.constant 5.000000e-01 : f32
      %mul3A_1433 = vector.broadcast %mul3A_1432 : f32 to vector<16xf32>
      %mul3A_1434 = arith.mulf %mul3A_1433, %max3A_1330 : vector<16xf32>
      %mul3A_1435 = arith.mulf %mul3A_1434, %mul3A_1431 : vector<16xf32>
      %mul3A_1436 = arith.mulf %mul3A_1435, %mul3A_1431 : vector<16xf32>
      %sub3A_1437 = arith.constant 1.500000e+00 : f32
      %sub3A_1438 = vector.broadcast %sub3A_1437 : f32 to vector<16xf32>
      %sub3A_1439 = arith.subf %sub3A_1438, %mul3A_1436 : vector<16xf32>
      %mul3A_1440 = arith.mulf %mul3A_1431, %sub3A_1439 : vector<16xf32>
      %mul3A_1441 = arith.constant 5.000000e-01 : f32
      %mul3A_1442 = vector.broadcast %mul3A_1441 : f32 to vector<16xf32>
      %mul3A_1443 = arith.mulf %mul3A_1442, %max3A_1330 : vector<16xf32>
      %mul3A_1444 = arith.mulf %mul3A_1443, %mul3A_1440 : vector<16xf32>
      %mul3A_1445 = arith.mulf %mul3A_1444, %mul3A_1440 : vector<16xf32>
      %sub3A_1446 = arith.constant 1.500000e+00 : f32
      %sub3A_1447 = vector.broadcast %sub3A_1446 : f32 to vector<16xf32>
      %sub3A_1448 = arith.subf %sub3A_1447, %mul3A_1445 : vector<16xf32>
      %mul3A_1449 = arith.mulf %mul3A_1440, %sub3A_1448 : vector<16xf32>
      %mul3A_1450 = arith.constant 5.000000e-01 : f32
      %mul3A_1451 = vector.broadcast %mul3A_1450 : f32 to vector<16xf32>
      %mul3A_1452 = arith.mulf %mul3A_1451, %max3A_1330 : vector<16xf32>
      %mul3A_1453 = arith.mulf %mul3A_1452, %mul3A_1449 : vector<16xf32>
      %mul3A_1454 = arith.mulf %mul3A_1453, %mul3A_1449 : vector<16xf32>
      %sub3A_1455 = arith.constant 1.500000e+00 : f32
      %sub3A_1456 = vector.broadcast %sub3A_1455 : f32 to vector<16xf32>
      %sub3A_1457 = arith.subf %sub3A_1456, %mul3A_1454 : vector<16xf32>
      %mul3A_1458 = arith.mulf %mul3A_1449, %sub3A_1457 : vector<16xf32>
      %mul3A_1459 = arith.constant 5.000000e-01 : f32
      %mul3A_1460 = vector.broadcast %mul3A_1459 : f32 to vector<16xf32>
      %mul3A_1461 = arith.mulf %mul3A_1460, %max3A_1330 : vector<16xf32>
      %mul3A_1462 = arith.mulf %mul3A_1461, %mul3A_1458 : vector<16xf32>
      %mul3A_1463 = arith.mulf %mul3A_1462, %mul3A_1458 : vector<16xf32>
      %sub3A_1464 = arith.constant 1.500000e+00 : f32
      %sub3A_1465 = vector.broadcast %sub3A_1464 : f32 to vector<16xf32>
      %sub3A_1466 = arith.subf %sub3A_1465, %mul3A_1463 : vector<16xf32>
      %mul3A_1467 = arith.mulf %mul3A_1458, %sub3A_1466 : vector<16xf32>
      %mul3A_1468 = arith.constant 5.000000e-01 : f32
      %mul3A_1469 = vector.broadcast %mul3A_1468 : f32 to vector<16xf32>
      %mul3A_1470 = arith.mulf %mul3A_1469, %max3A_1330 : vector<16xf32>
      %mul3A_1471 = arith.mulf %mul3A_1470, %mul3A_1467 : vector<16xf32>
      %mul3A_1472 = arith.mulf %mul3A_1471, %mul3A_1467 : vector<16xf32>
      %sub3A_1473 = arith.constant 1.500000e+00 : f32
      %sub3A_1474 = vector.broadcast %sub3A_1473 : f32 to vector<16xf32>
      %sub3A_1475 = arith.subf %sub3A_1474, %mul3A_1472 : vector<16xf32>
      %mul3A_1476 = arith.mulf %mul3A_1467, %sub3A_1475 : vector<16xf32>
      %mul3A_1477 = arith.constant 5.000000e-01 : f32
      %mul3A_1478 = vector.broadcast %mul3A_1477 : f32 to vector<16xf32>
      %mul3A_1479 = arith.mulf %mul3A_1478, %max3A_1330 : vector<16xf32>
      %mul3A_1480 = arith.mulf %mul3A_1479, %mul3A_1476 : vector<16xf32>
      %mul3A_1481 = arith.mulf %mul3A_1480, %mul3A_1476 : vector<16xf32>
      %sub3A_1482 = arith.constant 1.500000e+00 : f32
      %sub3A_1483 = vector.broadcast %sub3A_1482 : f32 to vector<16xf32>
      %sub3A_1484 = arith.subf %sub3A_1483, %mul3A_1481 : vector<16xf32>
      %mul3A_1485 = arith.mulf %mul3A_1476, %sub3A_1484 : vector<16xf32>
      %swap3A_1486 = arith.index_cast %add3A_1325 : i32 to index
      %swap3A_1487 = tpu.vector_load %arg15[%swap3A_1486] {strides = array<i32>} : memref<640xf32, #tpu.memory_space<vmem>>, vector<16xf32>,
      tpu.vector_store %arg15[%swap3A_1486], %mul3A_1485 {strides = array<i32>} : memref<640xf32, #tpu.memory_space<vmem>>, vector<16xf32>,
      %get3A_1488 = arith.index_cast %add3A_1325 : i32 to index
      %get3A_1489 = tpu.vector_load %arg14[%get3A_1488] {strides = array<i32>} : memref<640xf32, #tpu.memory_space<vmem>>, vector<16xf32>,
      %swap3A_1490 = arith.index_cast %add3A_1325 : i32 to index
      %swap3A_1491 = tpu.vector_load %arg16[%swap3A_1490] {strides = array<i32>} : memref<640xf32, #tpu.memory_space<vmem>>, vector<16xf32>,
      tpu.vector_store %arg16[%swap3A_1490], %get3A_1489 {strides = array<i32>} : memref<640xf32, #tpu.memory_space<vmem>>, vector<16xf32>,
      %mul3A_1492 = arith.mulf %mul3A_1485, %get3A_1489 : vector<16xf32>
      %swap3A_1493 = arith.index_cast %scan3A_279 : i32 to index
      %swap3A_1494 = arith.constant 96 : index
      %swap3A_1495 = tpu.vector_load %arg20[%swap3A_1493, %swap3A_1494] {strides = array<i32>} : memref<5x128xf32, #tpu.memory_space<vmem>>, vector<16xf32>,
      tpu.vector_store %arg20[%swap3A_1493, %swap3A_1494], %mul3A_1492 {strides = array<i32>} : memref<5x128xf32, #tpu.memory_space<vmem>>, vector<16xf32>,
      %mul3A_1496 = arith.constant 128 : i32
      %mul3A_1497 = arith.muli %scan3A_279, %mul3A_1496 : i32
      %add3A_1498 = arith.constant 112 : i32
      %add3A_1499 = arith.addi %mul3A_1497, %add3A_1498 : i32
      %get3A_1500 = arith.index_cast %add3A_1499 : i32 to index
      %get3A_1501 = tpu.vector_load %arg17[%get3A_1500] {strides = array<i32>} : memref<640xf32, #tpu.memory_space<vmem>>, vector<16xf32>,
      %max3A_1502 = arith.constant 1.000000e+00 : f32
      %max3A_1503 = vector.broadcast %max3A_1502 : f32 to vector<16xf32>
      %max3A_1504 = arith.maximumf %get3A_1501, %max3A_1503 : vector<16xf32>
      %broadcast_in_dim3A_1505 = arith.constant 1.000000e+00 : f32
      %broadcast_in_dim3A_1506 = vector.broadcast %broadcast_in_dim3A_1505 : f32 to vector<16xf32>
      %mul3A_1507 = arith.mulf %max3A_1504, %broadcast_in_dim3A_1506 : vector<16xf32>
      %mul3A_1508 = arith.mulf %mul3A_1507, %broadcast_in_dim3A_1506 : vector<16xf32>
      %gt3A_1509 = arith.constant 1.200000e+00 : f32
      %gt3A_1510 = vector.broadcast %gt3A_1509 : f32 to vector<16xf32>
      %gt3A_1511 = arith.cmpf ogt, %mul3A_1508, %gt3A_1510 : vector<16xf32>
      %mul3A_1512 = arith.constant 5.000000e-01 : f32
      %mul3A_1513 = vector.broadcast %mul3A_1512 : f32 to vector<16xf32>
      %mul3A_1514 = arith.mulf %mul3A_1513, %broadcast_in_dim3A_1506 : vector<16xf32>
      %select_n3A_1515 = arith.select %gt3A_1511, %mul3A_1514, %broadcast_in_dim3A_1506 : vector<16xi1>, vector<16xf32>
      %mul3A_1516 = arith.mulf %max3A_1504, %select_n3A_1515 : vector<16xf32>
      %mul3A_1517 = arith.mulf %mul3A_1516, %select_n3A_1515 : vector<16xf32>
      %gt3A_1518 = arith.constant 1.200000e+00 : f32
      %gt3A_1519 = vector.broadcast %gt3A_1518 : f32 to vector<16xf32>
      %gt3A_1520 = arith.cmpf ogt, %mul3A_1517, %gt3A_1519 : vector<16xf32>
      %mul3A_1521 = arith.constant 5.000000e-01 : f32
      %mul3A_1522 = vector.broadcast %mul3A_1521 : f32 to vector<16xf32>
      %mul3A_1523 = arith.mulf %mul3A_1522, %select_n3A_1515 : vector<16xf32>
      %select_n3A_1524 = arith.select %gt3A_1520, %mul3A_1523, %select_n3A_1515 : vector<16xi1>, vector<16xf32>
      %mul3A_1525 = arith.mulf %max3A_1504, %select_n3A_1524 : vector<16xf32>
      %mul3A_1526 = arith.mulf %mul3A_1525, %select_n3A_1524 : vector<16xf32>
      %gt3A_1527 = arith.constant 1.200000e+00 : f32
      %gt3A_1528 = vector.broadcast %gt3A_1527 : f32 to vector<16xf32>
      %gt3A_1529 = arith.cmpf ogt, %mul3A_1526, %gt3A_1528 : vector<16xf32>
      %mul3A_1530 = arith.constant 5.000000e-01 : f32
      %mul3A_1531 = vector.broadcast %mul3A_1530 : f32 to vector<16xf32>
      %mul3A_1532 = arith.mulf %mul3A_1531, %select_n3A_1524 : vector<16xf32>
      %select_n3A_1533 = arith.select %gt3A_1529, %mul3A_1532, %select_n3A_1524 : vector<16xi1>, vector<16xf32>
      %mul3A_1534 = arith.mulf %max3A_1504, %select_n3A_1533 : vector<16xf32>
      %mul3A_1535 = arith.mulf %mul3A_1534, %select_n3A_1533 : vector<16xf32>
      %gt3A_1536 = arith.constant 1.200000e+00 : f32
      %gt3A_1537 = vector.broadcast %gt3A_1536 : f32 to vector<16xf32>
      %gt3A_1538 = arith.cmpf ogt, %mul3A_1535, %gt3A_1537 : vector<16xf32>
      %mul3A_1539 = arith.constant 5.000000e-01 : f32
      %mul3A_1540 = vector.broadcast %mul3A_1539 : f32 to vector<16xf32>
      %mul3A_1541 = arith.mulf %mul3A_1540, %select_n3A_1533 : vector<16xf32>
      %select_n3A_1542 = arith.select %gt3A_1538, %mul3A_1541, %select_n3A_1533 : vector<16xi1>, vector<16xf32>
      %mul3A_1543 = arith.mulf %max3A_1504, %select_n3A_1542 : vector<16xf32>
      %mul3A_1544 = arith.mulf %mul3A_1543, %select_n3A_1542 : vector<16xf32>
      %gt3A_1545 = arith.constant 1.200000e+00 : f32
      %gt3A_1546 = vector.broadcast %gt3A_1545 : f32 to vector<16xf32>
      %gt3A_1547 = arith.cmpf ogt, %mul3A_1544, %gt3A_1546 : vector<16xf32>
      %mul3A_1548 = arith.constant 5.000000e-01 : f32
      %mul3A_1549 = vector.broadcast %mul3A_1548 : f32 to vector<16xf32>
      %mul3A_1550 = arith.mulf %mul3A_1549, %select_n3A_1542 : vector<16xf32>
      %select_n3A_1551 = arith.select %gt3A_1547, %mul3A_1550, %select_n3A_1542 : vector<16xi1>, vector<16xf32>
      %mul3A_1552 = arith.mulf %max3A_1504, %select_n3A_1551 : vector<16xf32>
      %mul3A_1553 = arith.mulf %mul3A_1552, %select_n3A_1551 : vector<16xf32>
      %gt3A_1554 = arith.constant 1.200000e+00 : f32
      %gt3A_1555 = vector.broadcast %gt3A_1554 : f32 to vector<16xf32>
      %gt3A_1556 = arith.cmpf ogt, %mul3A_1553, %gt3A_1555 : vector<16xf32>
      %mul3A_1557 = arith.constant 5.000000e-01 : f32
      %mul3A_1558 = vector.broadcast %mul3A_1557 : f32 to vector<16xf32>
      %mul3A_1559 = arith.mulf %mul3A_1558, %select_n3A_1551 : vector<16xf32>
      %select_n3A_1560 = arith.select %gt3A_1556, %mul3A_1559, %select_n3A_1551 : vector<16xi1>, vector<16xf32>
      %mul3A_1561 = arith.mulf %max3A_1504, %select_n3A_1560 : vector<16xf32>
      %mul3A_1562 = arith.mulf %mul3A_1561, %select_n3A_1560 : vector<16xf32>
      %gt3A_1563 = arith.constant 1.200000e+00 : f32
      %gt3A_1564 = vector.broadcast %gt3A_1563 : f32 to vector<16xf32>
      %gt3A_1565 = arith.cmpf ogt, %mul3A_1562, %gt3A_1564 : vector<16xf32>
      %mul3A_1566 = arith.constant 5.000000e-01 : f32
      %mul3A_1567 = vector.broadcast %mul3A_1566 : f32 to vector<16xf32>
      %mul3A_1568 = arith.mulf %mul3A_1567, %select_n3A_1560 : vector<16xf32>
      %select_n3A_1569 = arith.select %gt3A_1565, %mul3A_1568, %select_n3A_1560 : vector<16xi1>, vector<16xf32>
      %mul3A_1570 = arith.mulf %max3A_1504, %select_n3A_1569 : vector<16xf32>
      %mul3A_1571 = arith.mulf %mul3A_1570, %select_n3A_1569 : vector<16xf32>
      %gt3A_1572 = arith.constant 1.200000e+00 : f32
      %gt3A_1573 = vector.broadcast %gt3A_1572 : f32 to vector<16xf32>
      %gt3A_1574 = arith.cmpf ogt, %mul3A_1571, %gt3A_1573 : vector<16xf32>
      %mul3A_1575 = arith.constant 5.000000e-01 : f32
      %mul3A_1576 = vector.broadcast %mul3A_1575 : f32 to vector<16xf32>
      %mul3A_1577 = arith.mulf %mul3A_1576, %select_n3A_1569 : vector<16xf32>
      %select_n3A_1578 = arith.select %gt3A_1574, %mul3A_1577, %select_n3A_1569 : vector<16xi1>, vector<16xf32>
      %mul3A_1579 = arith.mulf %max3A_1504, %select_n3A_1578 : vector<16xf32>
      %mul3A_1580 = arith.mulf %mul3A_1579, %select_n3A_1578 : vector<16xf32>
      %gt3A_1581 = arith.constant 1.200000e+00 : f32
      %gt3A_1582 = vector.broadcast %gt3A_1581 : f32 to vector<16xf32>
      %gt3A_1583 = arith.cmpf ogt, %mul3A_1580, %gt3A_1582 : vector<16xf32>
      %mul3A_1584 = arith.constant 5.000000e-01 : f32
      %mul3A_1585 = vector.broadcast %mul3A_1584 : f32 to vector<16xf32>
      %mul3A_1586 = arith.mulf %mul3A_1585, %select_n3A_1578 : vector<16xf32>
      %select_n3A_1587 = arith.select %gt3A_1583, %mul3A_1586, %select_n3A_1578 : vector<16xi1>, vector<16xf32>
      %mul3A_1588 = arith.mulf %max3A_1504, %select_n3A_1587 : vector<16xf32>
      %mul3A_1589 = arith.mulf %mul3A_1588, %select_n3A_1587 : vector<16xf32>
      %gt3A_1590 = arith.constant 1.200000e+00 : f32
      %gt3A_1591 = vector.broadcast %gt3A_1590 : f32 to vector<16xf32>
      %gt3A_1592 = arith.cmpf ogt, %mul3A_1589, %gt3A_1591 : vector<16xf32>
      %mul3A_1593 = arith.constant 5.000000e-01 : f32
      %mul3A_1594 = vector.broadcast %mul3A_1593 : f32 to vector<16xf32>
      %mul3A_1595 = arith.mulf %mul3A_1594, %select_n3A_1587 : vector<16xf32>
      %select_n3A_1596 = arith.select %gt3A_1592, %mul3A_1595, %select_n3A_1587 : vector<16xi1>, vector<16xf32>
      %mul3A_1597 = arith.constant 5.000000e-01 : f32
      %mul3A_1598 = vector.broadcast %mul3A_1597 : f32 to vector<16xf32>
      %mul3A_1599 = arith.mulf %mul3A_1598, %max3A_1504 : vector<16xf32>
      %mul3A_1600 = arith.mulf %mul3A_1599, %select_n3A_1596 : vector<16xf32>
      %mul3A_1601 = arith.mulf %mul3A_1600, %select_n3A_1596 : vector<16xf32>
      %sub3A_1602 = arith.constant 1.500000e+00 : f32
      %sub3A_1603 = vector.broadcast %sub3A_1602 : f32 to vector<16xf32>
      %sub3A_1604 = arith.subf %sub3A_1603, %mul3A_1601 : vector<16xf32>
      %mul3A_1605 = arith.mulf %select_n3A_1596, %sub3A_1604 : vector<16xf32>
      %mul3A_1606 = arith.constant 5.000000e-01 : f32
      %mul3A_1607 = vector.broadcast %mul3A_1606 : f32 to vector<16xf32>
      %mul3A_1608 = arith.mulf %mul3A_1607, %max3A_1504 : vector<16xf32>
      %mul3A_1609 = arith.mulf %mul3A_1608, %mul3A_1605 : vector<16xf32>
      %mul3A_1610 = arith.mulf %mul3A_1609, %mul3A_1605 : vector<16xf32>
      %sub3A_1611 = arith.constant 1.500000e+00 : f32
      %sub3A_1612 = vector.broadcast %sub3A_1611 : f32 to vector<16xf32>
      %sub3A_1613 = arith.subf %sub3A_1612, %mul3A_1610 : vector<16xf32>
      %mul3A_1614 = arith.mulf %mul3A_1605, %sub3A_1613 : vector<16xf32>
      %mul3A_1615 = arith.constant 5.000000e-01 : f32
      %mul3A_1616 = vector.broadcast %mul3A_1615 : f32 to vector<16xf32>
      %mul3A_1617 = arith.mulf %mul3A_1616, %max3A_1504 : vector<16xf32>
      %mul3A_1618 = arith.mulf %mul3A_1617, %mul3A_1614 : vector<16xf32>
      %mul3A_1619 = arith.mulf %mul3A_1618, %mul3A_1614 : vector<16xf32>
      %sub3A_1620 = arith.constant 1.500000e+00 : f32
      %sub3A_1621 = vector.broadcast %sub3A_1620 : f32 to vector<16xf32>
      %sub3A_1622 = arith.subf %sub3A_1621, %mul3A_1619 : vector<16xf32>
      %mul3A_1623 = arith.mulf %mul3A_1614, %sub3A_1622 : vector<16xf32>
      %mul3A_1624 = arith.constant 5.000000e-01 : f32
      %mul3A_1625 = vector.broadcast %mul3A_1624 : f32 to vector<16xf32>
      %mul3A_1626 = arith.mulf %mul3A_1625, %max3A_1504 : vector<16xf32>
      %mul3A_1627 = arith.mulf %mul3A_1626, %mul3A_1623 : vector<16xf32>
      %mul3A_1628 = arith.mulf %mul3A_1627, %mul3A_1623 : vector<16xf32>
      %sub3A_1629 = arith.constant 1.500000e+00 : f32
      %sub3A_1630 = vector.broadcast %sub3A_1629 : f32 to vector<16xf32>
      %sub3A_1631 = arith.subf %sub3A_1630, %mul3A_1628 : vector<16xf32>
      %mul3A_1632 = arith.mulf %mul3A_1623, %sub3A_1631 : vector<16xf32>
      %mul3A_1633 = arith.constant 5.000000e-01 : f32
      %mul3A_1634 = vector.broadcast %mul3A_1633 : f32 to vector<16xf32>
      %mul3A_1635 = arith.mulf %mul3A_1634, %max3A_1504 : vector<16xf32>
      %mul3A_1636 = arith.mulf %mul3A_1635, %mul3A_1632 : vector<16xf32>
      %mul3A_1637 = arith.mulf %mul3A_1636, %mul3A_1632 : vector<16xf32>
      %sub3A_1638 = arith.constant 1.500000e+00 : f32
      %sub3A_1639 = vector.broadcast %sub3A_1638 : f32 to vector<16xf32>
      %sub3A_1640 = arith.subf %sub3A_1639, %mul3A_1637 : vector<16xf32>
      %mul3A_1641 = arith.mulf %mul3A_1632, %sub3A_1640 : vector<16xf32>
      %mul3A_1642 = arith.constant 5.000000e-01 : f32
      %mul3A_1643 = vector.broadcast %mul3A_1642 : f32 to vector<16xf32>
      %mul3A_1644 = arith.mulf %mul3A_1643, %max3A_1504 : vector<16xf32>
      %mul3A_1645 = arith.mulf %mul3A_1644, %mul3A_1641 : vector<16xf32>
      %mul3A_1646 = arith.mulf %mul3A_1645, %mul3A_1641 : vector<16xf32>
      %sub3A_1647 = arith.constant 1.500000e+00 : f32
      %sub3A_1648 = vector.broadcast %sub3A_1647 : f32 to vector<16xf32>
      %sub3A_1649 = arith.subf %sub3A_1648, %mul3A_1646 : vector<16xf32>
      %mul3A_1650 = arith.mulf %mul3A_1641, %sub3A_1649 : vector<16xf32>
      %mul3A_1651 = arith.constant 5.000000e-01 : f32
      %mul3A_1652 = vector.broadcast %mul3A_1651 : f32 to vector<16xf32>
      %mul3A_1653 = arith.mulf %mul3A_1652, %max3A_1504 : vector<16xf32>
      %mul3A_1654 = arith.mulf %mul3A_1653, %mul3A_1650 : vector<16xf32>
      %mul3A_1655 = arith.mulf %mul3A_1654, %mul3A_1650 : vector<16xf32>
      %sub3A_1656 = arith.constant 1.500000e+00 : f32
      %sub3A_1657 = vector.broadcast %sub3A_1656 : f32 to vector<16xf32>
      %sub3A_1658 = arith.subf %sub3A_1657, %mul3A_1655 : vector<16xf32>
      %mul3A_1659 = arith.mulf %mul3A_1650, %sub3A_1658 : vector<16xf32>
      %swap3A_1660 = arith.index_cast %add3A_1499 : i32 to index
      %swap3A_1661 = tpu.vector_load %arg15[%swap3A_1660] {strides = array<i32>} : memref<640xf32, #tpu.memory_space<vmem>>, vector<16xf32>,
      tpu.vector_store %arg15[%swap3A_1660], %mul3A_1659 {strides = array<i32>} : memref<640xf32, #tpu.memory_space<vmem>>, vector<16xf32>,
      %get3A_1662 = arith.index_cast %add3A_1499 : i32 to index
      %get3A_1663 = tpu.vector_load %arg14[%get3A_1662] {strides = array<i32>} : memref<640xf32, #tpu.memory_space<vmem>>, vector<16xf32>,
      %swap3A_1664 = arith.index_cast %add3A_1499 : i32 to index
      %swap3A_1665 = tpu.vector_load %arg16[%swap3A_1664] {strides = array<i32>} : memref<640xf32, #tpu.memory_space<vmem>>, vector<16xf32>,
      tpu.vector_store %arg16[%swap3A_1664], %get3A_1663 {strides = array<i32>} : memref<640xf32, #tpu.memory_space<vmem>>, vector<16xf32>,
      %mul3A_1666 = arith.mulf %mul3A_1659, %get3A_1663 : vector<16xf32>
      %swap3A_1667 = arith.index_cast %scan3A_279 : i32 to index
      %swap3A_1668 = arith.constant 112 : index
      %swap3A_1669 = tpu.vector_load %arg20[%swap3A_1667, %swap3A_1668] {strides = array<i32>} : memref<5x128xf32, #tpu.memory_space<vmem>>, vector<16xf32>,
      tpu.vector_store %arg20[%swap3A_1667, %swap3A_1668], %mul3A_1666 {strides = array<i32>} : memref<5x128xf32, #tpu.memory_space<vmem>>, vector<16xf32>,
    }
    %scan3A_264 = arith.constant 5 : i32
    %mul3A_265 = arith.constant 5 : i32
    %mul3A_266 = arith.muli %arg1, %mul3A_265 : i32
    "tpu.region"() ({
      %run_scoped3A = tpu.sem_alloc : memref<!tpu.dma_semaphore, #tpu.memory_space<semaphore_mem>>
      %dma_start3A_279 = arith.constant 0 : i32
      %dma_start3A_280 = tpu.memref_slice %arg6[%mul3A_266, %dma_start3A_279] : memref<80x128xf32, #tpu.memory_space<vmem_shared>> -> memref<5x128xf32, #tpu.memory_space<vmem_shared>>
      %dma_start3A_281 = arith.constant 0 : i32
      %dma_start3A_282 = tpu.memref_slice %arg6[%mul3A_266, %dma_start3A_281] : memref<80x128xf32, #tpu.memory_space<vmem_shared>> -> memref<5x128xf32, #tpu.memory_space<vmem_shared>>
      tpu.enqueue_dma source(%arg20 : memref<5x128xf32, #tpu.memory_space<vmem>>) target(%dma_start3A_282 : memref<5x128xf32, #tpu.memory_space<vmem_shared>>) target_semaphore(%run_scoped3A : memref<!tpu.dma_semaphore, #tpu.memory_space<semaphore_mem>>)
      %dma_wait3A_283 = arith.constant 0 : i32
      %dma_wait3A_284 = tpu.memref_slice %arg6[%mul3A_266, %dma_wait3A_283] : memref<80x128xf32, #tpu.memory_space<vmem_shared>> -> memref<5x128xf32, #tpu.memory_space<vmem_shared>>
      %dma_wait3A_285 = arith.constant 0 : i32
      %dma_wait3A_286 = tpu.memref_slice %arg6[%mul3A_266, %dma_wait3A_285] : memref<80x128xf32, #tpu.memory_space<vmem_shared>> -> memref<5x128xf32, #tpu.memory_space<vmem_shared>>
      tpu.wait_dma2 semaphore(%run_scoped3A : memref<!tpu.dma_semaphore, #tpu.memory_space<semaphore_mem>>) src(%arg20 : memref<5x128xf32, #tpu.memory_space<vmem>>) dst(%dma_wait3A_286 : memref<5x128xf32, #tpu.memory_space<vmem_shared>>)
      tpu.yield
    }) : () -> ()
    %barrier3A_267 = arith.constant 0 : index
    tpu.barrier barrier_id(%barrier3A_267)
    %scan3A_268 = arith.constant 0 : i32
    %scan3A_269 = arith.constant 0 : i32
    %scan3A_270 = arith.constant 10 : i32
    %scan3A_271 = arith.addi %scan3A_269, %scan3A_270 : i32
    %scan3A_272 = arith.constant 1 : i32
    scf.for %scan3A_279 = %scan3A_269 to %scan3A_271 step %scan3A_272  : i32 {
      tpu.enqueue_dma source(%arg6 : memref<80x128xf32, #tpu.memory_space<vmem_shared>>) target(%arg19 : memref<80x128xf32, #tpu.memory_space<vmem>>) target_semaphore(%arg21 : memref<!tpu.dma_semaphore, #tpu.memory_space<semaphore_mem>>)
      "tpu.region"() ({
        %run_scoped3A = tpu.sem_alloc : memref<!tpu.dma_semaphore, #tpu.memory_space<semaphore_mem>>
        %dma_start3A_303 = tpu.memref_slice %arg7[%mul3A_0] : memref<10240xf32, #tpu.memory_space<vmem_shared>> -> memref<640xf32, #tpu.memory_space<vmem_shared>>
        %dma_start3A_304 = tpu.memref_slice %arg7[%mul3A_0] : memref<10240xf32, #tpu.memory_space<vmem_shared>> -> memref<640xf32, #tpu.memory_space<vmem_shared>>
        tpu.enqueue_dma source(%arg13 : memref<640xf32, #tpu.memory_space<vmem>>) target(%dma_start3A_304 : memref<640xf32, #tpu.memory_space<vmem_shared>>) target_semaphore(%run_scoped3A : memref<!tpu.dma_semaphore, #tpu.memory_space<semaphore_mem>>)
        %dma_wait3A_305 = tpu.memref_slice %arg7[%mul3A_0] : memref<10240xf32, #tpu.memory_space<vmem_shared>> -> memref<640xf32, #tpu.memory_space<vmem_shared>>
        %dma_wait3A_306 = tpu.memref_slice %arg7[%mul3A_0] : memref<10240xf32, #tpu.memory_space<vmem_shared>> -> memref<640xf32, #tpu.memory_space<vmem_shared>>
        tpu.wait_dma2 semaphore(%run_scoped3A : memref<!tpu.dma_semaphore, #tpu.memory_space<semaphore_mem>>) src(%arg13 : memref<640xf32, #tpu.memory_space<vmem>>) dst(%dma_wait3A_306 : memref<640xf32, #tpu.memory_space<vmem_shared>>)
        tpu.yield
      }) : () -> ()
      tpu.wait_dma2 semaphore(%arg21 : memref<!tpu.dma_semaphore, #tpu.memory_space<semaphore_mem>>) src(%arg6 : memref<80x128xf32, #tpu.memory_space<vmem_shared>>) dst(%arg19 : memref<80x128xf32, #tpu.memory_space<vmem>>)
      %barrier3A_280 = arith.constant 0 : index
      tpu.barrier barrier_id(%barrier3A_280)
      %scan3A_281 = arith.constant 0 : i32
      %scan3A_282 = arith.constant 0 : i32
      %scan3A_283 = arith.constant 157 : i32
      %scan3A_284 = arith.addi %scan3A_282, %scan3A_283 : i32
      %scan3A_285 = arith.constant 1 : i32
      scf.for %scan3A_303 = %scan3A_282 to %scan3A_284 step %scan3A_285  : i32 {
        %mul3A_304 = arith.constant 128 : i32
        %mul3A_305 = arith.muli %scan3A_303, %mul3A_304 : i32
        %add3A_306 = arith.constant 0 : i32
        %add3A_307 = arith.addi %mul3A_305, %add3A_306 : i32
        %get3A_308 = arith.index_cast %add3A_307 : i32 to index
        %get3A_309 = tpu.vector_load %arg9[%get3A_308] {strides = array<i32>} : memref<20096xi32, #tpu.memory_space<vmem>>, vector<16xi32>,
        %shift_right_logical3A = arith.constant 7 : i32
        %shift_right_logical3A_310 = vector.broadcast %shift_right_logical3A : i32 to vector<16xi32>
        %shift_right_logical3A_311 = arith.shrui %get3A_309, %shift_right_logical3A_310 : vector<16xi32>
        %and3A_312 = arith.constant 127 : i32
        %and3A_313 = vector.broadcast %and3A_312 : i32 to vector<16xi32>
        %and3A_314 = arith.andi %get3A_309, %and3A_313 : vector<16xi32>
        %gather3A = tpu.vector_load_idx %arg19[%shift_right_logical3A_311, %and3A_314] : memref<80x128xf32, #tpu.memory_space<vmem>>[vector<16xi32>, vector<16xi32>], vector<16xf32>,
        %swap3A_315 = arith.index_cast %scan3A_303 : i32 to index
        %swap3A_316 = arith.constant 0 : index
        %swap3A_317 = tpu.vector_load %arg11[%swap3A_315, %swap3A_316] {strides = array<i32>} : memref<157x128xf32, #tpu.memory_space<vmem>>, vector<16xf32>,
        tpu.vector_store %arg11[%swap3A_315, %swap3A_316], %gather3A {strides = array<i32>} : memref<157x128xf32, #tpu.memory_space<vmem>>, vector<16xf32>,
        %mul3A_318 = arith.constant 128 : i32
        %mul3A_319 = arith.muli %scan3A_303, %mul3A_318 : i32
        %add3A_320 = arith.constant 16 : i32
        %add3A_321 = arith.addi %mul3A_319, %add3A_320 : i32
        %get3A_322 = arith.index_cast %add3A_321 : i32 to index
        %get3A_323 = tpu.vector_load %arg9[%get3A_322] {strides = array<i32>} : memref<20096xi32, #tpu.memory_space<vmem>>, vector<16xi32>,
        %shift_right_logical3A_324 = arith.constant 7 : i32
        %shift_right_logical3A_325 = vector.broadcast %shift_right_logical3A_324 : i32 to vector<16xi32>
        %shift_right_logical3A_326 = arith.shrui %get3A_323, %shift_right_logical3A_325 : vector<16xi32>
        %and3A_327 = arith.constant 127 : i32
        %and3A_328 = vector.broadcast %and3A_327 : i32 to vector<16xi32>
        %and3A_329 = arith.andi %get3A_323, %and3A_328 : vector<16xi32>
        %gather3A_330 = tpu.vector_load_idx %arg19[%shift_right_logical3A_326, %and3A_329] : memref<80x128xf32, #tpu.memory_space<vmem>>[vector<16xi32>, vector<16xi32>], vector<16xf32>,
        %swap3A_331 = arith.index_cast %scan3A_303 : i32 to index
        %swap3A_332 = arith.constant 16 : index
        %swap3A_333 = tpu.vector_load %arg11[%swap3A_331, %swap3A_332] {strides = array<i32>} : memref<157x128xf32, #tpu.memory_space<vmem>>, vector<16xf32>,
        tpu.vector_store %arg11[%swap3A_331, %swap3A_332], %gather3A_330 {strides = array<i32>} : memref<157x128xf32, #tpu.memory_space<vmem>>, vector<16xf32>,
        %mul3A_334 = arith.constant 128 : i32
        %mul3A_335 = arith.muli %scan3A_303, %mul3A_334 : i32
        %add3A_336 = arith.constant 32 : i32
        %add3A_337 = arith.addi %mul3A_335, %add3A_336 : i32
        %get3A_338 = arith.index_cast %add3A_337 : i32 to index
        %get3A_339 = tpu.vector_load %arg9[%get3A_338] {strides = array<i32>} : memref<20096xi32, #tpu.memory_space<vmem>>, vector<16xi32>,
        %shift_right_logical3A_340 = arith.constant 7 : i32
        %shift_right_logical3A_341 = vector.broadcast %shift_right_logical3A_340 : i32 to vector<16xi32>
        %shift_right_logical3A_342 = arith.shrui %get3A_339, %shift_right_logical3A_341 : vector<16xi32>
        %and3A_343 = arith.constant 127 : i32
        %and3A_344 = vector.broadcast %and3A_343 : i32 to vector<16xi32>
        %and3A_345 = arith.andi %get3A_339, %and3A_344 : vector<16xi32>
        %gather3A_346 = tpu.vector_load_idx %arg19[%shift_right_logical3A_342, %and3A_345] : memref<80x128xf32, #tpu.memory_space<vmem>>[vector<16xi32>, vector<16xi32>], vector<16xf32>,
        %swap3A_347 = arith.index_cast %scan3A_303 : i32 to index
        %swap3A_348 = arith.constant 32 : index
        %swap3A_349 = tpu.vector_load %arg11[%swap3A_347, %swap3A_348] {strides = array<i32>} : memref<157x128xf32, #tpu.memory_space<vmem>>, vector<16xf32>,
        tpu.vector_store %arg11[%swap3A_347, %swap3A_348], %gather3A_346 {strides = array<i32>} : memref<157x128xf32, #tpu.memory_space<vmem>>, vector<16xf32>,
        %mul3A_350 = arith.constant 128 : i32
        %mul3A_351 = arith.muli %scan3A_303, %mul3A_350 : i32
        %add3A_352 = arith.constant 48 : i32
        %add3A_353 = arith.addi %mul3A_351, %add3A_352 : i32
        %get3A_354 = arith.index_cast %add3A_353 : i32 to index
        %get3A_355 = tpu.vector_load %arg9[%get3A_354] {strides = array<i32>} : memref<20096xi32, #tpu.memory_space<vmem>>, vector<16xi32>,
        %shift_right_logical3A_356 = arith.constant 7 : i32
        %shift_right_logical3A_357 = vector.broadcast %shift_right_logical3A_356 : i32 to vector<16xi32>
        %shift_right_logical3A_358 = arith.shrui %get3A_355, %shift_right_logical3A_357 : vector<16xi32>
        %and3A_359 = arith.constant 127 : i32
        %and3A_360 = vector.broadcast %and3A_359 : i32 to vector<16xi32>
        %and3A_361 = arith.andi %get3A_355, %and3A_360 : vector<16xi32>
        %gather3A_362 = tpu.vector_load_idx %arg19[%shift_right_logical3A_358, %and3A_361] : memref<80x128xf32, #tpu.memory_space<vmem>>[vector<16xi32>, vector<16xi32>], vector<16xf32>,
        %swap3A_363 = arith.index_cast %scan3A_303 : i32 to index
        %swap3A_364 = arith.constant 48 : index
        %swap3A_365 = tpu.vector_load %arg11[%swap3A_363, %swap3A_364] {strides = array<i32>} : memref<157x128xf32, #tpu.memory_space<vmem>>, vector<16xf32>,
        tpu.vector_store %arg11[%swap3A_363, %swap3A_364], %gather3A_362 {strides = array<i32>} : memref<157x128xf32, #tpu.memory_space<vmem>>, vector<16xf32>,
        %mul3A_366 = arith.constant 128 : i32
        %mul3A_367 = arith.muli %scan3A_303, %mul3A_366 : i32
        %add3A_368 = arith.constant 64 : i32
        %add3A_369 = arith.addi %mul3A_367, %add3A_368 : i32
        %get3A_370 = arith.index_cast %add3A_369 : i32 to index
        %get3A_371 = tpu.vector_load %arg9[%get3A_370] {strides = array<i32>} : memref<20096xi32, #tpu.memory_space<vmem>>, vector<16xi32>,
        %shift_right_logical3A_372 = arith.constant 7 : i32
        %shift_right_logical3A_373 = vector.broadcast %shift_right_logical3A_372 : i32 to vector<16xi32>
        %shift_right_logical3A_374 = arith.shrui %get3A_371, %shift_right_logical3A_373 : vector<16xi32>
        %and3A_375 = arith.constant 127 : i32
        %and3A_376 = vector.broadcast %and3A_375 : i32 to vector<16xi32>
        %and3A_377 = arith.andi %get3A_371, %and3A_376 : vector<16xi32>
        %gather3A_378 = tpu.vector_load_idx %arg19[%shift_right_logical3A_374, %and3A_377] : memref<80x128xf32, #tpu.memory_space<vmem>>[vector<16xi32>, vector<16xi32>], vector<16xf32>,
        %swap3A_379 = arith.index_cast %scan3A_303 : i32 to index
        %swap3A_380 = arith.constant 64 : index
        %swap3A_381 = tpu.vector_load %arg11[%swap3A_379, %swap3A_380] {strides = array<i32>} : memref<157x128xf32, #tpu.memory_space<vmem>>, vector<16xf32>,
        tpu.vector_store %arg11[%swap3A_379, %swap3A_380], %gather3A_378 {strides = array<i32>} : memref<157x128xf32, #tpu.memory_space<vmem>>, vector<16xf32>,
        %mul3A_382 = arith.constant 128 : i32
        %mul3A_383 = arith.muli %scan3A_303, %mul3A_382 : i32
        %add3A_384 = arith.constant 80 : i32
        %add3A_385 = arith.addi %mul3A_383, %add3A_384 : i32
        %get3A_386 = arith.index_cast %add3A_385 : i32 to index
        %get3A_387 = tpu.vector_load %arg9[%get3A_386] {strides = array<i32>} : memref<20096xi32, #tpu.memory_space<vmem>>, vector<16xi32>,
        %shift_right_logical3A_388 = arith.constant 7 : i32
        %shift_right_logical3A_389 = vector.broadcast %shift_right_logical3A_388 : i32 to vector<16xi32>
        %shift_right_logical3A_390 = arith.shrui %get3A_387, %shift_right_logical3A_389 : vector<16xi32>
        %and3A_391 = arith.constant 127 : i32
        %and3A_392 = vector.broadcast %and3A_391 : i32 to vector<16xi32>
        %and3A_393 = arith.andi %get3A_387, %and3A_392 : vector<16xi32>
        %gather3A_394 = tpu.vector_load_idx %arg19[%shift_right_logical3A_390, %and3A_393] : memref<80x128xf32, #tpu.memory_space<vmem>>[vector<16xi32>, vector<16xi32>], vector<16xf32>,
        %swap3A_395 = arith.index_cast %scan3A_303 : i32 to index
        %swap3A_396 = arith.constant 80 : index
        %swap3A_397 = tpu.vector_load %arg11[%swap3A_395, %swap3A_396] {strides = array<i32>} : memref<157x128xf32, #tpu.memory_space<vmem>>, vector<16xf32>,
        tpu.vector_store %arg11[%swap3A_395, %swap3A_396], %gather3A_394 {strides = array<i32>} : memref<157x128xf32, #tpu.memory_space<vmem>>, vector<16xf32>,
        %mul3A_398 = arith.constant 128 : i32
        %mul3A_399 = arith.muli %scan3A_303, %mul3A_398 : i32
        %add3A_400 = arith.constant 96 : i32
        %add3A_401 = arith.addi %mul3A_399, %add3A_400 : i32
        %get3A_402 = arith.index_cast %add3A_401 : i32 to index
        %get3A_403 = tpu.vector_load %arg9[%get3A_402] {strides = array<i32>} : memref<20096xi32, #tpu.memory_space<vmem>>, vector<16xi32>,
        %shift_right_logical3A_404 = arith.constant 7 : i32
        %shift_right_logical3A_405 = vector.broadcast %shift_right_logical3A_404 : i32 to vector<16xi32>
        %shift_right_logical3A_406 = arith.shrui %get3A_403, %shift_right_logical3A_405 : vector<16xi32>
        %and3A_407 = arith.constant 127 : i32
        %and3A_408 = vector.broadcast %and3A_407 : i32 to vector<16xi32>
        %and3A_409 = arith.andi %get3A_403, %and3A_408 : vector<16xi32>
        %gather3A_410 = tpu.vector_load_idx %arg19[%shift_right_logical3A_406, %and3A_409] : memref<80x128xf32, #tpu.memory_space<vmem>>[vector<16xi32>, vector<16xi32>], vector<16xf32>,
        %swap3A_411 = arith.index_cast %scan3A_303 : i32 to index
        %swap3A_412 = arith.constant 96 : index
        %swap3A_413 = tpu.vector_load %arg11[%swap3A_411, %swap3A_412] {strides = array<i32>} : memref<157x128xf32, #tpu.memory_space<vmem>>, vector<16xf32>,
        tpu.vector_store %arg11[%swap3A_411, %swap3A_412], %gather3A_410 {strides = array<i32>} : memref<157x128xf32, #tpu.memory_space<vmem>>, vector<16xf32>,
        %mul3A_414 = arith.constant 128 : i32
        %mul3A_415 = arith.muli %scan3A_303, %mul3A_414 : i32
        %add3A_416 = arith.constant 112 : i32
        %add3A_417 = arith.addi %mul3A_415, %add3A_416 : i32
        %get3A_418 = arith.index_cast %add3A_417 : i32 to index
        %get3A_419 = tpu.vector_load %arg9[%get3A_418] {strides = array<i32>} : memref<20096xi32, #tpu.memory_space<vmem>>, vector<16xi32>,
        %shift_right_logical3A_420 = arith.constant 7 : i32
        %shift_right_logical3A_421 = vector.broadcast %shift_right_logical3A_420 : i32 to vector<16xi32>
        %shift_right_logical3A_422 = arith.shrui %get3A_419, %shift_right_logical3A_421 : vector<16xi32>
        %and3A_423 = arith.constant 127 : i32
        %and3A_424 = vector.broadcast %and3A_423 : i32 to vector<16xi32>
        %and3A_425 = arith.andi %get3A_419, %and3A_424 : vector<16xi32>
        %gather3A_426 = tpu.vector_load_idx %arg19[%shift_right_logical3A_422, %and3A_425] : memref<80x128xf32, #tpu.memory_space<vmem>>[vector<16xi32>, vector<16xi32>], vector<16xf32>,
        %swap3A_427 = arith.index_cast %scan3A_303 : i32 to index
        %swap3A_428 = arith.constant 112 : index
        %swap3A_429 = tpu.vector_load %arg11[%swap3A_427, %swap3A_428] {strides = array<i32>} : memref<157x128xf32, #tpu.memory_space<vmem>>, vector<16xf32>,
        tpu.vector_store %arg11[%swap3A_427, %swap3A_428], %gather3A_426 {strides = array<i32>} : memref<157x128xf32, #tpu.memory_space<vmem>>, vector<16xf32>,
        %dma_start3A_430 = arith.constant 0 : i32
        %dma_start3A_431 = tpu.memref_slice %arg11[%scan3A_303, %dma_start3A_430] : memref<157x128xf32, #tpu.memory_space<vmem>> -> memref<1x128xf32, #tpu.memory_space<vmem>>
        %dma_start3A_432 = tpu.memref_squeeze %dma_start3A_431 : memref<1x128xf32, #tpu.memory_space<vmem>> -> memref<128xf32, #tpu.memory_space<vmem>>
        %dma_start3A_433 = arith.constant 0 : i32
        %dma_start3A_434 = tpu.memref_slice %arg10[%scan3A_303, %dma_start3A_433] : memref<157x128xi32, #tpu.memory_space<vmem>> -> memref<1x128xi32, #tpu.memory_space<vmem>>
        %dma_start3A_435 = tpu.memref_squeeze %dma_start3A_434 : memref<1x128xi32, #tpu.memory_space<vmem>> -> memref<128xi32, #tpu.memory_space<vmem>>
        %dma_start3A_436 = arith.constant 0 : i32
        %dma_start3A_437 = tpu.memref_slice %arg7[%dma_start3A_436] : memref<10240xf32, #tpu.memory_space<vmem_shared>> -> memref<10240xf32, #tpu.memory_space<vmem_shared>>
        tpu.enqueue_indirect_dma source(%dma_start3A_432 : memref<128xf32, #tpu.memory_space<vmem>>) target(%dma_start3A_437 : memref<10240xf32, #tpu.memory_space<vmem_shared>>) offsets(%dma_start3A_435 : memref<128xi32, #tpu.memory_space<vmem>>) semaphore(%arg22 : memref<!tpu.dma_semaphore, #tpu.memory_space<semaphore_mem>>) {add = true}
      }
      %scan3A_286 = arith.constant 157 : i32
      %scan3A_287 = arith.constant 0 : i32
      %scan3A_288 = arith.constant 0 : i32
      %scan3A_289 = arith.constant 157 : i32
      %scan3A_290 = arith.addi %scan3A_288, %scan3A_289 : i32
      %scan3A_291 = arith.constant 1 : i32
      scf.for %scan3A_303 = %scan3A_288 to %scan3A_290 step %scan3A_291  : i32 {
        %dma_wait3A_304 = arith.constant 0 : i32
        %dma_wait3A_305 = arith.constant 0 : i32
        %dma_wait3A_306 = arith.constant 0 : i32
        %dma_wait3A_307 = tpu.memref_slice %arg11[%dma_wait3A_304, %dma_wait3A_306] : memref<157x128xf32, #tpu.memory_space<vmem>> -> memref<1x128xf32, #tpu.memory_space<vmem>>
        %dma_wait3A_308 = tpu.memref_squeeze %dma_wait3A_307 : memref<1x128xf32, #tpu.memory_space<vmem>> -> memref<128xf32, #tpu.memory_space<vmem>>
        %dma_wait3A_309 = arith.constant 0 : i32
        %dma_wait3A_310 = tpu.memref_slice %arg10[%dma_wait3A_305, %dma_wait3A_309] : memref<157x128xi32, #tpu.memory_space<vmem>> -> memref<1x128xi32, #tpu.memory_space<vmem>>
        %dma_wait3A_311 = tpu.memref_squeeze %dma_wait3A_310 : memref<1x128xi32, #tpu.memory_space<vmem>> -> memref<128xi32, #tpu.memory_space<vmem>>
        %dma_wait3A_312 = arith.constant 0 : i32
        %dma_wait3A_313 = tpu.memref_slice %arg7[%dma_wait3A_312] : memref<10240xf32, #tpu.memory_space<vmem_shared>> -> memref<10240xf32, #tpu.memory_space<vmem_shared>>
        tpu.wait_indirect_dma semaphore(%arg22 : memref<!tpu.dma_semaphore, #tpu.memory_space<semaphore_mem>>) src(%dma_wait3A_308 : memref<128xf32, #tpu.memory_space<vmem>>) dst(%dma_wait3A_313 : memref<10240xf32, #tpu.memory_space<vmem_shared>>)
      }
      %scan3A_292 = arith.constant 157 : i32
      %barrier3A_293 = arith.constant 0 : index
      tpu.barrier barrier_id(%barrier3A_293)
      "tpu.region"() ({
        %run_scoped3A = tpu.sem_alloc : memref<!tpu.dma_semaphore, #tpu.memory_space<semaphore_mem>>
        %dma_start3A_303 = tpu.memref_slice %arg7[%mul3A_0] : memref<10240xf32, #tpu.memory_space<vmem_shared>> -> memref<640xf32, #tpu.memory_space<vmem_shared>>
        %dma_start3A_304 = tpu.memref_slice %arg7[%mul3A_0] : memref<10240xf32, #tpu.memory_space<vmem_shared>> -> memref<640xf32, #tpu.memory_space<vmem_shared>>
        tpu.enqueue_dma source(%dma_start3A_304 : memref<640xf32, #tpu.memory_space<vmem_shared>>) target(%arg17 : memref<640xf32, #tpu.memory_space<vmem>>) target_semaphore(%run_scoped3A : memref<!tpu.dma_semaphore, #tpu.memory_space<semaphore_mem>>)
        %dma_wait3A_305 = tpu.memref_slice %arg7[%mul3A_0] : memref<10240xf32, #tpu.memory_space<vmem_shared>> -> memref<640xf32, #tpu.memory_space<vmem_shared>>
        %dma_wait3A_306 = tpu.memref_slice %arg7[%mul3A_0] : memref<10240xf32, #tpu.memory_space<vmem_shared>> -> memref<640xf32, #tpu.memory_space<vmem_shared>>
        tpu.wait_dma2 semaphore(%run_scoped3A : memref<!tpu.dma_semaphore, #tpu.memory_space<semaphore_mem>>) src(%dma_wait3A_306 : memref<640xf32, #tpu.memory_space<vmem_shared>>) dst(%arg17 : memref<640xf32, #tpu.memory_space<vmem>>)
        tpu.yield
      }) : () -> ()
      %scan3A_294 = arith.constant 0 : i32
      %scan3A_295 = arith.constant 0 : i32
      %scan3A_296 = arith.constant 5 : i32
      %scan3A_297 = arith.addi %scan3A_295, %scan3A_296 : i32
      %scan3A_298 = arith.constant 1 : i32
      scf.for %scan3A_303 = %scan3A_295 to %scan3A_297 step %scan3A_298  : i32 {
        %mul3A_304 = arith.constant 128 : i32
        %mul3A_305 = arith.muli %scan3A_303, %mul3A_304 : i32
        %add3A_306 = arith.constant 0 : i32
        %add3A_307 = arith.addi %mul3A_305, %add3A_306 : i32
        %get3A_308 = arith.index_cast %add3A_307 : i32 to index
        %get3A_309 = tpu.vector_load %arg15[%get3A_308] {strides = array<i32>} : memref<640xf32, #tpu.memory_space<vmem>>, vector<16xf32>,
        %get3A_310 = arith.index_cast %add3A_307 : i32 to index
        %get3A_311 = tpu.vector_load %arg17[%get3A_310] {strides = array<i32>} : memref<640xf32, #tpu.memory_space<vmem>>, vector<16xf32>,
        %mul3A_312 = arith.mulf %get3A_309, %get3A_311 : vector<16xf32>
        %mul3A_313 = arith.constant 0.899999976 : f32
        %mul3A_314 = vector.broadcast %mul3A_313 : f32 to vector<16xf32>
        %mul3A_315 = arith.mulf %mul3A_314, %mul3A_312 : vector<16xf32>
        %get3A_316 = arith.index_cast %add3A_307 : i32 to index
        %get3A_317 = tpu.vector_load %arg14[%get3A_316] {strides = array<i32>} : memref<640xf32, #tpu.memory_space<vmem>>, vector<16xf32>,
        %mul3A_318 = arith.constant 1.000000e-01 : f32
        %mul3A_319 = vector.broadcast %mul3A_318 : f32 to vector<16xf32>
        %mul3A_320 = arith.mulf %mul3A_319, %get3A_317 : vector<16xf32>
        %add3A_321 = arith.addf %mul3A_315, %mul3A_320 : vector<16xf32>
        %swap3A_322 = arith.index_cast %add3A_307 : i32 to index
        %swap3A_323 = tpu.vector_load %arg16[%swap3A_322] {strides = array<i32>} : memref<640xf32, #tpu.memory_space<vmem>>, vector<16xf32>,
        tpu.vector_store %arg16[%swap3A_322], %add3A_321 {strides = array<i32>} : memref<640xf32, #tpu.memory_space<vmem>>, vector<16xf32>,
        %mul3A_324 = arith.mulf %get3A_309, %add3A_321 : vector<16xf32>
        %swap3A_325 = arith.index_cast %scan3A_303 : i32 to index
        %swap3A_326 = arith.constant 0 : index
        %swap3A_327 = tpu.vector_load %arg20[%swap3A_325, %swap3A_326] {strides = array<i32>} : memref<5x128xf32, #tpu.memory_space<vmem>>, vector<16xf32>,
        tpu.vector_store %arg20[%swap3A_325, %swap3A_326], %mul3A_324 {strides = array<i32>} : memref<5x128xf32, #tpu.memory_space<vmem>>, vector<16xf32>,
        %mul3A_328 = arith.constant 128 : i32
        %mul3A_329 = arith.muli %scan3A_303, %mul3A_328 : i32
        %add3A_330 = arith.constant 16 : i32
        %add3A_331 = arith.addi %mul3A_329, %add3A_330 : i32
        %get3A_332 = arith.index_cast %add3A_331 : i32 to index
        %get3A_333 = tpu.vector_load %arg15[%get3A_332] {strides = array<i32>} : memref<640xf32, #tpu.memory_space<vmem>>, vector<16xf32>,
        %get3A_334 = arith.index_cast %add3A_331 : i32 to index
        %get3A_335 = tpu.vector_load %arg17[%get3A_334] {strides = array<i32>} : memref<640xf32, #tpu.memory_space<vmem>>, vector<16xf32>,
        %mul3A_336 = arith.mulf %get3A_333, %get3A_335 : vector<16xf32>
        %mul3A_337 = arith.constant 0.899999976 : f32
        %mul3A_338 = vector.broadcast %mul3A_337 : f32 to vector<16xf32>
        %mul3A_339 = arith.mulf %mul3A_338, %mul3A_336 : vector<16xf32>
        %get3A_340 = arith.index_cast %add3A_331 : i32 to index
        %get3A_341 = tpu.vector_load %arg14[%get3A_340] {strides = array<i32>} : memref<640xf32, #tpu.memory_space<vmem>>, vector<16xf32>,
        %mul3A_342 = arith.constant 1.000000e-01 : f32
        %mul3A_343 = vector.broadcast %mul3A_342 : f32 to vector<16xf32>
        %mul3A_344 = arith.mulf %mul3A_343, %get3A_341 : vector<16xf32>
        %add3A_345 = arith.addf %mul3A_339, %mul3A_344 : vector<16xf32>
        %swap3A_346 = arith.index_cast %add3A_331 : i32 to index
        %swap3A_347 = tpu.vector_load %arg16[%swap3A_346] {strides = array<i32>} : memref<640xf32, #tpu.memory_space<vmem>>, vector<16xf32>,
        tpu.vector_store %arg16[%swap3A_346], %add3A_345 {strides = array<i32>} : memref<640xf32, #tpu.memory_space<vmem>>, vector<16xf32>,
        %mul3A_348 = arith.mulf %get3A_333, %add3A_345 : vector<16xf32>
        %swap3A_349 = arith.index_cast %scan3A_303 : i32 to index
        %swap3A_350 = arith.constant 16 : index
        %swap3A_351 = tpu.vector_load %arg20[%swap3A_349, %swap3A_350] {strides = array<i32>} : memref<5x128xf32, #tpu.memory_space<vmem>>, vector<16xf32>,
        tpu.vector_store %arg20[%swap3A_349, %swap3A_350], %mul3A_348 {strides = array<i32>} : memref<5x128xf32, #tpu.memory_space<vmem>>, vector<16xf32>,
        %mul3A_352 = arith.constant 128 : i32
        %mul3A_353 = arith.muli %scan3A_303, %mul3A_352 : i32
        %add3A_354 = arith.constant 32 : i32
        %add3A_355 = arith.addi %mul3A_353, %add3A_354 : i32
        %get3A_356 = arith.index_cast %add3A_355 : i32 to index
        %get3A_357 = tpu.vector_load %arg15[%get3A_356] {strides = array<i32>} : memref<640xf32, #tpu.memory_space<vmem>>, vector<16xf32>,
        %get3A_358 = arith.index_cast %add3A_355 : i32 to index
        %get3A_359 = tpu.vector_load %arg17[%get3A_358] {strides = array<i32>} : memref<640xf32, #tpu.memory_space<vmem>>, vector<16xf32>,
        %mul3A_360 = arith.mulf %get3A_357, %get3A_359 : vector<16xf32>
        %mul3A_361 = arith.constant 0.899999976 : f32
        %mul3A_362 = vector.broadcast %mul3A_361 : f32 to vector<16xf32>
        %mul3A_363 = arith.mulf %mul3A_362, %mul3A_360 : vector<16xf32>
        %get3A_364 = arith.index_cast %add3A_355 : i32 to index
        %get3A_365 = tpu.vector_load %arg14[%get3A_364] {strides = array<i32>} : memref<640xf32, #tpu.memory_space<vmem>>, vector<16xf32>,
        %mul3A_366 = arith.constant 1.000000e-01 : f32
        %mul3A_367 = vector.broadcast %mul3A_366 : f32 to vector<16xf32>
        %mul3A_368 = arith.mulf %mul3A_367, %get3A_365 : vector<16xf32>
        %add3A_369 = arith.addf %mul3A_363, %mul3A_368 : vector<16xf32>
        %swap3A_370 = arith.index_cast %add3A_355 : i32 to index
        %swap3A_371 = tpu.vector_load %arg16[%swap3A_370] {strides = array<i32>} : memref<640xf32, #tpu.memory_space<vmem>>, vector<16xf32>,
        tpu.vector_store %arg16[%swap3A_370], %add3A_369 {strides = array<i32>} : memref<640xf32, #tpu.memory_space<vmem>>, vector<16xf32>,
        %mul3A_372 = arith.mulf %get3A_357, %add3A_369 : vector<16xf32>
        %swap3A_373 = arith.index_cast %scan3A_303 : i32 to index
        %swap3A_374 = arith.constant 32 : index
        %swap3A_375 = tpu.vector_load %arg20[%swap3A_373, %swap3A_374] {strides = array<i32>} : memref<5x128xf32, #tpu.memory_space<vmem>>, vector<16xf32>,
        tpu.vector_store %arg20[%swap3A_373, %swap3A_374], %mul3A_372 {strides = array<i32>} : memref<5x128xf32, #tpu.memory_space<vmem>>, vector<16xf32>,
        %mul3A_376 = arith.constant 128 : i32
        %mul3A_377 = arith.muli %scan3A_303, %mul3A_376 : i32
        %add3A_378 = arith.constant 48 : i32
        %add3A_379 = arith.addi %mul3A_377, %add3A_378 : i32
        %get3A_380 = arith.index_cast %add3A_379 : i32 to index
        %get3A_381 = tpu.vector_load %arg15[%get3A_380] {strides = array<i32>} : memref<640xf32, #tpu.memory_space<vmem>>, vector<16xf32>,
        %get3A_382 = arith.index_cast %add3A_379 : i32 to index
        %get3A_383 = tpu.vector_load %arg17[%get3A_382] {strides = array<i32>} : memref<640xf32, #tpu.memory_space<vmem>>, vector<16xf32>,
        %mul3A_384 = arith.mulf %get3A_381, %get3A_383 : vector<16xf32>
        %mul3A_385 = arith.constant 0.899999976 : f32
        %mul3A_386 = vector.broadcast %mul3A_385 : f32 to vector<16xf32>
        %mul3A_387 = arith.mulf %mul3A_386, %mul3A_384 : vector<16xf32>
        %get3A_388 = arith.index_cast %add3A_379 : i32 to index
        %get3A_389 = tpu.vector_load %arg14[%get3A_388] {strides = array<i32>} : memref<640xf32, #tpu.memory_space<vmem>>, vector<16xf32>,
        %mul3A_390 = arith.constant 1.000000e-01 : f32
        %mul3A_391 = vector.broadcast %mul3A_390 : f32 to vector<16xf32>
        %mul3A_392 = arith.mulf %mul3A_391, %get3A_389 : vector<16xf32>
        %add3A_393 = arith.addf %mul3A_387, %mul3A_392 : vector<16xf32>
        %swap3A_394 = arith.index_cast %add3A_379 : i32 to index
        %swap3A_395 = tpu.vector_load %arg16[%swap3A_394] {strides = array<i32>} : memref<640xf32, #tpu.memory_space<vmem>>, vector<16xf32>,
        tpu.vector_store %arg16[%swap3A_394], %add3A_393 {strides = array<i32>} : memref<640xf32, #tpu.memory_space<vmem>>, vector<16xf32>,
        %mul3A_396 = arith.mulf %get3A_381, %add3A_393 : vector<16xf32>
        %swap3A_397 = arith.index_cast %scan3A_303 : i32 to index
        %swap3A_398 = arith.constant 48 : index
        %swap3A_399 = tpu.vector_load %arg20[%swap3A_397, %swap3A_398] {strides = array<i32>} : memref<5x128xf32, #tpu.memory_space<vmem>>, vector<16xf32>,
        tpu.vector_store %arg20[%swap3A_397, %swap3A_398], %mul3A_396 {strides = array<i32>} : memref<5x128xf32, #tpu.memory_space<vmem>>, vector<16xf32>,
        %mul3A_400 = arith.constant 128 : i32
        %mul3A_401 = arith.muli %scan3A_303, %mul3A_400 : i32
        %add3A_402 = arith.constant 64 : i32
        %add3A_403 = arith.addi %mul3A_401, %add3A_402 : i32
        %get3A_404 = arith.index_cast %add3A_403 : i32 to index
        %get3A_405 = tpu.vector_load %arg15[%get3A_404] {strides = array<i32>} : memref<640xf32, #tpu.memory_space<vmem>>, vector<16xf32>,
        %get3A_406 = arith.index_cast %add3A_403 : i32 to index
        %get3A_407 = tpu.vector_load %arg17[%get3A_406] {strides = array<i32>} : memref<640xf32, #tpu.memory_space<vmem>>, vector<16xf32>,
        %mul3A_408 = arith.mulf %get3A_405, %get3A_407 : vector<16xf32>
        %mul3A_409 = arith.constant 0.899999976 : f32
        %mul3A_410 = vector.broadcast %mul3A_409 : f32 to vector<16xf32>
        %mul3A_411 = arith.mulf %mul3A_410, %mul3A_408 : vector<16xf32>
        %get3A_412 = arith.index_cast %add3A_403 : i32 to index
        %get3A_413 = tpu.vector_load %arg14[%get3A_412] {strides = array<i32>} : memref<640xf32, #tpu.memory_space<vmem>>, vector<16xf32>,
        %mul3A_414 = arith.constant 1.000000e-01 : f32
        %mul3A_415 = vector.broadcast %mul3A_414 : f32 to vector<16xf32>
        %mul3A_416 = arith.mulf %mul3A_415, %get3A_413 : vector<16xf32>
        %add3A_417 = arith.addf %mul3A_411, %mul3A_416 : vector<16xf32>
        %swap3A_418 = arith.index_cast %add3A_403 : i32 to index
        %swap3A_419 = tpu.vector_load %arg16[%swap3A_418] {strides = array<i32>} : memref<640xf32, #tpu.memory_space<vmem>>, vector<16xf32>,
        tpu.vector_store %arg16[%swap3A_418], %add3A_417 {strides = array<i32>} : memref<640xf32, #tpu.memory_space<vmem>>, vector<16xf32>,
        %mul3A_420 = arith.mulf %get3A_405, %add3A_417 : vector<16xf32>
        %swap3A_421 = arith.index_cast %scan3A_303 : i32 to index
        %swap3A_422 = arith.constant 64 : index
        %swap3A_423 = tpu.vector_load %arg20[%swap3A_421, %swap3A_422] {strides = array<i32>} : memref<5x128xf32, #tpu.memory_space<vmem>>, vector<16xf32>,
        tpu.vector_store %arg20[%swap3A_421, %swap3A_422], %mul3A_420 {strides = array<i32>} : memref<5x128xf32, #tpu.memory_space<vmem>>, vector<16xf32>,
        %mul3A_424 = arith.constant 128 : i32
        %mul3A_425 = arith.muli %scan3A_303, %mul3A_424 : i32
        %add3A_426 = arith.constant 80 : i32
        %add3A_427 = arith.addi %mul3A_425, %add3A_426 : i32
        %get3A_428 = arith.index_cast %add3A_427 : i32 to index
        %get3A_429 = tpu.vector_load %arg15[%get3A_428] {strides = array<i32>} : memref<640xf32, #tpu.memory_space<vmem>>, vector<16xf32>,
        %get3A_430 = arith.index_cast %add3A_427 : i32 to index
        %get3A_431 = tpu.vector_load %arg17[%get3A_430] {strides = array<i32>} : memref<640xf32, #tpu.memory_space<vmem>>, vector<16xf32>,
        %mul3A_432 = arith.mulf %get3A_429, %get3A_431 : vector<16xf32>
        %mul3A_433 = arith.constant 0.899999976 : f32
        %mul3A_434 = vector.broadcast %mul3A_433 : f32 to vector<16xf32>
        %mul3A_435 = arith.mulf %mul3A_434, %mul3A_432 : vector<16xf32>
        %get3A_436 = arith.index_cast %add3A_427 : i32 to index
        %get3A_437 = tpu.vector_load %arg14[%get3A_436] {strides = array<i32>} : memref<640xf32, #tpu.memory_space<vmem>>, vector<16xf32>,
        %mul3A_438 = arith.constant 1.000000e-01 : f32
        %mul3A_439 = vector.broadcast %mul3A_438 : f32 to vector<16xf32>
        %mul3A_440 = arith.mulf %mul3A_439, %get3A_437 : vector<16xf32>
        %add3A_441 = arith.addf %mul3A_435, %mul3A_440 : vector<16xf32>
        %swap3A_442 = arith.index_cast %add3A_427 : i32 to index
        %swap3A_443 = tpu.vector_load %arg16[%swap3A_442] {strides = array<i32>} : memref<640xf32, #tpu.memory_space<vmem>>, vector<16xf32>,
        tpu.vector_store %arg16[%swap3A_442], %add3A_441 {strides = array<i32>} : memref<640xf32, #tpu.memory_space<vmem>>, vector<16xf32>,
        %mul3A_444 = arith.mulf %get3A_429, %add3A_441 : vector<16xf32>
        %swap3A_445 = arith.index_cast %scan3A_303 : i32 to index
        %swap3A_446 = arith.constant 80 : index
        %swap3A_447 = tpu.vector_load %arg20[%swap3A_445, %swap3A_446] {strides = array<i32>} : memref<5x128xf32, #tpu.memory_space<vmem>>, vector<16xf32>,
        tpu.vector_store %arg20[%swap3A_445, %swap3A_446], %mul3A_444 {strides = array<i32>} : memref<5x128xf32, #tpu.memory_space<vmem>>, vector<16xf32>,
        %mul3A_448 = arith.constant 128 : i32
        %mul3A_449 = arith.muli %scan3A_303, %mul3A_448 : i32
        %add3A_450 = arith.constant 96 : i32
        %add3A_451 = arith.addi %mul3A_449, %add3A_450 : i32
        %get3A_452 = arith.index_cast %add3A_451 : i32 to index
        %get3A_453 = tpu.vector_load %arg15[%get3A_452] {strides = array<i32>} : memref<640xf32, #tpu.memory_space<vmem>>, vector<16xf32>,
        %get3A_454 = arith.index_cast %add3A_451 : i32 to index
        %get3A_455 = tpu.vector_load %arg17[%get3A_454] {strides = array<i32>} : memref<640xf32, #tpu.memory_space<vmem>>, vector<16xf32>,
        %mul3A_456 = arith.mulf %get3A_453, %get3A_455 : vector<16xf32>
        %mul3A_457 = arith.constant 0.899999976 : f32
        %mul3A_458 = vector.broadcast %mul3A_457 : f32 to vector<16xf32>
        %mul3A_459 = arith.mulf %mul3A_458, %mul3A_456 : vector<16xf32>
        %get3A_460 = arith.index_cast %add3A_451 : i32 to index
        %get3A_461 = tpu.vector_load %arg14[%get3A_460] {strides = array<i32>} : memref<640xf32, #tpu.memory_space<vmem>>, vector<16xf32>,
        %mul3A_462 = arith.constant 1.000000e-01 : f32
        %mul3A_463 = vector.broadcast %mul3A_462 : f32 to vector<16xf32>
        %mul3A_464 = arith.mulf %mul3A_463, %get3A_461 : vector<16xf32>
        %add3A_465 = arith.addf %mul3A_459, %mul3A_464 : vector<16xf32>
        %swap3A_466 = arith.index_cast %add3A_451 : i32 to index
        %swap3A_467 = tpu.vector_load %arg16[%swap3A_466] {strides = array<i32>} : memref<640xf32, #tpu.memory_space<vmem>>, vector<16xf32>,
        tpu.vector_store %arg16[%swap3A_466], %add3A_465 {strides = array<i32>} : memref<640xf32, #tpu.memory_space<vmem>>, vector<16xf32>,
        %mul3A_468 = arith.mulf %get3A_453, %add3A_465 : vector<16xf32>
        %swap3A_469 = arith.index_cast %scan3A_303 : i32 to index
        %swap3A_470 = arith.constant 96 : index
        %swap3A_471 = tpu.vector_load %arg20[%swap3A_469, %swap3A_470] {strides = array<i32>} : memref<5x128xf32, #tpu.memory_space<vmem>>, vector<16xf32>,
        tpu.vector_store %arg20[%swap3A_469, %swap3A_470], %mul3A_468 {strides = array<i32>} : memref<5x128xf32, #tpu.memory_space<vmem>>, vector<16xf32>,
        %mul3A_472 = arith.constant 128 : i32
        %mul3A_473 = arith.muli %scan3A_303, %mul3A_472 : i32
        %add3A_474 = arith.constant 112 : i32
        %add3A_475 = arith.addi %mul3A_473, %add3A_474 : i32
        %get3A_476 = arith.index_cast %add3A_475 : i32 to index
        %get3A_477 = tpu.vector_load %arg15[%get3A_476] {strides = array<i32>} : memref<640xf32, #tpu.memory_space<vmem>>, vector<16xf32>,
        %get3A_478 = arith.index_cast %add3A_475 : i32 to index
        %get3A_479 = tpu.vector_load %arg17[%get3A_478] {strides = array<i32>} : memref<640xf32, #tpu.memory_space<vmem>>, vector<16xf32>,
        %mul3A_480 = arith.mulf %get3A_477, %get3A_479 : vector<16xf32>
        %mul3A_481 = arith.constant 0.899999976 : f32
        %mul3A_482 = vector.broadcast %mul3A_481 : f32 to vector<16xf32>
        %mul3A_483 = arith.mulf %mul3A_482, %mul3A_480 : vector<16xf32>
        %get3A_484 = arith.index_cast %add3A_475 : i32 to index
        %get3A_485 = tpu.vector_load %arg14[%get3A_484] {strides = array<i32>} : memref<640xf32, #tpu.memory_space<vmem>>, vector<16xf32>,
        %mul3A_486 = arith.constant 1.000000e-01 : f32
        %mul3A_487 = vector.broadcast %mul3A_486 : f32 to vector<16xf32>
        %mul3A_488 = arith.mulf %mul3A_487, %get3A_485 : vector<16xf32>
        %add3A_489 = arith.addf %mul3A_483, %mul3A_488 : vector<16xf32>
        %swap3A_490 = arith.index_cast %add3A_475 : i32 to index
        %swap3A_491 = tpu.vector_load %arg16[%swap3A_490] {strides = array<i32>} : memref<640xf32, #tpu.memory_space<vmem>>, vector<16xf32>,
        tpu.vector_store %arg16[%swap3A_490], %add3A_489 {strides = array<i32>} : memref<640xf32, #tpu.memory_space<vmem>>, vector<16xf32>,
        %mul3A_492 = arith.mulf %get3A_477, %add3A_489 : vector<16xf32>
        %swap3A_493 = arith.index_cast %scan3A_303 : i32 to index
        %swap3A_494 = arith.constant 112 : index
        %swap3A_495 = tpu.vector_load %arg20[%swap3A_493, %swap3A_494] {strides = array<i32>} : memref<5x128xf32, #tpu.memory_space<vmem>>, vector<16xf32>,
        tpu.vector_store %arg20[%swap3A_493, %swap3A_494], %mul3A_492 {strides = array<i32>} : memref<5x128xf32, #tpu.memory_space<vmem>>, vector<16xf32>,
      }
      %scan3A_299 = arith.constant 5 : i32
      %mul3A_300 = arith.constant 5 : i32
      %mul3A_301 = arith.muli %arg1, %mul3A_300 : i32
      "tpu.region"() ({
        %run_scoped3A = tpu.sem_alloc : memref<!tpu.dma_semaphore, #tpu.memory_space<semaphore_mem>>
        %dma_start3A_303 = arith.constant 0 : i32
        %dma_start3A_304 = tpu.memref_slice %arg6[%mul3A_301, %dma_start3A_303] : memref<80x128xf32, #tpu.memory_space<vmem_shared>> -> memref<5x128xf32, #tpu.memory_space<vmem_shared>>
        %dma_start3A_305 = arith.constant 0 : i32
        %dma_start3A_306 = tpu.memref_slice %arg6[%mul3A_301, %dma_start3A_305] : memref<80x128xf32, #tpu.memory_space<vmem_shared>> -> memref<5x128xf32, #tpu.memory_space<vmem_shared>>
        tpu.enqueue_dma source(%arg20 : memref<5x128xf32, #tpu.memory_space<vmem>>) target(%dma_start3A_306 : memref<5x128xf32, #tpu.memory_space<vmem_shared>>) target_semaphore(%run_scoped3A : memref<!tpu.dma_semaphore, #tpu.memory_space<semaphore_mem>>)
        %dma_wait3A_307 = arith.constant 0 : i32
        %dma_wait3A_308 = tpu.memref_slice %arg6[%mul3A_301, %dma_wait3A_307] : memref<80x128xf32, #tpu.memory_space<vmem_shared>> -> memref<5x128xf32, #tpu.memory_space<vmem_shared>>
        %dma_wait3A_309 = arith.constant 0 : i32
        %dma_wait3A_310 = tpu.memref_slice %arg6[%mul3A_301, %dma_wait3A_309] : memref<80x128xf32, #tpu.memory_space<vmem_shared>> -> memref<5x128xf32, #tpu.memory_space<vmem_shared>>
        tpu.wait_dma2 semaphore(%run_scoped3A : memref<!tpu.dma_semaphore, #tpu.memory_space<semaphore_mem>>) src(%arg20 : memref<5x128xf32, #tpu.memory_space<vmem>>) dst(%dma_wait3A_310 : memref<5x128xf32, #tpu.memory_space<vmem_shared>>)
        tpu.yield
      }) : () -> ()
      %barrier3A_302 = arith.constant 0 : index
      tpu.barrier barrier_id(%barrier3A_302)
    }
    %scan3A_273 = arith.constant 10 : i32
    %eq3A_274 = arith.constant 0 : i32
    %eq3A_275 = arith.cmpi eq, %arg0, %eq3A_274 : i32
    %convert_element_type3A_276 = arith.extui %eq3A_275 : i1 to i32
    %cond3A_277 = arith.constant 0 : i32
    %cond3A_278 = arith.cmpi ne, %convert_element_type3A_276, %cond3A_277 : i32
    scf.if %cond3A_278 {
      %scan3A_279 = arith.constant 0 : i32
      %scan3A_280 = arith.constant 0 : i32
      %scan3A_281 = arith.constant 40 : i32
      %scan3A_282 = arith.addi %scan3A_280, %scan3A_281 : i32
      %scan3A_283 = arith.constant 1 : i32
      scf.for %scan3A_295 = %scan3A_280 to %scan3A_282 step %scan3A_283  : i32 {
        %mul3A_296 = arith.constant 16 : i32
        %mul3A_297 = arith.muli %scan3A_295, %mul3A_296 : i32
        %get3A_298 = arith.index_cast %mul3A_297 : i32 to index
        %get3A_299 = tpu.vector_load %arg16[%get3A_298] {strides = array<i32>} : memref<640xf32, #tpu.memory_space<vmem>>, vector<16xf32>,
        %get3A_300 = arith.constant 0 : index
        %get3A_301 = tpu.vector_load %arg18[%get3A_300] {strides = array<i32>} : memref<16xf32, #tpu.memory_space<vmem>>, vector<16xf32>,
        %add3A_302 = arith.addf %get3A_299, %get3A_301 : vector<16xf32>
        %neg3A = arith.constant 0.000000e+00 : f32
        %neg3A_303 = vector.broadcast %neg3A : f32 to vector<16xf32>
        %neg3A_304 = arith.subf %neg3A_303, %add3A_302 : vector<16xf32>
        %exp3A = math.exp %neg3A_304 : vector<16xf32>
        %add3A_305 = arith.constant 1.000000e+00 : f32
        %add3A_306 = vector.broadcast %add3A_305 : f32 to vector<16xf32>
        %add3A_307 = arith.addf %add3A_306, %exp3A : vector<16xf32>
        %div3A_308 = arith.constant 1.000000e+00 : f32
        %div3A_309 = vector.broadcast %div3A_308 : f32 to vector<16xf32>
        %div3A_310 = arith.divf %div3A_309, %add3A_307 : vector<16xf32>
        %swap3A_311 = arith.index_cast %mul3A_297 : i32 to index
        %swap3A_312 = tpu.vector_load %arg17[%swap3A_311] {strides = array<i32>} : memref<640xf32, #tpu.memory_space<vmem>>, vector<16xf32>,
        tpu.vector_store %arg17[%swap3A_311], %div3A_310 {strides = array<i32>} : memref<640xf32, #tpu.memory_space<vmem>>, vector<16xf32>,
      }
      %scan3A_284 = arith.constant 40 : i32
      %lt3A_285 = arith.constant 15 : i32
      %lt3A_286 = arith.cmpi slt, %arg1, %lt3A_285 : i32
      %convert_element_type3A_287 = arith.extui %lt3A_286 : i1 to i32
      %cond3A_288 = arith.constant 0 : i32
      %cond3A_289 = arith.cmpi ne, %convert_element_type3A_287, %cond3A_288 : i32
      scf.if %cond3A_289 {
        "tpu.region"() ({
          %run_scoped3A = tpu.sem_alloc : memref<!tpu.dma_semaphore, #tpu.memory_space<semaphore_mem>>
          %dma_start3A_295 = tpu.memref_slice %arg5[%mul3A_0] : memref<10000xf32, #tpu.memory_space<hbm>> -> memref<640xf32, #tpu.memory_space<hbm>>
          %dma_start3A_296 = tpu.memref_slice %arg5[%mul3A_0] : memref<10000xf32, #tpu.memory_space<hbm>> -> memref<640xf32, #tpu.memory_space<hbm>>
          tpu.enqueue_dma source(%arg17 : memref<640xf32, #tpu.memory_space<vmem>>) target(%dma_start3A_296 : memref<640xf32, #tpu.memory_space<hbm>>) target_semaphore(%run_scoped3A : memref<!tpu.dma_semaphore, #tpu.memory_space<semaphore_mem>>)
          %dma_wait3A_297 = tpu.memref_slice %arg5[%mul3A_0] : memref<10000xf32, #tpu.memory_space<hbm>> -> memref<640xf32, #tpu.memory_space<hbm>>
          %dma_wait3A_298 = tpu.memref_slice %arg5[%mul3A_0] : memref<10000xf32, #tpu.memory_space<hbm>> -> memref<640xf32, #tpu.memory_space<hbm>>
          tpu.wait_dma2 semaphore(%run_scoped3A : memref<!tpu.dma_semaphore, #tpu.memory_space<semaphore_mem>>) src(%arg17 : memref<640xf32, #tpu.memory_space<vmem>>) dst(%dma_wait3A_298 : memref<640xf32, #tpu.memory_space<hbm>>)
          tpu.yield
        }) : () -> ()
      } else {
      }
      %eq3A_290 = arith.constant 15 : i32
      %eq3A_291 = arith.cmpi eq, %arg1, %eq3A_290 : i32
      %convert_element_type3A_292 = arith.extui %eq3A_291 : i1 to i32
      %cond3A_293 = arith.constant 0 : i32
      %cond3A_294 = arith.cmpi ne, %convert_element_type3A_292, %cond3A_293 : i32
      scf.if %cond3A_294 {
        "tpu.region"() ({
          %run_scoped3A = tpu.sem_alloc : memref<!tpu.dma_semaphore, #tpu.memory_space<semaphore_mem>>
          %dma_start3A_295 = arith.constant 0 : i32
          %dma_start3A_296 = tpu.memref_slice %arg17[%dma_start3A_295] : memref<640xf32, #tpu.memory_space<vmem>> -> memref<400xf32, #tpu.memory_space<vmem>>
          %dma_start3A_297 = tpu.memref_slice %arg5[%mul3A_0] : memref<10000xf32, #tpu.memory_space<hbm>> -> memref<400xf32, #tpu.memory_space<hbm>>
          %dma_start3A_298 = tpu.memref_slice %arg5[%mul3A_0] : memref<10000xf32, #tpu.memory_space<hbm>> -> memref<400xf32, #tpu.memory_space<hbm>>
          %dma_start3A_299 = arith.constant 0 : i32
          %dma_start3A_300 = tpu.memref_slice %arg17[%dma_start3A_299] : memref<640xf32, #tpu.memory_space<vmem>> -> memref<400xf32, #tpu.memory_space<vmem>>
          tpu.enqueue_dma source(%dma_start3A_300 : memref<400xf32, #tpu.memory_space<vmem>>) target(%dma_start3A_298 : memref<400xf32, #tpu.memory_space<hbm>>) target_semaphore(%run_scoped3A : memref<!tpu.dma_semaphore, #tpu.memory_space<semaphore_mem>>)
          %dma_wait3A_301 = arith.constant 0 : i32
          %dma_wait3A_302 = tpu.memref_slice %arg17[%dma_wait3A_301] : memref<640xf32, #tpu.memory_space<vmem>> -> memref<400xf32, #tpu.memory_space<vmem>>
          %dma_wait3A_303 = tpu.memref_slice %arg5[%mul3A_0] : memref<10000xf32, #tpu.memory_space<hbm>> -> memref<400xf32, #tpu.memory_space<hbm>>
          %dma_wait3A_304 = tpu.memref_slice %arg5[%mul3A_0] : memref<10000xf32, #tpu.memory_space<hbm>> -> memref<400xf32, #tpu.memory_space<hbm>>
          %dma_wait3A_305 = arith.constant 0 : i32
          %dma_wait3A_306 = tpu.memref_slice %arg17[%dma_wait3A_305] : memref<640xf32, #tpu.memory_space<vmem>> -> memref<400xf32, #tpu.memory_space<vmem>>
          tpu.wait_dma2 semaphore(%run_scoped3A : memref<!tpu.dma_semaphore, #tpu.memory_space<semaphore_mem>>) src(%dma_wait3A_306 : memref<400xf32, #tpu.memory_space<vmem>>) dst(%dma_wait3A_304 : memref<400xf32, #tpu.memory_space<hbm>>)
          tpu.yield
        }) : () -> ()
      } else {
      }
    } else {
    }
    return
  }
}

module attributes {stable_mosaic.version = 14 : i64} {
  func.func @_mlp_body(%arg0: i32, %arg1: memref<1000x128xf32, #tpu.memory_space<vmem>>, %arg2: memref<128x256xf32, #tpu.memory_space<vmem>>, %arg3: memref<1x256xf32, #tpu.memory_space<vmem>>, %arg4: memref<256x128xf32, #tpu.memory_space<vmem>>, %arg5: memref<1x128xf32, #tpu.memory_space<vmem>>, %arg6: memref<1x128xf32, #tpu.memory_space<vmem>>, %arg7: memref<1000x1xf32, #tpu.memory_space<vmem>>) attributes {dimension_semantics = [#tpu.dimension_semantics<arbitrary>], iteration_bounds = array<i64: 10>, scalar_prefetch = 0 : i64, scratch_operands = 0 : i64, tpu.core_type = #tpu.core_type<tc>, window_params = [{transform_indices = @transform_0, window_bounds = array<i64: 1000, 128>}, {pipeline_mode = #tpu.pipeline_mode<synchronous>, transform_indices = @transform_1, window_bounds = array<i64: 128, 256>}, {pipeline_mode = #tpu.pipeline_mode<synchronous>, transform_indices = @transform_2, window_bounds = array<i64: 1, 256>}, {pipeline_mode = #tpu.pipeline_mode<synchronous>, transform_indices = @transform_3, window_bounds = array<i64: 256, 128>}, {pipeline_mode = #tpu.pipeline_mode<synchronous>, transform_indices = @transform_4, window_bounds = array<i64: 1, 128>}, {pipeline_mode = #tpu.pipeline_mode<synchronous>, transform_indices = @transform_5, window_bounds = array<i64: 1, 128>}, {transform_indices = @transform_6, window_bounds = array<i64: 1000, 1>}]} {
    %get3A = arith.constant 0 : index
    %get3A_0 = arith.constant 0 : index
    %get3A_1 = vector.load %arg1[%get3A, %get3A_0] : memref<1000x128xf32, #tpu.memory_space<vmem>>, vector<1000x128xf32>
    %get3A_2 = arith.constant 0 : index
    %get3A_3 = arith.constant 0 : index
    %get3A_4 = vector.load %arg2[%get3A_2, %get3A_3] : memref<128x256xf32, #tpu.memory_space<vmem>>, vector<128x256xf32>
    %dot_general3A = arith.constant dense<0.000000e+00> : vector<1000x256xf32>
    %dot_general3A_5 = tpu.matmul %get3A_1, %get3A_4, %dot_general3A {dimension_numbers = #tpu.dot_dimension_numbers<[1], [0], [0], [1], [0, 0, 1, 1], [], []>, transpose_lhs_hint = false} : vector<1000x128xf32>, vector<128x256xf32>, vector<1000x256xf32> -> vector<1000x256xf32>
    %get3A_6 = arith.constant 0 : index
    %get3A_7 = arith.constant 0 : index
    %get3A_8 = vector.load %arg3[%get3A_6, %get3A_7] : memref<1x256xf32, #tpu.memory_space<vmem>>, vector<1x256xf32>
    %add3A = vector.broadcast %get3A_8 : vector<1x256xf32> to vector<1000x256xf32>
    %add3A_9 = arith.addf %dot_general3A_5, %add3A : vector<1000x256xf32>
    %max3A = arith.constant 0.000000e+00 : f32
    %max3A_10 = vector.broadcast %max3A : f32 to vector<1000x256xf32>
    %max3A_11 = arith.maximumf %add3A_9, %max3A_10 : vector<1000x256xf32>
    %get3A_12 = arith.constant 0 : index
    %get3A_13 = arith.constant 0 : index
    %get3A_14 = vector.load %arg4[%get3A_12, %get3A_13] : memref<256x128xf32, #tpu.memory_space<vmem>>, vector<256x128xf32>
    %dot_general3A_15 = arith.constant dense<0.000000e+00> : vector<1000x128xf32>
    %dot_general3A_16 = tpu.matmul %max3A_11, %get3A_14, %dot_general3A_15 {dimension_numbers = #tpu.dot_dimension_numbers<[1], [0], [0], [1], [0, 0, 1, 1], [], []>, transpose_lhs_hint = false} : vector<1000x256xf32>, vector<256x128xf32>, vector<1000x128xf32> -> vector<1000x128xf32>
    %get3A_17 = arith.constant 0 : index
    %get3A_18 = arith.constant 0 : index
    %get3A_19 = vector.load %arg5[%get3A_17, %get3A_18] : memref<1x128xf32, #tpu.memory_space<vmem>>, vector<1x128xf32>
    %add3A_20 = vector.broadcast %get3A_19 : vector<1x128xf32> to vector<1000x128xf32>
    %add3A_21 = arith.addf %dot_general3A_16, %add3A_20 : vector<1000x128xf32>
    %get3A_22 = arith.constant 0 : index
    %get3A_23 = arith.constant 0 : index
    %get3A_24 = vector.load %arg6[%get3A_22, %get3A_23] : memref<1x128xf32, #tpu.memory_space<vmem>>, vector<1x128xf32>
    %mul3A = vector.broadcast %get3A_24 : vector<1x128xf32> to vector<1000x128xf32>
    %mul3A_25 = arith.mulf %add3A_21, %mul3A : vector<1000x128xf32>
    %reduce_sum3A = arith.constant dense<0.000000e+00> : vector<1000xf32>
    %reduce_sum3A_26 = vector.multi_reduction <add>, %mul3A_25, %reduce_sum3A [1] : vector<1000x128xf32> to vector<1000xf32>
    %broadcast_in_dim3A = vector.shape_cast %reduce_sum3A_26 : vector<1000xf32> to vector<1000x1xf32>
    %swap3A = arith.constant 0 : index
    %swap3A_27 = arith.constant 0 : index
    %swap3A_28 = vector.load %arg7[%swap3A, %swap3A_27] : memref<1000x1xf32, #tpu.memory_space<vmem>>, vector<1000x1xf32>
    tpu.vector_store %arg7[%swap3A, %swap3A_27], %broadcast_in_dim3A {strides = array<i32>} : memref<1000x1xf32, #tpu.memory_space<vmem>>, vector<1000x1xf32>,
    return
  }
  func.func @transform_0(%arg0: i32) -> (i32, i32) {
    %c0_i32 = arith.constant 0 : i32
    %c0_i32_0 = arith.constant 0 : i32
    return %arg0, %c0_i32 : i32, i32
  }
  func.func @transform_1(%arg0: i32) -> (i32, i32) {
    %c0_i32 = arith.constant 0 : i32
    %c0_i32_0 = arith.constant 0 : i32
    %c0_i32_1 = arith.constant 0 : i32
    return %c0_i32, %c0_i32_0 : i32, i32
  }
  func.func @transform_2(%arg0: i32) -> (i32, i32) {
    %c0_i32 = arith.constant 0 : i32
    %c0_i32_0 = arith.constant 0 : i32
    %c0_i32_1 = arith.constant 0 : i32
    return %c0_i32, %c0_i32_0 : i32, i32
  }
  func.func @transform_3(%arg0: i32) -> (i32, i32) {
    %c0_i32 = arith.constant 0 : i32
    %c0_i32_0 = arith.constant 0 : i32
    %c0_i32_1 = arith.constant 0 : i32
    return %c0_i32, %c0_i32_0 : i32, i32
  }
  func.func @transform_4(%arg0: i32) -> (i32, i32) {
    %c0_i32 = arith.constant 0 : i32
    %c0_i32_0 = arith.constant 0 : i32
    %c0_i32_1 = arith.constant 0 : i32
    return %c0_i32, %c0_i32_0 : i32, i32
  }
  func.func @transform_5(%arg0: i32) -> (i32, i32) {
    %c0_i32 = arith.constant 0 : i32
    %c0_i32_0 = arith.constant 0 : i32
    %c0_i32_1 = arith.constant 0 : i32
    return %c0_i32, %c0_i32_0 : i32, i32
  }
  func.func @transform_6(%arg0: i32) -> (i32, i32) {
    %c0_i32 = arith.constant 0 : i32
    %c0_i32_0 = arith.constant 0 : i32
    return %arg0, %c0_i32 : i32, i32
  }
}

</mosaic_0001>

<sc_bundles>
// kernel: kernel.4.cloned.1.call-start
scs
__scs_entry_jumppad:
0x0: {  	(pc) =	sbr.rel $0x88, $3  }
0x1: {  	(tag) =	ssettag $0x0;
	lr =	simm.s32 $0x1  }
0x2: {  	[smem:$0x3F99] =	sst lr;
	_ =	strace $0xD0000000  }
0x3: {  	_ = 	snop  }
0x4: {  	_ = 	snop  }
0x5: {  	_ = 	snop  }
0x6: {  	_ = 	snop  }
0x7: {  	_ = 	snop  }
__scs_overlays_trampoline_lowered:
0x8: {  	[smem:$0x3FA8] =	sst s0  }
0x9: {  	[smem:$0x3FA9] =	sst s1  }
0xa: {  	[smem:$0x3FAA] =	sst s2  }
0xb: {  	[smem:$0x3FAB] =	sst s3  }
0xc: {  	[smem:$0x3FAC] =	sst s4  }
0xd: {  	[smem:$0x3FAD] =	sst s5  }
0xe: {  	[smem:$0x3FAE] =	sst s6  }
0xf: {  	[smem:$0x3FAF] =	sst s7  }
0x10: {  	[smem:$0x3FB0] =	sst s8  }
0x11: {  	[smem:$0x3FB1] =	sst s9;
	s0 =	simm.s32 @!p0 $0x0  }
0x12: {  	s1 =	sld [smem:$0x3F97];
	s0 =	simm.s32 @p0 $0x1  }
0x13: {  	[smem:$0x3FB2] =	sst s0;
	s0 =	simm.s32 @!p1 $0x0  }
0x14: {  	s2 =	sld [smem:$0x3F96];
	s0 =	simm.s32 @p1 $0x1  }
0x15: {  	[smem:$0x3FB3] =	sst s0;
	s0 =	simm.s32 @!p2 $0x0  }
0x16: {  	s3 =	sld [smem:$0x3FDB];
	s0 =	simm.s32 @p2 $0x1  }
0x17: {  	s4 =	simm.s32 $0x1BF5;
	[smem:$0x3FB5] =	sst s0  }
0x18: {  	s0 =	sld [smem:$0x3F98];
	_ =	swait.ge [sflag:s4], $0x0  }
0x19: {  	s7 =	sld [smem:$0x3F99]  }
0x1a: {  	s8 =	sadd.s32 $0xFFFFE003, lr  }
0x1b: {  	s9 =	sadd.s32 $0xFFFFFEF7, lr;
	s5 =	simm.s32 $0xFFFFFFFF;
	p2 =	slt.u32 s8, $0xFFFFF086  }
0x1c: {  	p1 =	slt.u32 s9, $0xF7A;
	s5 =	simm.s32 @!p2 $0x0  }
0x1d: {  	s5 =	simm.s32 @p1 $0x1;
	p0 =	seq.s32 s7, s2  }
0x1e: {  	s7 =	smul.u32 @!p0 $0xF7A, s2;
	p2 =	seq.s32 @!p0 s5, $0x0  }
0x1f: {  	s9 =	smul.u32 $0xF7A, s1;
	s8 =	simm.s32 @!p0 $0x1BF5;
	p2 =	por !p2, p0  }
0x20: {  	[sflag:s8] =	ssyncset.s32 @!p0 $0xFFFFF086;
	s6 =	sadd.s32 @!p0 s3, s7;
	s7 =	simm.s32 @!p0 $0x108  }
0x21: {  	s3 =	sadd.s32 s3, s9;
	s6 =	sadd.s32 @!p0 $0x88, s6;
	s7 =	simm.s32 @p2 $0x1082  }
0x22: {  	[simem:s7], [sflag:s8] =	dma.local @!p0 [hbm:s6], $0xF7A  }
0x23: {  	s9 =	sor.u32 $0xD0000000, s2;
	s6 =	simm.s32 $0x108;
	_ =	swait.ge @!p0 [sflag:s8], $0x0  }
0x24: {  	s3 =	sadd.s32 $0x88, s3;
	s6 =	simm.s32 @!p1 $0x1082;
	[sflag:s4] =	ssyncset.s32 $0xFFFFF086  }
0x25: {  	[simem:s6], [sflag:s4] =	dma.local [hbm:s3], $0xF7A  }
0x26: {  	[smem:$0x3F99] =	sst s1;
	(tag) =	ssettag s2;
	_ =	strace s9  }
0x27: {  	s1 =	sld [smem:$0x3FA9]  }
0x28: {  	s2 =	sld [smem:$0x3FAA]  }
0x29: {  	s4 =	sld [smem:$0x3FAC]  }
0x2a: {  	p0 =	seq.s32 s5, $0x0;
	s5 =	sld [smem:$0x3FAD]  }
0x2b: {  	s6 =	sld [smem:$0x3FAE]  }
0x2c: {  	s7 =	sld [smem:$0x3FAF]  }
0x2d: {  	s3 =	simm.s32 $0x108;
	s8 =	sld [smem:$0x3FB0]  }
0x2e: {  	s3 =	simm.s32 @!p0 $0x1082;
	s9 =	sld [smem:$0x3FB1]  }
0x2f: {  	lr =	sadd.s32 s0, s3;
	s0 =	sld [smem:$0x3FA8]  }
0x30: {  	s3 =	sld [smem:$0x3FAB]  }
0x31: {  	[smem:$0x3FB4] =	sst s10  }
0x32: {  	s10 =	sld [smem:$0x3FB2];
	_ =	sdelay $0x3  }
0x33: {  	p0 =	seq.s32 s10, $0x1;
	s10 =	sld [smem:$0x3FB4];
	_ =	sdelay $0x3  }
0x34: {  	[smem:$0x3FB4] =	sst s10  }
0x35: {  	s10 =	sld [smem:$0x3FB3];
	_ =	sdelay $0x3  }
0x36: {  	p1 =	seq.s32 s10, $0x1;
	s10 =	sld [smem:$0x3FB4];
	_ =	sdelay $0x3  }
0x37: {  	[smem:$0x3FB4] =	sst s10  }
0x38: {  	s10 =	sld [smem:$0x3FB5]  }
0x39: {  	_ = 	snop;
	(pc) =	sbr.ind lr, $3  }
0x3a: {  	_ = 	snop  }
0x3b: {  	_ = 	snop  }
0x3c: {  	p2 =	seq.s32 s10, $0x1;
	s10 =	sld [smem:$0x3FB4]  }
0x3d: {  	_ =	shalt  }
0x3e: {  	_ =	shalt  }
0x3f: {  	_ =	shalt  }
0x40: {  	_ =	shalt  }
0x41: {  	_ =	shalt  }
0x42: {  	_ =	shalt  }
0x43: {  	_ =	shalt  }
0x44: {  	_ =	shalt  }
0x45: {  	_ =	shalt  }
0x46: {  	_ =	shalt  }
0x47: {  	_ =	shalt  }
0x48: {  	_ =	shalt  }
0x49: {  	_ =	shalt  }
0x4a: {  	_ =	shalt  }
0x4b: {  	_ =	shalt  }
0x4c: {  	_ =	shalt  }
0x4d: {  	_ =	shalt  }
0x4e: {  	_ =	shalt  }
0x4f: {  	_ =	shalt  }
0x50: {  	_ =	shalt  }
0x51: {  	_ =	shalt  }
0x52: {  	_ =	shalt  }
0x53: {  	_ =	shalt  }
0x54: {  	_ =	shalt  }
0x55: {  	_ =	shalt  }
0x56: {  	_ =	shalt  }
0x57: {  	_ =	shalt  }
0x58: {  	_ =	shalt  }
0x59: {  	_ =	shalt  }
0x5a: {  	_ =	shalt  }
0x5b: {  	_ =	shalt  }
0x5c: {  	_ =	shalt  }
0x5d: {  	_ =	shalt  }
0x5e: {  	_ =	shalt  }
0x5f: {  	_ =	shalt  }
0x60: {  	_ =	shalt  }
0x61: {  	_ =	shalt  }
0x62: {  	_ =	shalt  }
0x63: {  	_ =	shalt  }
0x64: {  	_ =	shalt  }
0x65: {  	_ =	shalt  }
0x66: {  	_ =	shalt  }
0x67: {  	_ =	shalt  }
0x68: {  	_ =	shalt  }
0x69: {  	_ =	shalt  }
0x6a: {  	_ =	shalt  }
0x6b: {  	_ =	shalt  }
0x6c: {  	_ =	shalt  }
0x6d: {  	_ =	shalt  }
0x6e: {  	_ =	shalt  }
0x6f: {  	_ =	shalt  }
0x70: {  	_ =	shalt  }
0x71: {  	_ =	shalt  }
0x72: {  	_ =	shalt  }
0x73: {  	_ =	shalt  }
0x74: {  	_ =	shalt  }
0x75: {  	_ =	shalt  }
0x76: {  	_ =	shalt  }
0x77: {  	_ =	shalt  }
0x78: {  	_ =	shalt  }
0x79: {  	_ =	shalt  }
0x7a: {  	_ =	shalt  }
0x7b: {  	_ =	shalt  }
0x7c: {  	_ =	shalt  }
0x7d: {  	_ =	shalt  }
0x7e: {  	_ =	shalt  }
0x7f: {  	_ =	shalt  }
0x80: {  	_ =	shalt  }
0x81: {  	_ =	shalt  }
0x82: {  	_ =	shalt  }
0x83: {  	_ =	shalt  }
0x84: {  	_ =	shalt  }
0x85: {  	_ =	shalt  }
0x86: {  	_ =	shalt  }
0x87: {  	_ =	shalt  }
.Lfunc_end0:
.L_simem_size_0:
called_computation_lowered:
.L_overlay_start_0:
0x88: {  	s2 =	sld [smem:$0x3FD9]  }
0x89: {  	s3 =	sld [smem:$0x3FFE];
	_ =	sdelay $0x1  }
0x8a: {  	s1 =	srdreg.scid  }
0x8b: {  	s0 =	sand.u32 $0x1, s1  }
0x8c: {  	s17 =	sshll.u32 s0, $0xA;
	s2 =	sadd.s32 s3, s2  }
0x8d: {  	s2 =	sadd.s32 s2, s17  }
0x8e: {  	[smem:$0x3FC0] =	sst s2  }
0x8f: {  	_ = 	snop  }
0x90: {  	s2 =	sld [smem:$0x3FC8];
	(tm) =	ssettm $0x1  }
0x91: {  	s18 =	sld [smem:$0x3FFB];
	_ =	sdelay $0x3  }
0x92: {  	_ =	strace s18  }
0x93: {  	s3 =	sld [smem:$0x3FFC];
	_ =	sdelay $0x3  }
0x94: {  	_ =	strace s3  }
0x95: {  	s3 =	sld [smem:$0x3FFD];
	_ =	sdelay $0x3  }
0x96: {  	_ =	strace s3  }
0x97: {  	_ =	strace $0x8FFFFFFF  }
0x98: {  	s19 =	sld [smem:$0x3FDB];
	_ =	sdelay $0x1  }
0x99: {  	s4 =	simm.s32 $_scs_section_size  }
0x9a: {  	s5 =	simm.s32 $_size__tile_overlayer_lowered;
	s6 =	simm.s32 $_tile_overlayer_lowered  }
0x9b: {  	s22 =	simm.s32 $0x1BFF;
	s21 =	sshll.u32 s6, $0x1;
	s3 =	sadd.s32 s4, s19  }
0x9c: {  	s7 =	simm.s32 $0x0;
	s20 =	sshll.u32 s5, $0x1;
	s5 =	sadd.s32 s21, s3  }
0x9d: {  	[timem:s7], [sflag:s22] =	dma.local [hbm:s5], s20  }
0x9e: {  	_ =	swait.ge [sflag:s22], s20  }
0x9f: {  	s4 =	ssub.s32 $0x0, s20;
	[sflag:s22] =	ssyncset.done $0x0  }
0xa0: {  	[sflag:s22] =	ssyncadd.s32 s4;
	_ =	sdelay $0x1  }
0xa1: {  	s23 =	simm.s32 $0x1B8B  }
0xa2: {  	_ =	swait.ge [sflag:s23], $0x1  }
0xa3: {  	[sflag:s23] =	ssyncset.done $0x0  }
0xa4: {  	s25 =	simm.s32 $0x1B8E;
	s24 =	sld [smem:$0x3FFE];
	[sflag:s23] =	ssyncadd.s32 $0xFFFFFFFF  }
0xa5: {  	s26 =	simm.s32 $execute0_lowered;
	[smem:$0x3FD2] =	sst s25  }
0xa6: {  	s5 =	sshll.u32 s26, $0x1;
	_ =	strace $0x80000046;
	[dreg:$0x1] =	wrdreg $0xFFFFFFFF  }
0xa7: {  	s28 =	simm.s32 $_size_execute0_lowered;
	s3 =	sadd.s32 s3, s5;
	[dreg:$0x0] =	wrdreg $0x0  }
0xa8: {  	s5 =	sshll.u32 s28, $0x1;
	[dreg:$0x2] =	wrdreg s3  }
0xa9: {  	[dreg:$0x3] =	wrdreg s5  }
0xaa: {  	[dreg:$0x4] =	wrdreg $0xC0  }
0xab: {  	_ =	task [dreg:s7], $0x5FFFF  }
0xac: {  	[dreg:$0x1] =	wrdreg $0xFFFFFFFF  }
0xad: {  	[dreg:$0x0] =	wrdreg $0x60  }
0xae: {  	[dreg:$0x2] =	wrdreg s24  }
0xaf: {  	[dreg:$0x3] =	wrdreg s2  }
0xb0: {  	[dreg:$0x4] =	wrdreg $0x0  }
0xb1: {  	[dreg:$0x5] =	wrdreg $0x2800  }
0xb2: {  	[dreg:$0x6] =	wrdreg $0x9  }
0xb3: {  	_ =	task.clear_ibuf [dreg:s7], $0x7FFFF;
	_ =	strace $0x90000046  }
0xb4: {  	s29 =	simm.s32 $0x9;
	_ =	strace $0x80000048  }
0xb5: {  	_ =	swait.ge [sflag:s29], $0x1  }
0xb6: {  	[sflag:s29] =	ssyncadd.s32 $0xFFFFFFFF  }
0xb7: {  	_ =	strace $0x90000048  }
0xb8: {  	_ =	sfence  }
0xb9: {  	s30 =	sld [smem:$0x0];
	_ =	sdelay $0x2  }
0xba: {  	s31 =	sshll.u32 s1, $0xD;
	s1 =	sshrl.u32 s1, $0x2  }
0xbb: {  	s3 =	sand.u32 $0x4000, s31;
	s1 =	sadd.s32 s1, s30  }
0xbc: {  	s0 =	sor.u32 s3, s0;
	s1 =	sshll.u32 s1, $0x11  }
0xbd: {  	s0 =	sor.u32 s1, s0  }
0xbe: {  	s0 =	sadd.s32 $0x8F2B, s0  }
0xbf: {  	[sflag:s0] =	ssyncadd.remote.s32 $0x1  }
0xc0: {  	_ =	sfence.sel $0xFFFF  }
0xc1: {  	[dreg:$0x0] =	wrdreg $0xFFFFFFFF;
	(pc) =	sbr.abs _section_cstart, $3  }
0xc2: {  	[dreg:$0x1] =	wrdreg $0xFFFFFFFF  }
0xc3: {  	_ =	task.clear_ibuf [dreg:s7], $0x2FFFF;
	_ =	strace $0x9FFFFFFF  }
0xc4: {  	(tm) =	ssettm $0x7FFFFFFF  }
0xc5: {  	_ =	shalt  }
tec
execute0_lowered:
.L_overlay_start_1:
0x0: {  	(tag) =	ssettag $0x1  }
0x1: {  	s0 =	rddreg [dreg:$0x0]  }
0x2: {  	s1 =	rddreg [dreg:$0x1]  }
0x3: {  	s2 =	rddreg [dreg:$0x2]  }
0x4: {  	s3 =	rddreg [dreg:$0x3];
	s4 =	stileid.u32;
	s6 =	simm.s32 $0x0  }
0x5: {  	s5 =	srdreg.scid;
	s28 =	simm.s32 $0x19F00;
	s29 =	simm.s32 $0x1  }
0x6: {  	s30 =	simm.s32 $0x0;
	s12 =	smul.u32 $0x280, s4;
	[smem:$0x7FF] =	sst s6  }
0x7: {  	s14 =	sand.u32 $0x1, s5;
	s8 =	smul.u32 $0x4E20, s4;
	s5 =	sadd.s32 $0x1200, s0  }
0x8: {  	s26 =	smul.u32 $0x9C40, s4;
	p0 =	seq.s32 s4, $0xF;
	_ =	strace $0x80000047  }
0x9: {  	s20 =	ssub.s32 $0x2, s14;
	p1 =	sne.s32 s14, $0x0;
	s7 =	sshrl.u32 s12, $0x3  }
0xa: {  	s9 =	sshrl.u32 s20, $0x1;
	s10 =	sand.u32 $0x7FF80, s8;
	s19 =	sand.u32 $0x60, s8  }
0xb: {  	s12 =	sadd.s32 s12, s3;
	s15 =	sadd.s32 s7, s0;
	s16 =	ssub.s32 s20, s9  }
0xc: {  	s17 =	smin.u32 s10, $0x49300;
	s7 =	sadd.s32 $0x10B0, s0;
	s20 =	smul.u32 $0xA00, s4  }
0xd: {  	s0 =	sadd.s32 $0x18B0, s0;
	s18 =	ssub.s32 s8, s17;
	s6 =	sadd.s32 $0xC00, s15  }
0xe: {  	s21 =	sshrl.u32 s17, $0x2;
	s25 =	sadd.s32 $0x1400, s15;
	[dreg:$0x7] =	wrdreg s0  }
0xf: {  	s16 =	smax.u32 s16, $0x1;
	s31 =	sshll.u32 s17, $0x1;
	s22 =	sshll.u32 s18, $0x1  }
0x10: {  	s11 =	sadd.s32 $0x4E10, s18;
	s8 =	sadd.s32 s1, s21;
	s24 =	sshrl.u32 s20, $0x2  }
0x11: {  	[dreg:$0x6] =	wrdreg s25;
	s17 =	sadd.s32 $0x70, s18;
	s0 =	ssub.s32 s26, s31  }
0x12: {  	s20 =	simm.s32 $0x3;
	s21 =	simm.s32 $0x2;
	s25 =	simm.s32 $0x19C00  }
.Ltmp0:
0x13: {  	s26 =	simm.s32 $0x1C700;
	s10 =	sand.u32 $0xFFFFFF00, s22;
	(pc) =	sbr.rel .LBB2_1-.Ltmp0, $4  }
0x14: {  	s23 =	sshll.u32 s11, $0x1;
	s11 =	sand.u32 $0x70, s11;
	[dreg:$0x5] =	wrdreg s0  }
0x15: {  	s22 =	simm.s32 $0x19200;
	s13 =	sand.u32 $0xFFFFFF00, s23;
	s9 =	sor.u32 s19, s10  }
0x16: {  	v1 =	vimm.f32 $1.000000000e+00;
	s19 =	sor.u32 $0x500, s19;
	s23 =	simm.s32 $0x80;
	s10 =	sor.u32 s11, s13  }
0x17: {  	v2 =	vimm.f32 $0.0e+00;
	v3 =	vimm.s32 $0x27FF;
	s13 =	sadd.s32 s24, s2;
	s24 =	simm.s32 $0x19180;
	v0 =	vmov s19;
	s11 =	sadd.s32 $0x500, s10  }
.LBB2_21:
0x18: {  	s30 =	sadd.s32 $0x1, s30  }
0x19: {  	p2 =	sne.s32 s30, s16  }
.Ltmp1:
0x1a: {  	_ = 	snop;
	(pc) =	sbr.rel @!p2 .LBB2_22-.Ltmp1, $1  }
0x1b: {  	_ =	sdelay $0x3  }
.LBB2_1:
0x1c: {  	s0 =	simm.s32 @p0 $0x0;
	s1 =	simm.s32 @p0 $0x19480  }
0x1d: {  	[tilespmem:s1], [sflag:$0x1] =	stream.linear.gather @p0 [hbm4b:s7+s0], $0x190, $0x38;
	[tilespmem:$0x1CB00] =	vst v63  }
0x1e: {  	s0 =	simm.s32 @!p0 $0x0;
	s1 =	simm.s32 @!p0 $0x19480  }
0x1f: {  	[tilespmem:s1], [sflag:$0x1] =	stream.linear.gather @!p0 [hbm4b:s6+s0], $0x280, $0x38;
	[tilespmem:$0x1CB00] =	vst v63  }
0x20: {  	s18 =	simm.s32 $0x0;
	s19 =	simm.s32 $0x500  }
0x21: {  	[tilespmem:s19], [sflag:$0x2] =	stream.linear.gather [hbm4b:s8+s18], $0x9E00, $0x38;
	[tilespmem:$0x1CB00] =	vst v63  }
0x22: {  	s4 =	simm.s32 $0x19E80  }
0x23: {  	[tilespmem:s4], [sflag:$0x3] =	stream.linear.gather [hbm4b:s5+s18], $0x80, $0x38;
	[tilespmem:$0x1CB00] =	vst v63  }
0x24: {  	_ =	swait.ge [sflag:s20], $0x80  }
0x25: {  	[sflag:s20] =	ssyncset.done $0x0  }
0x26: {  	[sflag:s20] =	ssyncadd.s32 $0xFFFFFF80  }
0x27: {  	[tilespmem:$0x19180] =	vst v1  }
0x28: {  	[tilespmem:$0x19190] =	vst v1  }
0x29: {  	[tilespmem:$0x191A0] =	vst v1  }
0x2a: {  	[tilespmem:$0x191B0] =	vst v1  }
0x2b: {  	[tilespmem:$0x191C0] =	vst v1  }
0x2c: {  	[tilespmem:$0x191D0] =	vst v1  }
0x2d: {  	[tilespmem:$0x191E0] =	vst v1  }
0x2e: {  	[tilespmem:$0x191F0] =	vst v1  }
0x2f: {  	[tilespmem:$0x19200] =	vst v2  }
0x30: {  	[tilespmem:$0x19210] =	vst v2  }
0x31: {  	[tilespmem:$0x19220] =	vst v2  }
0x32: {  	[tilespmem:$0x19230] =	vst v2  }
0x33: {  	[tilespmem:$0x19240] =	vst v2  }
0x34: {  	[tilespmem:$0x19250] =	vst v2  }
0x35: {  	[tilespmem:$0x19260] =	vst v2  }
0x36: {  	[tilespmem:$0x19270] =	vst v2  }
0x37: {  	[tilespmem:$0x19280] =	vst v2  }
0x38: {  	[tilespmem:$0x19290] =	vst v2  }
0x39: {  	[tilespmem:$0x192A0] =	vst v2  }
0x3a: {  	[tilespmem:$0x192B0] =	vst v2  }
0x3b: {  	[tilespmem:$0x192C0] =	vst v2  }
0x3c: {  	[tilespmem:$0x192D0] =	vst v2  }
0x3d: {  	[tilespmem:$0x192E0] =	vst v2  }
0x3e: {  	[tilespmem:$0x192F0] =	vst v2  }
0x3f: {  	[tilespmem:$0x19300] =	vst v2  }
0x40: {  	[tilespmem:$0x19310] =	vst v2  }
0x41: {  	[tilespmem:$0x19320] =	vst v2  }
0x42: {  	[tilespmem:$0x19330] =	vst v2  }
0x43: {  	[tilespmem:$0x19340] =	vst v2  }
0x44: {  	[tilespmem:$0x19350] =	vst v2  }
0x45: {  	[tilespmem:$0x19360] =	vst v2  }
0x46: {  	[tilespmem:$0x19370] =	vst v2  }
0x47: {  	[tilespmem:$0x19380] =	vst v2  }
0x48: {  	[tilespmem:$0x19390] =	vst v2  }
0x49: {  	[tilespmem:$0x193A0] =	vst v2  }
0x4a: {  	[tilespmem:$0x193B0] =	vst v2  }
0x4b: {  	[tilespmem:$0x193C0] =	vst v2  }
0x4c: {  	[tilespmem:$0x193D0] =	vst v2  }
0x4d: {  	[tilespmem:$0x193E0] =	vst v2  }
0x4e: {  	[tilespmem:$0x193F0] =	vst v2  }
0x4f: {  	[tilespmem:$0x19400] =	vst v2  }
0x50: {  	[tilespmem:$0x19410] =	vst v2  }
0x51: {  	[tilespmem:$0x19420] =	vst v2  }
0x52: {  	[tilespmem:$0x19430] =	vst v2  }
0x53: {  	[tilespmem:$0x19440] =	vst v2  }
0x54: {  	[tilespmem:$0x19450] =	vst v2  }
0x55: {  	[tilespmem:$0x19460] =	vst v2  }
0x56: {  	[tilespmem:$0x19470] =	vst v2  }
0x57: {  	[tilespmem:$0x18FA0] =	vst v2  }
0x58: {  	[tilespmem:$0x18FB0] =	vst v2  }
0x59: {  	[tilespmem:$0x18FC0] =	vst v2  }
0x5a: {  	[tilespmem:$0x18FD0] =	vst v2  }
0x5b: {  	[tilespmem:$0x18FE0] =	vst v2  }
0x5c: {  	[tilespmem:$0x18FF0] =	vst v2  }
0x5d: {  	_ =	swait.ge [sflag:s21], $0x9E00  }
0x5e: {  	s14 =	rddreg [dreg:$0x5]  }
0x5f: {  	[sflag:s21] =	ssyncset.done $0x0;
	s14 =	sadd.s32 $0x0, s14  }
0x60: {  	[sflag:s21] =	ssyncadd.s32 $0xFFFF6200;
	s18 =	sand.u32 $0xFFFFFF00, s14  }
0x61: {  	v4 =	vld.idx.msk [tilespmem:v0+s18+$0x80 ss:$0x1], $0xffff;
	_ =	sdelay $0x3  }
0x62: {  	s1 =	simm.s32 $0xF1C0  }
0x63: {  	[tilespmem:s1+$0xFFFFFFC0] =	vst v4  }
0x64: {  	v4 =	vld.idx.msk [tilespmem:v0+s18+$0x0 ss:$0x1], $0xffff;
	_ =	sdelay $0x3  }
0x65: {  	s0 =	simm.s32 $0xA340  }
0x66: {  	[tilespmem:s0+$0xFFFFFFC0] =	vst v4  }
0x67: {  	v4 =	vld.idx.msk [tilespmem:v0+s18+$0x90 ss:$0x1], $0xffff;
	_ =	sdelay $0x4  }
0x68: {  	[tilespmem:s1+$0xFFFFFFD0] =	vst v4  }
0x69: {  	v4 =	vld.idx.msk [tilespmem:v0+s18+$0x10 ss:$0x1], $0xffff;
	_ =	sdelay $0x2  }
0x6a: {  	s15 =	sadd.s32 $0xFFFFFFB0, s17;
	s19 =	sadd.s32 $0x40, s14  }
0x6b: {  	s19 =	sand.u32 $0xFFFFFF00, s19;
	s18 =	sand.u32 $0x60, s15  }
0x6c: {  	s18 =	sor.u32 s18, s19;
	[tilespmem:s0+$0xFFFFFFD0] =	vst v4  }
0x6d: {  	v4 =	vld [tilespmem:s18+$0x580];
	_ =	sdelay $0x4  }
0x6e: {  	[tilespmem:s1+$0xFFFFFFE0] =	vst v4  }
0x6f: {  	v4 =	vld [tilespmem:s18+$0x500];
	_ =	sdelay $0x2  }
0x70: {  	s4 =	sadd.s32 $0xFFFFFFC0, s17;
	s15 =	sadd.s32 $0x60, s14  }
0x71: {  	s19 =	sand.u32 $0xFFFFFF00, s15;
	s18 =	sand.u32 $0x70, s4  }
0x72: {  	s18 =	sor.u32 s18, s19;
	[tilespmem:s0+$0xFFFFFFE0] =	vst v4  }
0x73: {  	v4 =	vld [tilespmem:s18+$0x580];
	_ =	sdelay $0x4  }
0x74: {  	[tilespmem:s1+$0xFFFFFFF0] =	vst v4  }
0x75: {  	v4 =	vld [tilespmem:s18+$0x500];
	_ =	sdelay $0x2  }
0x76: {  	s15 =	sadd.s32 $0x80, s14;
	s4 =	sadd.s32 $0xFFFFFFD0, s17  }
0x77: {  	s19 =	sand.u32 $0xFFFFFF00, s15;
	s18 =	sand.u32 $0x60, s4  }
0x78: {  	s18 =	sor.u32 s18, s19;
	[tilespmem:s0+$0xFFFFFFF0] =	vst v4  }
0x79: {  	v4 =	vld [tilespmem:s18+$0x580];
	_ =	sdelay $0x4  }
0x7a: {  	[tilespmem:s1+$0x0] =	vst v4  }
0x7b: {  	v4 =	vld [tilespmem:s18+$0x500];
	_ =	sdelay $0x2  }
0x7c: {  	s15 =	sadd.s32 $0xA0, s14;
	s4 =	sadd.s32 $0xFFFFFFE0, s17  }
0x7d: {  	s19 =	sand.u32 $0xFFFFFF00, s15;
	s18 =	sand.u32 $0x70, s4  }
0x7e: {  	s18 =	sor.u32 s18, s19;
	[tilespmem:s0+$0x0] =	vst v4  }
0x7f: {  	v4 =	vld [tilespmem:s18+$0x580];
	_ =	sdelay $0x4  }
0x80: {  	[tilespmem:s1+$0x10] =	vst v4  }
0x81: {  	v4 =	vld [tilespmem:s18+$0x500];
	_ =	sdelay $0x2  }
0x82: {  	s15 =	sadd.s32 $0xC0, s14;
	s4 =	sadd.s32 $0xFFFFFFF0, s17  }
0x83: {  	s19 =	sand.u32 $0xFFFFFF00, s15;
	s18 =	sand.u32 $0x60, s4  }
0x84: {  	s18 =	sor.u32 s18, s19;
	[tilespmem:s0+$0x10] =	vst v4  }
0x85: {  	v4 =	vld [tilespmem:s18+$0x580];
	_ =	sdelay $0x4  }
0x86: {  	[tilespmem:s1+$0x20] =	vst v4  }
0x87: {  	v4 =	vld [tilespmem:s18+$0x500];
	_ =	sdelay $0x2  }
0x88: {  	s14 =	sadd.s32 $0xE0, s14  }
0x89: {  	s14 =	sand.u32 $0xFFFFFF00, s14;
	s19 =	sand.u32 $0x70, s17  }
0x8a: {  	s14 =	sor.u32 s19, s14;
	[tilespmem:s0+$0x20] =	vst v4  }
0x8b: {  	v4 =	vld [tilespmem:s14+$0x580];
	_ =	sdelay $0x4  }
0x8c: {  	s31 =	smov.u32 s17;
	[tilespmem:s1+$0x30] =	vst v4  }
0x8d: {  	s19 =	simm.s32 $0x200;
	s18 =	simm.s32 $0x100;
	v4 =	vld [tilespmem:s14+$0x500];
	s14 =	rddreg [dreg:$0x5]  }
.LBB2_2:
0x8e: {  	_ =	sdelay $0x2  }
0x8f: {  	s14 =	sadd.s32 s18, s14  }
0x90: {  	s15 =	sand.u32 $0xFFFFFF00, s14;
	[tilespmem:s0+$0x30] =	vst v4  }
0x91: {  	v4 =	vld.idx.msk [tilespmem:v0+s15+$0x80 ss:$0x1], $0xffff;
	_ =	sdelay $0x3  }
0x92: {  	s1 =	sadd.s32 $0x80, s1  }
0x93: {  	[tilespmem:s1+$0xFFFFFFC0] =	vst v4  }
0x94: {  	v4 =	vld.idx.msk [tilespmem:v0+s15+$0x0 ss:$0x1], $0xffff;
	_ =	sdelay $0x3  }
0x95: {  	s0 =	sadd.s32 $0x80, s0  }
0x96: {  	[tilespmem:s0+$0xFFFFFFC0] =	vst v4  }
0x97: {  	v4 =	vld.idx.msk [tilespmem:v0+s15+$0x90 ss:$0x1], $0xffff;
	_ =	sdelay $0x4  }
0x98: {  	[tilespmem:s1+$0xFFFFFFD0] =	vst v4  }
0x99: {  	v4 =	vld.idx.msk [tilespmem:v0+s15+$0x10 ss:$0x1], $0xffff;
	_ =	sdelay $0x1  }
0x9a: {  	s31 =	sadd.s32 $0x80, s31  }
0x9b: {  	s4 =	sadd.s32 $0x40, s14;
	s15 =	sadd.s32 $0xFFFFFFB0, s31  }
0x9c: {  	s4 =	sand.u32 $0xFFFFFF00, s4;
	s15 =	sand.u32 $0x60, s15  }
0x9d: {  	s4 =	sor.u32 s15, s4;
	[tilespmem:s0+$0xFFFFFFD0] =	vst v4  }
0x9e: {  	v4 =	vld [tilespmem:s4+$0x580];
	_ =	sdelay $0x4  }
0x9f: {  	[tilespmem:s1+$0xFFFFFFE0] =	vst v4  }
0xa0: {  	v4 =	vld [tilespmem:s4+$0x500];
	_ =	sdelay $0x2  }
0xa1: {  	s15 =	sadd.s32 $0x60, s14;
	s4 =	sadd.s32 $0xFFFFFFC0, s31  }
0xa2: {  	s15 =	sand.u32 $0xFFFFFF00, s15;
	s4 =	sand.u32 $0x70, s4  }
0xa3: {  	s4 =	sor.u32 s4, s15;
	[tilespmem:s0+$0xFFFFFFE0] =	vst v4  }
0xa4: {  	v4 =	vld [tilespmem:s4+$0x580];
	_ =	sdelay $0x4  }
0xa5: {  	[tilespmem:s1+$0xFFFFFFF0] =	vst v4  }
0xa6: {  	v4 =	vld [tilespmem:s4+$0x500];
	_ =	sdelay $0x2  }
0xa7: {  	s15 =	sadd.s32 $0x80, s14;
	s4 =	sadd.s32 $0xFFFFFFD0, s31  }
0xa8: {  	s15 =	sand.u32 $0xFFFFFF00, s15;
	s4 =	sand.u32 $0x60, s4  }
0xa9: {  	s4 =	sor.u32 s4, s15;
	[tilespmem:s0+$0xFFFFFFF0] =	vst v4  }
0xaa: {  	v4 =	vld [tilespmem:s4+$0x580];
	_ =	sdelay $0x4  }
0xab: {  	[tilespmem:s1+$0x0] =	vst v4  }
0xac: {  	v4 =	vld [tilespmem:s4+$0x500];
	_ =	sdelay $0x2  }
0xad: {  	s15 =	sadd.s32 $0xA0, s14;
	s4 =	sadd.s32 $0xFFFFFFE0, s31  }
0xae: {  	s15 =	sand.u32 $0xFFFFFF00, s15;
	s4 =	sand.u32 $0x70, s4  }
0xaf: {  	s4 =	sor.u32 s4, s15;
	[tilespmem:s0+$0x0] =	vst v4  }
0xb0: {  	v4 =	vld [tilespmem:s4+$0x580];
	_ =	sdelay $0x4  }
0xb1: {  	[tilespmem:s1+$0x10] =	vst v4  }
0xb2: {  	v4 =	vld [tilespmem:s4+$0x500];
	_ =	sdelay $0x2  }
0xb3: {  	s15 =	sadd.s32 $0xC0, s14;
	s4 =	sadd.s32 $0xFFFFFFF0, s31  }
0xb4: {  	s15 =	sand.u32 $0xFFFFFF00, s15;
	s4 =	sand.u32 $0x60, s4  }
0xb5: {  	s4 =	sor.u32 s4, s15;
	[tilespmem:s0+$0x10] =	vst v4  }
0xb6: {  	v4 =	vld [tilespmem:s4+$0x580];
	_ =	sdelay $0x4  }
0xb7: {  	[tilespmem:s1+$0x20] =	vst v4  }
0xb8: {  	v4 =	vld [tilespmem:s4+$0x500];
	_ =	sdelay $0x2  }
0xb9: {  	s14 =	sadd.s32 $0xE0, s14  }
0xba: {  	s15 =	sand.u32 $0x70, s31;
	s4 =	sand.u32 $0xFFFFFF00, s14  }
0xbb: {  	s4 =	sor.u32 s15, s4;
	[tilespmem:s0+$0x20] =	vst v4  }
0xbc: {  	v4 =	vld [tilespmem:s4+$0x580]  }
0xbd: {  	p2 =	sne.s32 s19, $0x9B00  }
.Ltmp2:
0xbe: {  	_ = 	snop;
	(pc) =	sbr.rel @p2 .LBB2_2-.Ltmp2, $3  }
0xbf: {  	_ =	sdelay $0x1  }
0xc0: {  	[tilespmem:s1+$0x30] =	vst v4  }
0xc1: {  	s18 =	smov.u32 s19;
	s19 =	sadd.s32 $0x100, s19;
	s14 =	rddreg [dreg:$0x5];
	v4 =	vld [tilespmem:s4+$0x500]  }
0xc2: {  	_ =	sdelay $0x2  }
0xc3: {  	s4 =	sadd.s32 s18, s14  }
0xc4: {  	s14 =	sand.u32 $0xFFFFFF00, s4;
	[tilespmem:s0+$0x30] =	vst v4  }
0xc5: {  	v4 =	vld.idx.msk [tilespmem:v0+s14+$0x80 ss:$0x1], $0xffff;
	_ =	sdelay $0x3  }
0xc6: {  	s1 =	sadd.s32 $0x80, s1  }
0xc7: {  	[tilespmem:s1+$0xFFFFFFC0] =	vst v4  }
0xc8: {  	v4 =	vld.idx.msk [tilespmem:v0+s14+$0x0 ss:$0x1], $0xffff;
	_ =	sdelay $0x3  }
0xc9: {  	s0 =	sadd.s32 $0x80, s0  }
0xca: {  	[tilespmem:s0+$0xFFFFFFC0] =	vst v4  }
0xcb: {  	v4 =	vld.idx.msk [tilespmem:v0+s14+$0x90 ss:$0x1], $0xffff;
	_ =	sdelay $0x4  }
0xcc: {  	[tilespmem:s1+$0xFFFFFFD0] =	vst v4  }
0xcd: {  	v4 =	vld.idx.msk [tilespmem:v0+s14+$0x10 ss:$0x1], $0xffff;
	_ =	sdelay $0x1  }
0xce: {  	s14 =	sadd.s32 $0x80, s31  }
0xcf: {  	s18 =	sadd.s32 $0x40, s4;
	s15 =	sadd.s32 $0xFFFFFFB0, s14  }
0xd0: {  	s18 =	sand.u32 $0xFFFFFF00, s18;
	s15 =	sand.u32 $0x60, s15  }
0xd1: {  	s15 =	sor.u32 s15, s18;
	[tilespmem:s0+$0xFFFFFFD0] =	vst v4  }
0xd2: {  	v4 =	vld [tilespmem:s15+$0x580];
	_ =	sdelay $0x4  }
0xd3: {  	[tilespmem:s1+$0xFFFFFFE0] =	vst v4  }
0xd4: {  	v4 =	vld [tilespmem:s15+$0x500];
	_ =	sdelay $0x2  }
0xd5: {  	s31 =	sadd.s32 $0x60, s4;
	s19 =	sadd.s32 $0xFFFFFFC0, s14  }
0xd6: {  	s18 =	sand.u32 $0xFFFFFF00, s31;
	s15 =	sand.u32 $0x70, s19  }
0xd7: {  	s15 =	sor.u32 s15, s18;
	[tilespmem:s0+$0xFFFFFFE0] =	vst v4  }
0xd8: {  	v4 =	vld [tilespmem:s15+$0x580];
	_ =	sdelay $0x4  }
0xd9: {  	[tilespmem:s1+$0xFFFFFFF0] =	vst v4  }
0xda: {  	v4 =	vld [tilespmem:s15+$0x500];
	_ =	sdelay $0x2  }
0xdb: {  	s31 =	sadd.s32 $0x80, s4;
	s19 =	sadd.s32 $0xFFFFFFD0, s14  }
0xdc: {  	s18 =	sand.u32 $0xFFFFFF00, s31;
	s15 =	sand.u32 $0x60, s19  }
0xdd: {  	s15 =	sor.u32 s15, s18;
	[tilespmem:s0+$0xFFFFFFF0] =	vst v4  }
0xde: {  	v4 =	vld [tilespmem:s15+$0x580];
	_ =	sdelay $0x4  }
0xdf: {  	[tilespmem:s1+$0x0] =	vst v4  }
0xe0: {  	v4 =	vld [tilespmem:s15+$0x500];
	_ =	sdelay $0x2  }
0xe1: {  	s31 =	sadd.s32 $0xA0, s4;
	s19 =	sadd.s32 $0xFFFFFFE0, s14  }
0xe2: {  	s18 =	sand.u32 $0xFFFFFF00, s31;
	s15 =	sand.u32 $0x70, s19  }
0xe3: {  	s15 =	sor.u32 s15, s18;
	[tilespmem:s0+$0x0] =	vst v4  }
0xe4: {  	v4 =	vld [tilespmem:s15+$0x580];
	_ =	sdelay $0x4  }
0xe5: {  	[tilespmem:s1+$0x10] =	vst v4  }
0xe6: {  	v4 =	vld [tilespmem:s15+$0x500];
	_ =	sdelay $0x2  }
0xe7: {  	s31 =	sadd.s32 $0xC0, s4;
	s19 =	sadd.s32 $0xFFFFFFF0, s14  }
0xe8: {  	s18 =	sand.u32 $0xFFFFFF00, s31;
	s15 =	sand.u32 $0x60, s19  }
0xe9: {  	s15 =	sor.u32 s15, s18;
	[tilespmem:s0+$0x10] =	vst v4  }
0xea: {  	v4 =	vld [tilespmem:s15+$0x580];
	_ =	sdelay $0x4  }
0xeb: {  	[tilespmem:s1+$0x20] =	vst v4  }
0xec: {  	v4 =	vld [tilespmem:s15+$0x500];
	_ =	sdelay $0x2  }
0xed: {  	s4 =	sadd.s32 $0xE0, s4  }
0xee: {  	s4 =	sand.u32 $0xFFFFFF00, s4;
	s14 =	sand.u32 $0x70, s14  }
0xef: {  	s4 =	sor.u32 s14, s4;
	[tilespmem:s0+$0x20] =	vst v4  }
0xf0: {  	v4 =	vld [tilespmem:s4+$0x580];
	_ =	sdelay $0x4  }
0xf1: {  	[tilespmem:s1+$0x30] =	vst v4  }
0xf2: {  	v4 =	vld [tilespmem:s4+$0x500];
	_ =	sdelay $0x4  }
0xf3: {  	[tilespmem:s0+$0x30] =	vst v4  }
0xf4: {  	v4 =	vld [tilespmem:s9+$0xA180];
	_ =	sdelay $0x4  }
0xf5: {  	[tilespmem:$0x13F80] =	vst v4  }
0xf6: {  	v4 =	vld [tilespmem:s9+$0xA100];
	_ =	sdelay $0x4  }
0xf7: {  	[tilespmem:$0xF100] =	vst v4  }
0xf8: {  	v4 =	vld [tilespmem:s11+$0x80];
	_ =	sdelay $0x4  }
0xf9: {  	[tilespmem:$0x13F90] =	vst v4  }
0xfa: {  	v4 =	vld [tilespmem:s10+$0x500];
	[tilespmem:$0x13FA0] =	vst v3  }
0xfb: {  	[tilespmem:$0xF120] =	vst v3  }
0xfc: {  	[tilespmem:$0x13FB0] =	vst v3  }
0xfd: {  	[tilespmem:$0xF130] =	vst v3  }
0xfe: {  	[tilespmem:$0x13FC0] =	vst v3  }
0xff: {  	[tilespmem:$0xF140] =	vst v3  }
0x100: {  	[tilespmem:$0x13FD0] =	vst v3  }
0x101: {  	[tilespmem:$0xF150] =	vst v3  }
0x102: {  	[tilespmem:$0x13FE0] =	vst v3  }
0x103: {  	[tilespmem:$0xF160] =	vst v3  }
0x104: {  	[tilespmem:$0x13FF0] =	vst v3  }
0x105: {  	[tilespmem:$0xF170] =	vst v3  }
0x106: {  	s0 =	simm.s32 @p0 $0x1;
	[tilespmem:$0xF110] =	vst v4  }
0x107: {  	_ =	swait.ge @p0 [sflag:s0], $0x190  }
0x108: {  	[sflag:s0] =	ssyncset.done @p0 $0x0  }
0x109: {  	v4 =	vimm.f32 @p0 $0.0e+00;
	[sflag:s0] =	ssyncadd.s32 @p0 $0xFFFFFE70  }
0x10a: {  	[tilespmem:$0x19610] =	vst @p0 v4  }
0x10b: {  	[tilespmem:$0x19620] =	vst @p0 v4  }
0x10c: {  	[tilespmem:$0x19630] =	vst @p0 v4  }
0x10d: {  	[tilespmem:$0x19640] =	vst @p0 v4  }
0x10e: {  	[tilespmem:$0x19650] =	vst @p0 v4  }
0x10f: {  	[tilespmem:$0x19660] =	vst @p0 v4  }
0x110: {  	[tilespmem:$0x19670] =	vst @p0 v4  }
0x111: {  	[tilespmem:$0x19680] =	vst @p0 v4  }
0x112: {  	[tilespmem:$0x19690] =	vst @p0 v4  }
0x113: {  	[tilespmem:$0x196A0] =	vst @p0 v4  }
0x114: {  	[tilespmem:$0x196B0] =	vst @p0 v4  }
0x115: {  	[tilespmem:$0x196C0] =	vst @p0 v4  }
0x116: {  	[tilespmem:$0x196D0] =	vst @p0 v4  }
0x117: {  	[tilespmem:$0x196E0] =	vst @p0 v4  }
0x118: {  	s0 =	simm.s32 @!p0 $0x1;
	[tilespmem:$0x196F0] =	vst @p0 v4  }
0x119: {  	_ =	swait.ge @!p0 [sflag:s0], $0x280  }
0x11a: {  	[sflag:s0] =	ssyncset.done @!p0 $0x0  }
0x11b: {  	[sflag:s0] =	ssyncadd.s32 @!p0 $0xFFFFFD80  }
0x11c: {  	[spmem:s12] =	stream.linear.scatter [tilespmem:s22], [sflag:$0x3], $0x280, $0x38;
	[tilespmem:$0x1CB00] =	vst v63  }
0x11d: {  	_ =	swait.ge [sflag:s20], $0x280  }
0x11e: {  	[sflag:s20] =	ssyncset.done $0x0  }
0x11f: {  	[sflag:s20] =	ssyncadd.s32 $0xFFFFFD80  }
0x120: {  	s0 =	simm.s32 $0x0;
	[bflag:$0x0] =	sbarrier.arrive $0xFFFF  }
.LBB2_4:
0x121: {  	p2 =	sne.s32 s0, $0x13800  }
.Ltmp3:
0x122: {  	_ = 	snop;
	(pc) =	sbr.rel @p2 .LBB2_4-.Ltmp3, $4  }
0x123: {  	_ = 	snop  }
0x124: {  	s1 =	sshra.s32 s0, $0x2  }
0x125: {  	s0 =	sadd.s32 $0x200, s0;
	s1 =	sadd.s32 $0xF180, s1  }
0x126: {  	[spmem:s3] =	stream.indirect.scatter.add.f32 [tilespmem:s24], [sflag:$0x2], $0x1, s1, s23, $0xb8;
	[tilespmem:$0x1CB00] =	vst v63  }
0x127: {  	_ =	swait.ge [sflag:s21], $0x80  }
0x128: {  	s0 =	simm.s32 $0x9C;
	[sflag:s21] =	ssyncset.done $0x0  }
.LBB2_6:
0x129: {  	p2 =	sne.s32 s0, $0x1;
	s0 =	sadd.s32 $0xFFFFFFFF, s0;
	[sflag:s21] =	ssyncadd.s32 $0xFFFFFF80  }
.Ltmp4:
0x12a: {  	(pc) =	sbr.rel @p2 .LBB2_6-.Ltmp4, $3  }
0x12b: {  	_ =	sdelay $0x1  }
0x12c: {  	_ =	swait.ge [sflag:s21], $0x80  }
0x12d: {  	[sflag:s21] =	ssyncset.done $0x0  }
0x12e: {  	[sflag:s21] =	ssyncadd.s32 $0xFFFFFF80  }
0x12f: {  	[bflag:$0x0] =	sbarrier.arrive $0xFFFF  }
0x130: {  	[tilespmem:s25], [sflag:$0x3] =	stream.linear.gather [spmem:s12], $0x280, $0x38;
	[tilespmem:$0x1CB00] =	vst v63  }
0x131: {  	_ =	swait.ge [sflag:s20], $0x280  }
0x132: {  	[sflag:s20] =	ssyncset.done $0x0  }
0x133: {  	s31 =	simm.s32 $0x0;
	[sflag:s20] =	ssyncadd.s32 $0xFFFFFD80  }
0x134: {  	v4 =	vld [tilespmem:s31+$0x19C70];
	_ =	sdelay $0x4  }
0x135: {  	v6 =	vld [tilespmem:s31+$0x19C00];
	v4 =	vmax.f32 v4, $1.000000000e+00  }
0x136: {  	v9 =	vld [tilespmem:s31+$0x19C20];
	vm0 =	vgt.f32 v4, $1.200000050e+00  }
0x137: {  	v10 =	vld [tilespmem:s31+$0x19C30];
	v5 =	vsel vm0, $0x3F000000, v1  }
0x138: {  	v15 =	vld [tilespmem:s31+$0x19C40];
	v7 =	vmul.f32 v5, v4  }
0x139: {  	v8 =	vld [tilespmem:s31+$0x19C10]  }
0x13a: {  	v7 =	vmul.f32 v7, v5  }
0x13b: {  	v11 =	vmax.f32 v6, $1.000000000e+00;
	v6 =	vld [tilespmem:s31+$0x19C50];
	v12 =	vmul.f32 $5.000000000e-01, v5  }
0x13c: {  	v13 =	vmax.f32 v9, $1.000000000e+00;
	vm13 =	vgt.f32 v7, $1.200000050e+00  }
0x13d: {  	v14 =	vmax.f32 v10, $1.000000000e+00;
	v15 =	vmax.f32 v15, $1.000000000e+00;
	v5 =	vsel vm13, v12, v5  }
0x13e: {  	vm14 =	vgt.f32 v11, $1.200000050e+00;
	v12 =	vmax.f32 v8, $1.000000000e+00;
	v8 =	vmul.f32 v5, v4  }
0x13f: {  	vm15 =	vgt.f32 v13, $1.200000050e+00;
	vm2 =	vgt.f32 v14, $1.200000050e+00;
	v9 =	vsel vm14, $0x3F000000, v1;
	v7 =	vld [tilespmem:s31+$0x19C60]  }
0x140: {  	v20 =	vmul.f32 v9, v11;
	v16 =	vmax.f32 v6, $1.000000000e+00;
	v8 =	vmul.f32 v8, v5  }
0x141: {  	vm3 =	vgt.f32 v15, $1.200000050e+00;
	vm5 =	vgt.f32 v16, $1.200000050e+00;
	v10 =	vmul.f32 $5.000000000e-01, v5  }
0x142: {  	v20 =	vmul.f32 v20, v9;
	v19 =	vsel vm5, $0x3F000000, v1;
	vm4 =	vgt.f32 v8, $1.200000050e+00  }
0x143: {  	v26 =	vmul.f32 v19, v16;
	vm1 =	vgt.f32 v12, $1.200000050e+00;
	v5 =	vsel vm4, v10, v5  }
0x144: {  	v6 =	vsel vm1, $0x3F000000, v1;
	v17 =	vmax.f32 v7, $1.000000000e+00;
	v7 =	vmul.f32 v5, v4  }
0x145: {  	v18 =	vsel vm3, $0x3F000000, v1;
	v26 =	vmul.f32 v26, v19;
	v22 =	vmul.f32 v6, v12  }
0x146: {  	vm7 =	vgt.f32 v17, $1.200000050e+00;
	v8 =	vsel vm15, $0x3F000000, v1;
	v7 =	vmul.f32 v7, v5  }
0x147: {  	v22 =	vmul.f32 v22, v6;
	v10 =	vsel vm2, $0x3F000000, v1;
	v23 =	vmul.f32 $5.000000000e-01, v5  }
0x148: {  	v24 =	vmul.f32 v8, v13;
	v25 =	vmul.f32 v10, v14;
	vm8 =	vgt.f32 v7, $1.200000050e+00  }
0x149: {  	vm11 =	vgt.f32 v22, $1.200000050e+00;
	v22 =	vmul.f32 $5.000000000e-01, v6;
	v5 =	vsel vm8, v23, v5  }
0x14a: {  	v21 =	vsel vm7, $0x3F000000, v1;
	v28 =	vmul.f32 $5.000000000e-01, v10;
	v27 =	vmul.f32 v5, v4  }
0x14b: {  	vm15 =	vgt.f32 v26, $1.200000050e+00;
	v26 =	vmul.f32 $5.000000000e-01, v21;
	v24 =	vmul.f32 v24, v8  }
0x14c: {  	vm9 =	vgt.f32 v20, $1.200000050e+00;
	v20 =	vmul.f32 v25, v10;
	v27 =	vmul.f32 v27, v5  }
0x14d: {  	v6 =	vsel vm11, v22, v6;
	v7 =	vmul.f32 v18, v15;
	v25 =	vmul.f32 $5.000000000e-01, v5  }
0x14e: {  	vm12 =	vgt.f32 v24, $1.200000050e+00;
	v24 =	vmul.f32 $5.000000000e-01, v8;
	vm10 =	vgt.f32 v27, $1.200000050e+00  }
0x14f: {  	v23 =	vmul.f32 v21, v17;
	v7 =	vmul.f32 v7, v18;
	v5 =	vsel vm10, v25, v5  }
0x150: {  	vm13 =	vgt.f32 v20, $1.200000050e+00;
	v20 =	vmul.f32 $5.000000000e-01, v18;
	v25 =	vmul.f32 v5, v4  }
0x151: {  	v23 =	vmul.f32 v23, v21;
	vm14 =	vgt.f32 v7, $1.200000050e+00;
	v7 =	vmul.f32 $5.000000000e-01, v19  }
0x152: {  	v8 =	vsel vm12, v24, v8;
	v27 =	vmul.f32 $5.000000000e-01, v9;
	v25 =	vmul.f32 v25, v5  }
0x153: {  	v7 =	vsel vm15, v7, v19;
	v19 =	vmul.f32 v6, v12;
	v29 =	vmul.f32 $5.000000000e-01, v5  }
0x154: {  	v9 =	vsel vm9, v27, v9;
	vm9 =	vgt.f32 v23, $1.200000050e+00;
	vm6 =	vgt.f32 v25, $1.200000050e+00  }
0x155: {  	v23 =	vmul.f32 v8, v13;
	v19 =	vmul.f32 v19, v6;
	v5 =	vsel vm6, v29, v5  }
0x156: {  	v18 =	vsel vm14, v20, v18;
	v20 =	vmul.f32 v9, v11;
	v22 =	vmul.f32 v5, v4  }
0x157: {  	v21 =	vsel vm9, v26, v21;
	v26 =	vmul.f32 v18, v15;
	v52 =	vmul.f32 $5.000000000e-01, v9  }
0x158: {  	v27 =	vmul.f32 v21, v17;
	v22 =	vmul.f32 v22, v5  }
0x159: {  	v10 =	vsel vm13, v28, v10;
	v23 =	vmul.f32 v23, v8;
	v24 =	vmul.f32 $5.000000000e-01, v5  }
0x15a: {  	vm13 =	vgt.f32 v19, $1.200000050e+00;
	v19 =	vmul.f32 $5.000000000e-01, v6;
	vm10 =	vgt.f32 v22, $1.200000050e+00  }
0x15b: {  	v53 =	vmul.f32 $5.000000000e-01, v21;
	v20 =	vmul.f32 v20, v9;
	v5 =	vsel vm10, v24, v5  }
0x15c: {  	v25 =	vmul.f32 v10, v14;
	v24 =	vmul.f32 v5, v4  }
0x15d: {  	vm14 =	vgt.f32 v23, $1.200000050e+00;
	vm11 =	vgt.f32 v20, $1.200000050e+00;
	v20 =	vmul.f32 v26, v18  }
0x15e: {  	v6 =	vsel vm13, v19, v6;
	v25 =	vmul.f32 v25, v10;
	v24 =	vmul.f32 v24, v5  }
0x15f: {  	v9 =	vsel vm11, v52, v9;
	v22 =	vmul.f32 v7, v16;
	v26 =	vmul.f32 $5.000000000e-01, v5  }
0x160: {  	vm15 =	vgt.f32 v25, $1.200000050e+00;
	v25 =	vmul.f32 $5.000000000e-01, v18;
	vm12 =	vgt.f32 v24, $1.200000050e+00  }
0x161: {  	v22 =	vmul.f32 v22, v7;
	v24 =	vmul.f32 v27, v21;
	v5 =	vsel vm12, v26, v5  }
0x162: {  	vm9 =	vgt.f32 v20, $1.200000050e+00;
	v27 =	vmul.f32 $5.000000000e-01, v10;
	v23 =	vmul.f32 v5, v4  }
0x163: {  	v26 =	vmul.f32 $5.000000000e-01, v8;
	vm12 =	vgt.f32 v24, $1.200000050e+00;
	v24 =	vmul.f32 v6, v12  }
0x164: {  	vm10 =	vgt.f32 v22, $1.200000050e+00;
	v22 =	vmul.f32 $5.000000000e-01, v5;
	v20 =	vmul.f32 v23, v5  }
0x165: {  	v10 =	vsel vm15, v27, v10;
	v23 =	vmul.f32 $5.000000000e-01, v7;
	v24 =	vmul.f32 v24, v6  }
0x166: {  	v8 =	vsel vm14, v26, v8;
	vm11 =	vgt.f32 v20, $1.200000050e+00;
	v20 =	vsel vm9, v25, v18  }
0x167: {  	v7 =	vsel vm10, v23, v7;
	v23 =	vmul.f32 v8, v13;
	vm15 =	vgt.f32 v24, $1.200000050e+00  }
0x168: {  	v24 =	vmul.f32 $5.000000000e-01, v6;
	v5 =	vsel vm11, v22, v5;
	v22 =	vmul.f32 v9, v11  }
0x169: {  	v26 =	vmul.f32 v20, v15;
	v19 =	vmul.f32 v5, v4  }
0x16a: {  	v25 =	vmul.f32 $5.000000000e-01, v5;
	v23 =	vmul.f32 v23, v8  }
0x16b: {  	v22 =	vmul.f32 v22, v9;
	v18 =	vmul.f32 v19, v5;
	v19 =	vsel vm12, v53, v21  }
0x16c: {  	v21 =	vmul.f32 v10, v14;
	vm8 =	vgt.f32 v23, $1.200000050e+00;
	v23 =	vmul.f32 $5.000000000e-01, v8  }
0x16d: {  	v27 =	vmul.f32 v19, v17;
	vm13 =	vgt.f32 v18, $1.200000050e+00;
	v18 =	vmul.f32 $5.000000000e-01, v4  }
0x16e: {  	vm14 =	vgt.f32 v22, $1.200000050e+00;
	v22 =	vmul.f32 v26, v20;
	v5 =	vsel vm13, v25, v5  }
0x16f: {  	v54 =	vmul.f32 $5.000000000e-01, v19;
	v25 =	vmul.f32 v5, v18  }
0x170: {  	v6 =	vsel vm15, v24, v6;
	v4 =	vmul.f32 v7, v16;
	v21 =	vmul.f32 v21, v10  }
0x171: {  	v8 =	vsel vm8, v23, v8;
	v26 =	vmul.f32 v27, v19;
	v25 =	vmul.f32 v25, v5  }
0x172: {  	v27 =	vmul.f32 $5.000000000e-01, v9;
	vm10 =	vgt.f32 v22, $1.200000050e+00;
	v22 =	vmul.f32 $5.000000000e-01, v20  }
0x173: {  	v23 =	vmul.f32 v8, v13;
	v4 =	vmul.f32 v4, v7;
	v25 =	vsub.f32 $1.500000000e+00, v25  }
0x174: {  	vm9 =	vgt.f32 v21, $1.200000050e+00;
	v21 =	vmul.f32 $5.000000000e-01, v10;
	v9 =	vsel vm14, v27, v9  }
0x175: {  	v20 =	vsel vm10, v22, v20;
	v22 =	vmul.f32 v6, v12;
	v5 =	vmul.f32 v25, v5  }
0x176: {  	v23 =	vmul.f32 v23, v8;
	v10 =	vsel vm9, v21, v10;
	v21 =	vmul.f32 v9, v11  }
0x177: {  	vm11 =	vgt.f32 v4, $1.200000050e+00;
	v25 =	vmul.f32 $5.000000000e-01, v7;
	v4 =	vmul.f32 v5, v18  }
0x178: {  	vm12 =	vgt.f32 v26, $1.200000050e+00;
	v24 =	vmul.f32 v10, v14;
	v22 =	vmul.f32 v22, v6  }
0x179: {  	v7 =	vsel vm11, v25, v7;
	v25 =	vmul.f32 v20, v15;
	v4 =	vmul.f32 v4, v5  }
0x17a: {  	vm15 =	vgt.f32 v23, $1.200000050e+00;
	v23 =	vmul.f32 $5.000000000e-01, v9;
	v26 =	vmul.f32 v7, v16  }
0x17b: {  	vm14 =	vgt.f32 v22, $1.200000050e+00;
	v22 =	vmul.f32 v25, v20;
	v4 =	vsub.f32 $1.500000000e+00, v4  }
0x17c: {  	v19 =	vsel vm12, v54, v19;
	v25 =	vmul.f32 v26, v7;
	v26 =	vmul.f32 $5.000000000e-01, v6  }
0x17d: {  	vm9 =	vgt.f32 v22, $1.200000050e+00;
	v22 =	vmul.f32 $5.000000000e-01, v20;
	v4 =	vmul.f32 v4, v5  }
0x17e: {  	vm10 =	vgt.f32 v25, $1.200000050e+00;
	v25 =	vmul.f32 $5.000000000e-01, v19;
	v5 =	vmul.f32 v21, v9  }
0x17f: {  	v21 =	vmul.f32 v19, v17;
	v20 =	vsel vm9, v22, v20;
	v27 =	vmul.f32 v4, v18  }
0x180: {  	v56 =	vmul.f32 $5.000000000e-01, v20;
	vm13 =	vgt.f32 v5, $1.200000050e+00;
	v5 =	vmul.f32 v24, v10  }
0x181: {  	v21 =	vmul.f32 v21, v19;
	v9 =	vsel vm13, v23, v9;
	v24 =	vmul.f32 v27, v4  }
0x182: {  	v23 =	vsel vm14, v26, v6;
	vm8 =	vgt.f32 v5, $1.200000050e+00;
	v5 =	vmul.f32 $5.000000000e-01, v8  }
0x183: {  	v26 =	vmul.f32 v20, v15;
	v27 =	vmul.f32 $5.000000000e-01, v10;
	v24 =	vsub.f32 $1.500000000e+00, v24  }
0x184: {  	vm11 =	vgt.f32 v21, $1.200000050e+00;
	v8 =	vsel vm15, v5, v8;
	v5 =	vmul.f32 v9, v11  }
0x185: {  	v19 =	vsel vm11, v25, v19;
	v4 =	vmul.f32 v24, v4;
	v24 =	vmul.f32 $5.000000000e-01, v7  }
0x186: {  	v10 =	vsel vm8, v27, v10;
	v27 =	vmul.f32 v19, v17;
	v22 =	vmul.f32 v8, v13  }
0x187: {  	v5 =	vmul.f32 v5, v9;
	v6 =	vmul.f32 v4, v18;
	v21 =	vsel vm10, v24, v7  }
0x188: {  	v24 =	vmul.f32 v10, v14;
	v25 =	vmul.f32 v21, v16  }
0x189: {  	v55 =	vmul.f32 $5.000000000e-01, v10;
	v6 =	vmul.f32 v6, v4  }
0x18a: {  	vm12 =	vgt.f32 v5, $1.200000050e+00;
	v5 =	vmul.f32 v24, v10;
	v24 =	vmul.f32 v25, v21  }
0x18b: {  	v7 =	vmul.f32 v23, v12;
	v25 =	vmul.f32 $5.000000000e-01, v9;
	v6 =	vsub.f32 $1.500000000e+00, v6  }
0x18c: {  	v30 =	vmul.f32 $5.000000000e-01, v21;
	vm9 =	vgt.f32 v24, $1.200000050e+00;
	v24 =	vmul.f32 $5.000000000e-01, v19  }
0x18d: {  	v25 =	vsel vm12, v25, v9;
	v6 =	vmul.f32 v6, v4;
	v4 =	vmul.f32 v7, v23  }
0x18e: {  	v7 =	vmul.f32 v22, v8;
	v21 =	vsel vm9, v30, v21;
	v62 =	vmul.f32 $5.000000000e-01, v25  }
0x18f: {  	v33 =	vmul.f32 v21, v16;
	v35 =	vmul.f32 $5.000000000e-01, v21  }
0x190: {  	v22 =	vmul.f32 v6, v18;
	vm13 =	vgt.f32 v4, $1.200000050e+00;
	v4 =	vmul.f32 v26, v20  }
0x191: {  	vm14 =	vgt.f32 v7, $1.200000050e+00;
	v7 =	vmul.f32 v27, v19;
	v26 =	vmul.f32 $5.000000000e-01, v23  }
0x192: {  	vm15 =	vgt.f32 v5, $1.200000050e+00;
	v27 =	vmul.f32 $5.000000000e-01, v8;
	v22 =	vmul.f32 v22, v6  }
0x193: {  	vm8 =	vgt.f32 v4, $1.200000050e+00;
	v23 =	vsel vm13, v26, v23;
	vm10 =	vgt.f32 v7, $1.200000050e+00  }
0x194: {  	v26 =	vsel vm14, v27, v8;
	v57 =	vsel vm8, v56, v20;
	v20 =	vmul.f32 v25, v11  }
0x195: {  	v27 =	vsel vm15, v55, v10;
	v58 =	vmul.f32 v23, v12;
	v59 =	vmul.f32 v26, v13  }
0x196: {  	v24 =	vsel vm10, v24, v19;
	v19 =	vmul.f32 v27, v14;
	v63 =	vmul.f32 $5.000000000e-01, v23  }
0x197: {  	v40 =	vmul.f32 $5.000000000e-01, v27;
	v32 =	vmul.f32 v57, v15  }
0x198: {  	v34 =	vmul.f32 v24, v17;
	v41 =	vmul.f32 $5.000000000e-01, v57  }
0x199: {  	v22 =	vsub.f32 $1.500000000e+00, v22;
	v36 =	vmul.f32 $5.000000000e-01, v24;
	v20 =	vmul.f32 v20, v25  }
0x19a: {  	v29 =	vmul.f32 v58, v23;
	v30 =	vmul.f32 v59, v26  }
0x19b: {  	v19 =	vmul.f32 v19, v27;
	v22 =	vmul.f32 v22, v6  }
0x19c: {  	v60 =	vmul.f32 v32, v57;
	v61 =	vmul.f32 v34, v24;
	vm11 =	vgt.f32 v20, $1.200000050e+00  }
0x19d: {  	v20 =	vmul.f32 v33, v21;
	vm12 =	vgt.f32 v29, $1.200000050e+00;
	vm14 =	vgt.f32 v19, $1.200000050e+00  }
0x19e: {  	v19 =	vmul.f32 $5.000000000e-01, v26;
	v10 =	vmul.f32 v22, v18;
	v25 =	vsel vm11, v62, v25  }
0x19f: {  	v23 =	vsel vm12, v63, v23;
	vm9 =	vgt.f32 v61, $1.200000050e+00;
	v42 =	vmul.f32 v25, v11  }
0x1a0: {  	vm8 =	vgt.f32 v20, $1.200000050e+00;
	v43 =	vmul.f32 v23, v12;
	v31 =	vmul.f32 v10, v22  }
0x1a1: {  	v24 =	vsel vm9, v36, v24;
	v50 =	vmul.f32 $5.000000000e-01, v25;
	v52 =	vmul.f32 $5.000000000e-01, v23  }
0x1a2: {  	v21 =	vsel vm8, v35, v21;
	v47 =	vmul.f32 v24, v17;
	v31 =	vsub.f32 $1.500000000e+00, v31  }
0x1a3: {  	v36 =	vmul.f32 $5.000000000e-01, v24;
	v46 =	vmul.f32 v21, v16  }
0x1a4: {  	v28 =	vmul.f32 v42, v25;
	v22 =	vmul.f32 v31, v22  }
0x1a5: {  	vm13 =	vgt.f32 v30, $1.200000050e+00;
	v29 =	vmul.f32 v43, v23;
	v51 =	vmul.f32 v47, v24  }
0x1a6: {  	v56 =	vmul.f32 $5.000000000e-01, v21;
	vm10 =	vgt.f32 v28, $1.200000050e+00;
	v18 =	vmul.f32 v22, v18  }
0x1a7: {  	v49 =	vmul.f32 v46, v21;
	vm11 =	vgt.f32 v29, $1.200000050e+00;
	vm8 =	vgt.f32 v51, $1.200000050e+00  }
0x1a8: {  	v23 =	vsel vm11, v52, v23;
	v24 =	vsel vm8, v36, v24;
	v39 =	vmul.f32 v18, v22  }
0x1a9: {  	v25 =	vsel vm10, v50, v25;
	v58 =	vmul.f32 v23, v12;
	v62 =	vmul.f32 v24, v17  }
0x1aa: {  	v37 =	vmul.f32 $5.000000000e-01, v25;
	v38 =	vmul.f32 $5.000000000e-01, v23;
	v33 =	vsub.f32 $1.500000000e+00, v39  }
0x1ab: {  	vm15 =	vgt.f32 v60, $1.200000050e+00;
	v43 =	vmul.f32 $5.000000000e-01, v24;
	v18 =	vld [tilespmem:s31+$0x194F0];
	v36 =	vmul.f32 v62, v24  }
0x1ac: {  	v20 =	vmul.f32 v33, v22;
	v22 =	vsel vm13, v19, v26;
	v26 =	vsel vm14, v40, v27  }
0x1ad: {  	v27 =	vsel vm15, v41, v57;
	v57 =	vmul.f32 v25, v11;
	v44 =	vmul.f32 v22, v13  }
0x1ae: {  	v31 =	vmul.f32 v26, v14;
	v45 =	vmul.f32 v27, v15  }
0x1af: {  	vm15 =	vgt.f32 v49, $1.200000050e+00;
	v53 =	vmul.f32 $5.000000000e-01, v22;
	v54 =	vmul.f32 $5.000000000e-01, v26  }
0x1b0: {  	v55 =	vmul.f32 $5.000000000e-01, v27;
	v21 =	vsel vm15, v56, v21;
	v19 =	vmul.f32 v20, v18  }
0x1b1: {  	v61 =	vmul.f32 v21, v16;
	v29 =	vmul.f32 v57, v25  }
0x1b2: {  	vm15 =	vgt.f32 v36, $1.200000050e+00;
	v42 =	vmul.f32 $5.000000000e-01, v21;
	v30 =	vmul.f32 v44, v22  }
0x1b3: {  	v24 =	vsel vm15, v43, v24;
	v31 =	vmul.f32 v31, v26;
	v48 =	vmul.f32 v45, v27  }
0x1b4: {  	v50 =	vmul.f32 v24, v17;
	vm9 =	vgt.f32 v29, $1.200000050e+00;
	v63 =	vmul.f32 v61, v21  }
0x1b5: {  	vm12 =	vgt.f32 v30, $1.200000050e+00;
	vm13 =	vgt.f32 v31, $1.200000050e+00;
	vm14 =	vgt.f32 v48, $1.200000050e+00  }
0x1b6: {  	v30 =	vmul.f32 v58, v23;
	v25 =	vsel vm9, v37, v25;
	v52 =	vmul.f32 v50, v24  }
0x1b7: {  	v22 =	vsel vm12, v53, v22;
	v26 =	vsel vm13, v54, v26;
	v44 =	vmul.f32 v25, v11  }
0x1b8: {  	v27 =	vsel vm14, v55, v27;
	v53 =	vmul.f32 $5.000000000e-01, v25;
	v59 =	vmul.f32 v22, v13  }
0x1b9: {  	vm14 =	vgt.f32 v63, $1.200000050e+00;
	v31 =	vmul.f32 v26, v14;
	v60 =	vmul.f32 v27, v15  }
0x1ba: {  	v39 =	vmul.f32 $5.000000000e-01, v22;
	v40 =	vmul.f32 $5.000000000e-01, v26;
	v47 =	vsel vm14, v42, v21  }
0x1bb: {  	v41 =	vmul.f32 $5.000000000e-01, v27;
	v49 =	vmul.f32 v47, v16  }
0x1bc: {  	vm10 =	vgt.f32 v30, $1.200000050e+00;
	v58 =	vmul.f32 $5.000000000e-01, v47;
	v28 =	vmul.f32 v59, v22  }
0x1bd: {  	v23 =	vsel vm10, v38, v23;
	v31 =	vmul.f32 v31, v26;
	v32 =	vmul.f32 v60, v27  }
0x1be: {  	vm15 =	vgt.f32 v52, $1.200000050e+00;
	v45 =	vmul.f32 v23, v12;
	v54 =	vmul.f32 $5.000000000e-01, v23  }
0x1bf: {  	v59 =	vmul.f32 $5.000000000e-01, v24;
	v29 =	vmul.f32 v49, v47;
	vm11 =	vgt.f32 v28, $1.200000050e+00  }
0x1c0: {  	vm12 =	vgt.f32 v31, $1.200000050e+00;
	vm13 =	vgt.f32 v32, $1.200000050e+00;
	v28 =	vmul.f32 v44, v25  }
0x1c1: {  	v30 =	vmul.f32 v45, v23;
	v22 =	vsel vm11, v39, v22;
	v26 =	vsel vm12, v40, v26  }
0x1c2: {  	v27 =	vsel vm13, v41, v27;
	vm14 =	vgt.f32 v29, $1.200000050e+00;
	v46 =	vmul.f32 v22, v13  }
0x1c3: {  	v21 =	vmul.f32 v26, v14;
	v48 =	vmul.f32 v27, v15;
	vm9 =	vgt.f32 v28, $1.200000050e+00  }
0x1c4: {  	vm10 =	vgt.f32 v30, $1.200000050e+00;
	v55 =	vmul.f32 $5.000000000e-01, v22;
	v56 =	vmul.f32 $5.000000000e-01, v26  }
0x1c5: {  	v57 =	vmul.f32 $5.000000000e-01, v27;
	v60 =	vsel vm14, v58, v47;
	v21 =	vmul.f32 v21, v26  }
0x1c6: {  	v25 =	vsel vm9, v53, v25;
	v23 =	vsel vm10, v54, v23;
	v31 =	vmul.f32 v46, v22  }
0x1c7: {  	v51 =	vmul.f32 v48, v27;
	vm12 =	vgt.f32 v21, $1.200000050e+00;
	v21 =	vmul.f32 $5.000000000e-01, v11  }
0x1c8: {  	vm11 =	vgt.f32 v31, $1.200000050e+00;
	v11 =	vmul.f32 $5.000000000e-01, v12;
	v12 =	vmul.f32 $5.000000000e-01, v13  }
0x1c9: {  	vm13 =	vgt.f32 v51, $1.200000050e+00;
	v13 =	vmul.f32 $5.000000000e-01, v14;
	v14 =	vmul.f32 $5.000000000e-01, v15  }
0x1ca: {  	v15 =	vmul.f32 $5.000000000e-01, v16;
	v16 =	vmul.f32 $5.000000000e-01, v17;
	v22 =	vsel vm11, v55, v22  }
0x1cb: {  	v26 =	vsel vm12, v56, v26;
	v17 =	vmul.f32 v25, v21;
	v61 =	vmul.f32 v23, v11  }
0x1cc: {  	v27 =	vsel vm13, v57, v27;
	v31 =	vmul.f32 v22, v12;
	v62 =	vmul.f32 v26, v13  }
0x1cd: {  	v24 =	vsel vm15, v59, v24;
	v63 =	vmul.f32 v27, v14;
	v36 =	vmul.f32 v60, v15  }
0x1ce: {  	v37 =	vmul.f32 v24, v16;
	v17 =	vmul.f32 v17, v25  }
0x1cf: {  	v30 =	vmul.f32 v61, v23;
	v31 =	vmul.f32 v31, v22  }
0x1d0: {  	v29 =	vmul.f32 v62, v26;
	v32 =	vmul.f32 v63, v27  }
0x1d1: {  	v34 =	vmul.f32 v37, v24;
	v17 =	vsub.f32 $1.500000000e+00, v17;
	v30 =	vsub.f32 $1.500000000e+00, v30  }
0x1d2: {  	v33 =	vmul.f32 v36, v60;
	v31 =	vsub.f32 $1.500000000e+00, v31;
	v38 =	vsub.f32 $1.500000000e+00, v32  }
0x1d3: {  	v40 =	vsub.f32 $1.500000000e+00, v34;
	v17 =	vmul.f32 v17, v25;
	v25 =	vsub.f32 $1.500000000e+00, v29  }
0x1d4: {  	v39 =	vsub.f32 $1.500000000e+00, v33;
	v23 =	vmul.f32 v30, v23;
	v22 =	vmul.f32 v31, v22  }
0x1d5: {  	v24 =	vmul.f32 v40, v24;
	v25 =	vmul.f32 v25, v26  }
0x1d6: {  	v26 =	vmul.f32 v38, v27;
	v27 =	vmul.f32 v39, v60  }
0x1d7: {  	v41 =	vmul.f32 v17, v21;
	v42 =	vmul.f32 v23, v11  }
0x1d8: {  	v43 =	vmul.f32 v22, v12;
	v47 =	vmul.f32 v24, v16  }
0x1d9: {  	v44 =	vmul.f32 v25, v13;
	v45 =	vmul.f32 v26, v14  }
0x1da: {  	v46 =	vmul.f32 v27, v15;
	v28 =	vmul.f32 v41, v17  }
0x1db: {  	v29 =	vmul.f32 v42, v23;
	v30 =	vmul.f32 v43, v22  }
0x1dc: {  	v34 =	vmul.f32 v47, v24;
	v31 =	vmul.f32 v44, v25  }
0x1dd: {  	v28 =	vsub.f32 $1.500000000e+00, v28;
	v32 =	vmul.f32 v45, v26;
	v29 =	vsub.f32 $1.500000000e+00, v29  }
0x1de: {  	v33 =	vmul.f32 v46, v27;
	v30 =	vsub.f32 $1.500000000e+00, v30;
	v51 =	vsub.f32 $1.500000000e+00, v34  }
0x1df: {  	v17 =	vmul.f32 v28, v17;
	v48 =	vsub.f32 $1.500000000e+00, v31;
	v49 =	vsub.f32 $1.500000000e+00, v32  }
0x1e0: {  	v23 =	vmul.f32 v29, v23;
	v50 =	vsub.f32 $1.500000000e+00, v33;
	v22 =	vmul.f32 v30, v22  }
0x1e1: {  	v24 =	vmul.f32 v51, v24;
	v25 =	vmul.f32 v48, v25  }
0x1e2: {  	v26 =	vmul.f32 v49, v26;
	v27 =	vmul.f32 v50, v27  }
0x1e3: {  	v52 =	vmul.f32 v17, v21;
	v53 =	vmul.f32 v23, v11  }
0x1e4: {  	v30 =	vmul.f32 v22, v12;
	v57 =	vmul.f32 v24, v16  }
0x1e5: {  	v54 =	vmul.f32 v25, v13;
	v55 =	vmul.f32 v26, v14  }
0x1e6: {  	v56 =	vmul.f32 v27, v15;
	v28 =	vmul.f32 v52, v17  }
0x1e7: {  	v29 =	vmul.f32 v53, v23;
	v30 =	vmul.f32 v30, v22  }
0x1e8: {  	v34 =	vmul.f32 v57, v24;
	v31 =	vmul.f32 v54, v25  }
0x1e9: {  	v28 =	vsub.f32 $1.500000000e+00, v28;
	v32 =	vmul.f32 v55, v26;
	v29 =	vsub.f32 $1.500000000e+00, v29  }
0x1ea: {  	v33 =	vmul.f32 v56, v27;
	v30 =	vsub.f32 $1.500000000e+00, v30;
	v61 =	vsub.f32 $1.500000000e+00, v34  }
0x1eb: {  	v17 =	vmul.f32 v28, v17;
	v58 =	vsub.f32 $1.500000000e+00, v31;
	v59 =	vsub.f32 $1.500000000e+00, v32  }
0x1ec: {  	v23 =	vmul.f32 v29, v23;
	v60 =	vsub.f32 $1.500000000e+00, v33;
	v22 =	vmul.f32 v30, v22  }
0x1ed: {  	v24 =	vmul.f32 v61, v24;
	v25 =	vmul.f32 v58, v25  }
0x1ee: {  	v26 =	vmul.f32 v59, v26;
	v27 =	vmul.f32 v60, v27  }
0x1ef: {  	v62 =	vmul.f32 v17, v21;
	v63 =	vmul.f32 v23, v11  }
0x1f0: {  	v36 =	vmul.f32 v22, v12;
	v40 =	vmul.f32 v24, v16  }
0x1f1: {  	v37 =	vmul.f32 v25, v13;
	v38 =	vmul.f32 v26, v14  }
0x1f2: {  	v39 =	vmul.f32 v27, v15;
	v28 =	vmul.f32 v62, v17  }
0x1f3: {  	v29 =	vmul.f32 v63, v23;
	v30 =	vmul.f32 v36, v22  }
0x1f4: {  	v34 =	vmul.f32 v40, v24;
	v31 =	vmul.f32 v37, v25  }
0x1f5: {  	v28 =	vsub.f32 $1.500000000e+00, v28;
	v32 =	vmul.f32 v38, v26;
	v29 =	vsub.f32 $1.500000000e+00, v29  }
0x1f6: {  	v33 =	vmul.f32 v39, v27;
	v30 =	vsub.f32 $1.500000000e+00, v30;
	v44 =	vsub.f32 $1.500000000e+00, v34  }
0x1f7: {  	v17 =	vmul.f32 v28, v17;
	v41 =	vsub.f32 $1.500000000e+00, v31;
	v42 =	vsub.f32 $1.500000000e+00, v32  }
0x1f8: {  	v23 =	vmul.f32 v29, v23;
	v43 =	vsub.f32 $1.500000000e+00, v33;
	v22 =	vmul.f32 v30, v22  }
0x1f9: {  	v24 =	vmul.f32 v44, v24;
	v25 =	vmul.f32 v41, v25  }
0x1fa: {  	v26 =	vmul.f32 v42, v26;
	v27 =	vmul.f32 v43, v27  }
0x1fb: {  	v45 =	vmul.f32 v17, v21;
	v46 =	vmul.f32 v23, v11  }
0x1fc: {  	v30 =	vmul.f32 v22, v12;
	v50 =	vmul.f32 v24, v16  }
0x1fd: {  	v47 =	vmul.f32 v25, v13;
	v48 =	vmul.f32 v26, v14  }
0x1fe: {  	v49 =	vmul.f32 v27, v15;
	v28 =	vmul.f32 v45, v17  }
0x1ff: {  	v29 =	vmul.f32 v46, v23;
	v30 =	vmul.f32 v30, v22  }
0x200: {  	v34 =	vmul.f32 v50, v24;
	v31 =	vmul.f32 v47, v25  }
0x201: {  	v28 =	vsub.f32 $1.500000000e+00, v28;
	v32 =	vmul.f32 v48, v26;
	v29 =	vsub.f32 $1.500000000e+00, v29  }
0x202: {  	v33 =	vmul.f32 v49, v27;
	v30 =	vsub.f32 $1.500000000e+00, v30;
	v54 =	vsub.f32 $1.500000000e+00, v34  }
0x203: {  	v17 =	vmul.f32 v28, v17;
	v51 =	vsub.f32 $1.500000000e+00, v31;
	v52 =	vsub.f32 $1.500000000e+00, v32  }
0x204: {  	v23 =	vmul.f32 v29, v23;
	v53 =	vsub.f32 $1.500000000e+00, v33;
	v22 =	vmul.f32 v30, v22  }
0x205: {  	v55 =	vmul.f32 v54, v24;
	v28 =	vmul.f32 v51, v25  }
0x206: {  	v26 =	vmul.f32 v52, v26;
	v27 =	vmul.f32 v53, v27  }
0x207: {  	v25 =	vmul.f32 v17, v21;
	v24 =	vmul.f32 v23, v11  }
0x208: {  	v56 =	vmul.f32 v22, v12;
	v60 =	vmul.f32 v55, v16  }
0x209: {  	v57 =	vmul.f32 v28, v13;
	v58 =	vmul.f32 v26, v14  }
0x20a: {  	v59 =	vmul.f32 v27, v15;
	v25 =	vmul.f32 v25, v17  }
0x20b: {  	v24 =	vmul.f32 v24, v23;
	v30 =	vmul.f32 v56, v22  }
0x20c: {  	v34 =	vmul.f32 v60, v55;
	v31 =	vmul.f32 v57, v28;
	v25 =	vsub.f32 $1.500000000e+00, v25  }
0x20d: {  	v5 =	vld [tilespmem:s31+$0x19480];
	v32 =	vmul.f32 v58, v26;
	v33 =	vmul.f32 v59, v27;
	v24 =	vsub.f32 $1.500000000e+00, v24  }
0x20e: {  	v9 =	vld [tilespmem:s31+$0x194D0];
	v30 =	vsub.f32 $1.500000000e+00, v30;
	v61 =	vmul.f32 v25, v17;
	v17 =	vsub.f32 $1.500000000e+00, v31  }
0x20f: {  	v4 =	vld [tilespmem:s31+$0x19490];
	v62 =	vsub.f32 $1.500000000e+00, v32;
	v63 =	vmul.f32 v24, v23;
	v33 =	vsub.f32 $1.500000000e+00, v33  }
0x210: {  	v7 =	vld [tilespmem:s31+$0x194B0];
	v34 =	vsub.f32 $1.500000000e+00, v34;
	v25 =	vmul.f32 v30, v22;
	v24 =	vmul.f32 v17, v28  }
0x211: {  	v8 =	vld [tilespmem:s31+$0x194C0];
	v23 =	vmul.f32 v62, v26;
	v22 =	vmul.f32 v33, v27  }
0x212: {  	[tilespmem:s31+$0x19980] =	vst v5;
	v6 =	vld [tilespmem:s31+$0x194A0];
	v21 =	vmul.f32 v61, v21;
	v17 =	vmul.f32 v34, v55  }
0x213: {  	[tilespmem:s31+$0x199D0] =	vst v9;
	v10 =	vld [tilespmem:s31+$0x194E0];
	v11 =	vmul.f32 v63, v11;
	v12 =	vmul.f32 v25, v12  }
0x214: {  	[tilespmem:s31+$0x19990] =	vst v4;
	v13 =	vmul.f32 v24, v13;
	v14 =	vmul.f32 v23, v14  }
0x215: {  	[tilespmem:s31+$0x199B0] =	vst v7;
	v15 =	vmul.f32 v22, v15;
	v16 =	vmul.f32 v17, v16  }
0x216: {  	[tilespmem:s31+$0x199C0] =	vst v8;
	v21 =	vmul.f32 v21, v61;
	v11 =	vmul.f32 v11, v63  }
0x217: {  	[tilespmem:s31+$0x199A0] =	vst v6;
	v12 =	vmul.f32 v12, v25;
	v13 =	vmul.f32 v13, v24  }
0x218: {  	[tilespmem:s31+$0x199E0] =	vst v10;
	v21 =	vsub.f32 $1.500000000e+00, v21;
	v14 =	vmul.f32 v14, v23;
	v26 =	vmul.f32 v15, v22  }
0x219: {  	[tilespmem:s31+$0x19770] =	vst v20;
	v20 =	vsub.f32 $1.500000000e+00, v11;
	v15 =	vsub.f32 $1.500000000e+00, v12;
	v27 =	vmul.f32 v16, v17  }
0x21a: {  	[tilespmem:s31+$0x199F0] =	vst v18;
	v11 =	vmul.f32 v21, v61;
	v18 =	vsub.f32 $1.500000000e+00, v13;
	v14 =	vsub.f32 $1.500000000e+00, v14  }
0x21b: {  	s1 =	simm.s32 $0x80;
	s0 =	simm.s32 $0x400;
	[tilespmem:s31+$0x1C770] =	vst v19;
	v12 =	vmul.f32 v20, v63;
	v16 =	vsub.f32 $1.500000000e+00, v26;
	v13 =	vsub.f32 $1.500000000e+00, v27  }
.LBB2_8:
0x21c: {  	p2 =	sne.s32 s0, $0x800;
	v19 =	vld [tilespmem:s1+$0x19C70];
	[tilespmem:s31+$0x19700] =	vst v11;
	v15 =	vmul.f32 v15, v25;
	v18 =	vmul.f32 v18, v24  }
0x21d: {  	v21 =	vmul.f32 v14, v23;
	v20 =	vld [tilespmem:s1+$0x19C00];
	[tilespmem:s31+$0x19710] =	vst v12;
	v22 =	vmul.f32 v16, v22  }
0x21e: {  	v5 =	vmul.f32 v11, v5;
	v23 =	vmul.f32 v13, v17;
	v14 =	vld [tilespmem:s1+$0x19C10];
	[tilespmem:s31+$0x19720] =	vst v15  }
0x21f: {  	v4 =	vmul.f32 v12, v4;
	v6 =	vmul.f32 v15, v6;
	v13 =	vld [tilespmem:s1+$0x19C20];
	[tilespmem:s31+$0x19730] =	vst v18  }
0x220: {  	v15 =	vld [tilespmem:s1+$0x19C30];
	[tilespmem:s31+$0x1C700] =	vst v5;
	v5 =	vmul.f32 v18, v7;
	v7 =	vmul.f32 v21, v8  }
0x221: {  	v9 =	vmul.f32 v22, v9;
	v10 =	vmul.f32 v23, v10;
	v8 =	vld [tilespmem:s1+$0x19C40];
	v18 =	vmax.f32 v19, $1.000000000e+00;
	[tilespmem:s31+$0x1C710] =	vst v4  }
0x222: {  	v11 =	vmax.f32 v20, $1.000000000e+00;
	v16 =	vld [tilespmem:s1+$0x19C50];
	vm0 =	vgt.f32 v18, $1.200000050e+00;
	[tilespmem:s31+$0x1C720] =	vst v6  }
0x223: {  	vm1 =	vgt.f32 v11, $1.200000050e+00;
	v12 =	vmax.f32 v14, $1.000000000e+00;
	v17 =	vld [tilespmem:s1+$0x19C60];
	v19 =	vsel vm0, $0x3F000000, v1;
	[tilespmem:s31+$0x1C730] =	vst v5  }
0x224: {  	v5 =	vld [tilespmem:s1+$0x19480];
	vm0 =	vgt.f32 v12, $1.200000050e+00;
	v13 =	vmax.f32 v13, $1.000000000e+00;
	v20 =	vmul.f32 v19, v18;
	[tilespmem:s31+$0x1C740] =	vst v7  }
0x225: {  	v24 =	vsel vm1, $0x3F000000, v1;
	v4 =	vld [tilespmem:s1+$0x19490];
	vm1 =	vgt.f32 v13, $1.200000050e+00;
	v14 =	vmax.f32 v15, $1.000000000e+00;
	[tilespmem:s31+$0x1C750] =	vst v9  }
0x226: {  	v6 =	vld [tilespmem:s1+$0x194A0];
	vm2 =	vgt.f32 v14, $1.200000050e+00;
	v15 =	vmax.f32 v8, $1.000000000e+00;
	v9 =	vmul.f32 v20, v19;
	[tilespmem:s31+$0x1C760] =	vst v10  }
0x227: {  	v10 =	vmul.f32 $5.000000000e-01, v19;
	v7 =	vld [tilespmem:s1+$0x194B0];
	vm3 =	vgt.f32 v15, $1.200000050e+00;
	v16 =	vmax.f32 v16, $1.000000000e+00;
	[tilespmem:s31+$0x19740] =	vst v21  }
0x228: {  	v8 =	vld [tilespmem:s1+$0x194C0];
	vm4 =	vgt.f32 v16, $1.200000050e+00;
	v17 =	vmax.f32 v17, $1.000000000e+00;
	vm5 =	vgt.f32 v9, $1.200000050e+00;
	[tilespmem:s31+$0x19750] =	vst v22  }
0x229: {  	v20 =	vsel vm0, $0x3F000000, v1;
	v9 =	vld [tilespmem:s1+$0x194D0];
	vm0 =	vgt.f32 v17, $1.200000050e+00;
	v19 =	vsel vm5, v10, v19;
	[tilespmem:s31+$0x19760] =	vst v23;
	s31 =	smov.u32 s1  }
0x22a: {  	v21 =	vsel vm1, $0x3F000000, v1;
	v22 =	vsel vm2, $0x3F000000, v1;
	[tilespmem:s31+$0x19980] =	vst v5;
	v10 =	vld [tilespmem:s31+$0x194E0];
	v23 =	vmul.f32 v19, v18  }
0x22b: {  	v25 =	vsel vm3, $0x3F000000, v1;
	v26 =	vsel vm4, $0x3F000000, v1;
	v27 =	vsel vm0, $0x3F000000, v1;
	[tilespmem:s31+$0x19990] =	vst v4  }
0x22c: {  	v28 =	vmul.f32 v24, v11;
	[tilespmem:s31+$0x199A0] =	vst v6;
	v23 =	vmul.f32 v23, v19  }
0x22d: {  	v29 =	vmul.f32 v20, v12;
	v30 =	vmul.f32 $5.000000000e-01, v19;
	[tilespmem:s31+$0x199B0] =	vst v7  }
0x22e: {  	v31 =	vmul.f32 v21, v13;
	v32 =	vmul.f32 v22, v14;
	[tilespmem:s31+$0x199C0] =	vst v8;
	vm0 =	vgt.f32 v23, $1.200000050e+00  }
0x22f: {  	v33 =	vmul.f32 v26, v16;
	v23 =	vmul.f32 v25, v15;
	[tilespmem:s31+$0x199D0] =	vst v9;
	v19 =	vsel vm0, v30, v19  }
0x230: {  	v30 =	vmul.f32 v27, v17;
	[tilespmem:s31+$0x199E0] =	vst v10;
	v34 =	vmul.f32 v19, v18  }
0x231: {  	v28 =	vmul.f32 v28, v24;
	v29 =	vmul.f32 v29, v20  }
0x232: {  	v31 =	vmul.f32 v31, v21;
	v34 =	vmul.f32 v34, v19  }
0x233: {  	vm0 =	vgt.f32 v28, $1.200000050e+00;
	v28 =	vmul.f32 v32, v22;
	v32 =	vmul.f32 $5.000000000e-01, v19  }
0x234: {  	v33 =	vmul.f32 v33, v26;
	v23 =	vmul.f32 v23, v25;
	vm1 =	vgt.f32 v34, $1.200000050e+00  }
0x235: {  	v30 =	vmul.f32 v30, v27;
	v34 =	vmul.f32 $5.000000000e-01, v24;
	v19 =	vsel vm1, v32, v19  }
0x236: {  	vm1 =	vgt.f32 v29, $1.200000050e+00;
	v29 =	vmul.f32 $5.000000000e-01, v20;
	v32 =	vmul.f32 v19, v18  }
0x237: {  	v35 =	vmul.f32 $5.000000000e-01, v22;
	vm2 =	vgt.f32 v31, $1.200000050e+00;
	v31 =	vmul.f32 $5.000000000e-01, v21  }
0x238: {  	vm3 =	vgt.f32 v28, $1.200000050e+00;
	v28 =	vmul.f32 $5.000000000e-01, v25;
	v32 =	vmul.f32 v32, v19  }
0x239: {  	vm4 =	vgt.f32 v23, $1.200000050e+00;
	v23 =	vmul.f32 $5.000000000e-01, v26;
	v36 =	vmul.f32 $5.000000000e-01, v19  }
0x23a: {  	vm5 =	vgt.f32 v33, $1.200000050e+00;
	v33 =	vmul.f32 $5.000000000e-01, v27;
	vm6 =	vgt.f32 v32, $1.200000050e+00  }
0x23b: {  	v24 =	vsel vm0, v34, v24;
	vm0 =	vgt.f32 v30, $1.200000050e+00;
	v19 =	vsel vm6, v36, v19  }
0x23c: {  	v21 =	vsel vm2, v31, v21;
	v20 =	vsel vm1, v29, v20;
	v29 =	vmul.f32 v19, v18  }
0x23d: {  	v22 =	vsel vm3, v35, v22;
	v25 =	vsel vm4, v28, v25;
	v23 =	vsel vm5, v23, v26  }
0x23e: {  	v26 =	vmul.f32 v24, v11;
	v27 =	vsel vm0, v33, v27;
	v28 =	vmul.f32 v29, v19  }
0x23f: {  	v30 =	vmul.f32 $5.000000000e-01, v19;
	v29 =	vmul.f32 v20, v12  }
0x240: {  	v31 =	vmul.f32 v21, v13;
	v32 =	vmul.f32 v22, v14;
	vm0 =	vgt.f32 v28, $1.200000050e+00  }
0x241: {  	v33 =	vmul.f32 v23, v16;
	v28 =	vmul.f32 v25, v15;
	v19 =	vsel vm0, v30, v19  }
0x242: {  	v30 =	vmul.f32 v27, v17;
	v34 =	vmul.f32 v19, v18  }
0x243: {  	v26 =	vmul.f32 v26, v24;
	v29 =	vmul.f32 v29, v20  }
0x244: {  	v31 =	vmul.f32 v31, v21;
	v34 =	vmul.f32 v34, v19  }
0x245: {  	vm0 =	vgt.f32 v26, $1.200000050e+00;
	v26 =	vmul.f32 v32, v22;
	v32 =	vmul.f32 $5.000000000e-01, v19  }
0x246: {  	v33 =	vmul.f32 v33, v23;
	v28 =	vmul.f32 v28, v25;
	vm1 =	vgt.f32 v34, $1.200000050e+00  }
0x247: {  	v30 =	vmul.f32 v30, v27;
	v34 =	vmul.f32 $5.000000000e-01, v24;
	v19 =	vsel vm1, v32, v19  }
0x248: {  	vm1 =	vgt.f32 v29, $1.200000050e+00;
	v29 =	vmul.f32 $5.000000000e-01, v20;
	v32 =	vmul.f32 v19, v18  }
0x249: {  	vm2 =	vgt.f32 v31, $1.200000050e+00;
	v31 =	vmul.f32 $5.000000000e-01, v21;
	v35 =	vmul.f32 $5.000000000e-01, v22  }
0x24a: {  	vm3 =	vgt.f32 v26, $1.200000050e+00;
	v26 =	vmul.f32 $5.000000000e-01, v25;
	v32 =	vmul.f32 v32, v19  }
0x24b: {  	vm4 =	vgt.f32 v28, $1.200000050e+00;
	v28 =	vmul.f32 $5.000000000e-01, v23;
	v36 =	vmul.f32 $5.000000000e-01, v19  }
0x24c: {  	vm5 =	vgt.f32 v33, $1.200000050e+00;
	v33 =	vmul.f32 $5.000000000e-01, v27;
	vm6 =	vgt.f32 v32, $1.200000050e+00  }
0x24d: {  	v24 =	vsel vm0, v34, v24;
	vm0 =	vgt.f32 v30, $1.200000050e+00;
	v19 =	vsel vm6, v36, v19  }
0x24e: {  	v21 =	vsel vm2, v31, v21;
	v20 =	vsel vm1, v29, v20;
	v29 =	vmul.f32 v19, v18  }
0x24f: {  	v22 =	vsel vm3, v35, v22;
	v25 =	vsel vm4, v26, v25;
	v23 =	vsel vm5, v28, v23  }
0x250: {  	v26 =	vmul.f32 v24, v11;
	v27 =	vsel vm0, v33, v27;
	v28 =	vmul.f32 v29, v19  }
0x251: {  	v30 =	vmul.f32 $5.000000000e-01, v19;
	v29 =	vmul.f32 v20, v12  }
0x252: {  	v31 =	vmul.f32 v21, v13;
	v32 =	vmul.f32 v22, v14;
	vm0 =	vgt.f32 v28, $1.200000050e+00  }
0x253: {  	v33 =	vmul.f32 v23, v16;
	v28 =	vmul.f32 v25, v15;
	v19 =	vsel vm0, v30, v19  }
0x254: {  	v30 =	vmul.f32 v27, v17;
	v34 =	vmul.f32 v19, v18  }
0x255: {  	v26 =	vmul.f32 v26, v24;
	v29 =	vmul.f32 v29, v20  }
0x256: {  	v31 =	vmul.f32 v31, v21;
	v34 =	vmul.f32 v34, v19  }
0x257: {  	vm0 =	vgt.f32 v26, $1.200000050e+00;
	v26 =	vmul.f32 v32, v22;
	v32 =	vmul.f32 $5.000000000e-01, v19  }
0x258: {  	v28 =	vmul.f32 v28, v25;
	v18 =	vmul.f32 $5.000000000e-01, v18;
	vm1 =	vgt.f32 v34, $1.200000050e+00  }
0x259: {  	v33 =	vmul.f32 v33, v23;
	v30 =	vmul.f32 v30, v27;
	v19 =	vsel vm1, v32, v19  }
0x25a: {  	v32 =	vmul.f32 $5.000000000e-01, v24;
	vm1 =	vgt.f32 v29, $1.200000050e+00;
	v29 =	vmul.f32 v19, v18  }
0x25b: {  	vm2 =	vgt.f32 v31, $1.200000050e+00;
	v31 =	vmul.f32 $5.000000000e-01, v21;
	v34 =	vmul.f32 $5.000000000e-01, v20  }
0x25c: {  	vm3 =	vgt.f32 v26, $1.200000050e+00;
	v26 =	vmul.f32 $5.000000000e-01, v22;
	v29 =	vmul.f32 v29, v19  }
0x25d: {  	v35 =	vmul.f32 $5.000000000e-01, v23;
	vm4 =	vgt.f32 v28, $1.200000050e+00;
	v28 =	vmul.f32 $5.000000000e-01, v25  }
0x25e: {  	vm5 =	vgt.f32 v33, $1.200000050e+00;
	v33 =	vmul.f32 $5.000000000e-01, v27;
	v29 =	vsub.f32 $1.500000000e+00, v29  }
0x25f: {  	v20 =	vsel vm1, v34, v20;
	v24 =	vsel vm0, v32, v24;
	vm0 =	vgt.f32 v30, $1.200000050e+00  }
0x260: {  	v21 =	vsel vm2, v31, v21;
	v22 =	vsel vm3, v26, v22;
	v19 =	vmul.f32 v29, v19  }
0x261: {  	v23 =	vsel vm5, v35, v23;
	v25 =	vsel vm4, v28, v25;
	v26 =	vsel vm0, v33, v27  }
0x262: {  	v27 =	vmul.f32 v24, v11;
	v28 =	vmul.f32 v19, v18  }
0x263: {  	v30 =	vmul.f32 v21, v13;
	v29 =	vmul.f32 v20, v12  }
0x264: {  	v31 =	vmul.f32 v22, v14;
	v28 =	vmul.f32 v28, v19  }
0x265: {  	v32 =	vmul.f32 v25, v15;
	v33 =	vmul.f32 v23, v16  }
0x266: {  	v34 =	vmul.f32 v26, v17;
	v27 =	vmul.f32 v27, v24;
	v28 =	vsub.f32 $1.500000000e+00, v28  }
0x267: {  	v30 =	vmul.f32 v30, v21;
	v29 =	vmul.f32 v29, v20  }
0x268: {  	vm0 =	vgt.f32 v27, $1.200000050e+00;
	v27 =	vmul.f32 v31, v22;
	v19 =	vmul.f32 v28, v19  }
0x269: {  	vm1 =	vgt.f32 v29, $1.200000050e+00;
	v29 =	vmul.f32 v33, v23;
	v28 =	vmul.f32 v32, v25  }
0x26a: {  	vm2 =	vgt.f32 v30, $1.200000050e+00;
	v30 =	vmul.f32 v34, v26;
	v31 =	vmul.f32 v19, v18  }
0x26b: {  	vm3 =	vgt.f32 v27, $1.200000050e+00;
	v33 =	vmul.f32 $5.000000000e-01, v20;
	v32 =	vmul.f32 $5.000000000e-01, v24  }
0x26c: {  	v27 =	vmul.f32 $5.000000000e-01, v21;
	vm4 =	vgt.f32 v28, $1.200000050e+00;
	v28 =	vmul.f32 v31, v19  }
0x26d: {  	v34 =	vmul.f32 $5.000000000e-01, v25;
	vm5 =	vgt.f32 v29, $1.200000050e+00;
	v31 =	vmul.f32 $5.000000000e-01, v22  }
0x26e: {  	v35 =	vmul.f32 $5.000000000e-01, v26;
	v29 =	vmul.f32 $5.000000000e-01, v23;
	v28 =	vsub.f32 $1.500000000e+00, v28  }
0x26f: {  	v20 =	vsel vm1, v33, v20;
	v24 =	vsel vm0, v32, v24;
	vm0 =	vgt.f32 v30, $1.200000050e+00  }
0x270: {  	v21 =	vsel vm2, v27, v21;
	v22 =	vsel vm3, v31, v22;
	v19 =	vmul.f32 v28, v19  }
0x271: {  	v23 =	vsel vm5, v29, v23;
	v25 =	vsel vm4, v34, v25;
	v26 =	vsel vm0, v35, v26  }
0x272: {  	v27 =	vmul.f32 v24, v11;
	v28 =	vmul.f32 v19, v18  }
0x273: {  	v29 =	vmul.f32 v20, v12;
	v30 =	vmul.f32 v21, v13  }
0x274: {  	v31 =	vmul.f32 v22, v14;
	v28 =	vmul.f32 v28, v19  }
0x275: {  	v33 =	vmul.f32 v23, v16;
	v32 =	vmul.f32 v25, v15  }
0x276: {  	v34 =	vmul.f32 v26, v17;
	v27 =	vmul.f32 v27, v24;
	v28 =	vsub.f32 $1.500000000e+00, v28  }
0x277: {  	v29 =	vmul.f32 v29, v20;
	v30 =	vmul.f32 v30, v21  }
0x278: {  	vm0 =	vgt.f32 v27, $1.200000050e+00;
	v27 =	vmul.f32 v31, v22;
	v19 =	vmul.f32 v28, v19  }
0x279: {  	vm1 =	vgt.f32 v29, $1.200000050e+00;
	v29 =	vmul.f32 v33, v23;
	v28 =	vmul.f32 v32, v25  }
0x27a: {  	vm2 =	vgt.f32 v30, $1.200000050e+00;
	v30 =	vmul.f32 v34, v26;
	v31 =	vmul.f32 v19, v18  }
0x27b: {  	v33 =	vmul.f32 $5.000000000e-01, v20;
	vm3 =	vgt.f32 v27, $1.200000050e+00;
	v32 =	vmul.f32 $5.000000000e-01, v24  }
0x27c: {  	v27 =	vmul.f32 $5.000000000e-01, v21;
	vm4 =	vgt.f32 v28, $1.200000050e+00;
	v28 =	vmul.f32 v31, v19  }
0x27d: {  	v34 =	vmul.f32 $5.000000000e-01, v25;
	vm5 =	vgt.f32 v29, $1.200000050e+00;
	v31 =	vmul.f32 $5.000000000e-01, v22  }
0x27e: {  	v35 =	vmul.f32 $5.000000000e-01, v26;
	v29 =	vmul.f32 $5.000000000e-01, v23;
	v28 =	vsub.f32 $1.500000000e+00, v28  }
0x27f: {  	v20 =	vsel vm1, v33, v20;
	v24 =	vsel vm0, v32, v24;
	vm0 =	vgt.f32 v30, $1.200000050e+00  }
0x280: {  	v21 =	vsel vm2, v27, v21;
	v22 =	vsel vm3, v31, v22;
	v19 =	vmul.f32 v28, v19  }
0x281: {  	v23 =	vsel vm5, v29, v23;
	v25 =	vsel vm4, v34, v25;
	v26 =	vsel vm0, v35, v26  }
0x282: {  	v27 =	vmul.f32 v24, v11;
	v28 =	vmul.f32 v19, v18  }
0x283: {  	v29 =	vmul.f32 v20, v12;
	v30 =	vmul.f32 v21, v13  }
0x284: {  	v31 =	vmul.f32 v22, v14;
	v28 =	vmul.f32 v28, v19  }
0x285: {  	v33 =	vmul.f32 v23, v16;
	v32 =	vmul.f32 v25, v15  }
0x286: {  	v34 =	vmul.f32 v26, v17;
	v27 =	vmul.f32 v27, v24;
	v28 =	vsub.f32 $1.500000000e+00, v28  }
0x287: {  	v29 =	vmul.f32 v29, v20;
	v30 =	vmul.f32 v30, v21  }
0x288: {  	vm0 =	vgt.f32 v27, $1.200000050e+00;
	v27 =	vmul.f32 v31, v22;
	v19 =	vmul.f32 v28, v19  }
0x289: {  	vm1 =	vgt.f32 v29, $1.200000050e+00;
	v29 =	vmul.f32 v33, v23;
	v28 =	vmul.f32 v32, v25  }
0x28a: {  	vm2 =	vgt.f32 v30, $1.200000050e+00;
	v30 =	vmul.f32 v34, v26;
	v18 =	vmul.f32 v19, v18  }
0x28b: {  	v31 =	vmul.f32 $5.000000000e-01, v24;
	vm3 =	vgt.f32 v27, $1.200000050e+00;
	v32 =	vmul.f32 $5.000000000e-01, v20  }
0x28c: {  	v27 =	vmul.f32 $5.000000000e-01, v21;
	vm4 =	vgt.f32 v28, $1.200000050e+00;
	v18 =	vmul.f32 v18, v19  }
0x28d: {  	vm5 =	vgt.f32 v29, $1.200000050e+00;
	v33 =	vmul.f32 $5.000000000e-01, v25;
	v28 =	vmul.f32 $5.000000000e-01, v22;
	v29 =	vld [tilespmem:s31+$0x194F0]  }
0x28e: {  	v35 =	vmul.f32 $5.000000000e-01, v26;
	v34 =	vmul.f32 $5.000000000e-01, v23;
	v18 =	vsub.f32 $1.500000000e+00, v18  }
0x28f: {  	v24 =	vsel vm0, v31, v24;
	vm0 =	vgt.f32 v30, $1.200000050e+00;
	v20 =	vsel vm1, v32, v20  }
0x290: {  	v21 =	vsel vm2, v27, v21;
	v22 =	vsel vm3, v28, v22;
	v18 =	vmul.f32 v18, v19  }
0x291: {  	v23 =	vsel vm5, v34, v23;
	v19 =	vsel vm4, v33, v25;
	v25 =	vsel vm0, v35, v26  }
0x292: {  	v26 =	vmul.f32 v24, v11;
	[tilespmem:s31+$0x19770] =	vst v18;
	v18 =	vmul.f32 v18, v29  }
0x293: {  	v27 =	vmul.f32 v20, v12;
	v28 =	vmul.f32 v21, v13;
	[tilespmem:s31+$0x199F0] =	vst v29  }
0x294: {  	v30 =	vmul.f32 v19, v15;
	v29 =	vmul.f32 v22, v14;
	[tilespmem:s31+$0x1C770] =	vst v18  }
0x295: {  	v31 =	vmul.f32 v25, v17;
	v18 =	vmul.f32 v23, v16  }
0x296: {  	v27 =	vmul.f32 v27, v20;
	v26 =	vmul.f32 v26, v24  }
0x297: {  	v28 =	vmul.f32 v28, v21;
	v29 =	vmul.f32 v29, v22  }
0x298: {  	vm0 =	vgt.f32 v26, $1.200000050e+00;
	v26 =	vmul.f32 v30, v19;
	v18 =	vmul.f32 v18, v23  }
0x299: {  	vm1 =	vgt.f32 v27, $1.200000050e+00;
	v27 =	vmul.f32 v31, v25;
	v30 =	vmul.f32 $5.000000000e-01, v24  }
0x29a: {  	vm2 =	vgt.f32 v28, $1.200000050e+00;
	v28 =	vmul.f32 $5.000000000e-01, v21;
	v31 =	vmul.f32 $5.000000000e-01, v20  }
0x29b: {  	v32 =	vmul.f32 $5.000000000e-01, v19;
	vm3 =	vgt.f32 v29, $1.200000050e+00;
	v29 =	vmul.f32 $5.000000000e-01, v22  }
0x29c: {  	v33 =	vmul.f32 $5.000000000e-01, v25;
	vm4 =	vgt.f32 v26, $1.200000050e+00;
	v26 =	vmul.f32 $5.000000000e-01, v23  }
0x29d: {  	vm5 =	vgt.f32 v27, $1.200000050e+00;
	v24 =	vsel vm0, v30, v24;
	vm0 =	vgt.f32 v18, $1.200000050e+00  }
0x29e: {  	v18 =	vsel vm1, v31, v20;
	v20 =	vsel vm2, v28, v21;
	v21 =	vsel vm3, v29, v22  }
0x29f: {  	v19 =	vsel vm4, v32, v19;
	v22 =	vsel vm0, v26, v23;
	v23 =	vsel vm5, v33, v25  }
0x2a0: {  	v25 =	vmul.f32 v24, v11;
	v26 =	vmul.f32 v18, v12  }
0x2a1: {  	v27 =	vmul.f32 v20, v13;
	v28 =	vmul.f32 v21, v14  }
0x2a2: {  	v29 =	vmul.f32 v19, v15;
	v30 =	vmul.f32 v22, v16  }
0x2a3: {  	v31 =	vmul.f32 v23, v17;
	v25 =	vmul.f32 v25, v24  }
0x2a4: {  	v26 =	vmul.f32 v26, v18;
	v27 =	vmul.f32 v27, v20  }
0x2a5: {  	vm0 =	vgt.f32 v25, $1.200000050e+00;
	v25 =	vmul.f32 v28, v21;
	v28 =	vmul.f32 v29, v19  }
0x2a6: {  	vm1 =	vgt.f32 v26, $1.200000050e+00;
	v26 =	vmul.f32 v30, v22;
	v29 =	vmul.f32 v31, v23  }
0x2a7: {  	v30 =	vmul.f32 $5.000000000e-01, v24;
	v31 =	vmul.f32 $5.000000000e-01, v18;
	vm2 =	vgt.f32 v27, $1.200000050e+00  }
0x2a8: {  	v27 =	vmul.f32 $5.000000000e-01, v20;
	vm3 =	vgt.f32 v25, $1.200000050e+00;
	v25 =	vmul.f32 $5.000000000e-01, v21  }
0x2a9: {  	v32 =	vmul.f32 $5.000000000e-01, v22;
	vm4 =	vgt.f32 v28, $1.200000050e+00;
	v28 =	vmul.f32 $5.000000000e-01, v19  }
0x2aa: {  	vm5 =	vgt.f32 v26, $1.200000050e+00;
	vm6 =	vgt.f32 v29, $1.200000050e+00;
	v26 =	vmul.f32 $5.000000000e-01, v23  }
0x2ab: {  	v24 =	vsel vm0, v30, v24;
	v29 =	vsel vm1, v31, v18;
	v20 =	vsel vm2, v27, v20  }
0x2ac: {  	v22 =	vsel vm5, v32, v22;
	v21 =	vsel vm3, v25, v21;
	v19 =	vsel vm4, v28, v19  }
0x2ad: {  	v18 =	vmul.f32 v24, v11;
	v25 =	vmul.f32 v29, v12;
	v23 =	vsel vm6, v26, v23  }
0x2ae: {  	v26 =	vmul.f32 v20, v13;
	v27 =	vmul.f32 v21, v14  }
0x2af: {  	v30 =	vmul.f32 v22, v16;
	v28 =	vmul.f32 v19, v15  }
0x2b0: {  	v18 =	vmul.f32 v18, v24;
	v31 =	vmul.f32 v23, v17  }
0x2b1: {  	v25 =	vmul.f32 v25, v29;
	v26 =	vmul.f32 v26, v20  }
0x2b2: {  	vm0 =	vgt.f32 v18, $1.200000050e+00;
	v18 =	vmul.f32 v27, v21;
	v27 =	vmul.f32 v28, v19  }
0x2b3: {  	v28 =	vmul.f32 v31, v23;
	vm1 =	vgt.f32 v25, $1.200000050e+00;
	v25 =	vmul.f32 v30, v22  }
0x2b4: {  	v31 =	vmul.f32 $5.000000000e-01, v29;
	v30 =	vmul.f32 $5.000000000e-01, v24;
	vm2 =	vgt.f32 v26, $1.200000050e+00  }
0x2b5: {  	v32 =	vmul.f32 $5.000000000e-01, v21;
	v26 =	vmul.f32 $5.000000000e-01, v20;
	vm3 =	vgt.f32 v18, $1.200000050e+00  }
0x2b6: {  	v33 =	vmul.f32 $5.000000000e-01, v22;
	vm4 =	vgt.f32 v27, $1.200000050e+00;
	v27 =	vmul.f32 $5.000000000e-01, v19  }
0x2b7: {  	vm6 =	vgt.f32 v28, $1.200000050e+00;
	vm5 =	vgt.f32 v25, $1.200000050e+00;
	v25 =	vmul.f32 $5.000000000e-01, v23  }
0x2b8: {  	v18 =	vmul.f32 $5.000000000e-01, v11;
	v11 =	vmul.f32 $5.000000000e-01, v12;
	v24 =	vsel vm0, v30, v24  }
0x2b9: {  	v13 =	vmul.f32 $5.000000000e-01, v13;
	v28 =	vsel vm1, v31, v29;
	v12 =	vmul.f32 $5.000000000e-01, v14  }
0x2ba: {  	v15 =	vmul.f32 $5.000000000e-01, v15;
	v14 =	vmul.f32 $5.000000000e-01, v16;
	v20 =	vsel vm2, v26, v20  }
0x2bb: {  	v16 =	vmul.f32 $5.000000000e-01, v17;
	v21 =	vsel vm3, v32, v21;
	v19 =	vsel vm4, v27, v19  }
0x2bc: {  	v17 =	vmul.f32 v24, v18;
	v22 =	vsel vm5, v33, v22;
	v23 =	vsel vm6, v25, v23  }
0x2bd: {  	v26 =	vmul.f32 v20, v13;
	v25 =	vmul.f32 v28, v11  }
0x2be: {  	v27 =	vmul.f32 v21, v12;
	v29 =	vmul.f32 v19, v15  }
0x2bf: {  	v30 =	vmul.f32 v22, v14;
	v31 =	vmul.f32 v23, v16  }
0x2c0: {  	v17 =	vmul.f32 v17, v24;
	v25 =	vmul.f32 v25, v28  }
0x2c1: {  	v26 =	vmul.f32 v26, v20;
	v27 =	vmul.f32 v27, v21  }
0x2c2: {  	v29 =	vmul.f32 v29, v19;
	v30 =	vmul.f32 v30, v22;
	v17 =	vsub.f32 $1.500000000e+00, v17  }
0x2c3: {  	v26 =	vsub.f32 $1.500000000e+00, v26;
	v31 =	vmul.f32 v31, v23;
	v25 =	vsub.f32 $1.500000000e+00, v25  }
0x2c4: {  	v17 =	vmul.f32 v17, v24;
	v24 =	vsub.f32 $1.500000000e+00, v27;
	v27 =	vsub.f32 $1.500000000e+00, v29  }
0x2c5: {  	v29 =	vsub.f32 $1.500000000e+00, v31;
	v25 =	vmul.f32 v25, v28;
	v28 =	vsub.f32 $1.500000000e+00, v30  }
0x2c6: {  	v20 =	vmul.f32 v26, v20;
	v21 =	vmul.f32 v24, v21  }
0x2c7: {  	v19 =	vmul.f32 v27, v19;
	v22 =	vmul.f32 v28, v22  }
0x2c8: {  	v24 =	vmul.f32 v17, v18;
	v23 =	vmul.f32 v29, v23  }
0x2c9: {  	v27 =	vmul.f32 v20, v13;
	v26 =	vmul.f32 v25, v11  }
0x2ca: {  	v28 =	vmul.f32 v21, v12;
	v29 =	vmul.f32 v19, v15  }
0x2cb: {  	v31 =	vmul.f32 v23, v16;
	v30 =	vmul.f32 v22, v14  }
0x2cc: {  	v24 =	vmul.f32 v24, v17;
	v26 =	vmul.f32 v26, v25  }
0x2cd: {  	v27 =	vmul.f32 v27, v20;
	v28 =	vmul.f32 v28, v21  }
0x2ce: {  	v24 =	vsub.f32 $1.500000000e+00, v24;
	v29 =	vmul.f32 v29, v19;
	v30 =	vmul.f32 v30, v22  }
0x2cf: {  	v27 =	vsub.f32 $1.500000000e+00, v27;
	v31 =	vmul.f32 v31, v23;
	v26 =	vsub.f32 $1.500000000e+00, v26  }
0x2d0: {  	v17 =	vmul.f32 v24, v17;
	v24 =	vsub.f32 $1.500000000e+00, v28;
	v28 =	vsub.f32 $1.500000000e+00, v29  }
0x2d1: {  	v29 =	vsub.f32 $1.500000000e+00, v31;
	v25 =	vmul.f32 v26, v25;
	v26 =	vsub.f32 $1.500000000e+00, v30  }
0x2d2: {  	v20 =	vmul.f32 v27, v20;
	v21 =	vmul.f32 v24, v21  }
0x2d3: {  	v19 =	vmul.f32 v28, v19;
	v22 =	vmul.f32 v26, v22  }
0x2d4: {  	v24 =	vmul.f32 v17, v18;
	v23 =	vmul.f32 v29, v23  }
0x2d5: {  	v27 =	vmul.f32 v20, v13;
	v26 =	vmul.f32 v25, v11  }
0x2d6: {  	v28 =	vmul.f32 v21, v12;
	v29 =	vmul.f32 v19, v15  }
0x2d7: {  	v31 =	vmul.f32 v23, v16;
	v30 =	vmul.f32 v22, v14  }
0x2d8: {  	v24 =	vmul.f32 v24, v17;
	v26 =	vmul.f32 v26, v25  }
0x2d9: {  	v27 =	vmul.f32 v27, v20;
	v28 =	vmul.f32 v28, v21  }
0x2da: {  	v24 =	vsub.f32 $1.500000000e+00, v24;
	v29 =	vmul.f32 v29, v19;
	v30 =	vmul.f32 v30, v22  }
0x2db: {  	v27 =	vsub.f32 $1.500000000e+00, v27;
	v31 =	vmul.f32 v31, v23;
	v26 =	vsub.f32 $1.500000000e+00, v26  }
0x2dc: {  	v17 =	vmul.f32 v24, v17;
	v24 =	vsub.f32 $1.500000000e+00, v28;
	v28 =	vsub.f32 $1.500000000e+00, v29  }
0x2dd: {  	v29 =	vsub.f32 $1.500000000e+00, v31;
	v25 =	vmul.f32 v26, v25;
	v26 =	vsub.f32 $1.500000000e+00, v30  }
0x2de: {  	v20 =	vmul.f32 v27, v20;
	v21 =	vmul.f32 v24, v21  }
0x2df: {  	v19 =	vmul.f32 v28, v19;
	v22 =	vmul.f32 v26, v22  }
0x2e0: {  	v24 =	vmul.f32 v17, v18;
	v23 =	vmul.f32 v29, v23  }
0x2e1: {  	v27 =	vmul.f32 v20, v13;
	v26 =	vmul.f32 v25, v11  }
0x2e2: {  	v28 =	vmul.f32 v21, v12;
	v29 =	vmul.f32 v19, v15  }
0x2e3: {  	v31 =	vmul.f32 v23, v16;
	v30 =	vmul.f32 v22, v14  }
0x2e4: {  	v24 =	vmul.f32 v24, v17;
	v26 =	vmul.f32 v26, v25  }
0x2e5: {  	v27 =	vmul.f32 v27, v20;
	v28 =	vmul.f32 v28, v21  }
0x2e6: {  	v24 =	vsub.f32 $1.500000000e+00, v24;
	v29 =	vmul.f32 v29, v19;
	v30 =	vmul.f32 v30, v22  }
0x2e7: {  	v27 =	vsub.f32 $1.500000000e+00, v27;
	v31 =	vmul.f32 v31, v23;
	v26 =	vsub.f32 $1.500000000e+00, v26  }
0x2e8: {  	v17 =	vmul.f32 v24, v17;
	v24 =	vsub.f32 $1.500000000e+00, v28;
	v28 =	vsub.f32 $1.500000000e+00, v29  }
0x2e9: {  	v29 =	vsub.f32 $1.500000000e+00, v31;
	v25 =	vmul.f32 v26, v25;
	v26 =	vsub.f32 $1.500000000e+00, v30  }
0x2ea: {  	v20 =	vmul.f32 v27, v20;
	v21 =	vmul.f32 v24, v21  }
0x2eb: {  	v19 =	vmul.f32 v28, v19;
	v22 =	vmul.f32 v26, v22  }
0x2ec: {  	v24 =	vmul.f32 v17, v18;
	v23 =	vmul.f32 v29, v23  }
0x2ed: {  	v27 =	vmul.f32 v20, v13;
	v26 =	vmul.f32 v25, v11  }
0x2ee: {  	v28 =	vmul.f32 v21, v12;
	v29 =	vmul.f32 v19, v15  }
0x2ef: {  	v31 =	vmul.f32 v23, v16;
	v30 =	vmul.f32 v22, v14  }
0x2f0: {  	v24 =	vmul.f32 v24, v17;
	v26 =	vmul.f32 v26, v25  }
0x2f1: {  	v27 =	vmul.f32 v27, v20;
	v28 =	vmul.f32 v28, v21  }
0x2f2: {  	v24 =	vsub.f32 $1.500000000e+00, v24;
	v29 =	vmul.f32 v29, v19;
	v30 =	vmul.f32 v30, v22  }
0x2f3: {  	v27 =	vsub.f32 $1.500000000e+00, v27;
	v31 =	vmul.f32 v31, v23;
	v26 =	vsub.f32 $1.500000000e+00, v26  }
0x2f4: {  	v17 =	vmul.f32 v24, v17;
	v24 =	vsub.f32 $1.500000000e+00, v28;
	v28 =	vsub.f32 $1.500000000e+00, v29  }
0x2f5: {  	v29 =	vsub.f32 $1.500000000e+00, v31;
	v25 =	vmul.f32 v26, v25;
	v26 =	vsub.f32 $1.500000000e+00, v30  }
0x2f6: {  	v20 =	vmul.f32 v27, v20;
	v21 =	vmul.f32 v24, v21  }
0x2f7: {  	v19 =	vmul.f32 v28, v19;
	v22 =	vmul.f32 v26, v22  }
0x2f8: {  	v24 =	vmul.f32 v17, v18;
	v26 =	vmul.f32 v29, v23  }
0x2f9: {  	v27 =	vmul.f32 v20, v13;
	v23 =	vmul.f32 v25, v11  }
0x2fa: {  	v28 =	vmul.f32 v21, v12;
	v29 =	vmul.f32 v19, v15  }
0x2fb: {  	v30 =	vmul.f32 v22, v14;
	v31 =	vmul.f32 v26, v16  }
0x2fc: {  	v24 =	vmul.f32 v24, v17;
	v23 =	vmul.f32 v23, v25  }
0x2fd: {  	v27 =	vmul.f32 v27, v20;
	v28 =	vmul.f32 v28, v21  }
0x2fe: {  	v24 =	vsub.f32 $1.500000000e+00, v24;
	v29 =	vmul.f32 v29, v19;
	v30 =	vmul.f32 v30, v22  }
0x2ff: {  	v27 =	vsub.f32 $1.500000000e+00, v27;
	v23 =	vsub.f32 $1.500000000e+00, v23;
	v31 =	vmul.f32 v31, v26  }
0x300: {  	v32 =	vmul.f32 v24, v17;
	v17 =	vsub.f32 $1.500000000e+00, v28;
	v28 =	vsub.f32 $1.500000000e+00, v29  }
0x301: {  	v29 =	vmul.f32 v23, v25;
	v30 =	vsub.f32 $1.500000000e+00, v30;
	v31 =	vsub.f32 $1.500000000e+00, v31  }
0x302: {  	v25 =	vmul.f32 v27, v20;
	v24 =	vmul.f32 v17, v21  }
0x303: {  	v23 =	vmul.f32 v28, v19;
	v22 =	vmul.f32 v30, v22  }
0x304: {  	v18 =	vmul.f32 v32, v18;
	v17 =	vmul.f32 v31, v26  }
0x305: {  	v11 =	vmul.f32 v29, v11;
	v13 =	vmul.f32 v25, v13  }
0x306: {  	v12 =	vmul.f32 v24, v12;
	v15 =	vmul.f32 v23, v15  }
0x307: {  	v14 =	vmul.f32 v22, v14;
	v16 =	vmul.f32 v17, v16  }
0x308: {  	v18 =	vmul.f32 v18, v32;
	v11 =	vmul.f32 v11, v29  }
.Ltmp5:
0x309: {  	v13 =	vmul.f32 v13, v25;
	v12 =	vmul.f32 v12, v24;
	(pc) =	sbr.rel @p2 .LBB2_8-.Ltmp5, $4  }
0x30a: {  	v18 =	vsub.f32 $1.500000000e+00, v18;
	v19 =	vmul.f32 v15, v23;
	v20 =	vmul.f32 v14, v22  }
0x30b: {  	v21 =	vsub.f32 $1.500000000e+00, v11;
	v15 =	vsub.f32 $1.500000000e+00, v13;
	v13 =	vmul.f32 v16, v17  }
0x30c: {  	v11 =	vmul.f32 v18, v32;
	v18 =	vsub.f32 $1.500000000e+00, v12;
	v14 =	vsub.f32 $1.500000000e+00, v19  }
0x30d: {  	s1 =	sshra.s32 s0, $0x2;
	s0 =	sadd.s32 $0x200, s0;
	v12 =	vmul.f32 v21, v29;
	v16 =	vsub.f32 $1.500000000e+00, v20;
	v13 =	vsub.f32 $1.500000000e+00, v13  }
0x30e: {  	v19 =	vld [tilespmem:s1+$0x19C70];
	[tilespmem:s31+$0x19700] =	vst v11;
	v21 =	vmul.f32 v15, v25  }
0x30f: {  	v24 =	vmul.f32 v18, v24;
	v15 =	vmul.f32 v14, v23;
	v20 =	vld [tilespmem:s1+$0x19C00];
	[tilespmem:s31+$0x19710] =	vst v12  }
0x310: {  	v5 =	vmul.f32 v11, v5;
	v16 =	vmul.f32 v16, v22;
	v29 =	vld [tilespmem:s1+$0x19C10];
	[tilespmem:s31+$0x19720] =	vst v21  }
0x311: {  	v17 =	vmul.f32 v13, v17;
	v4 =	vmul.f32 v12, v4;
	v30 =	vld [tilespmem:s1+$0x19C20]  }
0x312: {  	v11 =	vmul.f32 v24, v7;
	v12 =	vmul.f32 v15, v8;
	[tilespmem:s31+$0x19730] =	vst v24  }
0x313: {  	v13 =	vmul.f32 v16, v9;
	v32 =	vld [tilespmem:s1+$0x19C30];
	[tilespmem:s31+$0x1C700] =	vst v5;
	v5 =	vmul.f32 v21, v6;
	v18 =	vmax.f32 v19, $1.000000000e+00  }
0x314: {  	v14 =	vmul.f32 v17, v10;
	v34 =	vld [tilespmem:s1+$0x19C40];
	[tilespmem:s31+$0x1C710] =	vst v4;
	vm0 =	vgt.f32 v18, $1.200000050e+00;
	v4 =	vmax.f32 v20, $1.000000000e+00  }
0x315: {  	v37 =	vld [tilespmem:s1+$0x19C50];
	[tilespmem:s31+$0x1C720] =	vst v5;
	v31 =	vsel vm0, $0x3F000000, v1;
	vm14 =	vgt.f32 v4, $1.200000050e+00;
	v5 =	vmax.f32 v29, $1.000000000e+00  }
0x316: {  	v33 =	vmul.f32 v31, v18;
	v36 =	vmul.f32 $5.000000000e-01, v31;
	v6 =	vmax.f32 v30, $1.000000000e+00  }
0x317: {  	vm1 =	vgt.f32 v5, $1.200000050e+00;
	v41 =	vsel vm14, $0x3F000000, v1;
	vm15 =	vgt.f32 v6, $1.200000050e+00  }
0x318: {  	v39 =	vld [tilespmem:s1+$0x19C60];
	v7 =	vmax.f32 v32, $1.000000000e+00;
	v44 =	vsel vm1, $0x3F000000, v1;
	v27 =	vmul.f32 v41, v4  }
0x319: {  	v53 =	vmul.f32 $5.000000000e-01, v41;
	v35 =	vmul.f32 v33, v31;
	vm2 =	vgt.f32 v7, $1.200000050e+00  }
0x31a: {  	v8 =	vmax.f32 v34, $1.000000000e+00;
	v46 =	vsel vm15, $0x3F000000, v1;
	v29 =	vmul.f32 v44, v5  }
0x31b: {  	v54 =	vmul.f32 $5.000000000e-01, v44;
	vm3 =	vgt.f32 v8, $1.200000050e+00;
	v9 =	vmax.f32 v37, $1.000000000e+00  }
0x31c: {  	v47 =	vsel vm2, $0x3F000000, v1;
	v27 =	vmul.f32 v27, v41;
	v55 =	vmul.f32 $5.000000000e-01, v46  }
0x31d: {  	vm13 =	vgt.f32 v35, $1.200000050e+00;
	vm5 =	vgt.f32 v9, $1.200000050e+00;
	v10 =	vmax.f32 v39, $1.000000000e+00  }
0x31e: {  	v48 =	vsel vm3, $0x3F000000, v1;
	v32 =	vmul.f32 v47, v7;
	v29 =	vmul.f32 v29, v44  }
0x31f: {  	v35 =	vmul.f32 $5.000000000e-01, v47;
	v38 =	vsel vm13, v36, v31;
	v31 =	vmul.f32 v46, v6  }
0x320: {  	vm7 =	vgt.f32 v10, $1.200000050e+00;
	v49 =	vmul.f32 v48, v8;
	v56 =	vmul.f32 $5.000000000e-01, v48  }
0x321: {  	v26 =	vsel vm5, $0x3F000000, v1;
	v40 =	vmul.f32 v38, v18;
	v43 =	vmul.f32 $5.000000000e-01, v38  }
0x322: {  	v28 =	vsel vm7, $0x3F000000, v1;
	v33 =	vmul.f32 v26, v9;
	v51 =	vmul.f32 v32, v47  }
0x323: {  	vm9 =	vgt.f32 v27, $1.200000050e+00;
	v57 =	vmul.f32 $5.000000000e-01, v26;
	v50 =	vmul.f32 v28, v10  }
0x324: {  	v19 =	vsel vm9, v53, v41;
	v31 =	vmul.f32 v31, v46;
	v58 =	vmul.f32 $5.000000000e-01, v28  }
0x325: {  	vm11 =	vgt.f32 v29, $1.200000050e+00;
	v60 =	vmul.f32 v19, v4;
	v42 =	vmul.f32 v40, v38  }
0x326: {  	v21 =	vsel vm11, v54, v44;
	v33 =	vmul.f32 v33, v26;
	vm13 =	vgt.f32 v51, $1.200000050e+00  }
0x327: {  	v61 =	vmul.f32 v21, v5;
	v27 =	vmul.f32 v60, v19;
	vm4 =	vgt.f32 v42, $1.200000050e+00  }
0x328: {  	v44 =	vmul.f32 $5.000000000e-01, v21;
	v42 =	vmul.f32 $5.000000000e-01, v19;
	v20 =	vsel vm4, v43, v38  }
0x329: {  	v24 =	vsel vm13, v35, v47;
	vm11 =	vgt.f32 v27, $1.200000050e+00;
	v45 =	vmul.f32 v20, v18  }
0x32a: {  	vm12 =	vgt.f32 v31, $1.200000050e+00;
	v47 =	vmul.f32 $5.000000000e-01, v24;
	v19 =	vsel vm11, v42, v19  }
0x32b: {  	v23 =	vsel vm12, v55, v46;
	v54 =	vmul.f32 v19, v4;
	v22 =	vmul.f32 v45, v20  }
0x32c: {  	v62 =	vmul.f32 v23, v6;
	v30 =	vmul.f32 $5.000000000e-01, v20  }
0x32d: {  	v46 =	vmul.f32 $5.000000000e-01, v23;
	v27 =	vmul.f32 v54, v19;
	vm8 =	vgt.f32 v22, $1.200000050e+00  }
0x32e: {  	v22 =	vmul.f32 v49, v48;
	v20 =	vsel vm8, v30, v20;
	v30 =	vmul.f32 v50, v28  }
0x32f: {  	vm15 =	vgt.f32 v33, $1.200000050e+00;
	v34 =	vmul.f32 v20, v18;
	v52 =	vmul.f32 $5.000000000e-01, v20  }
0x330: {  	vm14 =	vgt.f32 v22, $1.200000050e+00;
	v22 =	vsel vm15, v57, v26;
	v26 =	vmul.f32 v61, v21  }
0x331: {  	vm9 =	vgt.f32 v30, $1.200000050e+00;
	v38 =	vmul.f32 v22, v9;
	v34 =	vmul.f32 v34, v20  }
0x332: {  	v25 =	vsel vm14, v56, v48;
	v30 =	vmul.f32 v62, v23;
	v50 =	vmul.f32 $5.000000000e-01, v22  }
0x333: {  	v28 =	vsel vm9, v58, v28;
	v37 =	vmul.f32 v25, v8;
	vm10 =	vgt.f32 v34, $1.200000050e+00  }
0x334: {  	vm13 =	vgt.f32 v26, $1.200000050e+00;
	v48 =	vmul.f32 $5.000000000e-01, v25;
	v20 =	vsel vm10, v52, v20  }
0x335: {  	v39 =	vmul.f32 v28, v10;
	v21 =	vsel vm13, v44, v21;
	v32 =	vmul.f32 v20, v18  }
0x336: {  	vm14 =	vgt.f32 v30, $1.200000050e+00;
	v40 =	vmul.f32 v37, v25;
	v55 =	vmul.f32 v21, v5  }
0x337: {  	v23 =	vsel vm14, v46, v23;
	v37 =	vmul.f32 $5.000000000e-01, v21;
	v32 =	vmul.f32 v32, v20  }
0x338: {  	v56 =	vmul.f32 v23, v6;
	v36 =	vmul.f32 $5.000000000e-01, v20  }
0x339: {  	v43 =	vmul.f32 v39, v28;
	v52 =	vmul.f32 $5.000000000e-01, v28;
	vm6 =	vgt.f32 v32, $1.200000050e+00  }
0x33a: {  	vm9 =	vgt.f32 v40, $1.200000050e+00;
	v30 =	vmul.f32 v56, v23;
	v20 =	vsel vm6, v36, v20  }
0x33b: {  	v25 =	vsel vm9, v48, v25;
	v36 =	vmul.f32 v24, v7;
	v59 =	vmul.f32 v20, v18  }
0x33c: {  	v40 =	vmul.f32 $5.000000000e-01, v25;
	v63 =	vmul.f32 $5.000000000e-01, v20  }
0x33d: {  	v32 =	vmul.f32 v36, v24;
	v29 =	vmul.f32 v59, v20  }
0x33e: {  	vm14 =	vgt.f32 v27, $1.200000050e+00;
	v36 =	vmul.f32 $5.000000000e-01, v19;
	v59 =	vmul.f32 v25, v8  }
0x33f: {  	vm15 =	vgt.f32 v32, $1.200000050e+00;
	vm10 =	vgt.f32 v29, $1.200000050e+00;
	v29 =	vmul.f32 v38, v22  }
0x340: {  	v19 =	vsel vm14, v36, v19;
	v62 =	vmul.f32 v59, v25;
	v38 =	vmul.f32 $5.000000000e-01, v23  }
0x341: {  	v24 =	vsel vm15, v47, v24;
	v44 =	vmul.f32 v19, v4;
	v54 =	vmul.f32 $5.000000000e-01, v19  }
0x342: {  	v20 =	vsel vm10, v63, v20;
	v57 =	vmul.f32 v24, v7;
	v39 =	vmul.f32 $5.000000000e-01, v24  }
0x343: {  	vm8 =	vgt.f32 v30, $1.200000050e+00;
	v31 =	vmul.f32 v20, v18;
	v41 =	vmul.f32 $5.000000000e-01, v20  }
0x344: {  	vm10 =	vgt.f32 v29, $1.200000050e+00;
	v29 =	vmul.f32 v55, v21;
	v23 =	vsel vm8, v38, v23  }
0x345: {  	v47 =	vmul.f32 v44, v19;
	v22 =	vsel vm10, v50, v22;
	vm10 =	vgt.f32 v62, $1.200000050e+00  }
0x346: {  	v30 =	vmul.f32 v23, v6;
	v31 =	vmul.f32 v31, v20;
	vm15 =	vgt.f32 v29, $1.200000050e+00  }
0x347: {  	v56 =	vmul.f32 $5.000000000e-01, v23;
	v60 =	vmul.f32 v22, v9;
	v21 =	vsel vm15, v37, v21  }
0x348: {  	v30 =	vmul.f32 v30, v23;
	vm12 =	vgt.f32 v31, $1.200000050e+00;
	v31 =	vmul.f32 v57, v24  }
0x349: {  	v25 =	vsel vm10, v40, v25;
	v29 =	vmul.f32 v21, v5;
	v55 =	vmul.f32 $5.000000000e-01, v21  }
0x34a: {  	v20 =	vsel vm12, v41, v20;
	vm12 =	vgt.f32 v43, $1.200000050e+00;
	v41 =	vmul.f32 $5.000000000e-01, v22  }
0x34b: {  	vm15 =	vgt.f32 v30, $1.200000050e+00;
	v45 =	vmul.f32 v20, v18;
	v51 =	vmul.f32 $5.000000000e-01, v20  }
0x34c: {  	v28 =	vsel vm12, v52, v28;
	vm9 =	vgt.f32 v31, $1.200000050e+00;
	v29 =	vmul.f32 v29, v21  }
0x34d: {  	v23 =	vsel vm15, v56, v23;
	v61 =	vmul.f32 v28, v10;
	v43 =	vmul.f32 $5.000000000e-01, v28  }
0x34e: {  	v24 =	vsel vm9, v39, v24;
	v37 =	vmul.f32 v23, v6;
	v49 =	vmul.f32 v45, v20  }
0x34f: {  	v31 =	vmul.f32 v24, v7;
	v45 =	vmul.f32 v25, v8  }
0x350: {  	vm14 =	vgt.f32 v29, $1.200000050e+00;
	v57 =	vmul.f32 $5.000000000e-01, v24;
	v63 =	vmul.f32 v61, v28  }
0x351: {  	v21 =	vsel vm14, v55, v21;
	vm11 =	vgt.f32 v49, $1.200000050e+00;
	v50 =	vmul.f32 v31, v24  }
0x352: {  	v36 =	vmul.f32 v21, v5;
	v20 =	vsel vm11, v51, v20;
	v51 =	vmul.f32 v45, v25  }
0x353: {  	vm12 =	vgt.f32 v63, $1.200000050e+00;
	v53 =	vmul.f32 v20, v18;
	v58 =	vmul.f32 $5.000000000e-01, v20  }
0x354: {  	v18 =	vmul.f32 $5.000000000e-01, v18;
	v28 =	vsel vm12, v43, v28;
	v43 =	vmul.f32 v37, v23  }
0x355: {  	vm8 =	vgt.f32 v50, $1.200000050e+00;
	v50 =	vmul.f32 $5.000000000e-01, v21;
	v26 =	vmul.f32 v53, v20  }
0x356: {  	v48 =	vmul.f32 v28, v10;
	vm9 =	vgt.f32 v51, $1.200000050e+00;
	v24 =	vsel vm8, v57, v24  }
0x357: {  	v51 =	vmul.f32 $5.000000000e-01, v23;
	v38 =	vmul.f32 v24, v7;
	vm13 =	vgt.f32 v26, $1.200000050e+00  }
0x358: {  	vm14 =	vgt.f32 v43, $1.200000050e+00;
	v26 =	vmul.f32 v60, v22;
	v20 =	vsel vm13, v58, v20  }
0x359: {  	v27 =	vmul.f32 v48, v28;
	v23 =	vsel vm14, v51, v23;
	v32 =	vmul.f32 v20, v18  }
0x35a: {  	v60 =	vmul.f32 $5.000000000e-01, v28;
	v44 =	vmul.f32 v38, v24;
	vm11 =	vgt.f32 v26, $1.200000050e+00  }
0x35b: {  	v43 =	vmul.f32 $5.000000000e-01, v23;
	v22 =	vsel vm11, v41, v22;
	v32 =	vmul.f32 v32, v20  }
0x35c: {  	vm13 =	vgt.f32 v47, $1.200000050e+00;
	v58 =	vmul.f32 $5.000000000e-01, v25;
	v46 =	vmul.f32 v22, v9  }
0x35d: {  	v19 =	vsel vm13, v54, v19;
	vm11 =	vgt.f32 v27, $1.200000050e+00;
	v32 =	vsub.f32 $1.500000000e+00, v32  }
0x35e: {  	v25 =	vsel vm9, v58, v25;
	v62 =	vmul.f32 v19, v4;
	v53 =	vmul.f32 v46, v22  }
0x35f: {  	v59 =	vmul.f32 $5.000000000e-01, v22;
	v28 =	vsel vm11, v60, v28;
	v20 =	vmul.f32 v32, v20  }
0x360: {  	v39 =	vmul.f32 v25, v8;
	v41 =	vmul.f32 v28, v10;
	vm10 =	vgt.f32 v53, $1.200000050e+00  }
0x361: {  	v55 =	vmul.f32 $5.000000000e-01, v28;
	v22 =	vsel vm10, v59, v22;
	v42 =	vmul.f32 v20, v18  }
0x362: {  	v48 =	vmul.f32 v41, v28;
	v40 =	vmul.f32 v22, v9  }
0x363: {  	v46 =	vmul.f32 v39, v25;
	v26 =	vmul.f32 v42, v20  }
0x364: {  	v53 =	vmul.f32 $5.000000000e-01, v25;
	vm10 =	vgt.f32 v48, $1.200000050e+00;
	v47 =	vmul.f32 v40, v22  }
0x365: {  	v54 =	vmul.f32 $5.000000000e-01, v22;
	v42 =	vmul.f32 v36, v21;
	v26 =	vsub.f32 $1.500000000e+00, v26  }
0x366: {  	v59 =	vmul.f32 v23, v6;
	v28 =	vsel vm10, v55, v28;
	vm9 =	vgt.f32 v47, $1.200000050e+00  }
0x367: {  	vm13 =	vgt.f32 v42, $1.200000050e+00;
	v22 =	vsel vm9, v54, v22;
	v20 =	vmul.f32 v26, v20  }
0x368: {  	v21 =	vsel vm13, v50, v21;
	v26 =	vmul.f32 v62, v19;
	v62 =	vmul.f32 v22, v9  }
0x369: {  	vm15 =	vgt.f32 v44, $1.200000050e+00;
	v47 =	vmul.f32 $5.000000000e-01, v28;
	v58 =	vmul.f32 v21, v5  }
0x36a: {  	vm8 =	vgt.f32 v46, $1.200000050e+00;
	v49 =	vmul.f32 v20, v18;
	v38 =	vmul.f32 v62, v22  }
0x36b: {  	v25 =	vsel vm8, v53, v25;
	v41 =	vmul.f32 $5.000000000e-01, v21;
	v46 =	vmul.f32 $5.000000000e-01, v22  }
0x36c: {  	v52 =	vmul.f32 v49, v20;
	v49 =	vmul.f32 $5.000000000e-01, v19;
	vm8 =	vgt.f32 v38, $1.200000050e+00  }
0x36d: {  	vm12 =	vgt.f32 v26, $1.200000050e+00;
	v29 =	vmul.f32 v58, v21;
	v22 =	vsel vm8, v46, v22  }
0x36e: {  	v31 =	vsub.f32 $1.500000000e+00, v52;
	v52 =	vmul.f32 $5.000000000e-01, v24;
	v19 =	vsel vm12, v49, v19  }
0x36f: {  	vm12 =	vgt.f32 v29, $1.200000050e+00;
	v53 =	vmul.f32 v22, v9;
	v62 =	vmul.f32 $5.000000000e-01, v22  }
0x370: {  	v57 =	vmul.f32 v19, v4;
	v20 =	vmul.f32 v31, v20;
	v24 =	vsel vm15, v52, v24  }
0x371: {  	v40 =	vmul.f32 $5.000000000e-01, v19;
	v21 =	vsel vm12, v41, v21;
	v60 =	vmul.f32 v24, v7  }
0x372: {  	v49 =	vmul.f32 v21, v5;
	v61 =	vmul.f32 v20, v18  }
0x373: {  	v55 =	vmul.f32 v53, v22;
	v36 =	vmul.f32 v60, v24  }
0x374: {  	v44 =	vmul.f32 $5.000000000e-01, v24;
	v63 =	vmul.f32 v61, v20  }
0x375: {  	v58 =	vmul.f32 $5.000000000e-01, v21;
	v61 =	vmul.f32 v25, v8;
	vm14 =	vgt.f32 v36, $1.200000050e+00  }
0x376: {  	v27 =	vsub.f32 $1.500000000e+00, v63;
	v63 =	vmul.f32 v28, v10;
	v24 =	vsel vm14, v44, v24  }
0x377: {  	v37 =	vmul.f32 v61, v25;
	v51 =	vmul.f32 v24, v7  }
0x378: {  	v20 =	vmul.f32 v27, v20;
	v27 =	vmul.f32 v57, v19  }
0x379: {  	v60 =	vmul.f32 $5.000000000e-01, v24;
	v39 =	vmul.f32 v63, v28  }
0x37a: {  	vm15 =	vgt.f32 v37, $1.200000050e+00;
	v45 =	vmul.f32 v20, v18;
	vm11 =	vgt.f32 v27, $1.200000050e+00  }
0x37b: {  	vm9 =	vgt.f32 v39, $1.200000050e+00;
	v27 =	vmul.f32 v49, v21;
	v31 =	vsel vm11, v40, v19  }
0x37c: {  	v28 =	vsel vm9, v47, v28;
	v30 =	vmul.f32 v45, v20;
	v45 =	vmul.f32 $5.000000000e-01, v25  }
0x37d: {  	v48 =	vmul.f32 v31, v4;
	v54 =	vmul.f32 v28, v10;
	vm11 =	vgt.f32 v27, $1.200000050e+00  }
0x37e: {  	v63 =	vmul.f32 $5.000000000e-01, v28;
	v21 =	vsel vm11, v58, v21;
	v30 =	vsub.f32 $1.500000000e+00, v30  }
0x37f: {  	v25 =	vsel vm15, v45, v25;
	v57 =	vmul.f32 v54, v28;
	v40 =	vmul.f32 v21, v5  }
0x380: {  	vm15 =	vgt.f32 v55, $1.200000050e+00;
	v52 =	vmul.f32 v25, v8;
	v61 =	vmul.f32 $5.000000000e-01, v25  }
0x381: {  	v22 =	vsel vm15, v62, v22;
	v20 =	vmul.f32 v30, v20;
	v30 =	vmul.f32 v59, v23  }
0x382: {  	vm8 =	vgt.f32 v57, $1.200000050e+00;
	v27 =	vmul.f32 v40, v21;
	v32 =	vmul.f32 v52, v25  }
0x383: {  	v28 =	vsel vm8, v63, v28;
	v52 =	vmul.f32 $5.000000000e-01, v22;
	v56 =	vmul.f32 v20, v18  }
0x384: {  	vm13 =	vgt.f32 v30, $1.200000050e+00;
	v30 =	vmul.f32 v51, v24;
	v53 =	vmul.f32 $5.000000000e-01, v28  }
0x385: {  	v23 =	vsel vm13, v43, v23;
	v43 =	vmul.f32 v28, v10;
	v26 =	vmul.f32 v56, v20  }
0x386: {  	vm14 =	vgt.f32 v32, $1.200000050e+00;
	v50 =	vmul.f32 v23, v6;
	v56 =	vmul.f32 $5.000000000e-01, v31  }
0x387: {  	v59 =	vmul.f32 $5.000000000e-01, v23;
	vm13 =	vgt.f32 v30, $1.200000050e+00;
	v25 =	vsel vm14, v61, v25  }
0x388: {  	v24 =	vsel vm13, v60, v24;
	v41 =	vmul.f32 v25, v8;
	v46 =	vmul.f32 v43, v28  }
0x389: {  	v51 =	vmul.f32 $5.000000000e-01, v25;
	v26 =	vsub.f32 $1.500000000e+00, v26;
	v29 =	vmul.f32 v50, v23  }
0x38a: {  	[tilespmem:s31+$0x1C730] =	vst v11;
	v30 =	vmul.f32 v24, v7;
	v44 =	vmul.f32 v41, v25  }
0x38b: {  	v11 =	vld [tilespmem:s1+$0x19480];
	[tilespmem:s31+$0x1C740] =	vst v12;
	v50 =	vmul.f32 $5.000000000e-01, v24;
	v20 =	vmul.f32 v26, v20;
	vm12 =	vgt.f32 v29, $1.200000050e+00  }
0x38c: {  	v12 =	vld [tilespmem:s1+$0x19490];
	[tilespmem:s31+$0x1C750] =	vst v13;
	v30 =	vmul.f32 v30, v24;
	v23 =	vsel vm12, v59, v23;
	vm13 =	vgt.f32 v44, $1.200000050e+00  }
0x38d: {  	v13 =	vld [tilespmem:s1+$0x194A0];
	[tilespmem:s31+$0x1C760] =	vst v14;
	v18 =	vmul.f32 v20, v18;
	v29 =	vmul.f32 v23, v6;
	v25 =	vsel vm13, v51, v25  }
0x38e: {  	v14 =	vld [tilespmem:s1+$0x194B0];
	[tilespmem:s31+$0x19740] =	vst v15;
	v49 =	vmul.f32 $5.000000000e-01, v23;
	vm12 =	vgt.f32 v30, $1.200000050e+00;
	v59 =	vmul.f32 v25, v8  }
0x38f: {  	v15 =	vld [tilespmem:s1+$0x194C0];
	[tilespmem:s31+$0x19750] =	vst v16;
	v24 =	vsel vm12, v50, v24;
	v44 =	vmul.f32 $5.000000000e-01, v25;
	v42 =	vmul.f32 v18, v20  }
0x390: {  	v16 =	vld [tilespmem:s1+$0x194D0];
	[tilespmem:s31+$0x19760] =	vst v17;
	v29 =	vmul.f32 v29, v23;
	v30 =	vmul.f32 v24, v7  }
0x391: {  	v18 =	vld [tilespmem:s1+$0x194F0];
	v43 =	vmul.f32 $5.000000000e-01, v24;
	v7 =	vmul.f32 $5.000000000e-01, v7;
	v26 =	vsub.f32 $1.500000000e+00, v42  }
0x392: {  	v42 =	vmul.f32 v22, v9;
	v30 =	vmul.f32 v30, v24  }
0x393: {  	vm11 =	vgt.f32 v29, $1.200000050e+00;
	v20 =	vmul.f32 v26, v20;
	v26 =	vmul.f32 v48, v31  }
0x394: {  	v29 =	vsel vm11, v49, v23;
	v45 =	vmul.f32 v42, v22;
	v48 =	vmul.f32 $5.000000000e-01, v21  }
0x395: {  	vm15 =	vgt.f32 v46, $1.200000050e+00;
	v58 =	vmul.f32 v29, v6;
	v42 =	vmul.f32 $5.000000000e-01, v29  }
0x396: {  	v19 =	vmul.f32 v20, v18;
	vm10 =	vgt.f32 v26, $1.200000050e+00;
	vm14 =	vgt.f32 v45, $1.200000050e+00  }
0x397: {  	v31 =	vsel vm10, v56, v31;
	vm10 =	vgt.f32 v27, $1.200000050e+00;
	v57 =	vsel vm14, v52, v22  }
0x398: {  	v27 =	vsel vm15, v53, v28;
	v22 =	vmul.f32 v58, v29;
	v28 =	vmul.f32 v59, v25  }
0x399: {  	v39 =	vmul.f32 v31, v4;
	v47 =	vmul.f32 $5.000000000e-01, v31  }
0x39a: {  	v60 =	vmul.f32 v57, v9;
	v61 =	vmul.f32 v27, v10  }
0x39b: {  	v54 =	vsel vm10, v48, v21;
	v45 =	vmul.f32 $5.000000000e-01, v57;
	v46 =	vmul.f32 $5.000000000e-01, v27  }
0x39c: {  	vm12 =	vgt.f32 v30, $1.200000050e+00;
	v56 =	vmul.f32 v54, v5;
	v41 =	vmul.f32 $5.000000000e-01, v54  }
0x39d: {  	vm11 =	vgt.f32 v22, $1.200000050e+00;
	v22 =	vmul.f32 $5.000000000e-01, v6;
	v6 =	vmul.f32 $5.000000000e-01, v8  }
0x39e: {  	vm13 =	vgt.f32 v28, $1.200000050e+00;
	v26 =	vmul.f32 v39, v31;
	v62 =	vmul.f32 v60, v57  }
0x39f: {  	v63 =	vmul.f32 v61, v27;
	v29 =	vsel vm11, v42, v29;
	v23 =	vmul.f32 v56, v54  }
0x3a0: {  	v48 =	vsel vm13, v44, v25;
	v52 =	vmul.f32 v29, v22;
	vm9 =	vgt.f32 v26, $1.200000050e+00  }
0x3a1: {  	vm15 =	vgt.f32 v63, $1.200000050e+00;
	v31 =	vsel vm9, v47, v31;
	vm10 =	vgt.f32 v23, $1.200000050e+00  }
0x3a2: {  	v23 =	vmul.f32 $5.000000000e-01, v4;
	v47 =	vsel vm12, v43, v24;
	v26 =	vmul.f32 v52, v29  }
0x3a3: {  	v27 =	vsel vm15, v46, v27;
	v55 =	vmul.f32 v31, v4;
	v40 =	vmul.f32 $5.000000000e-01, v31  }
0x3a4: {  	v32 =	vsel vm10, v41, v54;
	v4 =	vmul.f32 $5.000000000e-01, v10;
	v53 =	vmul.f32 v47, v7  }
0x3a5: {  	v54 =	vmul.f32 v48, v6;
	v26 =	vsub.f32 $1.500000000e+00, v26;
	v21 =	vmul.f32 v55, v31  }
0x3a6: {  	vm14 =	vgt.f32 v62, $1.200000050e+00;
	v56 =	vmul.f32 v27, v4;
	v28 =	vmul.f32 v53, v47  }
0x3a7: {  	v51 =	vsel vm14, v45, v57;
	v30 =	vmul.f32 v54, v48;
	v26 =	vmul.f32 v26, v29  }
0x3a8: {  	vm9 =	vgt.f32 v21, $1.200000050e+00;
	v21 =	vmul.f32 $5.000000000e-01, v5;
	v5 =	vmul.f32 $5.000000000e-01, v9  }
0x3a9: {  	v34 =	vmul.f32 v56, v27;
	v28 =	vsub.f32 $1.500000000e+00, v28;
	v31 =	vsel vm9, v40, v31  }
0x3aa: {  	v30 =	vsub.f32 $1.500000000e+00, v30;
	v61 =	vmul.f32 v26, v22;
	v49 =	vmul.f32 v31, v23  }
0x3ab: {  	v50 =	vmul.f32 v32, v21;
	v55 =	vmul.f32 v51, v5  }
0x3ac: {  	v8 =	vmul.f32 v28, v47;
	v9 =	vmul.f32 v30, v48  }
0x3ad: {  	v58 =	vsub.f32 $1.500000000e+00, v34;
	v30 =	vmul.f32 v61, v26;
	v10 =	vmul.f32 v49, v31  }
0x3ae: {  	v24 =	vmul.f32 v50, v32;
	v33 =	vmul.f32 v55, v51  }
0x3af: {  	v27 =	vmul.f32 v58, v27;
	v62 =	vmul.f32 v8, v7;
	v30 =	vsub.f32 $1.500000000e+00, v30  }
0x3b0: {  	v63 =	vmul.f32 v9, v6;
	v10 =	vsub.f32 $1.500000000e+00, v10;
	v24 =	vsub.f32 $1.500000000e+00, v24  }
0x3b1: {  	v57 =	vsub.f32 $1.500000000e+00, v33;
	v37 =	vmul.f32 v27, v4;
	v26 =	vmul.f32 v30, v26  }
0x3b2: {  	v10 =	vmul.f32 v10, v31;
	v24 =	vmul.f32 v24, v32  }
0x3b3: {  	v25 =	vmul.f32 v57, v51;
	v31 =	vmul.f32 v62, v8  }
0x3b4: {  	v32 =	vmul.f32 v63, v9;
	v34 =	vmul.f32 v37, v27  }
0x3b5: {  	v44 =	vmul.f32 v26, v22;
	v59 =	vmul.f32 v10, v23  }
0x3b6: {  	v60 =	vmul.f32 v24, v21;
	v36 =	vmul.f32 v25, v5;
	v38 =	vsub.f32 $1.500000000e+00, v31  }
0x3b7: {  	v39 =	vsub.f32 $1.500000000e+00, v32;
	v30 =	vmul.f32 v44, v26;
	v28 =	vmul.f32 v59, v10  }
0x3b8: {  	v41 =	vsub.f32 $1.500000000e+00, v34;
	v29 =	vmul.f32 v60, v24;
	v33 =	vmul.f32 v36, v25  }
0x3b9: {  	v8 =	vmul.f32 v38, v8;
	v9 =	vmul.f32 v39, v9  }
0x3ba: {  	v27 =	vmul.f32 v41, v27;
	v30 =	vsub.f32 $1.500000000e+00, v30;
	v28 =	vsub.f32 $1.500000000e+00, v28  }
0x3bb: {  	v29 =	vsub.f32 $1.500000000e+00, v29;
	v45 =	vmul.f32 v8, v7;
	v46 =	vmul.f32 v9, v6  }
0x3bc: {  	v40 =	vsub.f32 $1.500000000e+00, v33;
	v48 =	vmul.f32 v27, v4;
	v26 =	vmul.f32 v30, v26  }
0x3bd: {  	v10 =	vmul.f32 v28, v10;
	v24 =	vmul.f32 v29, v24  }
0x3be: {  	v25 =	vmul.f32 v40, v25;
	v31 =	vmul.f32 v45, v8  }
0x3bf: {  	v32 =	vmul.f32 v46, v9;
	v34 =	vmul.f32 v48, v27  }
0x3c0: {  	v30 =	vmul.f32 v26, v22;
	v42 =	vmul.f32 v10, v23  }
0x3c1: {  	v43 =	vmul.f32 v24, v21;
	v47 =	vmul.f32 v25, v5;
	v49 =	vsub.f32 $1.500000000e+00, v31  }
0x3c2: {  	v50 =	vsub.f32 $1.500000000e+00, v32;
	v30 =	vmul.f32 v30, v26;
	v28 =	vmul.f32 v42, v10  }
0x3c3: {  	v52 =	vsub.f32 $1.500000000e+00, v34;
	v29 =	vmul.f32 v43, v24;
	v33 =	vmul.f32 v47, v25  }
0x3c4: {  	v8 =	vmul.f32 v49, v8;
	v9 =	vmul.f32 v50, v9  }
0x3c5: {  	v27 =	vmul.f32 v52, v27;
	v30 =	vsub.f32 $1.500000000e+00, v30;
	v28 =	vsub.f32 $1.500000000e+00, v28  }
0x3c6: {  	v29 =	vsub.f32 $1.500000000e+00, v29;
	v55 =	vmul.f32 v8, v7;
	v56 =	vmul.f32 v9, v6  }
0x3c7: {  	v51 =	vsub.f32 $1.500000000e+00, v33;
	v58 =	vmul.f32 v27, v4;
	v26 =	vmul.f32 v30, v26  }
0x3c8: {  	v10 =	vmul.f32 v28, v10;
	v24 =	vmul.f32 v29, v24  }
0x3c9: {  	v25 =	vmul.f32 v51, v25;
	v31 =	vmul.f32 v55, v8  }
0x3ca: {  	v32 =	vmul.f32 v56, v9;
	v34 =	vmul.f32 v58, v27  }
0x3cb: {  	v37 =	vmul.f32 v26, v22;
	v53 =	vmul.f32 v10, v23  }
0x3cc: {  	v54 =	vmul.f32 v24, v21;
	v57 =	vmul.f32 v25, v5;
	v59 =	vsub.f32 $1.500000000e+00, v31  }
0x3cd: {  	v60 =	vsub.f32 $1.500000000e+00, v32;
	v30 =	vmul.f32 v37, v26;
	v28 =	vmul.f32 v53, v10  }
0x3ce: {  	v62 =	vsub.f32 $1.500000000e+00, v34;
	v29 =	vmul.f32 v54, v24;
	v33 =	vmul.f32 v57, v25  }
0x3cf: {  	v8 =	vmul.f32 v59, v8;
	v9 =	vmul.f32 v60, v9  }
0x3d0: {  	v27 =	vmul.f32 v62, v27;
	v30 =	vsub.f32 $1.500000000e+00, v30;
	v28 =	vsub.f32 $1.500000000e+00, v28  }
0x3d1: {  	v29 =	vsub.f32 $1.500000000e+00, v29;
	v38 =	vmul.f32 v8, v7;
	v39 =	vmul.f32 v9, v6  }
0x3d2: {  	v61 =	vsub.f32 $1.500000000e+00, v33;
	v41 =	vmul.f32 v27, v4;
	v26 =	vmul.f32 v30, v26  }
0x3d3: {  	v10 =	vmul.f32 v28, v10;
	v24 =	vmul.f32 v29, v24  }
0x3d4: {  	v25 =	vmul.f32 v61, v25;
	v31 =	vmul.f32 v38, v8  }
0x3d5: {  	v32 =	vmul.f32 v39, v9;
	v34 =	vmul.f32 v41, v27  }
0x3d6: {  	v30 =	vmul.f32 v26, v22;
	v63 =	vmul.f32 v10, v23  }
0x3d7: {  	v36 =	vmul.f32 v24, v21;
	v40 =	vmul.f32 v25, v5;
	v42 =	vsub.f32 $1.500000000e+00, v31  }
0x3d8: {  	v43 =	vsub.f32 $1.500000000e+00, v32;
	v30 =	vmul.f32 v30, v26;
	v28 =	vmul.f32 v63, v10  }
0x3d9: {  	v45 =	vsub.f32 $1.500000000e+00, v34;
	v29 =	vmul.f32 v36, v24;
	v33 =	vmul.f32 v40, v25  }
0x3da: {  	v8 =	vmul.f32 v42, v8;
	v9 =	vmul.f32 v43, v9  }
0x3db: {  	v27 =	vmul.f32 v45, v27;
	v30 =	vsub.f32 $1.500000000e+00, v30;
	v28 =	vsub.f32 $1.500000000e+00, v28  }
0x3dc: {  	v29 =	vsub.f32 $1.500000000e+00, v29;
	v48 =	vmul.f32 v8, v7;
	v49 =	vmul.f32 v9, v6  }
0x3dd: {  	v44 =	vsub.f32 $1.500000000e+00, v33;
	v51 =	vmul.f32 v27, v4;
	v26 =	vmul.f32 v30, v26  }
0x3de: {  	v10 =	vmul.f32 v28, v10;
	v24 =	vmul.f32 v29, v24  }
0x3df: {  	v25 =	vmul.f32 v44, v25;
	v31 =	vmul.f32 v48, v8  }
0x3e0: {  	v32 =	vmul.f32 v49, v9;
	v34 =	vmul.f32 v51, v27  }
0x3e1: {  	[tilespmem:s1+$0x19980] =	vst v11;
	v22 =	vmul.f32 v26, v22;
	v46 =	vmul.f32 v10, v23  }
0x3e2: {  	v17 =	vld [tilespmem:s1+$0x194E0];
	[tilespmem:s1+$0x19990] =	vst v12;
	v47 =	vmul.f32 v24, v21;
	v50 =	vmul.f32 v25, v5  }
0x3e3: {  	[tilespmem:s1+$0x199A0] =	vst v13;
	v31 =	vsub.f32 $1.500000000e+00, v31;
	v52 =	vsub.f32 $1.500000000e+00, v32;
	v22 =	vmul.f32 v22, v26  }
0x3e4: {  	[tilespmem:s1+$0x199B0] =	vst v14;
	v54 =	vsub.f32 $1.500000000e+00, v34;
	v28 =	vmul.f32 v46, v10;
	v29 =	vmul.f32 v47, v24  }
0x3e5: {  	[tilespmem:s1+$0x199C0] =	vst v15;
	v8 =	vmul.f32 v31, v8;
	v9 =	vmul.f32 v52, v9  }
0x3e6: {  	[tilespmem:s1+$0x199D0] =	vst v16;
	v33 =	vmul.f32 v50, v25;
	v27 =	vmul.f32 v54, v27;
	v56 =	vsub.f32 $1.500000000e+00, v22  }
0x3e7: {  	[tilespmem:s1+$0x199E0] =	vst v17;
	v28 =	vsub.f32 $1.500000000e+00, v28;
	v7 =	vmul.f32 v8, v7;
	v6 =	vmul.f32 v9, v6  }
0x3e8: {  	[tilespmem:s1+$0x199F0] =	vst v18;
	v29 =	vsub.f32 $1.500000000e+00, v29;
	v4 =	vmul.f32 v27, v4;
	v18 =	vmul.f32 v56, v26  }
0x3e9: {  	v53 =	vsub.f32 $1.500000000e+00, v33;
	v10 =	vmul.f32 v28, v10;
	v7 =	vmul.f32 v7, v8  }
0x3ea: {  	v24 =	vmul.f32 v29, v24;
	v6 =	vmul.f32 v6, v9  }
0x3eb: {  	[tilespmem:s1+$0x19770] =	vst v20;
	v25 =	vmul.f32 v53, v25;
	v4 =	vmul.f32 v4, v27;
	v7 =	vsub.f32 $1.500000000e+00, v7  }
0x3ec: {  	[tilespmem:s1+$0x1C770] =	vst v19;
	v60 =	vmul.f32 v18, v13;
	v23 =	vmul.f32 v10, v23;
	v6 =	vsub.f32 $1.500000000e+00, v6  }
0x3ed: {  	[tilespmem:s1+$0x19720] =	vst v18;
	v21 =	vmul.f32 v24, v21;
	v4 =	vsub.f32 $1.500000000e+00, v4;
	v7 =	vmul.f32 v7, v8  }
0x3ee: {  	v5 =	vmul.f32 v25, v5;
	[tilespmem:s1+$0x1C720] =	vst v60;
	v6 =	vmul.f32 v6, v9  }
0x3ef: {  	v23 =	vmul.f32 v23, v10;
	v4 =	vmul.f32 v4, v27;
	[tilespmem:s1+$0x19730] =	vst v7  }
0x3f0: {  	v21 =	vmul.f32 v21, v24;
	v7 =	vmul.f32 v7, v14;
	[tilespmem:s1+$0x19740] =	vst v6  }
0x3f1: {  	v5 =	vmul.f32 v5, v25;
	v23 =	vsub.f32 $1.500000000e+00, v23;
	v61 =	vmul.f32 v6, v15;
	[tilespmem:s1+$0x19760] =	vst v4  }
0x3f2: {  	v55 =	vsub.f32 $1.500000000e+00, v21;
	v63 =	vmul.f32 v4, v17;
	[tilespmem:s1+$0x1C730] =	vst v7  }
0x3f3: {  	v5 =	vsub.f32 $1.500000000e+00, v5;
	v10 =	vmul.f32 v23, v10;
	[tilespmem:s1+$0x1C740] =	vst v61  }
0x3f4: {  	v57 =	vmul.f32 v55, v24;
	[tilespmem:s1+$0x1C760] =	vst v63  }
0x3f5: {  	v5 =	vmul.f32 v5, v25;
	[tilespmem:s1+$0x19700] =	vst v10  }
0x3f6: {  	[tilespmem:s1+$0x19710] =	vst v57;
	v58 =	vmul.f32 v10, v11  }
0x3f7: {  	v59 =	vmul.f32 v57, v12;
	[tilespmem:s1+$0x19750] =	vst v5  }
0x3f8: {  	v62 =	vmul.f32 v5, v16;
	[tilespmem:s1+$0x1C700] =	vst v58  }
0x3f9: {  	[tilespmem:s1+$0x1C710] =	vst v59  }
0x3fa: {  	[tilespmem:s1+$0x1C750] =	vst v62  }
0x3fb: {  	[spmem:s13] =	stream.linear.scatter [tilespmem:s26], [sflag:$0x3], $0x280, $0x38;
	[tilespmem:$0x1CB00] =	vst v63  }
0x3fc: {  	_ =	swait.ge [sflag:s20], $0x280  }
0x3fd: {  	[sflag:s20] =	ssyncset.done $0x0  }
0x3fe: {  	[sflag:s20] =	ssyncadd.s32 $0xFFFFFD80  }
0x3ff: {  	s0 =	simm.s32 $0x0;
	[bflag:$0x0] =	sbarrier.arrive $0xFFFF  }
.LBB2_10:
0x400: {  	[tilespmem:s28], [sflag:$0x1] =	stream.linear.gather [spmem:s2], $0x2800, $0x38;
	[tilespmem:$0x1CB00] =	vst v63  }
0x401: {  	_ = 	snop  }
0x402: {  	[spmem:s12] =	stream.linear.scatter [tilespmem:s22], [sflag:$0x3], $0x280, $0x38;
	[tilespmem:$0x1CB00] =	vst v63  }
0x403: {  	_ =	swait.ge [sflag:s20], $0x280  }
0x404: {  	[sflag:s20] =	ssyncset.done $0x0  }
0x405: {  	[sflag:s20] =	ssyncadd.s32 $0xFFFFFD80  }
0x406: {  	_ =	swait.ge [sflag:s29], $0x2800  }
0x407: {  	[sflag:s29] =	ssyncset.done $0x0  }
0x408: {  	[sflag:s29] =	ssyncadd.s32 $0xFFFFD800  }
0x409: {  	s1 =	simm.s32 $0x0;
	[bflag:$0x0] =	sbarrier.arrive $0xFFFF  }
0x40a: {  	s14 =	simm.s32 $0x200;
	v4 =	vld [tilespmem:s1+$0xA300]  }
.LBB2_11:
0x40b: {  	p2 =	sne.s32 s14, $0x13800;
	_ =	sdelay $0x5  }
0x40c: {  	v5 =	vld [tilespmem:s1+$0xA310]  }
0x40d: {  	v4 =	vld.idx.msk [tilespmem:v4+s28+$0x0], $0xffff;
	_ =	sdelay $0x5  }
0x40e: {  	[tilespmem:s1+$0x14180] =	vst v4;
	v4 =	vld [tilespmem:s1+$0xA320]  }
0x40f: {  	v5 =	vld.idx.msk [tilespmem:v5+s28+$0x0], $0xffff;
	_ =	sdelay $0x5  }
0x410: {  	[tilespmem:s1+$0x14190] =	vst v5;
	v5 =	vld [tilespmem:s1+$0xA330]  }
0x411: {  	v4 =	vld.idx.msk [tilespmem:v4+s28+$0x0], $0xffff;
	_ =	sdelay $0x5  }
0x412: {  	[tilespmem:s1+$0x141A0] =	vst v4;
	v4 =	vld [tilespmem:s1+$0xA340]  }
0x413: {  	v5 =	vld.idx.msk [tilespmem:v5+s28+$0x0], $0xffff;
	_ =	sdelay $0x5  }
0x414: {  	[tilespmem:s1+$0x141B0] =	vst v5;
	v5 =	vld [tilespmem:s1+$0xA350]  }
0x415: {  	v4 =	vld.idx.msk [tilespmem:v4+s28+$0x0], $0xffff;
	_ =	sdelay $0x5  }
0x416: {  	[tilespmem:s1+$0x141C0] =	vst v4;
	v4 =	vld [tilespmem:s1+$0xA360]  }
0x417: {  	v5 =	vld.idx.msk [tilespmem:v5+s28+$0x0], $0xffff;
	_ =	sdelay $0x5  }
0x418: {  	[tilespmem:s1+$0x141D0] =	vst v5;
	v5 =	vld [tilespmem:s1+$0xA370]  }
0x419: {  	v4 =	vld.idx.msk [tilespmem:v4+s28+$0x0], $0xffff;
	_ =	sdelay $0x5  }
0x41a: {  	[tilespmem:s1+$0x141E0] =	vst v4  }
0x41b: {  	v4 =	vld.idx.msk [tilespmem:v5+s28+$0x0], $0xffff;
	_ =	sdelay $0x2  }
.Ltmp6:
0x41c: {  	(pc) =	sbr.rel @p2 .LBB2_11-.Ltmp6, $4  }
0x41d: {  	_ = 	snop  }
0x41e: {  	s4 =	sshra.s32 s14, $0x2;
	s15 =	sadd.s32 $0x14180, s1;
	s18 =	sadd.s32 $0xF180, s1  }
0x41f: {  	[tilespmem:s1+$0x141F0] =	vst v4;
	[spmem:s3] =	stream.indirect.scatter.add.f32 [tilespmem:s15], [sflag:$0x2], $0x1, s18, s23, $0xb8  }
0x420: {  	s14 =	sadd.s32 $0x200, s14;
	s1 =	smov.u32 s4;
	v4 =	vld [tilespmem:s4+$0xA300]  }
0x421: {  	_ =	sdelay $0x5  }
0x422: {  	v5 =	vld [tilespmem:s1+$0xA310];
	_ =	sdelay $0x1  }
0x423: {  	v4 =	vld.idx.msk [tilespmem:v4+s28+$0x0], $0xffff;
	_ =	sdelay $0x4  }
0x424: {  	[tilespmem:s1+$0x14180] =	vst v4;
	v4 =	vld [tilespmem:s1+$0xA320]  }
0x425: {  	v5 =	vld.idx.msk [tilespmem:v5+s28+$0x0], $0xffff;
	_ =	sdelay $0x4  }
0x426: {  	[tilespmem:s1+$0x14190] =	vst v5;
	v5 =	vld [tilespmem:s1+$0xA330];
	_ =	sdelay $0x1  }
0x427: {  	v4 =	vld.idx.msk [tilespmem:v4+s28+$0x0], $0xffff;
	_ =	sdelay $0x4  }
0x428: {  	[tilespmem:s1+$0x141A0] =	vst v4;
	v4 =	vld [tilespmem:s1+$0xA340]  }
0x429: {  	v5 =	vld.idx.msk [tilespmem:v5+s28+$0x0], $0xffff;
	_ =	sdelay $0x4  }
0x42a: {  	[tilespmem:s1+$0x141B0] =	vst v5;
	v5 =	vld [tilespmem:s1+$0xA350];
	_ =	sdelay $0x1  }
0x42b: {  	v4 =	vld.idx.msk [tilespmem:v4+s28+$0x0], $0xffff;
	_ =	sdelay $0x4  }
0x42c: {  	[tilespmem:s1+$0x141C0] =	vst v4;
	v4 =	vld [tilespmem:s1+$0xA360]  }
0x42d: {  	v5 =	vld.idx.msk [tilespmem:v5+s28+$0x0], $0xffff;
	_ =	sdelay $0x4  }
0x42e: {  	[tilespmem:s1+$0x141D0] =	vst v5;
	v5 =	vld [tilespmem:s1+$0xA370];
	_ =	sdelay $0x1  }
0x42f: {  	v4 =	vld.idx.msk [tilespmem:v4+s28+$0x0], $0xffff;
	_ =	sdelay $0x4  }
0x430: {  	[tilespmem:s1+$0x141E0] =	vst v4  }
0x431: {  	v4 =	vld.idx.msk [tilespmem:v5+s28+$0x0], $0xffff;
	_ =	sdelay $0x4  }
0x432: {  	s4 =	sadd.s32 $0x14180, s1;
	s14 =	sadd.s32 $0xF180, s1;
	[tilespmem:s1+$0x141F0] =	vst v4  }
0x433: {  	[spmem:s3] =	stream.indirect.scatter.add.f32 [tilespmem:s4], [sflag:$0x2], $0x1, s14, s23, $0xb8;
	[tilespmem:$0x1CB00] =	vst v63  }
0x434: {  	_ =	swait.ge [sflag:s21], $0x80  }
0x435: {  	s1 =	simm.s32 $0x9C;
	[sflag:s21] =	ssyncset.done $0x0  }
.LBB2_13:
0x436: {  	p2 =	sne.s32 s1, $0x1;
	s1 =	sadd.s32 $0xFFFFFFFF, s1;
	[sflag:s21] =	ssyncadd.s32 $0xFFFFFF80  }
.Ltmp7:
0x437: {  	(pc) =	sbr.rel @p2 .LBB2_13-.Ltmp7, $3  }
0x438: {  	_ =	sdelay $0x1  }
0x439: {  	_ =	swait.ge [sflag:s21], $0x80  }
0x43a: {  	[sflag:s21] =	ssyncset.done $0x0  }
0x43b: {  	[sflag:s21] =	ssyncadd.s32 $0xFFFFFF80  }
0x43c: {  	[bflag:$0x0] =	sbarrier.arrive $0xFFFF  }
0x43d: {  	[tilespmem:s25], [sflag:$0x3] =	stream.linear.gather [spmem:s12], $0x280, $0x38;
	[tilespmem:$0x1CB00] =	vst v63  }
0x43e: {  	_ =	swait.ge [sflag:s20], $0x280  }
0x43f: {  	[sflag:s20] =	ssyncset.done $0x0  }
0x440: {  	s1 =	simm.s32 $0x0;
	[sflag:s20] =	ssyncadd.s32 $0xFFFFFD80  }
0x441: {  	v8 =	vld [tilespmem:s1+$0x19770]  }
0x442: {  	v6 =	vld [tilespmem:s1+$0x19C70]  }
0x443: {  	v4 =	vld [tilespmem:s1+$0x19700]  }
0x444: {  	v7 =	vld [tilespmem:s1+$0x194F0]  }
0x445: {  	v11 =	vld [tilespmem:s1+$0x19C00]  }
0x446: {  	v5 =	vld [tilespmem:s1+$0x19710]  }
0x447: {  	v12 =	vld [tilespmem:s1+$0x19C10]  }
0x448: {  	v13 =	vld [tilespmem:s1+$0x19C20]  }
0x449: {  	v14 =	vld [tilespmem:s1+$0x19C30]  }
0x44a: {  	v16 =	vld [tilespmem:s1+$0x19C40]  }
0x44b: {  	v18 =	vld [tilespmem:s1+$0x19C50];
	v9 =	vmul.f32 v6, v8  }
0x44c: {  	v19 =	vld [tilespmem:s1+$0x19C60]  }
0x44d: {  	v22 =	vld [tilespmem:s1+$0x19480];
	v10 =	vmul.f32 $1.000000010e-01, v7;
	v9 =	vmul.f32 $8.999999760e-01, v9  }
0x44e: {  	v6 =	vld [tilespmem:s1+$0x19720]  }
0x44f: {  	v7 =	vld [tilespmem:s1+$0x19730];
	v15 =	vadd.f32 v10, v9  }
0x450: {  	v9 =	vld [tilespmem:s1+$0x19740]  }
0x451: {  	v24 =	vld [tilespmem:s1+$0x19490];
	v11 =	vmul.f32 v11, v4;
	v8 =	vmul.f32 v15, v8  }
0x452: {  	v10 =	vld [tilespmem:s1+$0x19750]  }
0x453: {  	v23 =	vmul.f32 $8.999999760e-01, v11;
	v11 =	vmul.f32 v12, v5;
	[tilespmem:s1+$0x1C770] =	vst v8;
	v8 =	vld [tilespmem:s1+$0x19760]  }
0x454: {  	v25 =	vld [tilespmem:s1+$0x194A0];
	v12 =	vmul.f32 v13, v6;
	v13 =	vmul.f32 v14, v7  }
0x455: {  	v17 =	vmul.f32 $8.999999760e-01, v11;
	v11 =	vmul.f32 v16, v9  }
0x456: {  	v21 =	vld [tilespmem:s1+$0x194B0];
	v26 =	vmul.f32 $1.000000010e-01, v22;
	v14 =	vmul.f32 $8.999999760e-01, v13  }
0x457: {  	v20 =	vld [tilespmem:s1+$0x194C0];
	v16 =	vmul.f32 $8.999999760e-01, v12;
	v12 =	vmul.f32 $8.999999760e-01, v11  }
0x458: {  	v11 =	vmul.f32 v18, v10;
	v13 =	vmul.f32 v19, v8;
	v19 =	vld [tilespmem:s1+$0x194D0]  }
0x459: {  	s31 =	simm.s32 $0x80;
	v22 =	vmul.f32 $1.000000010e-01, v24;
	v24 =	vadd.f32 v26, v23;
	v23 =	vmul.f32 $1.000000010e-01, v25;
	[tilespmem:s1+$0x199F0] =	vst v15;
	v18 =	vld [tilespmem:s1+$0x194E0]  }
0x45a: {  	s14 =	simm.s32 $0x400;
	v15 =	vmul.f32 $8.999999760e-01, v11;
	v11 =	vld [tilespmem:s31+$0x19770];
	v13 =	vmul.f32 $8.999999760e-01, v13  }
.LBB2_15:
0x45b: {  	p2 =	sne.s32 s14, $0x800;
	v25 =	vld [tilespmem:s31+$0x19C70];
	v17 =	vadd.f32 v22, v17;
	v21 =	vmul.f32 $1.000000010e-01, v21  }
0x45c: {  	[tilespmem:s1+$0x19980] =	vst v24;
	v22 =	vmul.f32 v24, v4;
	v4 =	vld [tilespmem:s31+$0x19700];
	v16 =	vadd.f32 v23, v16;
	v20 =	vmul.f32 $1.000000010e-01, v20  }
0x45d: {  	v23 =	vld [tilespmem:s31+$0x194F0];
	[tilespmem:s1+$0x19990] =	vst v17;
	v17 =	vmul.f32 v17, v5;
	v14 =	vadd.f32 v21, v14;
	v19 =	vmul.f32 $1.000000010e-01, v19  }
0x45e: {  	v21 =	vld [tilespmem:s31+$0x19C00];
	[tilespmem:s1+$0x1C700] =	vst v22;
	v6 =	vmul.f32 v16, v6;
	v12 =	vadd.f32 v20, v12;
	v18 =	vmul.f32 $1.000000010e-01, v18  }
0x45f: {  	v5 =	vld [tilespmem:s31+$0x19710];
	[tilespmem:s1+$0x1C710] =	vst v17;
	v7 =	vmul.f32 v14, v7;
	v15 =	vadd.f32 v19, v15  }
0x460: {  	v17 =	vld [tilespmem:s31+$0x19C10];
	v19 =	vmul.f32 v25, v11;
	[tilespmem:s1+$0x1C720] =	vst v6;
	v9 =	vmul.f32 v12, v9;
	v13 =	vadd.f32 v18, v13  }
0x461: {  	v6 =	vld [tilespmem:s31+$0x19720];
	[tilespmem:s1+$0x1C730] =	vst v7;
	v10 =	vmul.f32 v15, v10  }
0x462: {  	v18 =	vld [tilespmem:s31+$0x19C20];
	v19 =	vmul.f32 $8.999999760e-01, v19;
	v20 =	vmul.f32 $1.000000010e-01, v23;
	[tilespmem:s1+$0x1C740] =	vst v9  }
0x463: {  	v8 =	vmul.f32 v13, v8;
	v9 =	vmul.f32 v21, v4;
	v7 =	vld [tilespmem:s31+$0x19730];
	[tilespmem:s1+$0x1C750] =	vst v10  }
0x464: {  	v21 =	vld [tilespmem:s31+$0x19C30];
	v19 =	vadd.f32 v20, v19;
	[tilespmem:s1+$0x199A0] =	vst v16  }
0x465: {  	v23 =	vmul.f32 $8.999999760e-01, v9;
	v10 =	vmul.f32 v17, v5;
	v9 =	vld [tilespmem:s31+$0x19740];
	[tilespmem:s1+$0x1C760] =	vst v8  }
0x466: {  	v20 =	vld [tilespmem:s31+$0x19C40];
	v8 =	vmul.f32 v19, v11;
	[tilespmem:s1+$0x199B0] =	vst v14  }
0x467: {  	v17 =	vmul.f32 $8.999999760e-01, v10;
	v11 =	vmul.f32 v18, v6;
	v10 =	vld [tilespmem:s31+$0x19750];
	[tilespmem:s1+$0x199C0] =	vst v12  }
0x468: {  	v18 =	vld [tilespmem:s31+$0x19C50];
	[tilespmem:s31+$0x1C770] =	vst v8  }
0x469: {  	v16 =	vmul.f32 $8.999999760e-01, v11;
	v11 =	vmul.f32 v21, v7;
	v8 =	vld [tilespmem:s31+$0x19760];
	[tilespmem:s1+$0x199D0] =	vst v15  }
0x46a: {  	v22 =	vld [tilespmem:s31+$0x19C60];
	[tilespmem:s1+$0x199E0] =	vst v13;
	s1 =	smov.u32 s31  }
0x46b: {  	v13 =	vld [tilespmem:s1+$0x19480];
	v14 =	vmul.f32 $8.999999760e-01, v11;
	v11 =	vmul.f32 v20, v9;
	[tilespmem:s1+$0x199F0] =	vst v19  }
0x46c: {  	v24 =	vld [tilespmem:s1+$0x19490]  }
0x46d: {  	v25 =	vld [tilespmem:s1+$0x194A0];
	v12 =	vmul.f32 $8.999999760e-01, v11;
	v11 =	vmul.f32 v18, v10  }
.Ltmp8:
0x46e: {  	v21 =	vld [tilespmem:s1+$0x194B0];
	(pc) =	sbr.rel @p2 .LBB2_15-.Ltmp8, $4  }
0x46f: {  	v20 =	vld [tilespmem:s1+$0x194C0];
	v15 =	vmul.f32 $8.999999760e-01, v11;
	v11 =	vmul.f32 v22, v8  }
0x470: {  	v26 =	vmul.f32 $1.000000010e-01, v13;
	v19 =	vld [tilespmem:s1+$0x194D0]  }
0x471: {  	s31 =	sshra.s32 s14, $0x2;
	v22 =	vmul.f32 $1.000000010e-01, v24;
	v13 =	vmul.f32 $8.999999760e-01, v11;
	v18 =	vld [tilespmem:s1+$0x194E0]  }
0x472: {  	s14 =	sadd.s32 $0x200, s14;
	v11 =	vld [tilespmem:s31+$0x19770];
	v24 =	vadd.f32 v26, v23;
	v23 =	vmul.f32 $1.000000010e-01, v25  }
0x473: {  	v25 =	vld [tilespmem:s31+$0x19C70];
	v17 =	vadd.f32 v22, v17;
	v21 =	vmul.f32 $1.000000010e-01, v21  }
0x474: {  	v26 =	vld [tilespmem:s31+$0x19700];
	[tilespmem:s1+$0x19980] =	vst v24;
	v4 =	vmul.f32 v24, v4;
	v16 =	vadd.f32 v23, v16;
	v43 =	vmul.f32 $1.000000010e-01, v20  }
0x475: {  	v41 =	vld [tilespmem:s31+$0x194F0];
	[tilespmem:s1+$0x19990] =	vst v17;
	v5 =	vmul.f32 v17, v5;
	v14 =	vadd.f32 v21, v14;
	v19 =	vmul.f32 $1.000000010e-01, v19  }
0x476: {  	v42 =	vld [tilespmem:s31+$0x19C00];
	[tilespmem:s1+$0x1C700] =	vst v4;
	v6 =	vmul.f32 v16, v6;
	v12 =	vadd.f32 v43, v12  }
0x477: {  	v44 =	vmul.f32 $1.000000010e-01, v18;
	v4 =	vld [tilespmem:s31+$0x19710];
	[tilespmem:s1+$0x1C710] =	vst v5;
	v7 =	vmul.f32 v14, v7;
	v15 =	vadd.f32 v19, v15  }
0x478: {  	v5 =	vld [tilespmem:s31+$0x19C10];
	[tilespmem:s1+$0x1C720] =	vst v6;
	v9 =	vmul.f32 v12, v9;
	v45 =	vmul.f32 v25, v11  }
0x479: {  	v13 =	vadd.f32 v44, v13;
	v6 =	vld [tilespmem:s31+$0x19720];
	[tilespmem:s1+$0x1C730] =	vst v7;
	v10 =	vmul.f32 v15, v10  }
0x47a: {  	v7 =	vld [tilespmem:s31+$0x19C20];
	[tilespmem:s1+$0x1C740] =	vst v9;
	v17 =	vmul.f32 $8.999999760e-01, v45;
	v46 =	vmul.f32 $1.000000010e-01, v41  }
0x47b: {  	v8 =	vmul.f32 v13, v8;
	v9 =	vld [tilespmem:s31+$0x19730];
	[tilespmem:s1+$0x1C750] =	vst v10  }
0x47c: {  	v10 =	vld [tilespmem:s31+$0x19C30];
	[tilespmem:s1+$0x199A0] =	vst v16;
	v17 =	vadd.f32 v46, v17  }
0x47d: {  	v16 =	vld [tilespmem:s31+$0x19740];
	[tilespmem:s1+$0x1C760] =	vst v8  }
0x47e: {  	v8 =	vld [tilespmem:s31+$0x19C40];
	[tilespmem:s1+$0x199B0] =	vst v14;
	v47 =	vmul.f32 v17, v11  }
0x47f: {  	v14 =	vld [tilespmem:s31+$0x19750];
	[tilespmem:s1+$0x199C0] =	vst v12  }
0x480: {  	v12 =	vld [tilespmem:s31+$0x19C50];
	[tilespmem:s31+$0x1C770] =	vst v47  }
0x481: {  	v48 =	vld [tilespmem:s31+$0x19760];
	[tilespmem:s1+$0x199D0] =	vst v15  }
0x482: {  	v15 =	vld [tilespmem:s31+$0x19C60];
	[tilespmem:s1+$0x199E0] =	vst v13  }
0x483: {  	v13 =	vld [tilespmem:s31+$0x19480]  }
0x484: {  	v49 =	vmul.f32 v42, v26;
	v5 =	vmul.f32 v5, v4;
	v50 =	vld [tilespmem:s31+$0x19490]  }
0x485: {  	v7 =	vmul.f32 v7, v6;
	v51 =	vld [tilespmem:s31+$0x194A0]  }
0x486: {  	v18 =	vmul.f32 $8.999999760e-01, v49;
	v5 =	vmul.f32 $8.999999760e-01, v5;
	v53 =	vld [tilespmem:s31+$0x194C0]  }
0x487: {  	v10 =	vmul.f32 v10, v9;
	v7 =	vmul.f32 $8.999999760e-01, v7;
	v54 =	vld [tilespmem:s31+$0x194D0]  }
0x488: {  	v8 =	vmul.f32 v8, v16;
	v55 =	vld [tilespmem:s31+$0x194E0];
	v13 =	vmul.f32 $1.000000010e-01, v13  }
0x489: {  	[tilespmem:s31+$0x199F0] =	vst v17;
	v12 =	vmul.f32 v12, v14;
	v17 =	vmul.f32 $1.000000010e-01, v50  }
0x48a: {  	v52 =	vld [tilespmem:s31+$0x194B0];
	v8 =	vmul.f32 $8.999999760e-01, v8;
	v56 =	vmul.f32 $1.000000010e-01, v51;
	v13 =	vadd.f32 v13, v18  }
0x48b: {  	v15 =	vmul.f32 v15, v48;
	v58 =	vmul.f32 $1.000000010e-01, v53;
	v5 =	vadd.f32 v17, v5  }
0x48c: {  	v12 =	vmul.f32 $8.999999760e-01, v12;
	v59 =	vmul.f32 $1.000000010e-01, v54;
	v7 =	vadd.f32 v56, v7;
	[tilespmem:s31+$0x19980] =	vst v13  }
0x48d: {  	v60 =	vmul.f32 $1.000000010e-01, v55;
	v15 =	vmul.f32 $8.999999760e-01, v15;
	v8 =	vadd.f32 v58, v8;
	[tilespmem:s31+$0x19990] =	vst v5  }
0x48e: {  	v61 =	vadd.f32 v59, v12;
	[tilespmem:s31+$0x199A0] =	vst v7  }
0x48f: {  	v10 =	vmul.f32 $8.999999760e-01, v10;
	v57 =	vmul.f32 $1.000000010e-01, v52;
	v63 =	vadd.f32 v60, v15;
	[tilespmem:s31+$0x199C0] =	vst v8  }
0x490: {  	v13 =	vmul.f32 v13, v26;
	[tilespmem:s31+$0x199D0] =	vst v61  }
0x491: {  	v4 =	vmul.f32 v5, v4;
	v5 =	vadd.f32 v57, v10;
	[tilespmem:s31+$0x199E0] =	vst v63  }
0x492: {  	v6 =	vmul.f32 v7, v6;
	[tilespmem:s31+$0x1C700] =	vst v13  }
0x493: {  	[tilespmem:s31+$0x1C710] =	vst v4;
	v4 =	vmul.f32 v5, v9  }
0x494: {  	v62 =	vmul.f32 v8, v16;
	[tilespmem:s31+$0x1C720] =	vst v6  }
0x495: {  	[tilespmem:s31+$0x1C730] =	vst v4;
	v4 =	vmul.f32 v61, v14  }
0x496: {  	[tilespmem:s31+$0x1C740] =	vst v62  }
0x497: {  	[tilespmem:s31+$0x1C750] =	vst v4;
	v4 =	vmul.f32 v63, v48  }
0x498: {  	s0 =	sadd.s32 $0x1, s0;
	[tilespmem:s31+$0x199B0] =	vst v5  }
0x499: {  	p2 =	sne.s32 s0, $0xA;
	[tilespmem:s31+$0x1C760] =	vst v4  }
0x49a: {  	[spmem:s13] =	stream.linear.scatter [tilespmem:s26], [sflag:$0x3], $0x280, $0x38;
	[tilespmem:$0x1CB00] =	vst v63  }
.Ltmp9:
0x49b: {  	_ =	swait.ge [sflag:s20], $0x280;
	(pc) =	sbr.rel @p2 .LBB2_10-.Ltmp9, $3  }
0x49c: {  	[sflag:s20] =	ssyncset.done $0x0  }
0x49d: {  	[sflag:s20] =	ssyncadd.s32 $0xFFFFFD80  }
0x49e: {  	[bflag:$0x0] =	sbarrier.arrive $0xFFFF;
	_ =	sdelay $0x1  }
.Ltmp10:
0x49f: {  	(pc) =	sbr.rel @p1 .LBB2_21-.Ltmp10, $1  }
0x4a0: {  	_ =	sdelay $0x3  }
0x4a1: {  	s0 =	simm.s32 $0x0  }
0x4a2: {  	s1 =	simm.s32 $0x40;
	v4 =	vld [tilespmem:s0+$0x19980]  }
.LBB2_19:
0x4a3: {  	p2 =	sne.s32 s1, $0x9C0;
	v5 =	vld [tilespmem:$0x19E80];
	_ =	sdelay $0x4  }
0x4a4: {  	v4 =	vadd.f32 v5, v4;
	_ =	sdelay $0x1  }
0x4a5: {  	v4 =	vsub.f32 $0.0e+00, v4;
	_ =	sdelay $0x1  }
0x4a6: {  	v4 =	vmul.f32 $1.442695020e+00, v4;
	_ =	sdelay $0x1  }
0x4a7: {  	(erf) = vpow2.f32 v4;
	_ =	sdelay $0x8  }
0x4a8: {  	v4 =	vpop (erf)  }
0x4a9: {  	v4 =	vadd.f32 $1.000000000e+00, v4;
	_ =	sdelay $0x1  }
0x4aa: {  	(erf) = vrcp.f32 v4;
	_ =	sdelay $0x5  }
.Ltmp11:
0x4ab: {  	(pc) =	sbr.rel @p2 .LBB2_19-.Ltmp11, $3  }
0x4ac: {  	_ =	sdelay $0x1  }
0x4ad: {  	s4 =	sshra.s32 s1, $0x2;
	v5 =	vpop (erf)  }
0x4ae: {  	s1 =	sadd.s32 $0x40, s1;
	v4 =	vld [tilespmem:s4+$0x19980];
	[tilespmem:s0+$0x19C00] =	vst v5;
	s0 =	smov.u32 s4  }
0x4af: {  	v5 =	vld [tilespmem:$0x19E80];
	_ =	sdelay $0x4  }
0x4b0: {  	v4 =	vadd.f32 v5, v4;
	_ =	sdelay $0x1  }
0x4b1: {  	v4 =	vsub.f32 $0.0e+00, v4;
	_ =	sdelay $0x1  }
0x4b2: {  	v4 =	vmul.f32 $1.442695020e+00, v4;
	_ =	sdelay $0x1  }
0x4b3: {  	(erf) = vpow2.f32 v4;
	_ =	sdelay $0x8  }
0x4b4: {  	v4 =	vpop (erf)  }
0x4b5: {  	v4 =	vadd.f32 $1.000000000e+00, v4;
	_ =	sdelay $0x1  }
0x4b6: {  	(erf) = vrcp.f32 v4;
	_ =	sdelay $0x8  }
0x4b7: {  	v4 =	vpop (erf)  }
0x4b8: {  	s1 =	simm.s32 @p0 $0x19C00;
	s4 =	rddreg [dreg:$0x7];
	[tilespmem:s0+$0x19C00] =	vst v4;
	s0 =	simm.s32 @p0 $0x0  }
0x4b9: {  	[hbm4b:s4+s0] =	stream.linear.scatter @p0 [tilespmem:s1], [sflag:$0x3], $0x190, $0x38;
	[tilespmem:$0x1CB00] =	vst v63  }
0x4ba: {  	s0 =	simm.s32 @p0 $0x3  }
0x4bb: {  	_ =	swait.ge @p0 [sflag:s0], $0x190  }
0x4bc: {  	s1 =	simm.s32 @!p0 $0x19C00;
	[sflag:s0] =	ssyncset.done @p0 $0x0  }
0x4bd: {  	s4 =	rddreg [dreg:$0x6];
	[sflag:s0] =	ssyncadd.s32 @p0 $0xFFFFFE70;
	s0 =	simm.s32 @!p0 $0x0  }
0x4be: {  	[hbm4b:s4+s0] =	stream.linear.scatter @!p0 [tilespmem:s1], [sflag:$0x3], $0x280, $0x38;
	[tilespmem:$0x1CB00] =	vst v63  }
.Ltmp12:
0x4bf: {  	_ = 	snop;
	(pc) =	sbr.rel .LBB2_21-.Ltmp12, $4  }
0x4c0: {  	s0 =	simm.s32 @!p0 $0x3  }
0x4c1: {  	_ =	swait.ge @!p0 [sflag:s0], $0x280  }
0x4c2: {  	[sflag:s0] =	ssyncset.done @!p0 $0x0  }
0x4c3: {  	[sflag:s0] =	ssyncadd.s32 @!p0 $0xFFFFFD80  }
.LBB2_22:
0x4c4: {  	_ =	sfence.sel $0x180000  }
0x4c5: {  	[bflag:$0x0] =	sbarrier.arrive $0xFFFF  }
0x4c6: {  	_ =	strace $0x90000047  }
0x4c7: {  	s0 =	stileid.u32;
	[bflag:$0x2] =	sbarrier.arrive $0xFFFF  }
0x4c8: {  	p0 =	sne.s32 s0, $0x0;
	s0 =	rddreg [dreg:$0x4]  }
0x4c9: {  	s0 =	sadd.s32 @!p0 $0x100000, s0  }
0x4ca: {  	[sflag:s0] =	ssyncadd.tile.s32 @!p0 $0x1;
	_ =	shalt  }
.Lfunc_end2:
_tile_overlayer_lowered:
.L_overlay_start_2:
0x4cb: {  	(tag) =	ssettag $0x2  }
0x4cc: {  	s0 =	rddreg [dreg:$0x0];
	s2 =	stileid.u32  }
0x4cd: {  	s1 =	rddreg [dreg:$0x1];
	p0 =	sne.s32 s2, $0x0  }
0x4ce: {  	s3 =	rddreg [dreg:$0x2];
	[bflag:$0x3] =	sbarrier.arrive $0xFFFF;
	s2 =	simm.s32 @!p0 $0x1C03  }
0x4cf: {  	[timem:s3], [sflag:s2] =	dma.local @!p0 [hbm:s0], s1  }
0x4d0: {  	s0 =	simm.s32 @!p0 $0x3  }
0x4d1: {  	_ =	swait.ge @!p0 [sflag:s0], s1  }
0x4d2: {  	s1 =	ssub.s32 @!p0 $0x0, s1;
	[sflag:s0] =	ssyncset.done @!p0 $0x0  }
0x4d3: {  	[sflag:s0] =	ssyncadd.s32 @!p0 s1  }
0x4d4: {  	[bflag:$0x3] =	sbarrier.arrive $0xFFFF  }
0x4d5: {  	_ =	shalt  }

</sc_bundles>
